<compile_context>
chip_gen: v7x
topology: tpu7x:2x2x1
jax: 0.10.2.dev20260603
libtpu: 0.0.44.dev20260713+nightly
codegen_flags: <defaults>
</compile_context>

<pallas_src>
import functools

import jax
import jax.numpy as jnp
from jax import lax
from jax.experimental import pallas as pl
from jax.experimental.pallas import tpu as pltpu
from jax.experimental.pallas import tpu_sc as plsc

N_NODES = 10000
N_FEAT = 128
WIN = 128
NC, NS = 2, 16
NW = NC * NS
ZCHUNK = 640
NBUF = 3
IBUF = 6

def _mesh():
    return plsc.VectorSubcoreMesh(
        core_axis_name="c", subcore_axis_name="s", num_cores=NC, num_subcores=NS
    )


def _deg_body(nwin, edges_hbm, out0_hbm, out1_hbm, *scr):
    DSLOT = 8
    didx = scr[0:DSLOT]
    ones_v = scr[DSLOT]
    zb_v = scr[DSLOT + 1]
    cnt_sh = scr[DSLOT + 2]
    isems = scr[DSLOT + 3:2 * DSLOT + 3]
    ssems = scr[2 * DSLOT + 3:3 * DSLOT + 3]

    cid = lax.axis_index("c")
    sid = lax.axis_index("s")
    wid = cid * NS + sid

    for i in range(WIN // 16):
        ones_v[pl.ds(i * 16, 16)] = jnp.full((16,), 1.0, jnp.float32)
    for i in range(ZCHUNK // 16):
        zb_v[pl.ds(i * 16, 16)] = jnp.zeros((16,), jnp.float32)

    start = sid * ZCHUNK

    @pl.when(sid < (N_NODES // ZCHUNK))
    def _():
        pltpu.sync_copy(zb_v, cnt_sh.at[pl.ds(start, ZCHUNK)])

    @pl.when(sid == (N_NODES // ZCHUNK))
    def _():
        rem = N_NODES - (N_NODES // ZCHUNK) * ZCHUNK
        pltpu.sync_copy(zb_v.at[pl.ds(0, rem)], cnt_sh.at[pl.ds(start, rem)])

    lo = (nwin * wid) // NW
    hi = (nwin * (wid + 1)) // NW
    cnt = hi - lo

    def issue_idx(t, s):
        pltpu.async_copy(edges_hbm.at[1, pl.ds((lo + t) * WIN, WIN)],
                         didx[s], isems[s])

    for ss in range(DSLOT):
        @pl.when(ss < cnt)
        def _(ss=ss):
            issue_idx(ss, ss)

    plsc.subcore_barrier()

    maxw = (nwin + NW - 1) // NW

    def ring_body(g, _):
        for u in range(DSLOT):
            t = DSLOT * g + u
            sp = (u + 4) % DSLOT

            @pl.when(t < cnt)
            def _():
                pltpu.make_async_copy(edges_hbm.at[1, pl.ds(0, WIN)],
                                      didx[u], isems[u]).wait()
                pltpu.async_copy(ones_v, cnt_sh.at[didx[u]], ssems[u],
                                 add=True)

            @pl.when(jnp.logical_and(t >= 4, t - 4 < cnt))
            def _():
                pltpu.make_async_copy(ones_v, cnt_sh.at[pl.ds(0, WIN)],
                                      ssems[sp]).wait()

                @pl.when(t + 4 < cnt)
                def _():
                    issue_idx(t + 4, sp)

        return 0

    lax.fori_loop(0, (maxw + 4 + DSLOT - 1) // DSLOT, ring_body, 0)
    plsc.subcore_barrier()

    rem = N_NODES - (N_NODES // ZCHUNK) * ZCHUNK
    for c, out_hbm in ((0, out0_hbm), (1, out1_hbm)):
        @pl.when(cid == c)
        def _(out_hbm=out_hbm):
            @pl.when(sid < (N_NODES // ZCHUNK))
            def _():
                pltpu.sync_copy(cnt_sh.at[pl.ds(start, ZCHUNK)], zb_v)
                pltpu.sync_copy(zb_v, out_hbm.at[pl.ds(start, ZCHUNK)])

            @pl.when(sid == (N_NODES // ZCHUNK))
            def _():
                pltpu.sync_copy(cnt_sh.at[pl.ds(start, rem)],
                                zb_v.at[pl.ds(0, rem)])
                pltpu.sync_copy(zb_v.at[pl.ds(0, rem)],
                                out_hbm.at[pl.ds(start, rem)])


def _deg_counts(edge_index, nwin):
    k = pl.kernel(
        functools.partial(_deg_body, nwin),
        out_type=[jax.ShapeDtypeStruct((N_NODES,), jnp.float32),
                  jax.ShapeDtypeStruct((N_NODES,), jnp.float32)],
        mesh=_mesh(),
        scratch_types=(
            [pltpu.VMEM((WIN,), jnp.int32) for _ in range(8)]
            + [
                pltpu.VMEM((WIN,), jnp.float32),
                pltpu.VMEM((ZCHUNK,), jnp.float32),
                pltpu.VMEM_SHARED((N_NODES,), jnp.float32),
            ]
            + [pltpu.SemaphoreType.DMA for _ in range(16)]
        ),
    )
    return k(edge_index)


def _edge_body(nwin, hs_hbm, edges_hbm, out0_hbm, out1_hbm, *scr):
    sidx = scr[0:IBUF]
    didx = scr[IBUF:2 * IBUF]
    rows = scr[2 * IBUF:2 * IBUF + NBUF]
    acc_sh = scr[2 * IBUF + NBUF]
    isems = scr[2 * IBUF + NBUF + 1:3 * IBUF + NBUF + 1]
    gsems = scr[3 * IBUF + NBUF + 1:3 * IBUF + 2 * NBUF + 1]
    ssems = scr[3 * IBUF + 2 * NBUF + 1:3 * IBUF + 3 * NBUF + 1]

    cid = lax.axis_index("c")
    sid = lax.axis_index("s")
    wid = cid * NS + sid

    def zfill(r, _):
        for j in range(N_FEAT // 16):
            rows[0][r, pl.ds(j * 16, 16)] = jnp.zeros((16,), jnp.float32)
        return 0

    lax.fori_loop(0, WIN, zfill, 0)

    nchunk = N_NODES // WIN
    tail_rows = N_NODES - nchunk * WIN

    def zbody(k, _):
        ci = sid + NS * k
        r0 = ci * WIN

        @pl.when(ci < nchunk)
        def _():
            pltpu.sync_copy(rows[0], acc_sh.at[pl.ds(r0, WIN)])

        @pl.when(ci == nchunk)
        def _():
            pltpu.sync_copy(rows[0].at[pl.ds(0, tail_rows)],
                            acc_sh.at[pl.ds(r0, tail_rows)])

        return 0

    lax.fori_loop(0, (nchunk + NS) // NS, zbody, 0)

    lo = (nwin * wid) // NW
    hi = (nwin * (wid + 1)) // NW
    cnt = hi - lo

    def issue_idx(t, s):
        base = (lo + t) * WIN
        pltpu.async_copy(edges_hbm.at[0, pl.ds(base, WIN)], sidx[s], isems[s])
        pltpu.async_copy(edges_hbm.at[1, pl.ds(base, WIN)], didx[s], isems[s])

    def wait_idx(s):
        pltpu.make_async_copy(edges_hbm.at[0, pl.ds(0, WIN)], sidx[s],
                              isems[s]).wait()
        pltpu.make_async_copy(edges_hbm.at[0, pl.ds(0, WIN)], didx[s],
                              isems[s]).wait()

    for tt in range(IBUF):
        @pl.when(tt < cnt)
        def _(tt=tt):
            issue_idx(tt, tt)

    plsc.subcore_barrier()

    wait_idx(0)
    pltpu.async_copy(hs_hbm.at[sidx[0]], rows[0], gsems[0])

    def hex_body(g, _):
        for u in range(IBUF):
            t = 6 * g + u
            rm1 = (u + 2) % NBUF
            rm2 = (u + 1) % NBUF
            im1 = (u + 5) % IBUF
            ip1 = (u + 1) % IBUF

            @pl.when(jnp.logical_and(t >= 1, t - 1 < cnt))
            def _():
                pltpu.make_async_copy(hs_hbm.at[pl.ds(0, WIN)], rows[rm1],
                                      gsems[rm1]).wait()
                pltpu.async_copy(rows[rm1], acc_sh.at[didx[im1]],
                                 ssems[rm1], add=True)

                @pl.when(t + 5 < cnt)
                def _():
                    issue_idx(t + 5, im1)

            @pl.when(jnp.logical_and(t >= 2, t - 2 < cnt))
            def _():
                pltpu.make_async_copy(rows[rm2], acc_sh.at[pl.ds(0, WIN)],
                                      ssems[rm2]).wait()

            @pl.when(t + 1 < cnt)
            def _():
                wait_idx(ip1)
                pltpu.async_copy(hs_hbm.at[sidx[ip1]], rows[rm2], gsems[rm2])

        return 0

    lax.fori_loop(0, ((nwin + NW - 1) // NW + 2 + 5) // 6, hex_body, 0)
    plsc.subcore_barrier()

    for c, out_hbm in ((0, out0_hbm), (1, out1_hbm)):
        @pl.when(cid == c)
        def _(out_hbm=out_hbm):
            def wbody(k, _):
                ci = sid + NS * k
                r0 = ci * WIN

                @pl.when(ci < nchunk)
                def _():
                    pltpu.sync_copy(acc_sh.at[pl.ds(r0, WIN)], rows[0])
                    pltpu.sync_copy(rows[0], out_hbm.at[pl.ds(r0, WIN)])

                @pl.when(ci == nchunk)
                def _():
                    pltpu.sync_copy(acc_sh.at[pl.ds(r0, tail_rows)],
                                    rows[1].at[pl.ds(0, tail_rows)])
                    pltpu.sync_copy(rows[1].at[pl.ds(0, tail_rows)],
                                    out_hbm.at[pl.ds(r0, tail_rows)])

                return 0

            lax.fori_loop(0, (nchunk + NS) // NS, wbody, 0)


def _edge_pass(hs, edge_index, nwin):
    k = pl.kernel(
        functools.partial(_edge_body, nwin),
        out_type=[jax.ShapeDtypeStruct((N_NODES, N_FEAT), jnp.float32),
                  jax.ShapeDtypeStruct((N_NODES, N_FEAT), jnp.float32)],
        mesh=_mesh(),
        scratch_types=(
            [pltpu.VMEM((WIN,), jnp.int32) for _ in range(2 * IBUF)]
            + [pltpu.VMEM((WIN, N_FEAT), jnp.float32) for _ in range(NBUF)]
            + [pltpu.VMEM_SHARED((N_NODES, N_FEAT), jnp.float32)]
            + [pltpu.SemaphoreType.DMA for _ in range(IBUF + 2 * NBUF)]
        ),
    )
    return k(hs, edge_index)


_RB = 2000


def _dinv_from_counts(c0_ref, c1_ref):
    deg = c0_ref[...] + c1_ref[...] + 1.0
    return 1.0 / jnp.sqrt(deg)


def _b1_body(x_ref, w_ref, c0_ref, c1_ref, o_ref):
    dinv = _dinv_from_counts(c0_ref, c1_ref)
    h = jnp.dot(x_ref[...], w_ref[...], preferred_element_type=jnp.float32)
    o_ref[...] = h * dinv


def _matmul_scale(x, W, c0, c1):
    return pl.pallas_call(
        _b1_body,
        grid=(N_NODES // _RB,),
        in_specs=[
            pl.BlockSpec((_RB, N_FEAT), lambda i: (i, 0)),
            pl.BlockSpec((N_FEAT, N_FEAT), lambda i: (0, 0)),
            pl.BlockSpec((_RB, 1), lambda i: (i, 0)),
            pl.BlockSpec((_RB, 1), lambda i: (i, 0)),
        ],
        out_specs=pl.BlockSpec((_RB, N_FEAT), lambda i: (i, 0)),
        out_shape=jax.ShapeDtypeStruct((N_NODES, N_FEAT), jnp.float32),
    )(x, W, c0, c1)


def _b2_body(a0_ref, a1_ref, hs_ref, c0_ref, c1_ref, b_ref, w_ref, o_ref):
    dinv = _dinv_from_counts(c0_ref, c1_ref)
    s = a0_ref[...] + a1_ref[...] + hs_ref[...]
    o = jax.nn.relu(dinv * s + b_ref[...])
    h2 = jnp.dot(o, w_ref[...], preferred_element_type=jnp.float32)
    o_ref[...] = h2 * dinv


def _conv_finish_matmul(a0, a1, hs, c0, c1, b2d, W):
    return pl.pallas_call(
        _b2_body,
        grid=(N_NODES // _RB,),
        in_specs=[
            pl.BlockSpec((_RB, N_FEAT), lambda i: (i, 0)),
            pl.BlockSpec((_RB, N_FEAT), lambda i: (i, 0)),
            pl.BlockSpec((_RB, N_FEAT), lambda i: (i, 0)),
            pl.BlockSpec((_RB, 1), lambda i: (i, 0)),
            pl.BlockSpec((_RB, 1), lambda i: (i, 0)),
            pl.BlockSpec((1, N_FEAT), lambda i: (0, 0)),
            pl.BlockSpec((N_FEAT, N_FEAT), lambda i: (0, 0)),
        ],
        out_specs=pl.BlockSpec((_RB, N_FEAT), lambda i: (i, 0)),
        out_shape=jax.ShapeDtypeStruct((N_NODES, N_FEAT), jnp.float32),
    )(a0, a1, hs, c0, c1, b2d, W)


def _b3_body(a0_ref, a1_ref, hs_ref, c0_ref, c1_ref, b_ref, w1_ref, bl1_ref,
             w2_ref, bl2_ref, o_ref, sums_ref):
    dinv = _dinv_from_counts(c0_ref, c1_ref)
    s = a0_ref[...] + a1_ref[...] + hs_ref[...]
    o = jax.nn.relu(dinv * s + b_ref[...])
    part = jnp.sum(o, axis=0, keepdims=True)

    @pl.when(pl.program_id(0) == 0)
    def _():
        sums_ref[...] = part

    @pl.when(pl.program_id(0) != 0)
    def _():
        sums_ref[...] += part

    @pl.when(pl.program_id(0) == pl.num_programs(0) - 1)
    def _():
        pooled = sums_ref[...] * (1.0 / N_NODES)
        y = jax.nn.relu(
            jnp.dot(pooled, w1_ref[...], preferred_element_type=jnp.float32) + bl1_ref[...])
        z = jax.nn.relu(
            jnp.dot(y, w2_ref[...], preferred_element_type=jnp.float32) + bl2_ref[...])
        o_ref[...] = z


def _conv_finish_pool_head(a0, a1, hs, c0, c1, b2d, Wl1, bl1_2d, Wl2, bl2_2d):
    return pl.pallas_call(
        _b3_body,
        grid=(N_NODES // _RB,),
        in_specs=[
            pl.BlockSpec((_RB, N_FEAT), lambda i: (i, 0)),
            pl.BlockSpec((_RB, N_FEAT), lambda i: (i, 0)),
            pl.BlockSpec((_RB, N_FEAT), lambda i: (i, 0)),
            pl.BlockSpec((_RB, 1), lambda i: (i, 0)),
            pl.BlockSpec((_RB, 1), lambda i: (i, 0)),
            pl.BlockSpec((1, N_FEAT), lambda i: (0, 0)),
            pl.BlockSpec((N_FEAT, N_FEAT), lambda i: (0, 0)),
            pl.BlockSpec((1, N_FEAT), lambda i: (0, 0)),
            pl.BlockSpec((N_FEAT, 1), lambda i: (0, 0)),
            pl.BlockSpec((1, 1), lambda i: (0, 0)),
        ],
        out_specs=pl.BlockSpec((1, 1), lambda i: (0, 0)),
        out_shape=jax.ShapeDtypeStruct((1, 1), jnp.float32),
        scratch_shapes=[pltpu.VMEM((1, N_FEAT), jnp.float32)],
    )(a0, a1, hs, c0, c1, b2d, Wl1, bl1_2d, Wl2, bl2_2d)


def kernel(x, edge_index, W1, b1, W2, b2, Wl1, bl1, Wl2, bl2):
    nwin = edge_index.shape[1] // WIN
    cnt0, cnt1 = _deg_counts(edge_index, nwin)
    c0 = cnt0.reshape(N_NODES, 1)
    c1 = cnt1.reshape(N_NODES, 1)
    hs1 = _matmul_scale(x, W1, c0, c1)
    a0, a1 = _edge_pass(hs1, edge_index, nwin)
    hs2 = _conv_finish_matmul(a0, a1, hs1, c0, c1, b1.reshape(1, -1), W2)
    a0, a1 = _edge_pass(hs2, edge_index, nwin)
    out = _conv_finish_pool_head(a0, a1, hs2, c0, c1, b2.reshape(1, -1),
                                 Wl1, bl1.reshape(1, -1), Wl2,
                                 bl2.reshape(1, 1))
    return out

# --- scband reference (transcript-rebuilt; emitter-appended) ---
"""Pipeline reference for scband-gcn-41120016892055 (READ-ONLY COPY).

The authoritative reference and input builder live on the scoring server;
editing this copy changes nothing except your own understanding.
"""

import jax, jax.numpy as jnp
import numpy as np

N = 10000
E = 320000
D = 128
H = 128


def _gcn_conv(x, edge_index, W, b):
    num_nodes = x.shape[0]
    loop = jnp.arange(num_nodes, dtype=edge_index.dtype)
    src = jnp.concatenate([edge_index[0], loop])
    dst = jnp.concatenate([edge_index[1], loop])
    deg = jnp.zeros((num_nodes,), dtype=x.dtype).at[dst].add(1.0)
    dinv = 1.0 / jnp.sqrt(jnp.clip(deg, 1.0))
    norm = dinv[src] * dinv[dst]
    h = x @ W
    msg = h[src] * norm[:, None]
    out = jnp.zeros((num_nodes, h.shape[1]), dtype=x.dtype).at[dst].add(msg)
    return out + b


def setup_inputs(seed: int = 0) -> dict:
    key = jax.random.key(seed)
    ks = jax.random.split(key, 12)
    x = jax.random.normal(ks[0], (N, D), dtype=jnp.float32)
    edge_index = jax.random.randint(ks[1], (2, E), 0, N, dtype=jnp.int32)
    s = 1.0 / np.sqrt(D)
    W1 = jax.random.normal(ks[2], (D, H), dtype=jnp.float32) * s
    b1 = jnp.zeros((H,), dtype=jnp.float32)
    W2 = jax.random.normal(ks[3], (H, H), dtype=jnp.float32) * (1.0 / np.sqrt(H))
    b2 = jnp.zeros((H,), dtype=jnp.float32)
    Wl1 = jax.random.normal(ks[4], (H, H), dtype=jnp.float32) * (1.0 / np.sqrt(H))
    bl1 = jnp.zeros((H,), dtype=jnp.float32)
    Wl2 = jax.random.normal(ks[5], (H, 1), dtype=jnp.float32) * (1.0 / np.sqrt(H))
    bl2 = jnp.zeros((1,), dtype=jnp.float32)
    return {"x": x, "edge_index": edge_index, "W1": W1, "b1": b1, "W2": W2, "b2": b2, "Wl1": Wl1, "bl1": bl1, "Wl2": Wl2, "bl2": bl2}


def reference(x, edge_index, W1, b1, W2, b2, Wl1, bl1, Wl2, bl2):
    # conv1 + relu (dropout is identity in eval mode)
    h = jax.nn.relu(_gcn_conv(x, edge_index, W1, b1))
    # conv2 + relu
    h = jax.nn.relu(_gcn_conv(h, edge_index, W2, b2))
    # global_mean_pool with batch = zeros -> single graph mean over all nodes
    pooled = jnp.mean(h, axis=0, keepdims=True)
    # lin1 + relu
    h = jax.nn.relu(pooled @ Wl1 + bl1)
    # lin2 + relu
    out = jax.nn.relu(h @ Wl2 + bl2)
    return out

if __name__ == "__main__":
    import jax
    _d = setup_inputs()
    print(jax.jit(kernel)(*tuple(_d.values())))

</pallas_src>

<mosaic_0001>
#map = affine_map<(d0, d1) -> (0, 0)>
module attributes {stable_mosaic.version = 14 : i64} {
  func.func @_edge_body(%arg0: i32, %arg1: i32, %arg2: memref<10000x128xf32, #tpu.memory_space<hbm>>, %arg3: memref<2x320000xi32, #tpu.memory_space<hbm>>, %arg4: memref<10000x128xf32, #tpu.memory_space<hbm>>, %arg5: memref<10000x128xf32, #tpu.memory_space<hbm>>, %arg6: memref<128xi32, #tpu.memory_space<vmem>>, %arg7: memref<128xi32, #tpu.memory_space<vmem>>, %arg8: memref<128xi32, #tpu.memory_space<vmem>>, %arg9: memref<128xi32, #tpu.memory_space<vmem>>, %arg10: memref<128xi32, #tpu.memory_space<vmem>>, %arg11: memref<128xi32, #tpu.memory_space<vmem>>, %arg12: memref<128xi32, #tpu.memory_space<vmem>>, %arg13: memref<128xi32, #tpu.memory_space<vmem>>, %arg14: memref<128xi32, #tpu.memory_space<vmem>>, %arg15: memref<128xi32, #tpu.memory_space<vmem>>, %arg16: memref<128xi32, #tpu.memory_space<vmem>>, %arg17: memref<128xi32, #tpu.memory_space<vmem>>, %arg18: memref<128x128xf32, #tpu.memory_space<vmem>>, %arg19: memref<128x128xf32, #tpu.memory_space<vmem>>, %arg20: memref<128x128xf32, #tpu.memory_space<vmem>>, %arg21: memref<10000x128xf32, #tpu.memory_space<vmem_shared>>, %arg22: memref<!tpu.dma_semaphore, #tpu.memory_space<semaphore_mem>>, %arg23: memref<!tpu.dma_semaphore, #tpu.memory_space<semaphore_mem>>, %arg24: memref<!tpu.dma_semaphore, #tpu.memory_space<semaphore_mem>>, %arg25: memref<!tpu.dma_semaphore, #tpu.memory_space<semaphore_mem>>, %arg26: memref<!tpu.dma_semaphore, #tpu.memory_space<semaphore_mem>>, %arg27: memref<!tpu.dma_semaphore, #tpu.memory_space<semaphore_mem>>, %arg28: memref<!tpu.dma_semaphore, #tpu.memory_space<semaphore_mem>>, %arg29: memref<!tpu.dma_semaphore, #tpu.memory_space<semaphore_mem>>, %arg30: memref<!tpu.dma_semaphore, #tpu.memory_space<semaphore_mem>>, %arg31: memref<!tpu.dma_semaphore, #tpu.memory_space<semaphore_mem>>, %arg32: memref<!tpu.dma_semaphore, #tpu.memory_space<semaphore_mem>>, %arg33: memref<!tpu.dma_semaphore, #tpu.memory_space<semaphore_mem>>) attributes {dimension_semantics = [#tpu.dimension_semantics<core_parallel>, #tpu.dimension_semantics<subcore_parallel>], iteration_bounds = array<i64: 2, 16>, scalar_prefetch = 0 : i64, scratch_operands = 28 : i64, tpu.core_type = #tpu.core_type<sc_vector_subcore>, window_params = [{transform_indices = #map}, {transform_indices = #map}, {transform_indices = #map}, {transform_indices = #map}]} {
    %mul3A = arith.constant 16 : i32
    %mul3A_0 = arith.muli %arg0, %mul3A : i32
    %add3A = arith.addi %mul3A_0, %arg1 : i32
    %scan3A = arith.constant 0 : i32
    %scan3A_1 = arith.constant 0 : i32
    %scan3A_2 = arith.constant 128 : i32
    %scan3A_3 = arith.addi %scan3A_1, %scan3A_2 : i32
    %scan3A_4 = arith.constant 1 : i32
    %scan3A_5 = scf.for %scan3A_120 = %scan3A_1 to %scan3A_3 step %scan3A_4 iter_args(%scan3A_121 = %scan3A) -> (i32)  : i32 {
      %broadcast_in_dim3A = arith.constant 0.000000e+00 : f32
      %broadcast_in_dim3A_122 = vector.broadcast %broadcast_in_dim3A : f32 to vector<16xf32>
      %swap3A = arith.index_cast %scan3A_120 : i32 to index
      %swap3A_123 = arith.constant 0 : index
      %swap3A_124 = tpu.vector_load %arg18[%swap3A, %swap3A_123] {strides = array<i32>} : memref<128x128xf32, #tpu.memory_space<vmem>>, vector<1x16xf32>,
      %swap3A_125 = vector.shape_cast %swap3A_124 : vector<1x16xf32> to vector<16xf32>
      %swap3A_126 = vector.shape_cast %broadcast_in_dim3A_122 : vector<16xf32> to vector<1x16xf32>
      tpu.vector_store %arg18[%swap3A, %swap3A_123], %swap3A_126 {strides = array<i32>} : memref<128x128xf32, #tpu.memory_space<vmem>>, vector<1x16xf32>,
      %broadcast_in_dim3A_127 = arith.constant 0.000000e+00 : f32
      %broadcast_in_dim3A_128 = vector.broadcast %broadcast_in_dim3A_127 : f32 to vector<16xf32>
      %swap3A_129 = arith.index_cast %scan3A_120 : i32 to index
      %swap3A_130 = arith.constant 16 : index
      %swap3A_131 = tpu.vector_load %arg18[%swap3A_129, %swap3A_130] {strides = array<i32>} : memref<128x128xf32, #tpu.memory_space<vmem>>, vector<1x16xf32>,
      %swap3A_132 = vector.shape_cast %swap3A_131 : vector<1x16xf32> to vector<16xf32>
      %swap3A_133 = vector.shape_cast %broadcast_in_dim3A_128 : vector<16xf32> to vector<1x16xf32>
      tpu.vector_store %arg18[%swap3A_129, %swap3A_130], %swap3A_133 {strides = array<i32>} : memref<128x128xf32, #tpu.memory_space<vmem>>, vector<1x16xf32>,
      %broadcast_in_dim3A_134 = arith.constant 0.000000e+00 : f32
      %broadcast_in_dim3A_135 = vector.broadcast %broadcast_in_dim3A_134 : f32 to vector<16xf32>
      %swap3A_136 = arith.index_cast %scan3A_120 : i32 to index
      %swap3A_137 = arith.constant 32 : index
      %swap3A_138 = tpu.vector_load %arg18[%swap3A_136, %swap3A_137] {strides = array<i32>} : memref<128x128xf32, #tpu.memory_space<vmem>>, vector<1x16xf32>,
      %swap3A_139 = vector.shape_cast %swap3A_138 : vector<1x16xf32> to vector<16xf32>
      %swap3A_140 = vector.shape_cast %broadcast_in_dim3A_135 : vector<16xf32> to vector<1x16xf32>
      tpu.vector_store %arg18[%swap3A_136, %swap3A_137], %swap3A_140 {strides = array<i32>} : memref<128x128xf32, #tpu.memory_space<vmem>>, vector<1x16xf32>,
      %broadcast_in_dim3A_141 = arith.constant 0.000000e+00 : f32
      %broadcast_in_dim3A_142 = vector.broadcast %broadcast_in_dim3A_141 : f32 to vector<16xf32>
      %swap3A_143 = arith.index_cast %scan3A_120 : i32 to index
      %swap3A_144 = arith.constant 48 : index
      %swap3A_145 = tpu.vector_load %arg18[%swap3A_143, %swap3A_144] {strides = array<i32>} : memref<128x128xf32, #tpu.memory_space<vmem>>, vector<1x16xf32>,
      %swap3A_146 = vector.shape_cast %swap3A_145 : vector<1x16xf32> to vector<16xf32>
      %swap3A_147 = vector.shape_cast %broadcast_in_dim3A_142 : vector<16xf32> to vector<1x16xf32>
      tpu.vector_store %arg18[%swap3A_143, %swap3A_144], %swap3A_147 {strides = array<i32>} : memref<128x128xf32, #tpu.memory_space<vmem>>, vector<1x16xf32>,
      %broadcast_in_dim3A_148 = arith.constant 0.000000e+00 : f32
      %broadcast_in_dim3A_149 = vector.broadcast %broadcast_in_dim3A_148 : f32 to vector<16xf32>
      %swap3A_150 = arith.index_cast %scan3A_120 : i32 to index
      %swap3A_151 = arith.constant 64 : index
      %swap3A_152 = tpu.vector_load %arg18[%swap3A_150, %swap3A_151] {strides = array<i32>} : memref<128x128xf32, #tpu.memory_space<vmem>>, vector<1x16xf32>,
      %swap3A_153 = vector.shape_cast %swap3A_152 : vector<1x16xf32> to vector<16xf32>
      %swap3A_154 = vector.shape_cast %broadcast_in_dim3A_149 : vector<16xf32> to vector<1x16xf32>
      tpu.vector_store %arg18[%swap3A_150, %swap3A_151], %swap3A_154 {strides = array<i32>} : memref<128x128xf32, #tpu.memory_space<vmem>>, vector<1x16xf32>,
      %broadcast_in_dim3A_155 = arith.constant 0.000000e+00 : f32
      %broadcast_in_dim3A_156 = vector.broadcast %broadcast_in_dim3A_155 : f32 to vector<16xf32>
      %swap3A_157 = arith.index_cast %scan3A_120 : i32 to index
      %swap3A_158 = arith.constant 80 : index
      %swap3A_159 = tpu.vector_load %arg18[%swap3A_157, %swap3A_158] {strides = array<i32>} : memref<128x128xf32, #tpu.memory_space<vmem>>, vector<1x16xf32>,
      %swap3A_160 = vector.shape_cast %swap3A_159 : vector<1x16xf32> to vector<16xf32>
      %swap3A_161 = vector.shape_cast %broadcast_in_dim3A_156 : vector<16xf32> to vector<1x16xf32>
      tpu.vector_store %arg18[%swap3A_157, %swap3A_158], %swap3A_161 {strides = array<i32>} : memref<128x128xf32, #tpu.memory_space<vmem>>, vector<1x16xf32>,
      %broadcast_in_dim3A_162 = arith.constant 0.000000e+00 : f32
      %broadcast_in_dim3A_163 = vector.broadcast %broadcast_in_dim3A_162 : f32 to vector<16xf32>
      %swap3A_164 = arith.index_cast %scan3A_120 : i32 to index
      %swap3A_165 = arith.constant 96 : index
      %swap3A_166 = tpu.vector_load %arg18[%swap3A_164, %swap3A_165] {strides = array<i32>} : memref<128x128xf32, #tpu.memory_space<vmem>>, vector<1x16xf32>,
      %swap3A_167 = vector.shape_cast %swap3A_166 : vector<1x16xf32> to vector<16xf32>
      %swap3A_168 = vector.shape_cast %broadcast_in_dim3A_163 : vector<16xf32> to vector<1x16xf32>
      tpu.vector_store %arg18[%swap3A_164, %swap3A_165], %swap3A_168 {strides = array<i32>} : memref<128x128xf32, #tpu.memory_space<vmem>>, vector<1x16xf32>,
      %broadcast_in_dim3A_169 = arith.constant 0.000000e+00 : f32
      %broadcast_in_dim3A_170 = vector.broadcast %broadcast_in_dim3A_169 : f32 to vector<16xf32>
      %swap3A_171 = arith.index_cast %scan3A_120 : i32 to index
      %swap3A_172 = arith.constant 112 : index
      %swap3A_173 = tpu.vector_load %arg18[%swap3A_171, %swap3A_172] {strides = array<i32>} : memref<128x128xf32, #tpu.memory_space<vmem>>, vector<1x16xf32>,
      %swap3A_174 = vector.shape_cast %swap3A_173 : vector<1x16xf32> to vector<16xf32>
      %swap3A_175 = vector.shape_cast %broadcast_in_dim3A_170 : vector<16xf32> to vector<1x16xf32>
      tpu.vector_store %arg18[%swap3A_171, %swap3A_172], %swap3A_175 {strides = array<i32>} : memref<128x128xf32, #tpu.memory_space<vmem>>, vector<1x16xf32>,
      %scan3A_176 = arith.constant 0 : i32
      scf.yield %scan3A_176 : i32
    }
    %scan3A_6 = arith.constant 128 : i32
    %scan3A_7 = arith.constant 0 : i32
    %scan3A_8 = arith.constant 0 : i32
    %scan3A_9 = arith.constant 5 : i32
    %scan3A_10 = arith.addi %scan3A_8, %scan3A_9 : i32
    %scan3A_11 = arith.constant 1 : i32
    %scan3A_12 = scf.for %scan3A_120 = %scan3A_8 to %scan3A_10 step %scan3A_11 iter_args(%scan3A_121 = %scan3A_7) -> (i32)  : i32 {
      %mul3A_122 = arith.constant 16 : i32
      %mul3A_123 = arith.muli %mul3A_122, %scan3A_120 : i32
      %add3A_124 = arith.addi %arg1, %mul3A_123 : i32
      %mul3A_125 = arith.constant 128 : i32
      %mul3A_126 = arith.muli %add3A_124, %mul3A_125 : i32
      %lt3A = arith.constant 78 : i32
      %lt3A_127 = arith.cmpi slt, %add3A_124, %lt3A : i32
      %convert_element_type3A_128 = arith.extui %lt3A_127 : i1 to i32
      %cond3A_129 = arith.constant 0 : i32
      %cond3A_130 = arith.cmpi ne, %convert_element_type3A_128, %cond3A_129 : i32
      scf.if %cond3A_130 {
        "tpu.region"() ({
          %run_scoped3A = tpu.sem_alloc : memref<!tpu.dma_semaphore, #tpu.memory_space<semaphore_mem>>
          %dma_start3A_137 = arith.constant 0 : i32
          %dma_start3A_138 = tpu.memref_slice %arg21[%mul3A_126, %dma_start3A_137] : memref<10000x128xf32, #tpu.memory_space<vmem_shared>> -> memref<128x128xf32, #tpu.memory_space<vmem_shared>>
          %dma_start3A_139 = arith.constant 0 : i32
          %dma_start3A_140 = tpu.memref_slice %arg21[%mul3A_126, %dma_start3A_139] : memref<10000x128xf32, #tpu.memory_space<vmem_shared>> -> memref<128x128xf32, #tpu.memory_space<vmem_shared>>
          tpu.enqueue_dma source(%arg18 : memref<128x128xf32, #tpu.memory_space<vmem>>) target(%dma_start3A_140 : memref<128x128xf32, #tpu.memory_space<vmem_shared>>) target_semaphore(%run_scoped3A : memref<!tpu.dma_semaphore, #tpu.memory_space<semaphore_mem>>)
          %dma_wait3A_141 = arith.constant 0 : i32
          %dma_wait3A_142 = tpu.memref_slice %arg21[%mul3A_126, %dma_wait3A_141] : memref<10000x128xf32, #tpu.memory_space<vmem_shared>> -> memref<128x128xf32, #tpu.memory_space<vmem_shared>>
          %dma_wait3A_143 = arith.constant 0 : i32
          %dma_wait3A_144 = tpu.memref_slice %arg21[%mul3A_126, %dma_wait3A_143] : memref<10000x128xf32, #tpu.memory_space<vmem_shared>> -> memref<128x128xf32, #tpu.memory_space<vmem_shared>>
          tpu.wait_dma2 semaphore(%run_scoped3A : memref<!tpu.dma_semaphore, #tpu.memory_space<semaphore_mem>>) src(%arg18 : memref<128x128xf32, #tpu.memory_space<vmem>>) dst(%dma_wait3A_144 : memref<128x128xf32, #tpu.memory_space<vmem_shared>>)
          tpu.yield
        }) : () -> ()
      } else {
      }
      %eq3A_131 = arith.constant 78 : i32
      %eq3A_132 = arith.cmpi eq, %add3A_124, %eq3A_131 : i32
      %convert_element_type3A_133 = arith.extui %eq3A_132 : i1 to i32
      %cond3A_134 = arith.constant 0 : i32
      %cond3A_135 = arith.cmpi ne, %convert_element_type3A_133, %cond3A_134 : i32
      scf.if %cond3A_135 {
        "tpu.region"() ({
          %run_scoped3A = tpu.sem_alloc : memref<!tpu.dma_semaphore, #tpu.memory_space<semaphore_mem>>
          %dma_start3A_137 = arith.constant 0 : i32
          %dma_start3A_138 = arith.constant 0 : i32
          %dma_start3A_139 = tpu.memref_slice %arg18[%dma_start3A_137, %dma_start3A_138] : memref<128x128xf32, #tpu.memory_space<vmem>> -> memref<16x128xf32, #tpu.memory_space<vmem>>
          %dma_start3A_140 = arith.constant 0 : i32
          %dma_start3A_141 = tpu.memref_slice %arg21[%mul3A_126, %dma_start3A_140] : memref<10000x128xf32, #tpu.memory_space<vmem_shared>> -> memref<16x128xf32, #tpu.memory_space<vmem_shared>>
          %dma_start3A_142 = arith.constant 0 : i32
          %dma_start3A_143 = tpu.memref_slice %arg21[%mul3A_126, %dma_start3A_142] : memref<10000x128xf32, #tpu.memory_space<vmem_shared>> -> memref<16x128xf32, #tpu.memory_space<vmem_shared>>
          %dma_start3A_144 = arith.constant 0 : i32
          %dma_start3A_145 = arith.constant 0 : i32
          %dma_start3A_146 = tpu.memref_slice %arg18[%dma_start3A_144, %dma_start3A_145] : memref<128x128xf32, #tpu.memory_space<vmem>> -> memref<16x128xf32, #tpu.memory_space<vmem>>
          tpu.enqueue_dma source(%dma_start3A_146 : memref<16x128xf32, #tpu.memory_space<vmem>>) target(%dma_start3A_143 : memref<16x128xf32, #tpu.memory_space<vmem_shared>>) target_semaphore(%run_scoped3A : memref<!tpu.dma_semaphore, #tpu.memory_space<semaphore_mem>>)
          %dma_wait3A_147 = arith.constant 0 : i32
          %dma_wait3A_148 = arith.constant 0 : i32
          %dma_wait3A_149 = tpu.memref_slice %arg18[%dma_wait3A_147, %dma_wait3A_148] : memref<128x128xf32, #tpu.memory_space<vmem>> -> memref<16x128xf32, #tpu.memory_space<vmem>>
          %dma_wait3A_150 = arith.constant 0 : i32
          %dma_wait3A_151 = tpu.memref_slice %arg21[%mul3A_126, %dma_wait3A_150] : memref<10000x128xf32, #tpu.memory_space<vmem_shared>> -> memref<16x128xf32, #tpu.memory_space<vmem_shared>>
          %dma_wait3A_152 = arith.constant 0 : i32
          %dma_wait3A_153 = tpu.memref_slice %arg21[%mul3A_126, %dma_wait3A_152] : memref<10000x128xf32, #tpu.memory_space<vmem_shared>> -> memref<16x128xf32, #tpu.memory_space<vmem_shared>>
          %dma_wait3A_154 = arith.constant 0 : i32
          %dma_wait3A_155 = arith.constant 0 : i32
          %dma_wait3A_156 = tpu.memref_slice %arg18[%dma_wait3A_154, %dma_wait3A_155] : memref<128x128xf32, #tpu.memory_space<vmem>> -> memref<16x128xf32, #tpu.memory_space<vmem>>
          tpu.wait_dma2 semaphore(%run_scoped3A : memref<!tpu.dma_semaphore, #tpu.memory_space<semaphore_mem>>) src(%dma_wait3A_156 : memref<16x128xf32, #tpu.memory_space<vmem>>) dst(%dma_wait3A_153 : memref<16x128xf32, #tpu.memory_space<vmem_shared>>)
          tpu.yield
        }) : () -> ()
      } else {
      }
      %scan3A_136 = arith.constant 0 : i32
      scf.yield %scan3A_136 : i32
    }
    %scan3A_13 = arith.constant 5 : i32
    %mul3A_14 = arith.constant 2500 : i32
    %mul3A_15 = arith.muli %mul3A_14, %add3A : i32
    %jit3A = arith.constant 32 : i32
    %div3A = arith.divsi %mul3A_15, %jit3A : i32
    %sign3A = arith.constant 0 : i32
    %sign3A_16 = arith.cmpi sgt, %mul3A_15, %sign3A : i32
    %sign3A_17 = arith.extui %sign3A_16 : i1 to i32
    %sign3A_18 = arith.constant 0 : i32
    %sign3A_19 = arith.cmpi slt, %mul3A_15, %sign3A_18 : i32
    %sign3A_20 = arith.extui %sign3A_19 : i1 to i32
    %sign3A_21 = arith.subi %sign3A_17, %sign3A_20 : i32
    %sign3A_22 = arith.constant 0 : i32
    %sign3A_23 = arith.cmpi sgt, %jit3A, %sign3A_22 : i32
    %sign3A_24 = arith.extui %sign3A_23 : i1 to i32
    %sign3A_25 = arith.constant 0 : i32
    %sign3A_26 = arith.cmpi slt, %jit3A, %sign3A_25 : i32
    %sign3A_27 = arith.extui %sign3A_26 : i1 to i32
    %sign3A_28 = arith.subi %sign3A_24, %sign3A_27 : i32
    %ne3A = arith.cmpi ne, %sign3A_21, %sign3A_28 : i32
    %rem3A = arith.remsi %mul3A_15, %jit3A : i32
    %ne3A_29 = arith.constant 0 : i32
    %ne3A_30 = arith.cmpi ne, %rem3A, %ne3A_29 : i32
    %and3A = arith.andi %ne3A, %ne3A_30 : i1
    %sub3A = arith.constant 1 : i32
    %sub3A_31 = arith.subi %div3A, %sub3A : i32
    %select_n3A = arith.select %and3A, %sub3A_31, %div3A : i32
    %add3A_32 = arith.constant 1 : i32
    %add3A_33 = arith.addi %add3A, %add3A_32 : i32
    %mul3A_34 = arith.constant 2500 : i32
    %mul3A_35 = arith.muli %mul3A_34, %add3A_33 : i32
    %jit3A_36 = arith.constant 32 : i32
    %div3A_37 = arith.divsi %mul3A_35, %jit3A_36 : i32
    %sign3A_38 = arith.constant 0 : i32
    %sign3A_39 = arith.cmpi sgt, %mul3A_35, %sign3A_38 : i32
    %sign3A_40 = arith.extui %sign3A_39 : i1 to i32
    %sign3A_41 = arith.constant 0 : i32
    %sign3A_42 = arith.cmpi slt, %mul3A_35, %sign3A_41 : i32
    %sign3A_43 = arith.extui %sign3A_42 : i1 to i32
    %sign3A_44 = arith.subi %sign3A_40, %sign3A_43 : i32
    %sign3A_45 = arith.constant 0 : i32
    %sign3A_46 = arith.cmpi sgt, %jit3A_36, %sign3A_45 : i32
    %sign3A_47 = arith.extui %sign3A_46 : i1 to i32
    %sign3A_48 = arith.constant 0 : i32
    %sign3A_49 = arith.cmpi slt, %jit3A_36, %sign3A_48 : i32
    %sign3A_50 = arith.extui %sign3A_49 : i1 to i32
    %sign3A_51 = arith.subi %sign3A_47, %sign3A_50 : i32
    %ne3A_52 = arith.cmpi ne, %sign3A_44, %sign3A_51 : i32
    %rem3A_53 = arith.remsi %mul3A_35, %jit3A_36 : i32
    %ne3A_54 = arith.constant 0 : i32
    %ne3A_55 = arith.cmpi ne, %rem3A_53, %ne3A_54 : i32
    %and3A_56 = arith.andi %ne3A_52, %ne3A_55 : i1
    %sub3A_57 = arith.constant 1 : i32
    %sub3A_58 = arith.subi %div3A_37, %sub3A_57 : i32
    %select_n3A_59 = arith.select %and3A_56, %sub3A_58, %div3A_37 : i32
    %sub3A_60 = arith.subi %select_n3A_59, %select_n3A : i32
    %gt3A = arith.constant 0 : i32
    %gt3A_61 = arith.cmpi sgt, %sub3A_60, %gt3A : i32
    %convert_element_type3A = arith.extui %gt3A_61 : i1 to i32
    %cond3A = arith.constant 0 : i32
    %cond3A_62 = arith.cmpi ne, %convert_element_type3A, %cond3A : i32
    scf.if %cond3A_62 {
      %add3A_120 = arith.constant 0 : i32
      %add3A_121 = arith.addi %select_n3A, %add3A_120 : i32
      %mul3A_122 = arith.constant 128 : i32
      %mul3A_123 = arith.muli %add3A_121, %mul3A_122 : i32
      %dma_start3A_124 = arith.constant 0 : i32
      %dma_start3A_125 = tpu.memref_slice %arg3[%dma_start3A_124, %mul3A_123] : memref<2x320000xi32, #tpu.memory_space<hbm>> -> memref<1x128xi32, #tpu.memory_space<hbm>>
      %dma_start3A_126 = tpu.memref_squeeze %dma_start3A_125 : memref<1x128xi32, #tpu.memory_space<hbm>> -> memref<128xi32, #tpu.memory_space<hbm>>
      %dma_start3A_127 = tpu.memref_slice %arg3[%dma_start3A_124, %mul3A_123] : memref<2x320000xi32, #tpu.memory_space<hbm>> -> memref<1x128xi32, #tpu.memory_space<hbm>>
      %dma_start3A_128 = tpu.memref_squeeze %dma_start3A_127 : memref<1x128xi32, #tpu.memory_space<hbm>> -> memref<128xi32, #tpu.memory_space<hbm>>
      tpu.enqueue_dma source(%dma_start3A_128 : memref<128xi32, #tpu.memory_space<hbm>>) target(%arg6 : memref<128xi32, #tpu.memory_space<vmem>>) target_semaphore(%arg22 : memref<!tpu.dma_semaphore, #tpu.memory_space<semaphore_mem>>)
      %dma_start3A_129 = arith.constant 1 : i32
      %dma_start3A_130 = tpu.memref_slice %arg3[%dma_start3A_129, %mul3A_123] : memref<2x320000xi32, #tpu.memory_space<hbm>> -> memref<1x128xi32, #tpu.memory_space<hbm>>
      %dma_start3A_131 = tpu.memref_squeeze %dma_start3A_130 : memref<1x128xi32, #tpu.memory_space<hbm>> -> memref<128xi32, #tpu.memory_space<hbm>>
      %dma_start3A_132 = tpu.memref_slice %arg3[%dma_start3A_129, %mul3A_123] : memref<2x320000xi32, #tpu.memory_space<hbm>> -> memref<1x128xi32, #tpu.memory_space<hbm>>
      %dma_start3A_133 = tpu.memref_squeeze %dma_start3A_132 : memref<1x128xi32, #tpu.memory_space<hbm>> -> memref<128xi32, #tpu.memory_space<hbm>>
      tpu.enqueue_dma source(%dma_start3A_133 : memref<128xi32, #tpu.memory_space<hbm>>) target(%arg12 : memref<128xi32, #tpu.memory_space<vmem>>) target_semaphore(%arg22 : memref<!tpu.dma_semaphore, #tpu.memory_space<semaphore_mem>>)
    } else {
    }
    %gt3A_63 = arith.constant 1 : i32
    %gt3A_64 = arith.cmpi sgt, %sub3A_60, %gt3A_63 : i32
    %convert_element_type3A_65 = arith.extui %gt3A_64 : i1 to i32
    %cond3A_66 = arith.constant 0 : i32
    %cond3A_67 = arith.cmpi ne, %convert_element_type3A_65, %cond3A_66 : i32
    scf.if %cond3A_67 {
      %add3A_120 = arith.constant 1 : i32
      %add3A_121 = arith.addi %select_n3A, %add3A_120 : i32
      %mul3A_122 = arith.constant 128 : i32
      %mul3A_123 = arith.muli %add3A_121, %mul3A_122 : i32
      %dma_start3A_124 = arith.constant 0 : i32
      %dma_start3A_125 = tpu.memref_slice %arg3[%dma_start3A_124, %mul3A_123] : memref<2x320000xi32, #tpu.memory_space<hbm>> -> memref<1x128xi32, #tpu.memory_space<hbm>>
      %dma_start3A_126 = tpu.memref_squeeze %dma_start3A_125 : memref<1x128xi32, #tpu.memory_space<hbm>> -> memref<128xi32, #tpu.memory_space<hbm>>
      %dma_start3A_127 = tpu.memref_slice %arg3[%dma_start3A_124, %mul3A_123] : memref<2x320000xi32, #tpu.memory_space<hbm>> -> memref<1x128xi32, #tpu.memory_space<hbm>>
      %dma_start3A_128 = tpu.memref_squeeze %dma_start3A_127 : memref<1x128xi32, #tpu.memory_space<hbm>> -> memref<128xi32, #tpu.memory_space<hbm>>
      tpu.enqueue_dma source(%dma_start3A_128 : memref<128xi32, #tpu.memory_space<hbm>>) target(%arg7 : memref<128xi32, #tpu.memory_space<vmem>>) target_semaphore(%arg23 : memref<!tpu.dma_semaphore, #tpu.memory_space<semaphore_mem>>)
      %dma_start3A_129 = arith.constant 1 : i32
      %dma_start3A_130 = tpu.memref_slice %arg3[%dma_start3A_129, %mul3A_123] : memref<2x320000xi32, #tpu.memory_space<hbm>> -> memref<1x128xi32, #tpu.memory_space<hbm>>
      %dma_start3A_131 = tpu.memref_squeeze %dma_start3A_130 : memref<1x128xi32, #tpu.memory_space<hbm>> -> memref<128xi32, #tpu.memory_space<hbm>>
      %dma_start3A_132 = tpu.memref_slice %arg3[%dma_start3A_129, %mul3A_123] : memref<2x320000xi32, #tpu.memory_space<hbm>> -> memref<1x128xi32, #tpu.memory_space<hbm>>
      %dma_start3A_133 = tpu.memref_squeeze %dma_start3A_132 : memref<1x128xi32, #tpu.memory_space<hbm>> -> memref<128xi32, #tpu.memory_space<hbm>>
      tpu.enqueue_dma source(%dma_start3A_133 : memref<128xi32, #tpu.memory_space<hbm>>) target(%arg13 : memref<128xi32, #tpu.memory_space<vmem>>) target_semaphore(%arg23 : memref<!tpu.dma_semaphore, #tpu.memory_space<semaphore_mem>>)
    } else {
    }
    %gt3A_68 = arith.constant 2 : i32
    %gt3A_69 = arith.cmpi sgt, %sub3A_60, %gt3A_68 : i32
    %convert_element_type3A_70 = arith.extui %gt3A_69 : i1 to i32
    %cond3A_71 = arith.constant 0 : i32
    %cond3A_72 = arith.cmpi ne, %convert_element_type3A_70, %cond3A_71 : i32
    scf.if %cond3A_72 {
      %add3A_120 = arith.constant 2 : i32
      %add3A_121 = arith.addi %select_n3A, %add3A_120 : i32
      %mul3A_122 = arith.constant 128 : i32
      %mul3A_123 = arith.muli %add3A_121, %mul3A_122 : i32
      %dma_start3A_124 = arith.constant 0 : i32
      %dma_start3A_125 = tpu.memref_slice %arg3[%dma_start3A_124, %mul3A_123] : memref<2x320000xi32, #tpu.memory_space<hbm>> -> memref<1x128xi32, #tpu.memory_space<hbm>>
      %dma_start3A_126 = tpu.memref_squeeze %dma_start3A_125 : memref<1x128xi32, #tpu.memory_space<hbm>> -> memref<128xi32, #tpu.memory_space<hbm>>
      %dma_start3A_127 = tpu.memref_slice %arg3[%dma_start3A_124, %mul3A_123] : memref<2x320000xi32, #tpu.memory_space<hbm>> -> memref<1x128xi32, #tpu.memory_space<hbm>>
      %dma_start3A_128 = tpu.memref_squeeze %dma_start3A_127 : memref<1x128xi32, #tpu.memory_space<hbm>> -> memref<128xi32, #tpu.memory_space<hbm>>
      tpu.enqueue_dma source(%dma_start3A_128 : memref<128xi32, #tpu.memory_space<hbm>>) target(%arg8 : memref<128xi32, #tpu.memory_space<vmem>>) target_semaphore(%arg24 : memref<!tpu.dma_semaphore, #tpu.memory_space<semaphore_mem>>)
      %dma_start3A_129 = arith.constant 1 : i32
      %dma_start3A_130 = tpu.memref_slice %arg3[%dma_start3A_129, %mul3A_123] : memref<2x320000xi32, #tpu.memory_space<hbm>> -> memref<1x128xi32, #tpu.memory_space<hbm>>
      %dma_start3A_131 = tpu.memref_squeeze %dma_start3A_130 : memref<1x128xi32, #tpu.memory_space<hbm>> -> memref<128xi32, #tpu.memory_space<hbm>>
      %dma_start3A_132 = tpu.memref_slice %arg3[%dma_start3A_129, %mul3A_123] : memref<2x320000xi32, #tpu.memory_space<hbm>> -> memref<1x128xi32, #tpu.memory_space<hbm>>
      %dma_start3A_133 = tpu.memref_squeeze %dma_start3A_132 : memref<1x128xi32, #tpu.memory_space<hbm>> -> memref<128xi32, #tpu.memory_space<hbm>>
      tpu.enqueue_dma source(%dma_start3A_133 : memref<128xi32, #tpu.memory_space<hbm>>) target(%arg14 : memref<128xi32, #tpu.memory_space<vmem>>) target_semaphore(%arg24 : memref<!tpu.dma_semaphore, #tpu.memory_space<semaphore_mem>>)
    } else {
    }
    %gt3A_73 = arith.constant 3 : i32
    %gt3A_74 = arith.cmpi sgt, %sub3A_60, %gt3A_73 : i32
    %convert_element_type3A_75 = arith.extui %gt3A_74 : i1 to i32
    %cond3A_76 = arith.constant 0 : i32
    %cond3A_77 = arith.cmpi ne, %convert_element_type3A_75, %cond3A_76 : i32
    scf.if %cond3A_77 {
      %add3A_120 = arith.constant 3 : i32
      %add3A_121 = arith.addi %select_n3A, %add3A_120 : i32
      %mul3A_122 = arith.constant 128 : i32
      %mul3A_123 = arith.muli %add3A_121, %mul3A_122 : i32
      %dma_start3A_124 = arith.constant 0 : i32
      %dma_start3A_125 = tpu.memref_slice %arg3[%dma_start3A_124, %mul3A_123] : memref<2x320000xi32, #tpu.memory_space<hbm>> -> memref<1x128xi32, #tpu.memory_space<hbm>>
      %dma_start3A_126 = tpu.memref_squeeze %dma_start3A_125 : memref<1x128xi32, #tpu.memory_space<hbm>> -> memref<128xi32, #tpu.memory_space<hbm>>
      %dma_start3A_127 = tpu.memref_slice %arg3[%dma_start3A_124, %mul3A_123] : memref<2x320000xi32, #tpu.memory_space<hbm>> -> memref<1x128xi32, #tpu.memory_space<hbm>>
      %dma_start3A_128 = tpu.memref_squeeze %dma_start3A_127 : memref<1x128xi32, #tpu.memory_space<hbm>> -> memref<128xi32, #tpu.memory_space<hbm>>
      tpu.enqueue_dma source(%dma_start3A_128 : memref<128xi32, #tpu.memory_space<hbm>>) target(%arg9 : memref<128xi32, #tpu.memory_space<vmem>>) target_semaphore(%arg25 : memref<!tpu.dma_semaphore, #tpu.memory_space<semaphore_mem>>)
      %dma_start3A_129 = arith.constant 1 : i32
      %dma_start3A_130 = tpu.memref_slice %arg3[%dma_start3A_129, %mul3A_123] : memref<2x320000xi32, #tpu.memory_space<hbm>> -> memref<1x128xi32, #tpu.memory_space<hbm>>
      %dma_start3A_131 = tpu.memref_squeeze %dma_start3A_130 : memref<1x128xi32, #tpu.memory_space<hbm>> -> memref<128xi32, #tpu.memory_space<hbm>>
      %dma_start3A_132 = tpu.memref_slice %arg3[%dma_start3A_129, %mul3A_123] : memref<2x320000xi32, #tpu.memory_space<hbm>> -> memref<1x128xi32, #tpu.memory_space<hbm>>
      %dma_start3A_133 = tpu.memref_squeeze %dma_start3A_132 : memref<1x128xi32, #tpu.memory_space<hbm>> -> memref<128xi32, #tpu.memory_space<hbm>>
      tpu.enqueue_dma source(%dma_start3A_133 : memref<128xi32, #tpu.memory_space<hbm>>) target(%arg15 : memref<128xi32, #tpu.memory_space<vmem>>) target_semaphore(%arg25 : memref<!tpu.dma_semaphore, #tpu.memory_space<semaphore_mem>>)
    } else {
    }
    %gt3A_78 = arith.constant 4 : i32
    %gt3A_79 = arith.cmpi sgt, %sub3A_60, %gt3A_78 : i32
    %convert_element_type3A_80 = arith.extui %gt3A_79 : i1 to i32
    %cond3A_81 = arith.constant 0 : i32
    %cond3A_82 = arith.cmpi ne, %convert_element_type3A_80, %cond3A_81 : i32
    scf.if %cond3A_82 {
      %add3A_120 = arith.constant 4 : i32
      %add3A_121 = arith.addi %select_n3A, %add3A_120 : i32
      %mul3A_122 = arith.constant 128 : i32
      %mul3A_123 = arith.muli %add3A_121, %mul3A_122 : i32
      %dma_start3A_124 = arith.constant 0 : i32
      %dma_start3A_125 = tpu.memref_slice %arg3[%dma_start3A_124, %mul3A_123] : memref<2x320000xi32, #tpu.memory_space<hbm>> -> memref<1x128xi32, #tpu.memory_space<hbm>>
      %dma_start3A_126 = tpu.memref_squeeze %dma_start3A_125 : memref<1x128xi32, #tpu.memory_space<hbm>> -> memref<128xi32, #tpu.memory_space<hbm>>
      %dma_start3A_127 = tpu.memref_slice %arg3[%dma_start3A_124, %mul3A_123] : memref<2x320000xi32, #tpu.memory_space<hbm>> -> memref<1x128xi32, #tpu.memory_space<hbm>>
      %dma_start3A_128 = tpu.memref_squeeze %dma_start3A_127 : memref<1x128xi32, #tpu.memory_space<hbm>> -> memref<128xi32, #tpu.memory_space<hbm>>
      tpu.enqueue_dma source(%dma_start3A_128 : memref<128xi32, #tpu.memory_space<hbm>>) target(%arg10 : memref<128xi32, #tpu.memory_space<vmem>>) target_semaphore(%arg26 : memref<!tpu.dma_semaphore, #tpu.memory_space<semaphore_mem>>)
      %dma_start3A_129 = arith.constant 1 : i32
      %dma_start3A_130 = tpu.memref_slice %arg3[%dma_start3A_129, %mul3A_123] : memref<2x320000xi32, #tpu.memory_space<hbm>> -> memref<1x128xi32, #tpu.memory_space<hbm>>
      %dma_start3A_131 = tpu.memref_squeeze %dma_start3A_130 : memref<1x128xi32, #tpu.memory_space<hbm>> -> memref<128xi32, #tpu.memory_space<hbm>>
      %dma_start3A_132 = tpu.memref_slice %arg3[%dma_start3A_129, %mul3A_123] : memref<2x320000xi32, #tpu.memory_space<hbm>> -> memref<1x128xi32, #tpu.memory_space<hbm>>
      %dma_start3A_133 = tpu.memref_squeeze %dma_start3A_132 : memref<1x128xi32, #tpu.memory_space<hbm>> -> memref<128xi32, #tpu.memory_space<hbm>>
      tpu.enqueue_dma source(%dma_start3A_133 : memref<128xi32, #tpu.memory_space<hbm>>) target(%arg16 : memref<128xi32, #tpu.memory_space<vmem>>) target_semaphore(%arg26 : memref<!tpu.dma_semaphore, #tpu.memory_space<semaphore_mem>>)
    } else {
    }
    %gt3A_83 = arith.constant 5 : i32
    %gt3A_84 = arith.cmpi sgt, %sub3A_60, %gt3A_83 : i32
    %convert_element_type3A_85 = arith.extui %gt3A_84 : i1 to i32
    %cond3A_86 = arith.constant 0 : i32
    %cond3A_87 = arith.cmpi ne, %convert_element_type3A_85, %cond3A_86 : i32
    scf.if %cond3A_87 {
      %add3A_120 = arith.constant 5 : i32
      %add3A_121 = arith.addi %select_n3A, %add3A_120 : i32
      %mul3A_122 = arith.constant 128 : i32
      %mul3A_123 = arith.muli %add3A_121, %mul3A_122 : i32
      %dma_start3A_124 = arith.constant 0 : i32
      %dma_start3A_125 = tpu.memref_slice %arg3[%dma_start3A_124, %mul3A_123] : memref<2x320000xi32, #tpu.memory_space<hbm>> -> memref<1x128xi32, #tpu.memory_space<hbm>>
      %dma_start3A_126 = tpu.memref_squeeze %dma_start3A_125 : memref<1x128xi32, #tpu.memory_space<hbm>> -> memref<128xi32, #tpu.memory_space<hbm>>
      %dma_start3A_127 = tpu.memref_slice %arg3[%dma_start3A_124, %mul3A_123] : memref<2x320000xi32, #tpu.memory_space<hbm>> -> memref<1x128xi32, #tpu.memory_space<hbm>>
      %dma_start3A_128 = tpu.memref_squeeze %dma_start3A_127 : memref<1x128xi32, #tpu.memory_space<hbm>> -> memref<128xi32, #tpu.memory_space<hbm>>
      tpu.enqueue_dma source(%dma_start3A_128 : memref<128xi32, #tpu.memory_space<hbm>>) target(%arg11 : memref<128xi32, #tpu.memory_space<vmem>>) target_semaphore(%arg27 : memref<!tpu.dma_semaphore, #tpu.memory_space<semaphore_mem>>)
      %dma_start3A_129 = arith.constant 1 : i32
      %dma_start3A_130 = tpu.memref_slice %arg3[%dma_start3A_129, %mul3A_123] : memref<2x320000xi32, #tpu.memory_space<hbm>> -> memref<1x128xi32, #tpu.memory_space<hbm>>
      %dma_start3A_131 = tpu.memref_squeeze %dma_start3A_130 : memref<1x128xi32, #tpu.memory_space<hbm>> -> memref<128xi32, #tpu.memory_space<hbm>>
      %dma_start3A_132 = tpu.memref_slice %arg3[%dma_start3A_129, %mul3A_123] : memref<2x320000xi32, #tpu.memory_space<hbm>> -> memref<1x128xi32, #tpu.memory_space<hbm>>
      %dma_start3A_133 = tpu.memref_squeeze %dma_start3A_132 : memref<1x128xi32, #tpu.memory_space<hbm>> -> memref<128xi32, #tpu.memory_space<hbm>>
      tpu.enqueue_dma source(%dma_start3A_133 : memref<128xi32, #tpu.memory_space<hbm>>) target(%arg17 : memref<128xi32, #tpu.memory_space<vmem>>) target_semaphore(%arg27 : memref<!tpu.dma_semaphore, #tpu.memory_space<semaphore_mem>>)
    } else {
    }
    %barrier3A = arith.constant 0 : index
    tpu.barrier barrier_id(%barrier3A)
    %dma_wait3A = arith.constant 0 : i32
    %dma_wait3A_88 = arith.constant 0 : i32
    %dma_wait3A_89 = tpu.memref_slice %arg3[%dma_wait3A, %dma_wait3A_88] : memref<2x320000xi32, #tpu.memory_space<hbm>> -> memref<1x128xi32, #tpu.memory_space<hbm>>
    %dma_wait3A_90 = tpu.memref_squeeze %dma_wait3A_89 : memref<1x128xi32, #tpu.memory_space<hbm>> -> memref<128xi32, #tpu.memory_space<hbm>>
    %dma_wait3A_91 = arith.constant 0 : i32
    %dma_wait3A_92 = tpu.memref_slice %arg3[%dma_wait3A, %dma_wait3A_91] : memref<2x320000xi32, #tpu.memory_space<hbm>> -> memref<1x128xi32, #tpu.memory_space<hbm>>
    %dma_wait3A_93 = tpu.memref_squeeze %dma_wait3A_92 : memref<1x128xi32, #tpu.memory_space<hbm>> -> memref<128xi32, #tpu.memory_space<hbm>>
    tpu.wait_dma2 semaphore(%arg22 : memref<!tpu.dma_semaphore, #tpu.memory_space<semaphore_mem>>) src(%dma_wait3A_93 : memref<128xi32, #tpu.memory_space<hbm>>) dst(%arg6 : memref<128xi32, #tpu.memory_space<vmem>>)
    %dma_wait3A_94 = arith.constant 0 : i32
    %dma_wait3A_95 = arith.constant 0 : i32
    %dma_wait3A_96 = tpu.memref_slice %arg3[%dma_wait3A_94, %dma_wait3A_95] : memref<2x320000xi32, #tpu.memory_space<hbm>> -> memref<1x128xi32, #tpu.memory_space<hbm>>
    %dma_wait3A_97 = tpu.memref_squeeze %dma_wait3A_96 : memref<1x128xi32, #tpu.memory_space<hbm>> -> memref<128xi32, #tpu.memory_space<hbm>>
    %dma_wait3A_98 = arith.constant 0 : i32
    %dma_wait3A_99 = tpu.memref_slice %arg3[%dma_wait3A_94, %dma_wait3A_98] : memref<2x320000xi32, #tpu.memory_space<hbm>> -> memref<1x128xi32, #tpu.memory_space<hbm>>
    %dma_wait3A_100 = tpu.memref_squeeze %dma_wait3A_99 : memref<1x128xi32, #tpu.memory_space<hbm>> -> memref<128xi32, #tpu.memory_space<hbm>>
    tpu.wait_dma2 semaphore(%arg22 : memref<!tpu.dma_semaphore, #tpu.memory_space<semaphore_mem>>) src(%dma_wait3A_100 : memref<128xi32, #tpu.memory_space<hbm>>) dst(%arg12 : memref<128xi32, #tpu.memory_space<vmem>>)
    %dma_start3A = arith.constant 0 : i32
    %dma_start3A_101 = arith.constant 0 : i32
    %dma_start3A_102 = tpu.memref_slice %arg2[%dma_start3A, %dma_start3A_101] : memref<10000x128xf32, #tpu.memory_space<hbm>> -> memref<10000x128xf32, #tpu.memory_space<hbm>>
    tpu.enqueue_indirect_dma source(%dma_start3A_102 : memref<10000x128xf32, #tpu.memory_space<hbm>>) target(%arg18 : memref<128x128xf32, #tpu.memory_space<vmem>>) offsets(%arg6 : memref<128xi32, #tpu.memory_space<vmem>>) semaphore(%arg28 : memref<!tpu.dma_semaphore, #tpu.memory_space<semaphore_mem>>)
    %scan3A_103 = arith.constant 0 : i32
    %scan3A_104 = arith.constant 0 : i32
    %scan3A_105 = arith.constant 14 : i32
    %scan3A_106 = arith.addi %scan3A_104, %scan3A_105 : i32
    %scan3A_107 = arith.constant 1 : i32
    %scan3A_108 = scf.for %scan3A_120 = %scan3A_104 to %scan3A_106 step %scan3A_107 iter_args(%scan3A_121 = %scan3A_103) -> (i32)  : i32 {
      %mul3A_122 = arith.constant 6 : i32
      %mul3A_123 = arith.muli %mul3A_122, %scan3A_120 : i32
      %add3A_124 = arith.constant 0 : i32
      %add3A_125 = arith.addi %mul3A_123, %add3A_124 : i32
      %ge3A = arith.constant 1 : i32
      %ge3A_126 = arith.cmpi sge, %add3A_125, %ge3A : i32
      %sub3A_127 = arith.constant 1 : i32
      %sub3A_128 = arith.subi %add3A_125, %sub3A_127 : i32
      %lt3A = arith.cmpi slt, %sub3A_128, %sub3A_60 : i32
      %and3A_129 = arith.andi %ge3A_126, %lt3A : i1
      %convert_element_type3A_130 = arith.extui %and3A_129 : i1 to i32
      %cond3A_131 = arith.constant 0 : i32
      %cond3A_132 = arith.cmpi ne, %convert_element_type3A_130, %cond3A_131 : i32
      scf.if %cond3A_132 {
        %dma_wait3A_289 = arith.constant 0 : i32
        %dma_wait3A_290 = arith.constant 0 : i32
        %dma_wait3A_291 = tpu.memref_slice %arg2[%dma_wait3A_289, %dma_wait3A_290] : memref<10000x128xf32, #tpu.memory_space<hbm>> -> memref<128x128xf32, #tpu.memory_space<hbm>>
        %dma_wait3A_292 = arith.constant 0 : i32
        %dma_wait3A_293 = arith.constant 0 : i32
        %dma_wait3A_294 = tpu.memref_slice %arg2[%dma_wait3A_292, %dma_wait3A_293] : memref<10000x128xf32, #tpu.memory_space<hbm>> -> memref<128x128xf32, #tpu.memory_space<hbm>>
        tpu.wait_dma2 semaphore(%arg30 : memref<!tpu.dma_semaphore, #tpu.memory_space<semaphore_mem>>) src(%dma_wait3A_294 : memref<128x128xf32, #tpu.memory_space<hbm>>) dst(%arg20 : memref<128x128xf32, #tpu.memory_space<vmem>>)
        %dma_start3A_295 = arith.constant 0 : i32
        %dma_start3A_296 = arith.constant 0 : i32
        %dma_start3A_297 = tpu.memref_slice %arg21[%dma_start3A_295, %dma_start3A_296] : memref<10000x128xf32, #tpu.memory_space<vmem_shared>> -> memref<10000x128xf32, #tpu.memory_space<vmem_shared>>
        tpu.enqueue_indirect_dma source(%arg20 : memref<128x128xf32, #tpu.memory_space<vmem>>) target(%dma_start3A_297 : memref<10000x128xf32, #tpu.memory_space<vmem_shared>>) offsets(%arg17 : memref<128xi32, #tpu.memory_space<vmem>>) semaphore(%arg33 : memref<!tpu.dma_semaphore, #tpu.memory_space<semaphore_mem>>) {add = true}
        %add3A_298 = arith.constant 5 : i32
        %add3A_299 = arith.addi %add3A_125, %add3A_298 : i32
        %lt3A_300 = arith.cmpi slt, %add3A_299, %sub3A_60 : i32
        %convert_element_type3A_301 = arith.extui %lt3A_300 : i1 to i32
        %cond3A_302 = arith.constant 0 : i32
        %cond3A_303 = arith.cmpi ne, %convert_element_type3A_301, %cond3A_302 : i32
        scf.if %cond3A_303 {
          %add3A_304 = arith.constant 5 : i32
          %add3A_305 = arith.addi %add3A_125, %add3A_304 : i32
          %add3A_306 = arith.addi %select_n3A, %add3A_305 : i32
          %mul3A_307 = arith.constant 128 : i32
          %mul3A_308 = arith.muli %add3A_306, %mul3A_307 : i32
          %dma_start3A_309 = arith.constant 0 : i32
          %dma_start3A_310 = tpu.memref_slice %arg3[%dma_start3A_309, %mul3A_308] : memref<2x320000xi32, #tpu.memory_space<hbm>> -> memref<1x128xi32, #tpu.memory_space<hbm>>
          %dma_start3A_311 = tpu.memref_squeeze %dma_start3A_310 : memref<1x128xi32, #tpu.memory_space<hbm>> -> memref<128xi32, #tpu.memory_space<hbm>>
          %dma_start3A_312 = tpu.memref_slice %arg3[%dma_start3A_309, %mul3A_308] : memref<2x320000xi32, #tpu.memory_space<hbm>> -> memref<1x128xi32, #tpu.memory_space<hbm>>
          %dma_start3A_313 = tpu.memref_squeeze %dma_start3A_312 : memref<1x128xi32, #tpu.memory_space<hbm>> -> memref<128xi32, #tpu.memory_space<hbm>>
          tpu.enqueue_dma source(%dma_start3A_313 : memref<128xi32, #tpu.memory_space<hbm>>) target(%arg11 : memref<128xi32, #tpu.memory_space<vmem>>) target_semaphore(%arg27 : memref<!tpu.dma_semaphore, #tpu.memory_space<semaphore_mem>>)
          %dma_start3A_314 = arith.constant 1 : i32
          %dma_start3A_315 = tpu.memref_slice %arg3[%dma_start3A_314, %mul3A_308] : memref<2x320000xi32, #tpu.memory_space<hbm>> -> memref<1x128xi32, #tpu.memory_space<hbm>>
          %dma_start3A_316 = tpu.memref_squeeze %dma_start3A_315 : memref<1x128xi32, #tpu.memory_space<hbm>> -> memref<128xi32, #tpu.memory_space<hbm>>
          %dma_start3A_317 = tpu.memref_slice %arg3[%dma_start3A_314, %mul3A_308] : memref<2x320000xi32, #tpu.memory_space<hbm>> -> memref<1x128xi32, #tpu.memory_space<hbm>>
          %dma_start3A_318 = tpu.memref_squeeze %dma_start3A_317 : memref<1x128xi32, #tpu.memory_space<hbm>> -> memref<128xi32, #tpu.memory_space<hbm>>
          tpu.enqueue_dma source(%dma_start3A_318 : memref<128xi32, #tpu.memory_space<hbm>>) target(%arg17 : memref<128xi32, #tpu.memory_space<vmem>>) target_semaphore(%arg27 : memref<!tpu.dma_semaphore, #tpu.memory_space<semaphore_mem>>)
        } else {
        }
      } else {
      }
      %ge3A_133 = arith.constant 2 : i32
      %ge3A_134 = arith.cmpi sge, %add3A_125, %ge3A_133 : i32
      %sub3A_135 = arith.constant 2 : i32
      %sub3A_136 = arith.subi %add3A_125, %sub3A_135 : i32
      %lt3A_137 = arith.cmpi slt, %sub3A_136, %sub3A_60 : i32
      %and3A_138 = arith.andi %ge3A_134, %lt3A_137 : i1
      %convert_element_type3A_139 = arith.extui %and3A_138 : i1 to i32
      %cond3A_140 = arith.constant 0 : i32
      %cond3A_141 = arith.cmpi ne, %convert_element_type3A_139, %cond3A_140 : i32
      scf.if %cond3A_141 {
        %dma_wait3A_289 = arith.constant 0 : i32
        %dma_wait3A_290 = arith.constant 0 : i32
        %dma_wait3A_291 = tpu.memref_slice %arg21[%dma_wait3A_289, %dma_wait3A_290] : memref<10000x128xf32, #tpu.memory_space<vmem_shared>> -> memref<128x128xf32, #tpu.memory_space<vmem_shared>>
        %dma_wait3A_292 = arith.constant 0 : i32
        %dma_wait3A_293 = arith.constant 0 : i32
        %dma_wait3A_294 = tpu.memref_slice %arg21[%dma_wait3A_292, %dma_wait3A_293] : memref<10000x128xf32, #tpu.memory_space<vmem_shared>> -> memref<128x128xf32, #tpu.memory_space<vmem_shared>>
        tpu.wait_dma2 semaphore(%arg32 : memref<!tpu.dma_semaphore, #tpu.memory_space<semaphore_mem>>) src(%arg19 : memref<128x128xf32, #tpu.memory_space<vmem>>) dst(%dma_wait3A_294 : memref<128x128xf32, #tpu.memory_space<vmem_shared>>)
      } else {
      }
      %add3A_142 = arith.constant 1 : i32
      %add3A_143 = arith.addi %add3A_125, %add3A_142 : i32
      %lt3A_144 = arith.cmpi slt, %add3A_143, %sub3A_60 : i32
      %convert_element_type3A_145 = arith.extui %lt3A_144 : i1 to i32
      %cond3A_146 = arith.constant 0 : i32
      %cond3A_147 = arith.cmpi ne, %convert_element_type3A_145, %cond3A_146 : i32
      scf.if %cond3A_147 {
        %dma_wait3A_289 = arith.constant 0 : i32
        %dma_wait3A_290 = arith.constant 0 : i32
        %dma_wait3A_291 = tpu.memref_slice %arg3[%dma_wait3A_289, %dma_wait3A_290] : memref<2x320000xi32, #tpu.memory_space<hbm>> -> memref<1x128xi32, #tpu.memory_space<hbm>>
        %dma_wait3A_292 = tpu.memref_squeeze %dma_wait3A_291 : memref<1x128xi32, #tpu.memory_space<hbm>> -> memref<128xi32, #tpu.memory_space<hbm>>
        %dma_wait3A_293 = arith.constant 0 : i32
        %dma_wait3A_294 = tpu.memref_slice %arg3[%dma_wait3A_289, %dma_wait3A_293] : memref<2x320000xi32, #tpu.memory_space<hbm>> -> memref<1x128xi32, #tpu.memory_space<hbm>>
        %dma_wait3A_295 = tpu.memref_squeeze %dma_wait3A_294 : memref<1x128xi32, #tpu.memory_space<hbm>> -> memref<128xi32, #tpu.memory_space<hbm>>
        tpu.wait_dma2 semaphore(%arg23 : memref<!tpu.dma_semaphore, #tpu.memory_space<semaphore_mem>>) src(%dma_wait3A_295 : memref<128xi32, #tpu.memory_space<hbm>>) dst(%arg7 : memref<128xi32, #tpu.memory_space<vmem>>)
        %dma_wait3A_296 = arith.constant 0 : i32
        %dma_wait3A_297 = arith.constant 0 : i32
        %dma_wait3A_298 = tpu.memref_slice %arg3[%dma_wait3A_296, %dma_wait3A_297] : memref<2x320000xi32, #tpu.memory_space<hbm>> -> memref<1x128xi32, #tpu.memory_space<hbm>>
        %dma_wait3A_299 = tpu.memref_squeeze %dma_wait3A_298 : memref<1x128xi32, #tpu.memory_space<hbm>> -> memref<128xi32, #tpu.memory_space<hbm>>
        %dma_wait3A_300 = arith.constant 0 : i32
        %dma_wait3A_301 = tpu.memref_slice %arg3[%dma_wait3A_296, %dma_wait3A_300] : memref<2x320000xi32, #tpu.memory_space<hbm>> -> memref<1x128xi32, #tpu.memory_space<hbm>>
        %dma_wait3A_302 = tpu.memref_squeeze %dma_wait3A_301 : memref<1x128xi32, #tpu.memory_space<hbm>> -> memref<128xi32, #tpu.memory_space<hbm>>
        tpu.wait_dma2 semaphore(%arg23 : memref<!tpu.dma_semaphore, #tpu.memory_space<semaphore_mem>>) src(%dma_wait3A_302 : memref<128xi32, #tpu.memory_space<hbm>>) dst(%arg13 : memref<128xi32, #tpu.memory_space<vmem>>)
        %dma_start3A_303 = arith.constant 0 : i32
        %dma_start3A_304 = arith.constant 0 : i32
        %dma_start3A_305 = tpu.memref_slice %arg2[%dma_start3A_303, %dma_start3A_304] : memref<10000x128xf32, #tpu.memory_space<hbm>> -> memref<10000x128xf32, #tpu.memory_space<hbm>>
        tpu.enqueue_indirect_dma source(%dma_start3A_305 : memref<10000x128xf32, #tpu.memory_space<hbm>>) target(%arg19 : memref<128x128xf32, #tpu.memory_space<vmem>>) offsets(%arg7 : memref<128xi32, #tpu.memory_space<vmem>>) semaphore(%arg29 : memref<!tpu.dma_semaphore, #tpu.memory_space<semaphore_mem>>)
      } else {
      }
      %mul3A_148 = arith.constant 6 : i32
      %mul3A_149 = arith.muli %mul3A_148, %scan3A_120 : i32
      %add3A_150 = arith.constant 1 : i32
      %add3A_151 = arith.addi %mul3A_149, %add3A_150 : i32
      %ge3A_152 = arith.constant 1 : i32
      %ge3A_153 = arith.cmpi sge, %add3A_151, %ge3A_152 : i32
      %sub3A_154 = arith.constant 1 : i32
      %sub3A_155 = arith.subi %add3A_151, %sub3A_154 : i32
      %lt3A_156 = arith.cmpi slt, %sub3A_155, %sub3A_60 : i32
      %and3A_157 = arith.andi %ge3A_153, %lt3A_156 : i1
      %convert_element_type3A_158 = arith.extui %and3A_157 : i1 to i32
      %cond3A_159 = arith.constant 0 : i32
      %cond3A_160 = arith.cmpi ne, %convert_element_type3A_158, %cond3A_159 : i32
      scf.if %cond3A_160 {
        %dma_wait3A_289 = arith.constant 0 : i32
        %dma_wait3A_290 = arith.constant 0 : i32
        %dma_wait3A_291 = tpu.memref_slice %arg2[%dma_wait3A_289, %dma_wait3A_290] : memref<10000x128xf32, #tpu.memory_space<hbm>> -> memref<128x128xf32, #tpu.memory_space<hbm>>
        %dma_wait3A_292 = arith.constant 0 : i32
        %dma_wait3A_293 = arith.constant 0 : i32
        %dma_wait3A_294 = tpu.memref_slice %arg2[%dma_wait3A_292, %dma_wait3A_293] : memref<10000x128xf32, #tpu.memory_space<hbm>> -> memref<128x128xf32, #tpu.memory_space<hbm>>
        tpu.wait_dma2 semaphore(%arg28 : memref<!tpu.dma_semaphore, #tpu.memory_space<semaphore_mem>>) src(%dma_wait3A_294 : memref<128x128xf32, #tpu.memory_space<hbm>>) dst(%arg18 : memref<128x128xf32, #tpu.memory_space<vmem>>)
        %dma_start3A_295 = arith.constant 0 : i32
        %dma_start3A_296 = arith.constant 0 : i32
        %dma_start3A_297 = tpu.memref_slice %arg21[%dma_start3A_295, %dma_start3A_296] : memref<10000x128xf32, #tpu.memory_space<vmem_shared>> -> memref<10000x128xf32, #tpu.memory_space<vmem_shared>>
        tpu.enqueue_indirect_dma source(%arg18 : memref<128x128xf32, #tpu.memory_space<vmem>>) target(%dma_start3A_297 : memref<10000x128xf32, #tpu.memory_space<vmem_shared>>) offsets(%arg12 : memref<128xi32, #tpu.memory_space<vmem>>) semaphore(%arg31 : memref<!tpu.dma_semaphore, #tpu.memory_space<semaphore_mem>>) {add = true}
        %add3A_298 = arith.constant 5 : i32
        %add3A_299 = arith.addi %add3A_151, %add3A_298 : i32
        %lt3A_300 = arith.cmpi slt, %add3A_299, %sub3A_60 : i32
        %convert_element_type3A_301 = arith.extui %lt3A_300 : i1 to i32
        %cond3A_302 = arith.constant 0 : i32
        %cond3A_303 = arith.cmpi ne, %convert_element_type3A_301, %cond3A_302 : i32
        scf.if %cond3A_303 {
          %add3A_304 = arith.constant 5 : i32
          %add3A_305 = arith.addi %add3A_151, %add3A_304 : i32
          %add3A_306 = arith.addi %select_n3A, %add3A_305 : i32
          %mul3A_307 = arith.constant 128 : i32
          %mul3A_308 = arith.muli %add3A_306, %mul3A_307 : i32
          %dma_start3A_309 = arith.constant 0 : i32
          %dma_start3A_310 = tpu.memref_slice %arg3[%dma_start3A_309, %mul3A_308] : memref<2x320000xi32, #tpu.memory_space<hbm>> -> memref<1x128xi32, #tpu.memory_space<hbm>>
          %dma_start3A_311 = tpu.memref_squeeze %dma_start3A_310 : memref<1x128xi32, #tpu.memory_space<hbm>> -> memref<128xi32, #tpu.memory_space<hbm>>
          %dma_start3A_312 = tpu.memref_slice %arg3[%dma_start3A_309, %mul3A_308] : memref<2x320000xi32, #tpu.memory_space<hbm>> -> memref<1x128xi32, #tpu.memory_space<hbm>>
          %dma_start3A_313 = tpu.memref_squeeze %dma_start3A_312 : memref<1x128xi32, #tpu.memory_space<hbm>> -> memref<128xi32, #tpu.memory_space<hbm>>
          tpu.enqueue_dma source(%dma_start3A_313 : memref<128xi32, #tpu.memory_space<hbm>>) target(%arg6 : memref<128xi32, #tpu.memory_space<vmem>>) target_semaphore(%arg22 : memref<!tpu.dma_semaphore, #tpu.memory_space<semaphore_mem>>)
          %dma_start3A_314 = arith.constant 1 : i32
          %dma_start3A_315 = tpu.memref_slice %arg3[%dma_start3A_314, %mul3A_308] : memref<2x320000xi32, #tpu.memory_space<hbm>> -> memref<1x128xi32, #tpu.memory_space<hbm>>
          %dma_start3A_316 = tpu.memref_squeeze %dma_start3A_315 : memref<1x128xi32, #tpu.memory_space<hbm>> -> memref<128xi32, #tpu.memory_space<hbm>>
          %dma_start3A_317 = tpu.memref_slice %arg3[%dma_start3A_314, %mul3A_308] : memref<2x320000xi32, #tpu.memory_space<hbm>> -> memref<1x128xi32, #tpu.memory_space<hbm>>
          %dma_start3A_318 = tpu.memref_squeeze %dma_start3A_317 : memref<1x128xi32, #tpu.memory_space<hbm>> -> memref<128xi32, #tpu.memory_space<hbm>>
          tpu.enqueue_dma source(%dma_start3A_318 : memref<128xi32, #tpu.memory_space<hbm>>) target(%arg12 : memref<128xi32, #tpu.memory_space<vmem>>) target_semaphore(%arg22 : memref<!tpu.dma_semaphore, #tpu.memory_space<semaphore_mem>>)
        } else {
        }
      } else {
      }
      %ge3A_161 = arith.constant 2 : i32
      %ge3A_162 = arith.cmpi sge, %add3A_151, %ge3A_161 : i32
      %sub3A_163 = arith.constant 2 : i32
      %sub3A_164 = arith.subi %add3A_151, %sub3A_163 : i32
      %lt3A_165 = arith.cmpi slt, %sub3A_164, %sub3A_60 : i32
      %and3A_166 = arith.andi %ge3A_162, %lt3A_165 : i1
      %convert_element_type3A_167 = arith.extui %and3A_166 : i1 to i32
      %cond3A_168 = arith.constant 0 : i32
      %cond3A_169 = arith.cmpi ne, %convert_element_type3A_167, %cond3A_168 : i32
      scf.if %cond3A_169 {
        %dma_wait3A_289 = arith.constant 0 : i32
        %dma_wait3A_290 = arith.constant 0 : i32
        %dma_wait3A_291 = tpu.memref_slice %arg21[%dma_wait3A_289, %dma_wait3A_290] : memref<10000x128xf32, #tpu.memory_space<vmem_shared>> -> memref<128x128xf32, #tpu.memory_space<vmem_shared>>
        %dma_wait3A_292 = arith.constant 0 : i32
        %dma_wait3A_293 = arith.constant 0 : i32
        %dma_wait3A_294 = tpu.memref_slice %arg21[%dma_wait3A_292, %dma_wait3A_293] : memref<10000x128xf32, #tpu.memory_space<vmem_shared>> -> memref<128x128xf32, #tpu.memory_space<vmem_shared>>
        tpu.wait_dma2 semaphore(%arg33 : memref<!tpu.dma_semaphore, #tpu.memory_space<semaphore_mem>>) src(%arg20 : memref<128x128xf32, #tpu.memory_space<vmem>>) dst(%dma_wait3A_294 : memref<128x128xf32, #tpu.memory_space<vmem_shared>>)
      } else {
      }
      %add3A_170 = arith.constant 1 : i32
      %add3A_171 = arith.addi %add3A_151, %add3A_170 : i32
      %lt3A_172 = arith.cmpi slt, %add3A_171, %sub3A_60 : i32
      %convert_element_type3A_173 = arith.extui %lt3A_172 : i1 to i32
      %cond3A_174 = arith.constant 0 : i32
      %cond3A_175 = arith.cmpi ne, %convert_element_type3A_173, %cond3A_174 : i32
      scf.if %cond3A_175 {
        %dma_wait3A_289 = arith.constant 0 : i32
        %dma_wait3A_290 = arith.constant 0 : i32
        %dma_wait3A_291 = tpu.memref_slice %arg3[%dma_wait3A_289, %dma_wait3A_290] : memref<2x320000xi32, #tpu.memory_space<hbm>> -> memref<1x128xi32, #tpu.memory_space<hbm>>
        %dma_wait3A_292 = tpu.memref_squeeze %dma_wait3A_291 : memref<1x128xi32, #tpu.memory_space<hbm>> -> memref<128xi32, #tpu.memory_space<hbm>>
        %dma_wait3A_293 = arith.constant 0 : i32
        %dma_wait3A_294 = tpu.memref_slice %arg3[%dma_wait3A_289, %dma_wait3A_293] : memref<2x320000xi32, #tpu.memory_space<hbm>> -> memref<1x128xi32, #tpu.memory_space<hbm>>
        %dma_wait3A_295 = tpu.memref_squeeze %dma_wait3A_294 : memref<1x128xi32, #tpu.memory_space<hbm>> -> memref<128xi32, #tpu.memory_space<hbm>>
        tpu.wait_dma2 semaphore(%arg24 : memref<!tpu.dma_semaphore, #tpu.memory_space<semaphore_mem>>) src(%dma_wait3A_295 : memref<128xi32, #tpu.memory_space<hbm>>) dst(%arg8 : memref<128xi32, #tpu.memory_space<vmem>>)
        %dma_wait3A_296 = arith.constant 0 : i32
        %dma_wait3A_297 = arith.constant 0 : i32
        %dma_wait3A_298 = tpu.memref_slice %arg3[%dma_wait3A_296, %dma_wait3A_297] : memref<2x320000xi32, #tpu.memory_space<hbm>> -> memref<1x128xi32, #tpu.memory_space<hbm>>
        %dma_wait3A_299 = tpu.memref_squeeze %dma_wait3A_298 : memref<1x128xi32, #tpu.memory_space<hbm>> -> memref<128xi32, #tpu.memory_space<hbm>>
        %dma_wait3A_300 = arith.constant 0 : i32
        %dma_wait3A_301 = tpu.memref_slice %arg3[%dma_wait3A_296, %dma_wait3A_300] : memref<2x320000xi32, #tpu.memory_space<hbm>> -> memref<1x128xi32, #tpu.memory_space<hbm>>
        %dma_wait3A_302 = tpu.memref_squeeze %dma_wait3A_301 : memref<1x128xi32, #tpu.memory_space<hbm>> -> memref<128xi32, #tpu.memory_space<hbm>>
        tpu.wait_dma2 semaphore(%arg24 : memref<!tpu.dma_semaphore, #tpu.memory_space<semaphore_mem>>) src(%dma_wait3A_302 : memref<128xi32, #tpu.memory_space<hbm>>) dst(%arg14 : memref<128xi32, #tpu.memory_space<vmem>>)
        %dma_start3A_303 = arith.constant 0 : i32
        %dma_start3A_304 = arith.constant 0 : i32
        %dma_start3A_305 = tpu.memref_slice %arg2[%dma_start3A_303, %dma_start3A_304] : memref<10000x128xf32, #tpu.memory_space<hbm>> -> memref<10000x128xf32, #tpu.memory_space<hbm>>
        tpu.enqueue_indirect_dma source(%dma_start3A_305 : memref<10000x128xf32, #tpu.memory_space<hbm>>) target(%arg20 : memref<128x128xf32, #tpu.memory_space<vmem>>) offsets(%arg8 : memref<128xi32, #tpu.memory_space<vmem>>) semaphore(%arg30 : memref<!tpu.dma_semaphore, #tpu.memory_space<semaphore_mem>>)
      } else {
      }
      %mul3A_176 = arith.constant 6 : i32
      %mul3A_177 = arith.muli %mul3A_176, %scan3A_120 : i32
      %add3A_178 = arith.constant 2 : i32
      %add3A_179 = arith.addi %mul3A_177, %add3A_178 : i32
      %ge3A_180 = arith.constant 1 : i32
      %ge3A_181 = arith.cmpi sge, %add3A_179, %ge3A_180 : i32
      %sub3A_182 = arith.constant 1 : i32
      %sub3A_183 = arith.subi %add3A_179, %sub3A_182 : i32
      %lt3A_184 = arith.cmpi slt, %sub3A_183, %sub3A_60 : i32
      %and3A_185 = arith.andi %ge3A_181, %lt3A_184 : i1
      %convert_element_type3A_186 = arith.extui %and3A_185 : i1 to i32
      %cond3A_187 = arith.constant 0 : i32
      %cond3A_188 = arith.cmpi ne, %convert_element_type3A_186, %cond3A_187 : i32
      scf.if %cond3A_188 {
        %dma_wait3A_289 = arith.constant 0 : i32
        %dma_wait3A_290 = arith.constant 0 : i32
        %dma_wait3A_291 = tpu.memref_slice %arg2[%dma_wait3A_289, %dma_wait3A_290] : memref<10000x128xf32, #tpu.memory_space<hbm>> -> memref<128x128xf32, #tpu.memory_space<hbm>>
        %dma_wait3A_292 = arith.constant 0 : i32
        %dma_wait3A_293 = arith.constant 0 : i32
        %dma_wait3A_294 = tpu.memref_slice %arg2[%dma_wait3A_292, %dma_wait3A_293] : memref<10000x128xf32, #tpu.memory_space<hbm>> -> memref<128x128xf32, #tpu.memory_space<hbm>>
        tpu.wait_dma2 semaphore(%arg29 : memref<!tpu.dma_semaphore, #tpu.memory_space<semaphore_mem>>) src(%dma_wait3A_294 : memref<128x128xf32, #tpu.memory_space<hbm>>) dst(%arg19 : memref<128x128xf32, #tpu.memory_space<vmem>>)
        %dma_start3A_295 = arith.constant 0 : i32
        %dma_start3A_296 = arith.constant 0 : i32
        %dma_start3A_297 = tpu.memref_slice %arg21[%dma_start3A_295, %dma_start3A_296] : memref<10000x128xf32, #tpu.memory_space<vmem_shared>> -> memref<10000x128xf32, #tpu.memory_space<vmem_shared>>
        tpu.enqueue_indirect_dma source(%arg19 : memref<128x128xf32, #tpu.memory_space<vmem>>) target(%dma_start3A_297 : memref<10000x128xf32, #tpu.memory_space<vmem_shared>>) offsets(%arg13 : memref<128xi32, #tpu.memory_space<vmem>>) semaphore(%arg32 : memref<!tpu.dma_semaphore, #tpu.memory_space<semaphore_mem>>) {add = true}
        %add3A_298 = arith.constant 5 : i32
        %add3A_299 = arith.addi %add3A_179, %add3A_298 : i32
        %lt3A_300 = arith.cmpi slt, %add3A_299, %sub3A_60 : i32
        %convert_element_type3A_301 = arith.extui %lt3A_300 : i1 to i32
        %cond3A_302 = arith.constant 0 : i32
        %cond3A_303 = arith.cmpi ne, %convert_element_type3A_301, %cond3A_302 : i32
        scf.if %cond3A_303 {
          %add3A_304 = arith.constant 5 : i32
          %add3A_305 = arith.addi %add3A_179, %add3A_304 : i32
          %add3A_306 = arith.addi %select_n3A, %add3A_305 : i32
          %mul3A_307 = arith.constant 128 : i32
          %mul3A_308 = arith.muli %add3A_306, %mul3A_307 : i32
          %dma_start3A_309 = arith.constant 0 : i32
          %dma_start3A_310 = tpu.memref_slice %arg3[%dma_start3A_309, %mul3A_308] : memref<2x320000xi32, #tpu.memory_space<hbm>> -> memref<1x128xi32, #tpu.memory_space<hbm>>
          %dma_start3A_311 = tpu.memref_squeeze %dma_start3A_310 : memref<1x128xi32, #tpu.memory_space<hbm>> -> memref<128xi32, #tpu.memory_space<hbm>>
          %dma_start3A_312 = tpu.memref_slice %arg3[%dma_start3A_309, %mul3A_308] : memref<2x320000xi32, #tpu.memory_space<hbm>> -> memref<1x128xi32, #tpu.memory_space<hbm>>
          %dma_start3A_313 = tpu.memref_squeeze %dma_start3A_312 : memref<1x128xi32, #tpu.memory_space<hbm>> -> memref<128xi32, #tpu.memory_space<hbm>>
          tpu.enqueue_dma source(%dma_start3A_313 : memref<128xi32, #tpu.memory_space<hbm>>) target(%arg7 : memref<128xi32, #tpu.memory_space<vmem>>) target_semaphore(%arg23 : memref<!tpu.dma_semaphore, #tpu.memory_space<semaphore_mem>>)
          %dma_start3A_314 = arith.constant 1 : i32
          %dma_start3A_315 = tpu.memref_slice %arg3[%dma_start3A_314, %mul3A_308] : memref<2x320000xi32, #tpu.memory_space<hbm>> -> memref<1x128xi32, #tpu.memory_space<hbm>>
          %dma_start3A_316 = tpu.memref_squeeze %dma_start3A_315 : memref<1x128xi32, #tpu.memory_space<hbm>> -> memref<128xi32, #tpu.memory_space<hbm>>
          %dma_start3A_317 = tpu.memref_slice %arg3[%dma_start3A_314, %mul3A_308] : memref<2x320000xi32, #tpu.memory_space<hbm>> -> memref<1x128xi32, #tpu.memory_space<hbm>>
          %dma_start3A_318 = tpu.memref_squeeze %dma_start3A_317 : memref<1x128xi32, #tpu.memory_space<hbm>> -> memref<128xi32, #tpu.memory_space<hbm>>
          tpu.enqueue_dma source(%dma_start3A_318 : memref<128xi32, #tpu.memory_space<hbm>>) target(%arg13 : memref<128xi32, #tpu.memory_space<vmem>>) target_semaphore(%arg23 : memref<!tpu.dma_semaphore, #tpu.memory_space<semaphore_mem>>)
        } else {
        }
      } else {
      }
      %ge3A_189 = arith.constant 2 : i32
      %ge3A_190 = arith.cmpi sge, %add3A_179, %ge3A_189 : i32
      %sub3A_191 = arith.constant 2 : i32
      %sub3A_192 = arith.subi %add3A_179, %sub3A_191 : i32
      %lt3A_193 = arith.cmpi slt, %sub3A_192, %sub3A_60 : i32
      %and3A_194 = arith.andi %ge3A_190, %lt3A_193 : i1
      %convert_element_type3A_195 = arith.extui %and3A_194 : i1 to i32
      %cond3A_196 = arith.constant 0 : i32
      %cond3A_197 = arith.cmpi ne, %convert_element_type3A_195, %cond3A_196 : i32
      scf.if %cond3A_197 {
        %dma_wait3A_289 = arith.constant 0 : i32
        %dma_wait3A_290 = arith.constant 0 : i32
        %dma_wait3A_291 = tpu.memref_slice %arg21[%dma_wait3A_289, %dma_wait3A_290] : memref<10000x128xf32, #tpu.memory_space<vmem_shared>> -> memref<128x128xf32, #tpu.memory_space<vmem_shared>>
        %dma_wait3A_292 = arith.constant 0 : i32
        %dma_wait3A_293 = arith.constant 0 : i32
        %dma_wait3A_294 = tpu.memref_slice %arg21[%dma_wait3A_292, %dma_wait3A_293] : memref<10000x128xf32, #tpu.memory_space<vmem_shared>> -> memref<128x128xf32, #tpu.memory_space<vmem_shared>>
        tpu.wait_dma2 semaphore(%arg31 : memref<!tpu.dma_semaphore, #tpu.memory_space<semaphore_mem>>) src(%arg18 : memref<128x128xf32, #tpu.memory_space<vmem>>) dst(%dma_wait3A_294 : memref<128x128xf32, #tpu.memory_space<vmem_shared>>)
      } else {
      }
      %add3A_198 = arith.constant 1 : i32
      %add3A_199 = arith.addi %add3A_179, %add3A_198 : i32
      %lt3A_200 = arith.cmpi slt, %add3A_199, %sub3A_60 : i32
      %convert_element_type3A_201 = arith.extui %lt3A_200 : i1 to i32
      %cond3A_202 = arith.constant 0 : i32
      %cond3A_203 = arith.cmpi ne, %convert_element_type3A_201, %cond3A_202 : i32
      scf.if %cond3A_203 {
        %dma_wait3A_289 = arith.constant 0 : i32
        %dma_wait3A_290 = arith.constant 0 : i32
        %dma_wait3A_291 = tpu.memref_slice %arg3[%dma_wait3A_289, %dma_wait3A_290] : memref<2x320000xi32, #tpu.memory_space<hbm>> -> memref<1x128xi32, #tpu.memory_space<hbm>>
        %dma_wait3A_292 = tpu.memref_squeeze %dma_wait3A_291 : memref<1x128xi32, #tpu.memory_space<hbm>> -> memref<128xi32, #tpu.memory_space<hbm>>
        %dma_wait3A_293 = arith.constant 0 : i32
        %dma_wait3A_294 = tpu.memref_slice %arg3[%dma_wait3A_289, %dma_wait3A_293] : memref<2x320000xi32, #tpu.memory_space<hbm>> -> memref<1x128xi32, #tpu.memory_space<hbm>>
        %dma_wait3A_295 = tpu.memref_squeeze %dma_wait3A_294 : memref<1x128xi32, #tpu.memory_space<hbm>> -> memref<128xi32, #tpu.memory_space<hbm>>
        tpu.wait_dma2 semaphore(%arg25 : memref<!tpu.dma_semaphore, #tpu.memory_space<semaphore_mem>>) src(%dma_wait3A_295 : memref<128xi32, #tpu.memory_space<hbm>>) dst(%arg9 : memref<128xi32, #tpu.memory_space<vmem>>)
        %dma_wait3A_296 = arith.constant 0 : i32
        %dma_wait3A_297 = arith.constant 0 : i32
        %dma_wait3A_298 = tpu.memref_slice %arg3[%dma_wait3A_296, %dma_wait3A_297] : memref<2x320000xi32, #tpu.memory_space<hbm>> -> memref<1x128xi32, #tpu.memory_space<hbm>>
        %dma_wait3A_299 = tpu.memref_squeeze %dma_wait3A_298 : memref<1x128xi32, #tpu.memory_space<hbm>> -> memref<128xi32, #tpu.memory_space<hbm>>
        %dma_wait3A_300 = arith.constant 0 : i32
        %dma_wait3A_301 = tpu.memref_slice %arg3[%dma_wait3A_296, %dma_wait3A_300] : memref<2x320000xi32, #tpu.memory_space<hbm>> -> memref<1x128xi32, #tpu.memory_space<hbm>>
        %dma_wait3A_302 = tpu.memref_squeeze %dma_wait3A_301 : memref<1x128xi32, #tpu.memory_space<hbm>> -> memref<128xi32, #tpu.memory_space<hbm>>
        tpu.wait_dma2 semaphore(%arg25 : memref<!tpu.dma_semaphore, #tpu.memory_space<semaphore_mem>>) src(%dma_wait3A_302 : memref<128xi32, #tpu.memory_space<hbm>>) dst(%arg15 : memref<128xi32, #tpu.memory_space<vmem>>)
        %dma_start3A_303 = arith.constant 0 : i32
        %dma_start3A_304 = arith.constant 0 : i32
        %dma_start3A_305 = tpu.memref_slice %arg2[%dma_start3A_303, %dma_start3A_304] : memref<10000x128xf32, #tpu.memory_space<hbm>> -> memref<10000x128xf32, #tpu.memory_space<hbm>>
        tpu.enqueue_indirect_dma source(%dma_start3A_305 : memref<10000x128xf32, #tpu.memory_space<hbm>>) target(%arg18 : memref<128x128xf32, #tpu.memory_space<vmem>>) offsets(%arg9 : memref<128xi32, #tpu.memory_space<vmem>>) semaphore(%arg28 : memref<!tpu.dma_semaphore, #tpu.memory_space<semaphore_mem>>)
      } else {
      }
      %mul3A_204 = arith.constant 6 : i32
      %mul3A_205 = arith.muli %mul3A_204, %scan3A_120 : i32
      %add3A_206 = arith.constant 3 : i32
      %add3A_207 = arith.addi %mul3A_205, %add3A_206 : i32
      %ge3A_208 = arith.constant 1 : i32
      %ge3A_209 = arith.cmpi sge, %add3A_207, %ge3A_208 : i32
      %sub3A_210 = arith.constant 1 : i32
      %sub3A_211 = arith.subi %add3A_207, %sub3A_210 : i32
      %lt3A_212 = arith.cmpi slt, %sub3A_211, %sub3A_60 : i32
      %and3A_213 = arith.andi %ge3A_209, %lt3A_212 : i1
      %convert_element_type3A_214 = arith.extui %and3A_213 : i1 to i32
      %cond3A_215 = arith.constant 0 : i32
      %cond3A_216 = arith.cmpi ne, %convert_element_type3A_214, %cond3A_215 : i32
      scf.if %cond3A_216 {
        %dma_wait3A_289 = arith.constant 0 : i32
        %dma_wait3A_290 = arith.constant 0 : i32
        %dma_wait3A_291 = tpu.memref_slice %arg2[%dma_wait3A_289, %dma_wait3A_290] : memref<10000x128xf32, #tpu.memory_space<hbm>> -> memref<128x128xf32, #tpu.memory_space<hbm>>
        %dma_wait3A_292 = arith.constant 0 : i32
        %dma_wait3A_293 = arith.constant 0 : i32
        %dma_wait3A_294 = tpu.memref_slice %arg2[%dma_wait3A_292, %dma_wait3A_293] : memref<10000x128xf32, #tpu.memory_space<hbm>> -> memref<128x128xf32, #tpu.memory_space<hbm>>
        tpu.wait_dma2 semaphore(%arg30 : memref<!tpu.dma_semaphore, #tpu.memory_space<semaphore_mem>>) src(%dma_wait3A_294 : memref<128x128xf32, #tpu.memory_space<hbm>>) dst(%arg20 : memref<128x128xf32, #tpu.memory_space<vmem>>)
        %dma_start3A_295 = arith.constant 0 : i32
        %dma_start3A_296 = arith.constant 0 : i32
        %dma_start3A_297 = tpu.memref_slice %arg21[%dma_start3A_295, %dma_start3A_296] : memref<10000x128xf32, #tpu.memory_space<vmem_shared>> -> memref<10000x128xf32, #tpu.memory_space<vmem_shared>>
        tpu.enqueue_indirect_dma source(%arg20 : memref<128x128xf32, #tpu.memory_space<vmem>>) target(%dma_start3A_297 : memref<10000x128xf32, #tpu.memory_space<vmem_shared>>) offsets(%arg14 : memref<128xi32, #tpu.memory_space<vmem>>) semaphore(%arg33 : memref<!tpu.dma_semaphore, #tpu.memory_space<semaphore_mem>>) {add = true}
        %add3A_298 = arith.constant 5 : i32
        %add3A_299 = arith.addi %add3A_207, %add3A_298 : i32
        %lt3A_300 = arith.cmpi slt, %add3A_299, %sub3A_60 : i32
        %convert_element_type3A_301 = arith.extui %lt3A_300 : i1 to i32
        %cond3A_302 = arith.constant 0 : i32
        %cond3A_303 = arith.cmpi ne, %convert_element_type3A_301, %cond3A_302 : i32
        scf.if %cond3A_303 {
          %add3A_304 = arith.constant 5 : i32
          %add3A_305 = arith.addi %add3A_207, %add3A_304 : i32
          %add3A_306 = arith.addi %select_n3A, %add3A_305 : i32
          %mul3A_307 = arith.constant 128 : i32
          %mul3A_308 = arith.muli %add3A_306, %mul3A_307 : i32
          %dma_start3A_309 = arith.constant 0 : i32
          %dma_start3A_310 = tpu.memref_slice %arg3[%dma_start3A_309, %mul3A_308] : memref<2x320000xi32, #tpu.memory_space<hbm>> -> memref<1x128xi32, #tpu.memory_space<hbm>>
          %dma_start3A_311 = tpu.memref_squeeze %dma_start3A_310 : memref<1x128xi32, #tpu.memory_space<hbm>> -> memref<128xi32, #tpu.memory_space<hbm>>
          %dma_start3A_312 = tpu.memref_slice %arg3[%dma_start3A_309, %mul3A_308] : memref<2x320000xi32, #tpu.memory_space<hbm>> -> memref<1x128xi32, #tpu.memory_space<hbm>>
          %dma_start3A_313 = tpu.memref_squeeze %dma_start3A_312 : memref<1x128xi32, #tpu.memory_space<hbm>> -> memref<128xi32, #tpu.memory_space<hbm>>
          tpu.enqueue_dma source(%dma_start3A_313 : memref<128xi32, #tpu.memory_space<hbm>>) target(%arg8 : memref<128xi32, #tpu.memory_space<vmem>>) target_semaphore(%arg24 : memref<!tpu.dma_semaphore, #tpu.memory_space<semaphore_mem>>)
          %dma_start3A_314 = arith.constant 1 : i32
          %dma_start3A_315 = tpu.memref_slice %arg3[%dma_start3A_314, %mul3A_308] : memref<2x320000xi32, #tpu.memory_space<hbm>> -> memref<1x128xi32, #tpu.memory_space<hbm>>
          %dma_start3A_316 = tpu.memref_squeeze %dma_start3A_315 : memref<1x128xi32, #tpu.memory_space<hbm>> -> memref<128xi32, #tpu.memory_space<hbm>>
          %dma_start3A_317 = tpu.memref_slice %arg3[%dma_start3A_314, %mul3A_308] : memref<2x320000xi32, #tpu.memory_space<hbm>> -> memref<1x128xi32, #tpu.memory_space<hbm>>
          %dma_start3A_318 = tpu.memref_squeeze %dma_start3A_317 : memref<1x128xi32, #tpu.memory_space<hbm>> -> memref<128xi32, #tpu.memory_space<hbm>>
          tpu.enqueue_dma source(%dma_start3A_318 : memref<128xi32, #tpu.memory_space<hbm>>) target(%arg14 : memref<128xi32, #tpu.memory_space<vmem>>) target_semaphore(%arg24 : memref<!tpu.dma_semaphore, #tpu.memory_space<semaphore_mem>>)
        } else {
        }
      } else {
      }
      %ge3A_217 = arith.constant 2 : i32
      %ge3A_218 = arith.cmpi sge, %add3A_207, %ge3A_217 : i32
      %sub3A_219 = arith.constant 2 : i32
      %sub3A_220 = arith.subi %add3A_207, %sub3A_219 : i32
      %lt3A_221 = arith.cmpi slt, %sub3A_220, %sub3A_60 : i32
      %and3A_222 = arith.andi %ge3A_218, %lt3A_221 : i1
      %convert_element_type3A_223 = arith.extui %and3A_222 : i1 to i32
      %cond3A_224 = arith.constant 0 : i32
      %cond3A_225 = arith.cmpi ne, %convert_element_type3A_223, %cond3A_224 : i32
      scf.if %cond3A_225 {
        %dma_wait3A_289 = arith.constant 0 : i32
        %dma_wait3A_290 = arith.constant 0 : i32
        %dma_wait3A_291 = tpu.memref_slice %arg21[%dma_wait3A_289, %dma_wait3A_290] : memref<10000x128xf32, #tpu.memory_space<vmem_shared>> -> memref<128x128xf32, #tpu.memory_space<vmem_shared>>
        %dma_wait3A_292 = arith.constant 0 : i32
        %dma_wait3A_293 = arith.constant 0 : i32
        %dma_wait3A_294 = tpu.memref_slice %arg21[%dma_wait3A_292, %dma_wait3A_293] : memref<10000x128xf32, #tpu.memory_space<vmem_shared>> -> memref<128x128xf32, #tpu.memory_space<vmem_shared>>
        tpu.wait_dma2 semaphore(%arg32 : memref<!tpu.dma_semaphore, #tpu.memory_space<semaphore_mem>>) src(%arg19 : memref<128x128xf32, #tpu.memory_space<vmem>>) dst(%dma_wait3A_294 : memref<128x128xf32, #tpu.memory_space<vmem_shared>>)
      } else {
      }
      %add3A_226 = arith.constant 1 : i32
      %add3A_227 = arith.addi %add3A_207, %add3A_226 : i32
      %lt3A_228 = arith.cmpi slt, %add3A_227, %sub3A_60 : i32
      %convert_element_type3A_229 = arith.extui %lt3A_228 : i1 to i32
      %cond3A_230 = arith.constant 0 : i32
      %cond3A_231 = arith.cmpi ne, %convert_element_type3A_229, %cond3A_230 : i32
      scf.if %cond3A_231 {
        %dma_wait3A_289 = arith.constant 0 : i32
        %dma_wait3A_290 = arith.constant 0 : i32
        %dma_wait3A_291 = tpu.memref_slice %arg3[%dma_wait3A_289, %dma_wait3A_290] : memref<2x320000xi32, #tpu.memory_space<hbm>> -> memref<1x128xi32, #tpu.memory_space<hbm>>
        %dma_wait3A_292 = tpu.memref_squeeze %dma_wait3A_291 : memref<1x128xi32, #tpu.memory_space<hbm>> -> memref<128xi32, #tpu.memory_space<hbm>>
        %dma_wait3A_293 = arith.constant 0 : i32
        %dma_wait3A_294 = tpu.memref_slice %arg3[%dma_wait3A_289, %dma_wait3A_293] : memref<2x320000xi32, #tpu.memory_space<hbm>> -> memref<1x128xi32, #tpu.memory_space<hbm>>
        %dma_wait3A_295 = tpu.memref_squeeze %dma_wait3A_294 : memref<1x128xi32, #tpu.memory_space<hbm>> -> memref<128xi32, #tpu.memory_space<hbm>>
        tpu.wait_dma2 semaphore(%arg26 : memref<!tpu.dma_semaphore, #tpu.memory_space<semaphore_mem>>) src(%dma_wait3A_295 : memref<128xi32, #tpu.memory_space<hbm>>) dst(%arg10 : memref<128xi32, #tpu.memory_space<vmem>>)
        %dma_wait3A_296 = arith.constant 0 : i32
        %dma_wait3A_297 = arith.constant 0 : i32
        %dma_wait3A_298 = tpu.memref_slice %arg3[%dma_wait3A_296, %dma_wait3A_297] : memref<2x320000xi32, #tpu.memory_space<hbm>> -> memref<1x128xi32, #tpu.memory_space<hbm>>
        %dma_wait3A_299 = tpu.memref_squeeze %dma_wait3A_298 : memref<1x128xi32, #tpu.memory_space<hbm>> -> memref<128xi32, #tpu.memory_space<hbm>>
        %dma_wait3A_300 = arith.constant 0 : i32
        %dma_wait3A_301 = tpu.memref_slice %arg3[%dma_wait3A_296, %dma_wait3A_300] : memref<2x320000xi32, #tpu.memory_space<hbm>> -> memref<1x128xi32, #tpu.memory_space<hbm>>
        %dma_wait3A_302 = tpu.memref_squeeze %dma_wait3A_301 : memref<1x128xi32, #tpu.memory_space<hbm>> -> memref<128xi32, #tpu.memory_space<hbm>>
        tpu.wait_dma2 semaphore(%arg26 : memref<!tpu.dma_semaphore, #tpu.memory_space<semaphore_mem>>) src(%dma_wait3A_302 : memref<128xi32, #tpu.memory_space<hbm>>) dst(%arg16 : memref<128xi32, #tpu.memory_space<vmem>>)
        %dma_start3A_303 = arith.constant 0 : i32
        %dma_start3A_304 = arith.constant 0 : i32
        %dma_start3A_305 = tpu.memref_slice %arg2[%dma_start3A_303, %dma_start3A_304] : memref<10000x128xf32, #tpu.memory_space<hbm>> -> memref<10000x128xf32, #tpu.memory_space<hbm>>
        tpu.enqueue_indirect_dma source(%dma_start3A_305 : memref<10000x128xf32, #tpu.memory_space<hbm>>) target(%arg19 : memref<128x128xf32, #tpu.memory_space<vmem>>) offsets(%arg10 : memref<128xi32, #tpu.memory_space<vmem>>) semaphore(%arg29 : memref<!tpu.dma_semaphore, #tpu.memory_space<semaphore_mem>>)
      } else {
      }
      %mul3A_232 = arith.constant 6 : i32
      %mul3A_233 = arith.muli %mul3A_232, %scan3A_120 : i32
      %add3A_234 = arith.constant 4 : i32
      %add3A_235 = arith.addi %mul3A_233, %add3A_234 : i32
      %ge3A_236 = arith.constant 1 : i32
      %ge3A_237 = arith.cmpi sge, %add3A_235, %ge3A_236 : i32
      %sub3A_238 = arith.constant 1 : i32
      %sub3A_239 = arith.subi %add3A_235, %sub3A_238 : i32
      %lt3A_240 = arith.cmpi slt, %sub3A_239, %sub3A_60 : i32
      %and3A_241 = arith.andi %ge3A_237, %lt3A_240 : i1
      %convert_element_type3A_242 = arith.extui %and3A_241 : i1 to i32
      %cond3A_243 = arith.constant 0 : i32
      %cond3A_244 = arith.cmpi ne, %convert_element_type3A_242, %cond3A_243 : i32
      scf.if %cond3A_244 {
        %dma_wait3A_289 = arith.constant 0 : i32
        %dma_wait3A_290 = arith.constant 0 : i32
        %dma_wait3A_291 = tpu.memref_slice %arg2[%dma_wait3A_289, %dma_wait3A_290] : memref<10000x128xf32, #tpu.memory_space<hbm>> -> memref<128x128xf32, #tpu.memory_space<hbm>>
        %dma_wait3A_292 = arith.constant 0 : i32
        %dma_wait3A_293 = arith.constant 0 : i32
        %dma_wait3A_294 = tpu.memref_slice %arg2[%dma_wait3A_292, %dma_wait3A_293] : memref<10000x128xf32, #tpu.memory_space<hbm>> -> memref<128x128xf32, #tpu.memory_space<hbm>>
        tpu.wait_dma2 semaphore(%arg28 : memref<!tpu.dma_semaphore, #tpu.memory_space<semaphore_mem>>) src(%dma_wait3A_294 : memref<128x128xf32, #tpu.memory_space<hbm>>) dst(%arg18 : memref<128x128xf32, #tpu.memory_space<vmem>>)
        %dma_start3A_295 = arith.constant 0 : i32
        %dma_start3A_296 = arith.constant 0 : i32
        %dma_start3A_297 = tpu.memref_slice %arg21[%dma_start3A_295, %dma_start3A_296] : memref<10000x128xf32, #tpu.memory_space<vmem_shared>> -> memref<10000x128xf32, #tpu.memory_space<vmem_shared>>
        tpu.enqueue_indirect_dma source(%arg18 : memref<128x128xf32, #tpu.memory_space<vmem>>) target(%dma_start3A_297 : memref<10000x128xf32, #tpu.memory_space<vmem_shared>>) offsets(%arg15 : memref<128xi32, #tpu.memory_space<vmem>>) semaphore(%arg31 : memref<!tpu.dma_semaphore, #tpu.memory_space<semaphore_mem>>) {add = true}
        %add3A_298 = arith.constant 5 : i32
        %add3A_299 = arith.addi %add3A_235, %add3A_298 : i32
        %lt3A_300 = arith.cmpi slt, %add3A_299, %sub3A_60 : i32
        %convert_element_type3A_301 = arith.extui %lt3A_300 : i1 to i32
        %cond3A_302 = arith.constant 0 : i32
        %cond3A_303 = arith.cmpi ne, %convert_element_type3A_301, %cond3A_302 : i32
        scf.if %cond3A_303 {
          %add3A_304 = arith.constant 5 : i32
          %add3A_305 = arith.addi %add3A_235, %add3A_304 : i32
          %add3A_306 = arith.addi %select_n3A, %add3A_305 : i32
          %mul3A_307 = arith.constant 128 : i32
          %mul3A_308 = arith.muli %add3A_306, %mul3A_307 : i32
          %dma_start3A_309 = arith.constant 0 : i32
          %dma_start3A_310 = tpu.memref_slice %arg3[%dma_start3A_309, %mul3A_308] : memref<2x320000xi32, #tpu.memory_space<hbm>> -> memref<1x128xi32, #tpu.memory_space<hbm>>
          %dma_start3A_311 = tpu.memref_squeeze %dma_start3A_310 : memref<1x128xi32, #tpu.memory_space<hbm>> -> memref<128xi32, #tpu.memory_space<hbm>>
          %dma_start3A_312 = tpu.memref_slice %arg3[%dma_start3A_309, %mul3A_308] : memref<2x320000xi32, #tpu.memory_space<hbm>> -> memref<1x128xi32, #tpu.memory_space<hbm>>
          %dma_start3A_313 = tpu.memref_squeeze %dma_start3A_312 : memref<1x128xi32, #tpu.memory_space<hbm>> -> memref<128xi32, #tpu.memory_space<hbm>>
          tpu.enqueue_dma source(%dma_start3A_313 : memref<128xi32, #tpu.memory_space<hbm>>) target(%arg9 : memref<128xi32, #tpu.memory_space<vmem>>) target_semaphore(%arg25 : memref<!tpu.dma_semaphore, #tpu.memory_space<semaphore_mem>>)
          %dma_start3A_314 = arith.constant 1 : i32
          %dma_start3A_315 = tpu.memref_slice %arg3[%dma_start3A_314, %mul3A_308] : memref<2x320000xi32, #tpu.memory_space<hbm>> -> memref<1x128xi32, #tpu.memory_space<hbm>>
          %dma_start3A_316 = tpu.memref_squeeze %dma_start3A_315 : memref<1x128xi32, #tpu.memory_space<hbm>> -> memref<128xi32, #tpu.memory_space<hbm>>
          %dma_start3A_317 = tpu.memref_slice %arg3[%dma_start3A_314, %mul3A_308] : memref<2x320000xi32, #tpu.memory_space<hbm>> -> memref<1x128xi32, #tpu.memory_space<hbm>>
          %dma_start3A_318 = tpu.memref_squeeze %dma_start3A_317 : memref<1x128xi32, #tpu.memory_space<hbm>> -> memref<128xi32, #tpu.memory_space<hbm>>
          tpu.enqueue_dma source(%dma_start3A_318 : memref<128xi32, #tpu.memory_space<hbm>>) target(%arg15 : memref<128xi32, #tpu.memory_space<vmem>>) target_semaphore(%arg25 : memref<!tpu.dma_semaphore, #tpu.memory_space<semaphore_mem>>)
        } else {
        }
      } else {
      }
      %ge3A_245 = arith.constant 2 : i32
      %ge3A_246 = arith.cmpi sge, %add3A_235, %ge3A_245 : i32
      %sub3A_247 = arith.constant 2 : i32
      %sub3A_248 = arith.subi %add3A_235, %sub3A_247 : i32
      %lt3A_249 = arith.cmpi slt, %sub3A_248, %sub3A_60 : i32
      %and3A_250 = arith.andi %ge3A_246, %lt3A_249 : i1
      %convert_element_type3A_251 = arith.extui %and3A_250 : i1 to i32
      %cond3A_252 = arith.constant 0 : i32
      %cond3A_253 = arith.cmpi ne, %convert_element_type3A_251, %cond3A_252 : i32
      scf.if %cond3A_253 {
        %dma_wait3A_289 = arith.constant 0 : i32
        %dma_wait3A_290 = arith.constant 0 : i32
        %dma_wait3A_291 = tpu.memref_slice %arg21[%dma_wait3A_289, %dma_wait3A_290] : memref<10000x128xf32, #tpu.memory_space<vmem_shared>> -> memref<128x128xf32, #tpu.memory_space<vmem_shared>>
        %dma_wait3A_292 = arith.constant 0 : i32
        %dma_wait3A_293 = arith.constant 0 : i32
        %dma_wait3A_294 = tpu.memref_slice %arg21[%dma_wait3A_292, %dma_wait3A_293] : memref<10000x128xf32, #tpu.memory_space<vmem_shared>> -> memref<128x128xf32, #tpu.memory_space<vmem_shared>>
        tpu.wait_dma2 semaphore(%arg33 : memref<!tpu.dma_semaphore, #tpu.memory_space<semaphore_mem>>) src(%arg20 : memref<128x128xf32, #tpu.memory_space<vmem>>) dst(%dma_wait3A_294 : memref<128x128xf32, #tpu.memory_space<vmem_shared>>)
      } else {
      }
      %add3A_254 = arith.constant 1 : i32
      %add3A_255 = arith.addi %add3A_235, %add3A_254 : i32
      %lt3A_256 = arith.cmpi slt, %add3A_255, %sub3A_60 : i32
      %convert_element_type3A_257 = arith.extui %lt3A_256 : i1 to i32
      %cond3A_258 = arith.constant 0 : i32
      %cond3A_259 = arith.cmpi ne, %convert_element_type3A_257, %cond3A_258 : i32
      scf.if %cond3A_259 {
        %dma_wait3A_289 = arith.constant 0 : i32
        %dma_wait3A_290 = arith.constant 0 : i32
        %dma_wait3A_291 = tpu.memref_slice %arg3[%dma_wait3A_289, %dma_wait3A_290] : memref<2x320000xi32, #tpu.memory_space<hbm>> -> memref<1x128xi32, #tpu.memory_space<hbm>>
        %dma_wait3A_292 = tpu.memref_squeeze %dma_wait3A_291 : memref<1x128xi32, #tpu.memory_space<hbm>> -> memref<128xi32, #tpu.memory_space<hbm>>
        %dma_wait3A_293 = arith.constant 0 : i32
        %dma_wait3A_294 = tpu.memref_slice %arg3[%dma_wait3A_289, %dma_wait3A_293] : memref<2x320000xi32, #tpu.memory_space<hbm>> -> memref<1x128xi32, #tpu.memory_space<hbm>>
        %dma_wait3A_295 = tpu.memref_squeeze %dma_wait3A_294 : memref<1x128xi32, #tpu.memory_space<hbm>> -> memref<128xi32, #tpu.memory_space<hbm>>
        tpu.wait_dma2 semaphore(%arg27 : memref<!tpu.dma_semaphore, #tpu.memory_space<semaphore_mem>>) src(%dma_wait3A_295 : memref<128xi32, #tpu.memory_space<hbm>>) dst(%arg11 : memref<128xi32, #tpu.memory_space<vmem>>)
        %dma_wait3A_296 = arith.constant 0 : i32
        %dma_wait3A_297 = arith.constant 0 : i32
        %dma_wait3A_298 = tpu.memref_slice %arg3[%dma_wait3A_296, %dma_wait3A_297] : memref<2x320000xi32, #tpu.memory_space<hbm>> -> memref<1x128xi32, #tpu.memory_space<hbm>>
        %dma_wait3A_299 = tpu.memref_squeeze %dma_wait3A_298 : memref<1x128xi32, #tpu.memory_space<hbm>> -> memref<128xi32, #tpu.memory_space<hbm>>
        %dma_wait3A_300 = arith.constant 0 : i32
        %dma_wait3A_301 = tpu.memref_slice %arg3[%dma_wait3A_296, %dma_wait3A_300] : memref<2x320000xi32, #tpu.memory_space<hbm>> -> memref<1x128xi32, #tpu.memory_space<hbm>>
        %dma_wait3A_302 = tpu.memref_squeeze %dma_wait3A_301 : memref<1x128xi32, #tpu.memory_space<hbm>> -> memref<128xi32, #tpu.memory_space<hbm>>
        tpu.wait_dma2 semaphore(%arg27 : memref<!tpu.dma_semaphore, #tpu.memory_space<semaphore_mem>>) src(%dma_wait3A_302 : memref<128xi32, #tpu.memory_space<hbm>>) dst(%arg17 : memref<128xi32, #tpu.memory_space<vmem>>)
        %dma_start3A_303 = arith.constant 0 : i32
        %dma_start3A_304 = arith.constant 0 : i32
        %dma_start3A_305 = tpu.memref_slice %arg2[%dma_start3A_303, %dma_start3A_304] : memref<10000x128xf32, #tpu.memory_space<hbm>> -> memref<10000x128xf32, #tpu.memory_space<hbm>>
        tpu.enqueue_indirect_dma source(%dma_start3A_305 : memref<10000x128xf32, #tpu.memory_space<hbm>>) target(%arg20 : memref<128x128xf32, #tpu.memory_space<vmem>>) offsets(%arg11 : memref<128xi32, #tpu.memory_space<vmem>>) semaphore(%arg30 : memref<!tpu.dma_semaphore, #tpu.memory_space<semaphore_mem>>)
      } else {
      }
      %mul3A_260 = arith.constant 6 : i32
      %mul3A_261 = arith.muli %mul3A_260, %scan3A_120 : i32
      %add3A_262 = arith.constant 5 : i32
      %add3A_263 = arith.addi %mul3A_261, %add3A_262 : i32
      %ge3A_264 = arith.constant 1 : i32
      %ge3A_265 = arith.cmpi sge, %add3A_263, %ge3A_264 : i32
      %sub3A_266 = arith.constant 1 : i32
      %sub3A_267 = arith.subi %add3A_263, %sub3A_266 : i32
      %lt3A_268 = arith.cmpi slt, %sub3A_267, %sub3A_60 : i32
      %and3A_269 = arith.andi %ge3A_265, %lt3A_268 : i1
      %convert_element_type3A_270 = arith.extui %and3A_269 : i1 to i32
      %cond3A_271 = arith.constant 0 : i32
      %cond3A_272 = arith.cmpi ne, %convert_element_type3A_270, %cond3A_271 : i32
      scf.if %cond3A_272 {
        %dma_wait3A_289 = arith.constant 0 : i32
        %dma_wait3A_290 = arith.constant 0 : i32
        %dma_wait3A_291 = tpu.memref_slice %arg2[%dma_wait3A_289, %dma_wait3A_290] : memref<10000x128xf32, #tpu.memory_space<hbm>> -> memref<128x128xf32, #tpu.memory_space<hbm>>
        %dma_wait3A_292 = arith.constant 0 : i32
        %dma_wait3A_293 = arith.constant 0 : i32
        %dma_wait3A_294 = tpu.memref_slice %arg2[%dma_wait3A_292, %dma_wait3A_293] : memref<10000x128xf32, #tpu.memory_space<hbm>> -> memref<128x128xf32, #tpu.memory_space<hbm>>
        tpu.wait_dma2 semaphore(%arg29 : memref<!tpu.dma_semaphore, #tpu.memory_space<semaphore_mem>>) src(%dma_wait3A_294 : memref<128x128xf32, #tpu.memory_space<hbm>>) dst(%arg19 : memref<128x128xf32, #tpu.memory_space<vmem>>)
        %dma_start3A_295 = arith.constant 0 : i32
        %dma_start3A_296 = arith.constant 0 : i32
        %dma_start3A_297 = tpu.memref_slice %arg21[%dma_start3A_295, %dma_start3A_296] : memref<10000x128xf32, #tpu.memory_space<vmem_shared>> -> memref<10000x128xf32, #tpu.memory_space<vmem_shared>>
        tpu.enqueue_indirect_dma source(%arg19 : memref<128x128xf32, #tpu.memory_space<vmem>>) target(%dma_start3A_297 : memref<10000x128xf32, #tpu.memory_space<vmem_shared>>) offsets(%arg16 : memref<128xi32, #tpu.memory_space<vmem>>) semaphore(%arg32 : memref<!tpu.dma_semaphore, #tpu.memory_space<semaphore_mem>>) {add = true}
        %add3A_298 = arith.constant 5 : i32
        %add3A_299 = arith.addi %add3A_263, %add3A_298 : i32
        %lt3A_300 = arith.cmpi slt, %add3A_299, %sub3A_60 : i32
        %convert_element_type3A_301 = arith.extui %lt3A_300 : i1 to i32
        %cond3A_302 = arith.constant 0 : i32
        %cond3A_303 = arith.cmpi ne, %convert_element_type3A_301, %cond3A_302 : i32
        scf.if %cond3A_303 {
          %add3A_304 = arith.constant 5 : i32
          %add3A_305 = arith.addi %add3A_263, %add3A_304 : i32
          %add3A_306 = arith.addi %select_n3A, %add3A_305 : i32
          %mul3A_307 = arith.constant 128 : i32
          %mul3A_308 = arith.muli %add3A_306, %mul3A_307 : i32
          %dma_start3A_309 = arith.constant 0 : i32
          %dma_start3A_310 = tpu.memref_slice %arg3[%dma_start3A_309, %mul3A_308] : memref<2x320000xi32, #tpu.memory_space<hbm>> -> memref<1x128xi32, #tpu.memory_space<hbm>>
          %dma_start3A_311 = tpu.memref_squeeze %dma_start3A_310 : memref<1x128xi32, #tpu.memory_space<hbm>> -> memref<128xi32, #tpu.memory_space<hbm>>
          %dma_start3A_312 = tpu.memref_slice %arg3[%dma_start3A_309, %mul3A_308] : memref<2x320000xi32, #tpu.memory_space<hbm>> -> memref<1x128xi32, #tpu.memory_space<hbm>>
          %dma_start3A_313 = tpu.memref_squeeze %dma_start3A_312 : memref<1x128xi32, #tpu.memory_space<hbm>> -> memref<128xi32, #tpu.memory_space<hbm>>
          tpu.enqueue_dma source(%dma_start3A_313 : memref<128xi32, #tpu.memory_space<hbm>>) target(%arg10 : memref<128xi32, #tpu.memory_space<vmem>>) target_semaphore(%arg26 : memref<!tpu.dma_semaphore, #tpu.memory_space<semaphore_mem>>)
          %dma_start3A_314 = arith.constant 1 : i32
          %dma_start3A_315 = tpu.memref_slice %arg3[%dma_start3A_314, %mul3A_308] : memref<2x320000xi32, #tpu.memory_space<hbm>> -> memref<1x128xi32, #tpu.memory_space<hbm>>
          %dma_start3A_316 = tpu.memref_squeeze %dma_start3A_315 : memref<1x128xi32, #tpu.memory_space<hbm>> -> memref<128xi32, #tpu.memory_space<hbm>>
          %dma_start3A_317 = tpu.memref_slice %arg3[%dma_start3A_314, %mul3A_308] : memref<2x320000xi32, #tpu.memory_space<hbm>> -> memref<1x128xi32, #tpu.memory_space<hbm>>
          %dma_start3A_318 = tpu.memref_squeeze %dma_start3A_317 : memref<1x128xi32, #tpu.memory_space<hbm>> -> memref<128xi32, #tpu.memory_space<hbm>>
          tpu.enqueue_dma source(%dma_start3A_318 : memref<128xi32, #tpu.memory_space<hbm>>) target(%arg16 : memref<128xi32, #tpu.memory_space<vmem>>) target_semaphore(%arg26 : memref<!tpu.dma_semaphore, #tpu.memory_space<semaphore_mem>>)
        } else {
        }
      } else {
      }
      %ge3A_273 = arith.constant 2 : i32
      %ge3A_274 = arith.cmpi sge, %add3A_263, %ge3A_273 : i32
      %sub3A_275 = arith.constant 2 : i32
      %sub3A_276 = arith.subi %add3A_263, %sub3A_275 : i32
      %lt3A_277 = arith.cmpi slt, %sub3A_276, %sub3A_60 : i32
      %and3A_278 = arith.andi %ge3A_274, %lt3A_277 : i1
      %convert_element_type3A_279 = arith.extui %and3A_278 : i1 to i32
      %cond3A_280 = arith.constant 0 : i32
      %cond3A_281 = arith.cmpi ne, %convert_element_type3A_279, %cond3A_280 : i32
      scf.if %cond3A_281 {
        %dma_wait3A_289 = arith.constant 0 : i32
        %dma_wait3A_290 = arith.constant 0 : i32
        %dma_wait3A_291 = tpu.memref_slice %arg21[%dma_wait3A_289, %dma_wait3A_290] : memref<10000x128xf32, #tpu.memory_space<vmem_shared>> -> memref<128x128xf32, #tpu.memory_space<vmem_shared>>
        %dma_wait3A_292 = arith.constant 0 : i32
        %dma_wait3A_293 = arith.constant 0 : i32
        %dma_wait3A_294 = tpu.memref_slice %arg21[%dma_wait3A_292, %dma_wait3A_293] : memref<10000x128xf32, #tpu.memory_space<vmem_shared>> -> memref<128x128xf32, #tpu.memory_space<vmem_shared>>
        tpu.wait_dma2 semaphore(%arg31 : memref<!tpu.dma_semaphore, #tpu.memory_space<semaphore_mem>>) src(%arg18 : memref<128x128xf32, #tpu.memory_space<vmem>>) dst(%dma_wait3A_294 : memref<128x128xf32, #tpu.memory_space<vmem_shared>>)
      } else {
      }
      %add3A_282 = arith.constant 1 : i32
      %add3A_283 = arith.addi %add3A_263, %add3A_282 : i32
      %lt3A_284 = arith.cmpi slt, %add3A_283, %sub3A_60 : i32
      %convert_element_type3A_285 = arith.extui %lt3A_284 : i1 to i32
      %cond3A_286 = arith.constant 0 : i32
      %cond3A_287 = arith.cmpi ne, %convert_element_type3A_285, %cond3A_286 : i32
      scf.if %cond3A_287 {
        %dma_wait3A_289 = arith.constant 0 : i32
        %dma_wait3A_290 = arith.constant 0 : i32
        %dma_wait3A_291 = tpu.memref_slice %arg3[%dma_wait3A_289, %dma_wait3A_290] : memref<2x320000xi32, #tpu.memory_space<hbm>> -> memref<1x128xi32, #tpu.memory_space<hbm>>
        %dma_wait3A_292 = tpu.memref_squeeze %dma_wait3A_291 : memref<1x128xi32, #tpu.memory_space<hbm>> -> memref<128xi32, #tpu.memory_space<hbm>>
        %dma_wait3A_293 = arith.constant 0 : i32
        %dma_wait3A_294 = tpu.memref_slice %arg3[%dma_wait3A_289, %dma_wait3A_293] : memref<2x320000xi32, #tpu.memory_space<hbm>> -> memref<1x128xi32, #tpu.memory_space<hbm>>
        %dma_wait3A_295 = tpu.memref_squeeze %dma_wait3A_294 : memref<1x128xi32, #tpu.memory_space<hbm>> -> memref<128xi32, #tpu.memory_space<hbm>>
        tpu.wait_dma2 semaphore(%arg22 : memref<!tpu.dma_semaphore, #tpu.memory_space<semaphore_mem>>) src(%dma_wait3A_295 : memref<128xi32, #tpu.memory_space<hbm>>) dst(%arg6 : memref<128xi32, #tpu.memory_space<vmem>>)
        %dma_wait3A_296 = arith.constant 0 : i32
        %dma_wait3A_297 = arith.constant 0 : i32
        %dma_wait3A_298 = tpu.memref_slice %arg3[%dma_wait3A_296, %dma_wait3A_297] : memref<2x320000xi32, #tpu.memory_space<hbm>> -> memref<1x128xi32, #tpu.memory_space<hbm>>
        %dma_wait3A_299 = tpu.memref_squeeze %dma_wait3A_298 : memref<1x128xi32, #tpu.memory_space<hbm>> -> memref<128xi32, #tpu.memory_space<hbm>>
        %dma_wait3A_300 = arith.constant 0 : i32
        %dma_wait3A_301 = tpu.memref_slice %arg3[%dma_wait3A_296, %dma_wait3A_300] : memref<2x320000xi32, #tpu.memory_space<hbm>> -> memref<1x128xi32, #tpu.memory_space<hbm>>
        %dma_wait3A_302 = tpu.memref_squeeze %dma_wait3A_301 : memref<1x128xi32, #tpu.memory_space<hbm>> -> memref<128xi32, #tpu.memory_space<hbm>>
        tpu.wait_dma2 semaphore(%arg22 : memref<!tpu.dma_semaphore, #tpu.memory_space<semaphore_mem>>) src(%dma_wait3A_302 : memref<128xi32, #tpu.memory_space<hbm>>) dst(%arg12 : memref<128xi32, #tpu.memory_space<vmem>>)
        %dma_start3A_303 = arith.constant 0 : i32
        %dma_start3A_304 = arith.constant 0 : i32
        %dma_start3A_305 = tpu.memref_slice %arg2[%dma_start3A_303, %dma_start3A_304] : memref<10000x128xf32, #tpu.memory_space<hbm>> -> memref<10000x128xf32, #tpu.memory_space<hbm>>
        tpu.enqueue_indirect_dma source(%dma_start3A_305 : memref<10000x128xf32, #tpu.memory_space<hbm>>) target(%arg18 : memref<128x128xf32, #tpu.memory_space<vmem>>) offsets(%arg6 : memref<128xi32, #tpu.memory_space<vmem>>) semaphore(%arg28 : memref<!tpu.dma_semaphore, #tpu.memory_space<semaphore_mem>>)
      } else {
      }
      %scan3A_288 = arith.constant 0 : i32
      scf.yield %scan3A_288 : i32
    }
    %scan3A_109 = arith.constant 14 : i32
    %barrier3A_110 = arith.constant 0 : index
    tpu.barrier barrier_id(%barrier3A_110)
    %eq3A = arith.constant 0 : i32
    %eq3A_111 = arith.cmpi eq, %arg0, %eq3A : i32
    %convert_element_type3A_112 = arith.extui %eq3A_111 : i1 to i32
    %cond3A_113 = arith.constant 0 : i32
    %cond3A_114 = arith.cmpi ne, %convert_element_type3A_112, %cond3A_113 : i32
    scf.if %cond3A_114 {
      %scan3A_120 = arith.constant 0 : i32
      %scan3A_121 = arith.constant 0 : i32
      %scan3A_122 = arith.constant 5 : i32
      %scan3A_123 = arith.addi %scan3A_121, %scan3A_122 : i32
      %scan3A_124 = arith.constant 1 : i32
      %scan3A_125 = scf.for %scan3A_127 = %scan3A_121 to %scan3A_123 step %scan3A_124 iter_args(%scan3A_128 = %scan3A_120) -> (i32)  : i32 {
        %mul3A_129 = arith.constant 16 : i32
        %mul3A_130 = arith.muli %mul3A_129, %scan3A_127 : i32
        %add3A_131 = arith.addi %arg1, %mul3A_130 : i32
        %mul3A_132 = arith.constant 128 : i32
        %mul3A_133 = arith.muli %add3A_131, %mul3A_132 : i32
        %lt3A = arith.constant 78 : i32
        %lt3A_134 = arith.cmpi slt, %add3A_131, %lt3A : i32
        %convert_element_type3A_135 = arith.extui %lt3A_134 : i1 to i32
        %cond3A_136 = arith.constant 0 : i32
        %cond3A_137 = arith.cmpi ne, %convert_element_type3A_135, %cond3A_136 : i32
        scf.if %cond3A_137 {
          "tpu.region"() ({
            %run_scoped3A = tpu.sem_alloc : memref<!tpu.dma_semaphore, #tpu.memory_space<semaphore_mem>>
            %dma_start3A_144 = arith.constant 0 : i32
            %dma_start3A_145 = tpu.memref_slice %arg21[%mul3A_133, %dma_start3A_144] : memref<10000x128xf32, #tpu.memory_space<vmem_shared>> -> memref<128x128xf32, #tpu.memory_space<vmem_shared>>
            %dma_start3A_146 = arith.constant 0 : i32
            %dma_start3A_147 = tpu.memref_slice %arg21[%mul3A_133, %dma_start3A_146] : memref<10000x128xf32, #tpu.memory_space<vmem_shared>> -> memref<128x128xf32, #tpu.memory_space<vmem_shared>>
            tpu.enqueue_dma source(%dma_start3A_147 : memref<128x128xf32, #tpu.memory_space<vmem_shared>>) target(%arg18 : memref<128x128xf32, #tpu.memory_space<vmem>>) target_semaphore(%run_scoped3A : memref<!tpu.dma_semaphore, #tpu.memory_space<semaphore_mem>>)
            %dma_wait3A_148 = arith.constant 0 : i32
            %dma_wait3A_149 = tpu.memref_slice %arg21[%mul3A_133, %dma_wait3A_148] : memref<10000x128xf32, #tpu.memory_space<vmem_shared>> -> memref<128x128xf32, #tpu.memory_space<vmem_shared>>
            %dma_wait3A_150 = arith.constant 0 : i32
            %dma_wait3A_151 = tpu.memref_slice %arg21[%mul3A_133, %dma_wait3A_150] : memref<10000x128xf32, #tpu.memory_space<vmem_shared>> -> memref<128x128xf32, #tpu.memory_space<vmem_shared>>
            tpu.wait_dma2 semaphore(%run_scoped3A : memref<!tpu.dma_semaphore, #tpu.memory_space<semaphore_mem>>) src(%dma_wait3A_151 : memref<128x128xf32, #tpu.memory_space<vmem_shared>>) dst(%arg18 : memref<128x128xf32, #tpu.memory_space<vmem>>)
            tpu.yield
          }) : () -> ()
          "tpu.region"() ({
            %run_scoped3A = tpu.sem_alloc : memref<!tpu.dma_semaphore, #tpu.memory_space<semaphore_mem>>
            %dma_start3A_144 = arith.constant 0 : i32
            %dma_start3A_145 = tpu.memref_slice %arg4[%mul3A_133, %dma_start3A_144] : memref<10000x128xf32, #tpu.memory_space<hbm>> -> memref<128x128xf32, #tpu.memory_space<hbm>>
            %dma_start3A_146 = arith.constant 0 : i32
            %dma_start3A_147 = tpu.memref_slice %arg4[%mul3A_133, %dma_start3A_146] : memref<10000x128xf32, #tpu.memory_space<hbm>> -> memref<128x128xf32, #tpu.memory_space<hbm>>
            tpu.enqueue_dma source(%arg18 : memref<128x128xf32, #tpu.memory_space<vmem>>) target(%dma_start3A_147 : memref<128x128xf32, #tpu.memory_space<hbm>>) target_semaphore(%run_scoped3A : memref<!tpu.dma_semaphore, #tpu.memory_space<semaphore_mem>>)
            %dma_wait3A_148 = arith.constant 0 : i32
            %dma_wait3A_149 = tpu.memref_slice %arg4[%mul3A_133, %dma_wait3A_148] : memref<10000x128xf32, #tpu.memory_space<hbm>> -> memref<128x128xf32, #tpu.memory_space<hbm>>
            %dma_wait3A_150 = arith.constant 0 : i32
            %dma_wait3A_151 = tpu.memref_slice %arg4[%mul3A_133, %dma_wait3A_150] : memref<10000x128xf32, #tpu.memory_space<hbm>> -> memref<128x128xf32, #tpu.memory_space<hbm>>
            tpu.wait_dma2 semaphore(%run_scoped3A : memref<!tpu.dma_semaphore, #tpu.memory_space<semaphore_mem>>) src(%arg18 : memref<128x128xf32, #tpu.memory_space<vmem>>) dst(%dma_wait3A_151 : memref<128x128xf32, #tpu.memory_space<hbm>>)
            tpu.yield
          }) : () -> ()
        } else {
        }
        %eq3A_138 = arith.constant 78 : i32
        %eq3A_139 = arith.cmpi eq, %add3A_131, %eq3A_138 : i32
        %convert_element_type3A_140 = arith.extui %eq3A_139 : i1 to i32
        %cond3A_141 = arith.constant 0 : i32
        %cond3A_142 = arith.cmpi ne, %convert_element_type3A_140, %cond3A_141 : i32
        scf.if %cond3A_142 {
          "tpu.region"() ({
            %run_scoped3A = tpu.sem_alloc : memref<!tpu.dma_semaphore, #tpu.memory_space<semaphore_mem>>
            %dma_start3A_144 = arith.constant 0 : i32
            %dma_start3A_145 = arith.constant 0 : i32
            %dma_start3A_146 = tpu.memref_slice %arg19[%dma_start3A_144, %dma_start3A_145] : memref<128x128xf32, #tpu.memory_space<vmem>> -> memref<16x128xf32, #tpu.memory_space<vmem>>
            %dma_start3A_147 = arith.constant 0 : i32
            %dma_start3A_148 = tpu.memref_slice %arg21[%mul3A_133, %dma_start3A_147] : memref<10000x128xf32, #tpu.memory_space<vmem_shared>> -> memref<16x128xf32, #tpu.memory_space<vmem_shared>>
            %dma_start3A_149 = arith.constant 0 : i32
            %dma_start3A_150 = arith.constant 0 : i32
            %dma_start3A_151 = tpu.memref_slice %arg19[%dma_start3A_149, %dma_start3A_150] : memref<128x128xf32, #tpu.memory_space<vmem>> -> memref<16x128xf32, #tpu.memory_space<vmem>>
            %dma_start3A_152 = arith.constant 0 : i32
            %dma_start3A_153 = tpu.memref_slice %arg21[%mul3A_133, %dma_start3A_152] : memref<10000x128xf32, #tpu.memory_space<vmem_shared>> -> memref<16x128xf32, #tpu.memory_space<vmem_shared>>
            tpu.enqueue_dma source(%dma_start3A_153 : memref<16x128xf32, #tpu.memory_space<vmem_shared>>) target(%dma_start3A_151 : memref<16x128xf32, #tpu.memory_space<vmem>>) target_semaphore(%run_scoped3A : memref<!tpu.dma_semaphore, #tpu.memory_space<semaphore_mem>>)
            %dma_wait3A_154 = arith.constant 0 : i32
            %dma_wait3A_155 = arith.constant 0 : i32
            %dma_wait3A_156 = tpu.memref_slice %arg19[%dma_wait3A_154, %dma_wait3A_155] : memref<128x128xf32, #tpu.memory_space<vmem>> -> memref<16x128xf32, #tpu.memory_space<vmem>>
            %dma_wait3A_157 = arith.constant 0 : i32
            %dma_wait3A_158 = tpu.memref_slice %arg21[%mul3A_133, %dma_wait3A_157] : memref<10000x128xf32, #tpu.memory_space<vmem_shared>> -> memref<16x128xf32, #tpu.memory_space<vmem_shared>>
            %dma_wait3A_159 = arith.constant 0 : i32
            %dma_wait3A_160 = arith.constant 0 : i32
            %dma_wait3A_161 = tpu.memref_slice %arg19[%dma_wait3A_159, %dma_wait3A_160] : memref<128x128xf32, #tpu.memory_space<vmem>> -> memref<16x128xf32, #tpu.memory_space<vmem>>
            %dma_wait3A_162 = arith.constant 0 : i32
            %dma_wait3A_163 = tpu.memref_slice %arg21[%mul3A_133, %dma_wait3A_162] : memref<10000x128xf32, #tpu.memory_space<vmem_shared>> -> memref<16x128xf32, #tpu.memory_space<vmem_shared>>
            tpu.wait_dma2 semaphore(%run_scoped3A : memref<!tpu.dma_semaphore, #tpu.memory_space<semaphore_mem>>) src(%dma_wait3A_163 : memref<16x128xf32, #tpu.memory_space<vmem_shared>>) dst(%dma_wait3A_161 : memref<16x128xf32, #tpu.memory_space<vmem>>)
            tpu.yield
          }) : () -> ()
          "tpu.region"() ({
            %run_scoped3A = tpu.sem_alloc : memref<!tpu.dma_semaphore, #tpu.memory_space<semaphore_mem>>
            %dma_start3A_144 = arith.constant 0 : i32
            %dma_start3A_145 = arith.constant 0 : i32
            %dma_start3A_146 = tpu.memref_slice %arg19[%dma_start3A_144, %dma_start3A_145] : memref<128x128xf32, #tpu.memory_space<vmem>> -> memref<16x128xf32, #tpu.memory_space<vmem>>
            %dma_start3A_147 = arith.constant 0 : i32
            %dma_start3A_148 = tpu.memref_slice %arg4[%mul3A_133, %dma_start3A_147] : memref<10000x128xf32, #tpu.memory_space<hbm>> -> memref<16x128xf32, #tpu.memory_space<hbm>>
            %dma_start3A_149 = arith.constant 0 : i32
            %dma_start3A_150 = tpu.memref_slice %arg4[%mul3A_133, %dma_start3A_149] : memref<10000x128xf32, #tpu.memory_space<hbm>> -> memref<16x128xf32, #tpu.memory_space<hbm>>
            %dma_start3A_151 = arith.constant 0 : i32
            %dma_start3A_152 = arith.constant 0 : i32
            %dma_start3A_153 = tpu.memref_slice %arg19[%dma_start3A_151, %dma_start3A_152] : memref<128x128xf32, #tpu.memory_space<vmem>> -> memref<16x128xf32, #tpu.memory_space<vmem>>
            tpu.enqueue_dma source(%dma_start3A_153 : memref<16x128xf32, #tpu.memory_space<vmem>>) target(%dma_start3A_150 : memref<16x128xf32, #tpu.memory_space<hbm>>) target_semaphore(%run_scoped3A : memref<!tpu.dma_semaphore, #tpu.memory_space<semaphore_mem>>)
            %dma_wait3A_154 = arith.constant 0 : i32
            %dma_wait3A_155 = arith.constant 0 : i32
            %dma_wait3A_156 = tpu.memref_slice %arg19[%dma_wait3A_154, %dma_wait3A_155] : memref<128x128xf32, #tpu.memory_space<vmem>> -> memref<16x128xf32, #tpu.memory_space<vmem>>
            %dma_wait3A_157 = arith.constant 0 : i32
            %dma_wait3A_158 = tpu.memref_slice %arg4[%mul3A_133, %dma_wait3A_157] : memref<10000x128xf32, #tpu.memory_space<hbm>> -> memref<16x128xf32, #tpu.memory_space<hbm>>
            %dma_wait3A_159 = arith.constant 0 : i32
            %dma_wait3A_160 = tpu.memref_slice %arg4[%mul3A_133, %dma_wait3A_159] : memref<10000x128xf32, #tpu.memory_space<hbm>> -> memref<16x128xf32, #tpu.memory_space<hbm>>
            %dma_wait3A_161 = arith.constant 0 : i32
            %dma_wait3A_162 = arith.constant 0 : i32
            %dma_wait3A_163 = tpu.memref_slice %arg19[%dma_wait3A_161, %dma_wait3A_162] : memref<128x128xf32, #tpu.memory_space<vmem>> -> memref<16x128xf32, #tpu.memory_space<vmem>>
            tpu.wait_dma2 semaphore(%run_scoped3A : memref<!tpu.dma_semaphore, #tpu.memory_space<semaphore_mem>>) src(%dma_wait3A_163 : memref<16x128xf32, #tpu.memory_space<vmem>>) dst(%dma_wait3A_160 : memref<16x128xf32, #tpu.memory_space<hbm>>)
            tpu.yield
          }) : () -> ()
        } else {
        }
        %scan3A_143 = arith.constant 0 : i32
        scf.yield %scan3A_143 : i32
      }
      %scan3A_126 = arith.constant 5 : i32
    } else {
    }
    %eq3A_115 = arith.constant 1 : i32
    %eq3A_116 = arith.cmpi eq, %arg0, %eq3A_115 : i32
    %convert_element_type3A_117 = arith.extui %eq3A_116 : i1 to i32
    %cond3A_118 = arith.constant 0 : i32
    %cond3A_119 = arith.cmpi ne, %convert_element_type3A_117, %cond3A_118 : i32
    scf.if %cond3A_119 {
      %scan3A_120 = arith.constant 0 : i32
      %scan3A_121 = arith.constant 0 : i32
      %scan3A_122 = arith.constant 5 : i32
      %scan3A_123 = arith.addi %scan3A_121, %scan3A_122 : i32
      %scan3A_124 = arith.constant 1 : i32
      %scan3A_125 = scf.for %scan3A_127 = %scan3A_121 to %scan3A_123 step %scan3A_124 iter_args(%scan3A_128 = %scan3A_120) -> (i32)  : i32 {
        %mul3A_129 = arith.constant 16 : i32
        %mul3A_130 = arith.muli %mul3A_129, %scan3A_127 : i32
        %add3A_131 = arith.addi %arg1, %mul3A_130 : i32
        %mul3A_132 = arith.constant 128 : i32
        %mul3A_133 = arith.muli %add3A_131, %mul3A_132 : i32
        %lt3A = arith.constant 78 : i32
        %lt3A_134 = arith.cmpi slt, %add3A_131, %lt3A : i32
        %convert_element_type3A_135 = arith.extui %lt3A_134 : i1 to i32
        %cond3A_136 = arith.constant 0 : i32
        %cond3A_137 = arith.cmpi ne, %convert_element_type3A_135, %cond3A_136 : i32
        scf.if %cond3A_137 {
          "tpu.region"() ({
            %run_scoped3A = tpu.sem_alloc : memref<!tpu.dma_semaphore, #tpu.memory_space<semaphore_mem>>
            %dma_start3A_144 = arith.constant 0 : i32
            %dma_start3A_145 = tpu.memref_slice %arg21[%mul3A_133, %dma_start3A_144] : memref<10000x128xf32, #tpu.memory_space<vmem_shared>> -> memref<128x128xf32, #tpu.memory_space<vmem_shared>>
            %dma_start3A_146 = arith.constant 0 : i32
            %dma_start3A_147 = tpu.memref_slice %arg21[%mul3A_133, %dma_start3A_146] : memref<10000x128xf32, #tpu.memory_space<vmem_shared>> -> memref<128x128xf32, #tpu.memory_space<vmem_shared>>
            tpu.enqueue_dma source(%dma_start3A_147 : memref<128x128xf32, #tpu.memory_space<vmem_shared>>) target(%arg18 : memref<128x128xf32, #tpu.memory_space<vmem>>) target_semaphore(%run_scoped3A : memref<!tpu.dma_semaphore, #tpu.memory_space<semaphore_mem>>)
            %dma_wait3A_148 = arith.constant 0 : i32
            %dma_wait3A_149 = tpu.memref_slice %arg21[%mul3A_133, %dma_wait3A_148] : memref<10000x128xf32, #tpu.memory_space<vmem_shared>> -> memref<128x128xf32, #tpu.memory_space<vmem_shared>>
            %dma_wait3A_150 = arith.constant 0 : i32
            %dma_wait3A_151 = tpu.memref_slice %arg21[%mul3A_133, %dma_wait3A_150] : memref<10000x128xf32, #tpu.memory_space<vmem_shared>> -> memref<128x128xf32, #tpu.memory_space<vmem_shared>>
            tpu.wait_dma2 semaphore(%run_scoped3A : memref<!tpu.dma_semaphore, #tpu.memory_space<semaphore_mem>>) src(%dma_wait3A_151 : memref<128x128xf32, #tpu.memory_space<vmem_shared>>) dst(%arg18 : memref<128x128xf32, #tpu.memory_space<vmem>>)
            tpu.yield
          }) : () -> ()
          "tpu.region"() ({
            %run_scoped3A = tpu.sem_alloc : memref<!tpu.dma_semaphore, #tpu.memory_space<semaphore_mem>>
            %dma_start3A_144 = arith.constant 0 : i32
            %dma_start3A_145 = tpu.memref_slice %arg5[%mul3A_133, %dma_start3A_144] : memref<10000x128xf32, #tpu.memory_space<hbm>> -> memref<128x128xf32, #tpu.memory_space<hbm>>
            %dma_start3A_146 = arith.constant 0 : i32
            %dma_start3A_147 = tpu.memref_slice %arg5[%mul3A_133, %dma_start3A_146] : memref<10000x128xf32, #tpu.memory_space<hbm>> -> memref<128x128xf32, #tpu.memory_space<hbm>>
            tpu.enqueue_dma source(%arg18 : memref<128x128xf32, #tpu.memory_space<vmem>>) target(%dma_start3A_147 : memref<128x128xf32, #tpu.memory_space<hbm>>) target_semaphore(%run_scoped3A : memref<!tpu.dma_semaphore, #tpu.memory_space<semaphore_mem>>)
            %dma_wait3A_148 = arith.constant 0 : i32
            %dma_wait3A_149 = tpu.memref_slice %arg5[%mul3A_133, %dma_wait3A_148] : memref<10000x128xf32, #tpu.memory_space<hbm>> -> memref<128x128xf32, #tpu.memory_space<hbm>>
            %dma_wait3A_150 = arith.constant 0 : i32
            %dma_wait3A_151 = tpu.memref_slice %arg5[%mul3A_133, %dma_wait3A_150] : memref<10000x128xf32, #tpu.memory_space<hbm>> -> memref<128x128xf32, #tpu.memory_space<hbm>>
            tpu.wait_dma2 semaphore(%run_scoped3A : memref<!tpu.dma_semaphore, #tpu.memory_space<semaphore_mem>>) src(%arg18 : memref<128x128xf32, #tpu.memory_space<vmem>>) dst(%dma_wait3A_151 : memref<128x128xf32, #tpu.memory_space<hbm>>)
            tpu.yield
          }) : () -> ()
        } else {
        }
        %eq3A_138 = arith.constant 78 : i32
        %eq3A_139 = arith.cmpi eq, %add3A_131, %eq3A_138 : i32
        %convert_element_type3A_140 = arith.extui %eq3A_139 : i1 to i32
        %cond3A_141 = arith.constant 0 : i32
        %cond3A_142 = arith.cmpi ne, %convert_element_type3A_140, %cond3A_141 : i32
        scf.if %cond3A_142 {
          "tpu.region"() ({
            %run_scoped3A = tpu.sem_alloc : memref<!tpu.dma_semaphore, #tpu.memory_space<semaphore_mem>>
            %dma_start3A_144 = arith.constant 0 : i32
            %dma_start3A_145 = arith.constant 0 : i32
            %dma_start3A_146 = tpu.memref_slice %arg19[%dma_start3A_144, %dma_start3A_145] : memref<128x128xf32, #tpu.memory_space<vmem>> -> memref<16x128xf32, #tpu.memory_space<vmem>>
            %dma_start3A_147 = arith.constant 0 : i32
            %dma_start3A_148 = tpu.memref_slice %arg21[%mul3A_133, %dma_start3A_147] : memref<10000x128xf32, #tpu.memory_space<vmem_shared>> -> memref<16x128xf32, #tpu.memory_space<vmem_shared>>
            %dma_start3A_149 = arith.constant 0 : i32
            %dma_start3A_150 = arith.constant 0 : i32
            %dma_start3A_151 = tpu.memref_slice %arg19[%dma_start3A_149, %dma_start3A_150] : memref<128x128xf32, #tpu.memory_space<vmem>> -> memref<16x128xf32, #tpu.memory_space<vmem>>
            %dma_start3A_152 = arith.constant 0 : i32
            %dma_start3A_153 = tpu.memref_slice %arg21[%mul3A_133, %dma_start3A_152] : memref<10000x128xf32, #tpu.memory_space<vmem_shared>> -> memref<16x128xf32, #tpu.memory_space<vmem_shared>>
            tpu.enqueue_dma source(%dma_start3A_153 : memref<16x128xf32, #tpu.memory_space<vmem_shared>>) target(%dma_start3A_151 : memref<16x128xf32, #tpu.memory_space<vmem>>) target_semaphore(%run_scoped3A : memref<!tpu.dma_semaphore, #tpu.memory_space<semaphore_mem>>)
            %dma_wait3A_154 = arith.constant 0 : i32
            %dma_wait3A_155 = arith.constant 0 : i32
            %dma_wait3A_156 = tpu.memref_slice %arg19[%dma_wait3A_154, %dma_wait3A_155] : memref<128x128xf32, #tpu.memory_space<vmem>> -> memref<16x128xf32, #tpu.memory_space<vmem>>
            %dma_wait3A_157 = arith.constant 0 : i32
            %dma_wait3A_158 = tpu.memref_slice %arg21[%mul3A_133, %dma_wait3A_157] : memref<10000x128xf32, #tpu.memory_space<vmem_shared>> -> memref<16x128xf32, #tpu.memory_space<vmem_shared>>
            %dma_wait3A_159 = arith.constant 0 : i32
            %dma_wait3A_160 = arith.constant 0 : i32
            %dma_wait3A_161 = tpu.memref_slice %arg19[%dma_wait3A_159, %dma_wait3A_160] : memref<128x128xf32, #tpu.memory_space<vmem>> -> memref<16x128xf32, #tpu.memory_space<vmem>>
            %dma_wait3A_162 = arith.constant 0 : i32
            %dma_wait3A_163 = tpu.memref_slice %arg21[%mul3A_133, %dma_wait3A_162] : memref<10000x128xf32, #tpu.memory_space<vmem_shared>> -> memref<16x128xf32, #tpu.memory_space<vmem_shared>>
            tpu.wait_dma2 semaphore(%run_scoped3A : memref<!tpu.dma_semaphore, #tpu.memory_space<semaphore_mem>>) src(%dma_wait3A_163 : memref<16x128xf32, #tpu.memory_space<vmem_shared>>) dst(%dma_wait3A_161 : memref<16x128xf32, #tpu.memory_space<vmem>>)
            tpu.yield
          }) : () -> ()
          "tpu.region"() ({
            %run_scoped3A = tpu.sem_alloc : memref<!tpu.dma_semaphore, #tpu.memory_space<semaphore_mem>>
            %dma_start3A_144 = arith.constant 0 : i32
            %dma_start3A_145 = arith.constant 0 : i32
            %dma_start3A_146 = tpu.memref_slice %arg19[%dma_start3A_144, %dma_start3A_145] : memref<128x128xf32, #tpu.memory_space<vmem>> -> memref<16x128xf32, #tpu.memory_space<vmem>>
            %dma_start3A_147 = arith.constant 0 : i32
            %dma_start3A_148 = tpu.memref_slice %arg5[%mul3A_133, %dma_start3A_147] : memref<10000x128xf32, #tpu.memory_space<hbm>> -> memref<16x128xf32, #tpu.memory_space<hbm>>
            %dma_start3A_149 = arith.constant 0 : i32
            %dma_start3A_150 = tpu.memref_slice %arg5[%mul3A_133, %dma_start3A_149] : memref<10000x128xf32, #tpu.memory_space<hbm>> -> memref<16x128xf32, #tpu.memory_space<hbm>>
            %dma_start3A_151 = arith.constant 0 : i32
            %dma_start3A_152 = arith.constant 0 : i32
            %dma_start3A_153 = tpu.memref_slice %arg19[%dma_start3A_151, %dma_start3A_152] : memref<128x128xf32, #tpu.memory_space<vmem>> -> memref<16x128xf32, #tpu.memory_space<vmem>>
            tpu.enqueue_dma source(%dma_start3A_153 : memref<16x128xf32, #tpu.memory_space<vmem>>) target(%dma_start3A_150 : memref<16x128xf32, #tpu.memory_space<hbm>>) target_semaphore(%run_scoped3A : memref<!tpu.dma_semaphore, #tpu.memory_space<semaphore_mem>>)
            %dma_wait3A_154 = arith.constant 0 : i32
            %dma_wait3A_155 = arith.constant 0 : i32
            %dma_wait3A_156 = tpu.memref_slice %arg19[%dma_wait3A_154, %dma_wait3A_155] : memref<128x128xf32, #tpu.memory_space<vmem>> -> memref<16x128xf32, #tpu.memory_space<vmem>>
            %dma_wait3A_157 = arith.constant 0 : i32
            %dma_wait3A_158 = tpu.memref_slice %arg5[%mul3A_133, %dma_wait3A_157] : memref<10000x128xf32, #tpu.memory_space<hbm>> -> memref<16x128xf32, #tpu.memory_space<hbm>>
            %dma_wait3A_159 = arith.constant 0 : i32
            %dma_wait3A_160 = tpu.memref_slice %arg5[%mul3A_133, %dma_wait3A_159] : memref<10000x128xf32, #tpu.memory_space<hbm>> -> memref<16x128xf32, #tpu.memory_space<hbm>>
            %dma_wait3A_161 = arith.constant 0 : i32
            %dma_wait3A_162 = arith.constant 0 : i32
            %dma_wait3A_163 = tpu.memref_slice %arg19[%dma_wait3A_161, %dma_wait3A_162] : memref<128x128xf32, #tpu.memory_space<vmem>> -> memref<16x128xf32, #tpu.memory_space<vmem>>
            tpu.wait_dma2 semaphore(%run_scoped3A : memref<!tpu.dma_semaphore, #tpu.memory_space<semaphore_mem>>) src(%dma_wait3A_163 : memref<16x128xf32, #tpu.memory_space<vmem>>) dst(%dma_wait3A_160 : memref<16x128xf32, #tpu.memory_space<hbm>>)
            tpu.yield
          }) : () -> ()
        } else {
        }
        %scan3A_143 = arith.constant 0 : i32
        scf.yield %scan3A_143 : i32
      }
      %scan3A_126 = arith.constant 5 : i32
    } else {
    }
    return
  }
}

#map = affine_map<(d0, d1) -> (0, 0)>
module attributes {stable_mosaic.version = 14 : i64} {
  func.func @_edge_body(%arg0: i32, %arg1: i32, %arg2: memref<10000x128xf32, #tpu.memory_space<hbm>>, %arg3: memref<2x320000xi32, #tpu.memory_space<hbm>>, %arg4: memref<10000x128xf32, #tpu.memory_space<hbm>>, %arg5: memref<10000x128xf32, #tpu.memory_space<hbm>>, %arg6: memref<128xi32, #tpu.memory_space<vmem>>, %arg7: memref<128xi32, #tpu.memory_space<vmem>>, %arg8: memref<128xi32, #tpu.memory_space<vmem>>, %arg9: memref<128xi32, #tpu.memory_space<vmem>>, %arg10: memref<128xi32, #tpu.memory_space<vmem>>, %arg11: memref<128xi32, #tpu.memory_space<vmem>>, %arg12: memref<128xi32, #tpu.memory_space<vmem>>, %arg13: memref<128xi32, #tpu.memory_space<vmem>>, %arg14: memref<128xi32, #tpu.memory_space<vmem>>, %arg15: memref<128xi32, #tpu.memory_space<vmem>>, %arg16: memref<128xi32, #tpu.memory_space<vmem>>, %arg17: memref<128xi32, #tpu.memory_space<vmem>>, %arg18: memref<128x128xf32, #tpu.memory_space<vmem>>, %arg19: memref<128x128xf32, #tpu.memory_space<vmem>>, %arg20: memref<128x128xf32, #tpu.memory_space<vmem>>, %arg21: memref<10000x128xf32, #tpu.memory_space<vmem_shared>>, %arg22: memref<!tpu.dma_semaphore, #tpu.memory_space<semaphore_mem>>, %arg23: memref<!tpu.dma_semaphore, #tpu.memory_space<semaphore_mem>>, %arg24: memref<!tpu.dma_semaphore, #tpu.memory_space<semaphore_mem>>, %arg25: memref<!tpu.dma_semaphore, #tpu.memory_space<semaphore_mem>>, %arg26: memref<!tpu.dma_semaphore, #tpu.memory_space<semaphore_mem>>, %arg27: memref<!tpu.dma_semaphore, #tpu.memory_space<semaphore_mem>>, %arg28: memref<!tpu.dma_semaphore, #tpu.memory_space<semaphore_mem>>, %arg29: memref<!tpu.dma_semaphore, #tpu.memory_space<semaphore_mem>>, %arg30: memref<!tpu.dma_semaphore, #tpu.memory_space<semaphore_mem>>, %arg31: memref<!tpu.dma_semaphore, #tpu.memory_space<semaphore_mem>>, %arg32: memref<!tpu.dma_semaphore, #tpu.memory_space<semaphore_mem>>, %arg33: memref<!tpu.dma_semaphore, #tpu.memory_space<semaphore_mem>>) attributes {dimension_semantics = [#tpu.dimension_semantics<core_parallel>, #tpu.dimension_semantics<subcore_parallel>], iteration_bounds = array<i64: 2, 16>, scalar_prefetch = 0 : i64, scratch_operands = 28 : i64, tpu.core_type = #tpu.core_type<sc_vector_subcore>, window_params = [{transform_indices = #map}, {transform_indices = #map}, {transform_indices = #map}, {transform_indices = #map}]} {
    %mul3A = arith.constant 16 : i32
    %mul3A_0 = arith.muli %arg0, %mul3A : i32
    %add3A = arith.addi %mul3A_0, %arg1 : i32
    %scan3A = arith.constant 0 : i32
    %scan3A_1 = arith.constant 0 : i32
    %scan3A_2 = arith.constant 128 : i32
    %scan3A_3 = arith.addi %scan3A_1, %scan3A_2 : i32
    %scan3A_4 = arith.constant 1 : i32
    %scan3A_5 = scf.for %scan3A_120 = %scan3A_1 to %scan3A_3 step %scan3A_4 iter_args(%scan3A_121 = %scan3A) -> (i32)  : i32 {
      %broadcast_in_dim3A = arith.constant 0.000000e+00 : f32
      %broadcast_in_dim3A_122 = vector.broadcast %broadcast_in_dim3A : f32 to vector<16xf32>
      %swap3A = arith.index_cast %scan3A_120 : i32 to index
      %swap3A_123 = arith.constant 0 : index
      %swap3A_124 = tpu.vector_load %arg18[%swap3A, %swap3A_123] {strides = array<i32>} : memref<128x128xf32, #tpu.memory_space<vmem>>, vector<1x16xf32>,
      %swap3A_125 = vector.shape_cast %swap3A_124 : vector<1x16xf32> to vector<16xf32>
      %swap3A_126 = vector.shape_cast %broadcast_in_dim3A_122 : vector<16xf32> to vector<1x16xf32>
      tpu.vector_store %arg18[%swap3A, %swap3A_123], %swap3A_126 {strides = array<i32>} : memref<128x128xf32, #tpu.memory_space<vmem>>, vector<1x16xf32>,
      %broadcast_in_dim3A_127 = arith.constant 0.000000e+00 : f32
      %broadcast_in_dim3A_128 = vector.broadcast %broadcast_in_dim3A_127 : f32 to vector<16xf32>
      %swap3A_129 = arith.index_cast %scan3A_120 : i32 to index
      %swap3A_130 = arith.constant 16 : index
      %swap3A_131 = tpu.vector_load %arg18[%swap3A_129, %swap3A_130] {strides = array<i32>} : memref<128x128xf32, #tpu.memory_space<vmem>>, vector<1x16xf32>,
      %swap3A_132 = vector.shape_cast %swap3A_131 : vector<1x16xf32> to vector<16xf32>
      %swap3A_133 = vector.shape_cast %broadcast_in_dim3A_128 : vector<16xf32> to vector<1x16xf32>
      tpu.vector_store %arg18[%swap3A_129, %swap3A_130], %swap3A_133 {strides = array<i32>} : memref<128x128xf32, #tpu.memory_space<vmem>>, vector<1x16xf32>,
      %broadcast_in_dim3A_134 = arith.constant 0.000000e+00 : f32
      %broadcast_in_dim3A_135 = vector.broadcast %broadcast_in_dim3A_134 : f32 to vector<16xf32>
      %swap3A_136 = arith.index_cast %scan3A_120 : i32 to index
      %swap3A_137 = arith.constant 32 : index
      %swap3A_138 = tpu.vector_load %arg18[%swap3A_136, %swap3A_137] {strides = array<i32>} : memref<128x128xf32, #tpu.memory_space<vmem>>, vector<1x16xf32>,
      %swap3A_139 = vector.shape_cast %swap3A_138 : vector<1x16xf32> to vector<16xf32>
      %swap3A_140 = vector.shape_cast %broadcast_in_dim3A_135 : vector<16xf32> to vector<1x16xf32>
      tpu.vector_store %arg18[%swap3A_136, %swap3A_137], %swap3A_140 {strides = array<i32>} : memref<128x128xf32, #tpu.memory_space<vmem>>, vector<1x16xf32>,
      %broadcast_in_dim3A_141 = arith.constant 0.000000e+00 : f32
      %broadcast_in_dim3A_142 = vector.broadcast %broadcast_in_dim3A_141 : f32 to vector<16xf32>
      %swap3A_143 = arith.index_cast %scan3A_120 : i32 to index
      %swap3A_144 = arith.constant 48 : index
      %swap3A_145 = tpu.vector_load %arg18[%swap3A_143, %swap3A_144] {strides = array<i32>} : memref<128x128xf32, #tpu.memory_space<vmem>>, vector<1x16xf32>,
      %swap3A_146 = vector.shape_cast %swap3A_145 : vector<1x16xf32> to vector<16xf32>
      %swap3A_147 = vector.shape_cast %broadcast_in_dim3A_142 : vector<16xf32> to vector<1x16xf32>
      tpu.vector_store %arg18[%swap3A_143, %swap3A_144], %swap3A_147 {strides = array<i32>} : memref<128x128xf32, #tpu.memory_space<vmem>>, vector<1x16xf32>,
      %broadcast_in_dim3A_148 = arith.constant 0.000000e+00 : f32
      %broadcast_in_dim3A_149 = vector.broadcast %broadcast_in_dim3A_148 : f32 to vector<16xf32>
      %swap3A_150 = arith.index_cast %scan3A_120 : i32 to index
      %swap3A_151 = arith.constant 64 : index
      %swap3A_152 = tpu.vector_load %arg18[%swap3A_150, %swap3A_151] {strides = array<i32>} : memref<128x128xf32, #tpu.memory_space<vmem>>, vector<1x16xf32>,
      %swap3A_153 = vector.shape_cast %swap3A_152 : vector<1x16xf32> to vector<16xf32>
      %swap3A_154 = vector.shape_cast %broadcast_in_dim3A_149 : vector<16xf32> to vector<1x16xf32>
      tpu.vector_store %arg18[%swap3A_150, %swap3A_151], %swap3A_154 {strides = array<i32>} : memref<128x128xf32, #tpu.memory_space<vmem>>, vector<1x16xf32>,
      %broadcast_in_dim3A_155 = arith.constant 0.000000e+00 : f32
      %broadcast_in_dim3A_156 = vector.broadcast %broadcast_in_dim3A_155 : f32 to vector<16xf32>
      %swap3A_157 = arith.index_cast %scan3A_120 : i32 to index
      %swap3A_158 = arith.constant 80 : index
      %swap3A_159 = tpu.vector_load %arg18[%swap3A_157, %swap3A_158] {strides = array<i32>} : memref<128x128xf32, #tpu.memory_space<vmem>>, vector<1x16xf32>,
      %swap3A_160 = vector.shape_cast %swap3A_159 : vector<1x16xf32> to vector<16xf32>
      %swap3A_161 = vector.shape_cast %broadcast_in_dim3A_156 : vector<16xf32> to vector<1x16xf32>
      tpu.vector_store %arg18[%swap3A_157, %swap3A_158], %swap3A_161 {strides = array<i32>} : memref<128x128xf32, #tpu.memory_space<vmem>>, vector<1x16xf32>,
      %broadcast_in_dim3A_162 = arith.constant 0.000000e+00 : f32
      %broadcast_in_dim3A_163 = vector.broadcast %broadcast_in_dim3A_162 : f32 to vector<16xf32>
      %swap3A_164 = arith.index_cast %scan3A_120 : i32 to index
      %swap3A_165 = arith.constant 96 : index
      %swap3A_166 = tpu.vector_load %arg18[%swap3A_164, %swap3A_165] {strides = array<i32>} : memref<128x128xf32, #tpu.memory_space<vmem>>, vector<1x16xf32>,
      %swap3A_167 = vector.shape_cast %swap3A_166 : vector<1x16xf32> to vector<16xf32>
      %swap3A_168 = vector.shape_cast %broadcast_in_dim3A_163 : vector<16xf32> to vector<1x16xf32>
      tpu.vector_store %arg18[%swap3A_164, %swap3A_165], %swap3A_168 {strides = array<i32>} : memref<128x128xf32, #tpu.memory_space<vmem>>, vector<1x16xf32>,
      %broadcast_in_dim3A_169 = arith.constant 0.000000e+00 : f32
      %broadcast_in_dim3A_170 = vector.broadcast %broadcast_in_dim3A_169 : f32 to vector<16xf32>
      %swap3A_171 = arith.index_cast %scan3A_120 : i32 to index
      %swap3A_172 = arith.constant 112 : index
      %swap3A_173 = tpu.vector_load %arg18[%swap3A_171, %swap3A_172] {strides = array<i32>} : memref<128x128xf32, #tpu.memory_space<vmem>>, vector<1x16xf32>,
      %swap3A_174 = vector.shape_cast %swap3A_173 : vector<1x16xf32> to vector<16xf32>
      %swap3A_175 = vector.shape_cast %broadcast_in_dim3A_170 : vector<16xf32> to vector<1x16xf32>
      tpu.vector_store %arg18[%swap3A_171, %swap3A_172], %swap3A_175 {strides = array<i32>} : memref<128x128xf32, #tpu.memory_space<vmem>>, vector<1x16xf32>,
      %scan3A_176 = arith.constant 0 : i32
      scf.yield %scan3A_176 : i32
    }
    %scan3A_6 = arith.constant 128 : i32
    %scan3A_7 = arith.constant 0 : i32
    %scan3A_8 = arith.constant 0 : i32
    %scan3A_9 = arith.constant 5 : i32
    %scan3A_10 = arith.addi %scan3A_8, %scan3A_9 : i32
    %scan3A_11 = arith.constant 1 : i32
    %scan3A_12 = scf.for %scan3A_120 = %scan3A_8 to %scan3A_10 step %scan3A_11 iter_args(%scan3A_121 = %scan3A_7) -> (i32)  : i32 {
      %mul3A_122 = arith.constant 16 : i32
      %mul3A_123 = arith.muli %mul3A_122, %scan3A_120 : i32
      %add3A_124 = arith.addi %arg1, %mul3A_123 : i32
      %mul3A_125 = arith.constant 128 : i32
      %mul3A_126 = arith.muli %add3A_124, %mul3A_125 : i32
      %lt3A = arith.constant 78 : i32
      %lt3A_127 = arith.cmpi slt, %add3A_124, %lt3A : i32
      %convert_element_type3A_128 = arith.extui %lt3A_127 : i1 to i32
      %cond3A_129 = arith.constant 0 : i32
      %cond3A_130 = arith.cmpi ne, %convert_element_type3A_128, %cond3A_129 : i32
      scf.if %cond3A_130 {
        "tpu.region"() ({
          %run_scoped3A = tpu.sem_alloc : memref<!tpu.dma_semaphore, #tpu.memory_space<semaphore_mem>>
          %dma_start3A_137 = arith.constant 0 : i32
          %dma_start3A_138 = tpu.memref_slice %arg21[%mul3A_126, %dma_start3A_137] : memref<10000x128xf32, #tpu.memory_space<vmem_shared>> -> memref<128x128xf32, #tpu.memory_space<vmem_shared>>
          %dma_start3A_139 = arith.constant 0 : i32
          %dma_start3A_140 = tpu.memref_slice %arg21[%mul3A_126, %dma_start3A_139] : memref<10000x128xf32, #tpu.memory_space<vmem_shared>> -> memref<128x128xf32, #tpu.memory_space<vmem_shared>>
          tpu.enqueue_dma source(%arg18 : memref<128x128xf32, #tpu.memory_space<vmem>>) target(%dma_start3A_140 : memref<128x128xf32, #tpu.memory_space<vmem_shared>>) target_semaphore(%run_scoped3A : memref<!tpu.dma_semaphore, #tpu.memory_space<semaphore_mem>>)
          %dma_wait3A_141 = arith.constant 0 : i32
          %dma_wait3A_142 = tpu.memref_slice %arg21[%mul3A_126, %dma_wait3A_141] : memref<10000x128xf32, #tpu.memory_space<vmem_shared>> -> memref<128x128xf32, #tpu.memory_space<vmem_shared>>
          %dma_wait3A_143 = arith.constant 0 : i32
          %dma_wait3A_144 = tpu.memref_slice %arg21[%mul3A_126, %dma_wait3A_143] : memref<10000x128xf32, #tpu.memory_space<vmem_shared>> -> memref<128x128xf32, #tpu.memory_space<vmem_shared>>
          tpu.wait_dma2 semaphore(%run_scoped3A : memref<!tpu.dma_semaphore, #tpu.memory_space<semaphore_mem>>) src(%arg18 : memref<128x128xf32, #tpu.memory_space<vmem>>) dst(%dma_wait3A_144 : memref<128x128xf32, #tpu.memory_space<vmem_shared>>)
          tpu.yield
        }) : () -> ()
      } else {
      }
      %eq3A_131 = arith.constant 78 : i32
      %eq3A_132 = arith.cmpi eq, %add3A_124, %eq3A_131 : i32
      %convert_element_type3A_133 = arith.extui %eq3A_132 : i1 to i32
      %cond3A_134 = arith.constant 0 : i32
      %cond3A_135 = arith.cmpi ne, %convert_element_type3A_133, %cond3A_134 : i32
      scf.if %cond3A_135 {
        "tpu.region"() ({
          %run_scoped3A = tpu.sem_alloc : memref<!tpu.dma_semaphore, #tpu.memory_space<semaphore_mem>>
          %dma_start3A_137 = arith.constant 0 : i32
          %dma_start3A_138 = arith.constant 0 : i32
          %dma_start3A_139 = tpu.memref_slice %arg18[%dma_start3A_137, %dma_start3A_138] : memref<128x128xf32, #tpu.memory_space<vmem>> -> memref<16x128xf32, #tpu.memory_space<vmem>>
          %dma_start3A_140 = arith.constant 0 : i32
          %dma_start3A_141 = tpu.memref_slice %arg21[%mul3A_126, %dma_start3A_140] : memref<10000x128xf32, #tpu.memory_space<vmem_shared>> -> memref<16x128xf32, #tpu.memory_space<vmem_shared>>
          %dma_start3A_142 = arith.constant 0 : i32
          %dma_start3A_143 = tpu.memref_slice %arg21[%mul3A_126, %dma_start3A_142] : memref<10000x128xf32, #tpu.memory_space<vmem_shared>> -> memref<16x128xf32, #tpu.memory_space<vmem_shared>>
          %dma_start3A_144 = arith.constant 0 : i32
          %dma_start3A_145 = arith.constant 0 : i32
          %dma_start3A_146 = tpu.memref_slice %arg18[%dma_start3A_144, %dma_start3A_145] : memref<128x128xf32, #tpu.memory_space<vmem>> -> memref<16x128xf32, #tpu.memory_space<vmem>>
          tpu.enqueue_dma source(%dma_start3A_146 : memref<16x128xf32, #tpu.memory_space<vmem>>) target(%dma_start3A_143 : memref<16x128xf32, #tpu.memory_space<vmem_shared>>) target_semaphore(%run_scoped3A : memref<!tpu.dma_semaphore, #tpu.memory_space<semaphore_mem>>)
          %dma_wait3A_147 = arith.constant 0 : i32
          %dma_wait3A_148 = arith.constant 0 : i32
          %dma_wait3A_149 = tpu.memref_slice %arg18[%dma_wait3A_147, %dma_wait3A_148] : memref<128x128xf32, #tpu.memory_space<vmem>> -> memref<16x128xf32, #tpu.memory_space<vmem>>
          %dma_wait3A_150 = arith.constant 0 : i32
          %dma_wait3A_151 = tpu.memref_slice %arg21[%mul3A_126, %dma_wait3A_150] : memref<10000x128xf32, #tpu.memory_space<vmem_shared>> -> memref<16x128xf32, #tpu.memory_space<vmem_shared>>
          %dma_wait3A_152 = arith.constant 0 : i32
          %dma_wait3A_153 = tpu.memref_slice %arg21[%mul3A_126, %dma_wait3A_152] : memref<10000x128xf32, #tpu.memory_space<vmem_shared>> -> memref<16x128xf32, #tpu.memory_space<vmem_shared>>
          %dma_wait3A_154 = arith.constant 0 : i32
          %dma_wait3A_155 = arith.constant 0 : i32
          %dma_wait3A_156 = tpu.memref_slice %arg18[%dma_wait3A_154, %dma_wait3A_155] : memref<128x128xf32, #tpu.memory_space<vmem>> -> memref<16x128xf32, #tpu.memory_space<vmem>>
          tpu.wait_dma2 semaphore(%run_scoped3A : memref<!tpu.dma_semaphore, #tpu.memory_space<semaphore_mem>>) src(%dma_wait3A_156 : memref<16x128xf32, #tpu.memory_space<vmem>>) dst(%dma_wait3A_153 : memref<16x128xf32, #tpu.memory_space<vmem_shared>>)
          tpu.yield
        }) : () -> ()
      } else {
      }
      %scan3A_136 = arith.constant 0 : i32
      scf.yield %scan3A_136 : i32
    }
    %scan3A_13 = arith.constant 5 : i32
    %mul3A_14 = arith.constant 2500 : i32
    %mul3A_15 = arith.muli %mul3A_14, %add3A : i32
    %jit3A = arith.constant 32 : i32
    %div3A = arith.divsi %mul3A_15, %jit3A : i32
    %sign3A = arith.constant 0 : i32
    %sign3A_16 = arith.cmpi sgt, %mul3A_15, %sign3A : i32
    %sign3A_17 = arith.extui %sign3A_16 : i1 to i32
    %sign3A_18 = arith.constant 0 : i32
    %sign3A_19 = arith.cmpi slt, %mul3A_15, %sign3A_18 : i32
    %sign3A_20 = arith.extui %sign3A_19 : i1 to i32
    %sign3A_21 = arith.subi %sign3A_17, %sign3A_20 : i32
    %sign3A_22 = arith.constant 0 : i32
    %sign3A_23 = arith.cmpi sgt, %jit3A, %sign3A_22 : i32
    %sign3A_24 = arith.extui %sign3A_23 : i1 to i32
    %sign3A_25 = arith.constant 0 : i32
    %sign3A_26 = arith.cmpi slt, %jit3A, %sign3A_25 : i32
    %sign3A_27 = arith.extui %sign3A_26 : i1 to i32
    %sign3A_28 = arith.subi %sign3A_24, %sign3A_27 : i32
    %ne3A = arith.cmpi ne, %sign3A_21, %sign3A_28 : i32
    %rem3A = arith.remsi %mul3A_15, %jit3A : i32
    %ne3A_29 = arith.constant 0 : i32
    %ne3A_30 = arith.cmpi ne, %rem3A, %ne3A_29 : i32
    %and3A = arith.andi %ne3A, %ne3A_30 : i1
    %sub3A = arith.constant 1 : i32
    %sub3A_31 = arith.subi %div3A, %sub3A : i32
    %select_n3A = arith.select %and3A, %sub3A_31, %div3A : i32
    %add3A_32 = arith.constant 1 : i32
    %add3A_33 = arith.addi %add3A, %add3A_32 : i32
    %mul3A_34 = arith.constant 2500 : i32
    %mul3A_35 = arith.muli %mul3A_34, %add3A_33 : i32
    %jit3A_36 = arith.constant 32 : i32
    %div3A_37 = arith.divsi %mul3A_35, %jit3A_36 : i32
    %sign3A_38 = arith.constant 0 : i32
    %sign3A_39 = arith.cmpi sgt, %mul3A_35, %sign3A_38 : i32
    %sign3A_40 = arith.extui %sign3A_39 : i1 to i32
    %sign3A_41 = arith.constant 0 : i32
    %sign3A_42 = arith.cmpi slt, %mul3A_35, %sign3A_41 : i32
    %sign3A_43 = arith.extui %sign3A_42 : i1 to i32
    %sign3A_44 = arith.subi %sign3A_40, %sign3A_43 : i32
    %sign3A_45 = arith.constant 0 : i32
    %sign3A_46 = arith.cmpi sgt, %jit3A_36, %sign3A_45 : i32
    %sign3A_47 = arith.extui %sign3A_46 : i1 to i32
    %sign3A_48 = arith.constant 0 : i32
    %sign3A_49 = arith.cmpi slt, %jit3A_36, %sign3A_48 : i32
    %sign3A_50 = arith.extui %sign3A_49 : i1 to i32
    %sign3A_51 = arith.subi %sign3A_47, %sign3A_50 : i32
    %ne3A_52 = arith.cmpi ne, %sign3A_44, %sign3A_51 : i32
    %rem3A_53 = arith.remsi %mul3A_35, %jit3A_36 : i32
    %ne3A_54 = arith.constant 0 : i32
    %ne3A_55 = arith.cmpi ne, %rem3A_53, %ne3A_54 : i32
    %and3A_56 = arith.andi %ne3A_52, %ne3A_55 : i1
    %sub3A_57 = arith.constant 1 : i32
    %sub3A_58 = arith.subi %div3A_37, %sub3A_57 : i32
    %select_n3A_59 = arith.select %and3A_56, %sub3A_58, %div3A_37 : i32
    %sub3A_60 = arith.subi %select_n3A_59, %select_n3A : i32
    %gt3A = arith.constant 0 : i32
    %gt3A_61 = arith.cmpi sgt, %sub3A_60, %gt3A : i32
    %convert_element_type3A = arith.extui %gt3A_61 : i1 to i32
    %cond3A = arith.constant 0 : i32
    %cond3A_62 = arith.cmpi ne, %convert_element_type3A, %cond3A : i32
    scf.if %cond3A_62 {
      %add3A_120 = arith.constant 0 : i32
      %add3A_121 = arith.addi %select_n3A, %add3A_120 : i32
      %mul3A_122 = arith.constant 128 : i32
      %mul3A_123 = arith.muli %add3A_121, %mul3A_122 : i32
      %dma_start3A_124 = arith.constant 0 : i32
      %dma_start3A_125 = tpu.memref_slice %arg3[%dma_start3A_124, %mul3A_123] : memref<2x320000xi32, #tpu.memory_space<hbm>> -> memref<1x128xi32, #tpu.memory_space<hbm>>
      %dma_start3A_126 = tpu.memref_squeeze %dma_start3A_125 : memref<1x128xi32, #tpu.memory_space<hbm>> -> memref<128xi32, #tpu.memory_space<hbm>>
      %dma_start3A_127 = tpu.memref_slice %arg3[%dma_start3A_124, %mul3A_123] : memref<2x320000xi32, #tpu.memory_space<hbm>> -> memref<1x128xi32, #tpu.memory_space<hbm>>
      %dma_start3A_128 = tpu.memref_squeeze %dma_start3A_127 : memref<1x128xi32, #tpu.memory_space<hbm>> -> memref<128xi32, #tpu.memory_space<hbm>>
      tpu.enqueue_dma source(%dma_start3A_128 : memref<128xi32, #tpu.memory_space<hbm>>) target(%arg6 : memref<128xi32, #tpu.memory_space<vmem>>) target_semaphore(%arg22 : memref<!tpu.dma_semaphore, #tpu.memory_space<semaphore_mem>>)
      %dma_start3A_129 = arith.constant 1 : i32
      %dma_start3A_130 = tpu.memref_slice %arg3[%dma_start3A_129, %mul3A_123] : memref<2x320000xi32, #tpu.memory_space<hbm>> -> memref<1x128xi32, #tpu.memory_space<hbm>>
      %dma_start3A_131 = tpu.memref_squeeze %dma_start3A_130 : memref<1x128xi32, #tpu.memory_space<hbm>> -> memref<128xi32, #tpu.memory_space<hbm>>
      %dma_start3A_132 = tpu.memref_slice %arg3[%dma_start3A_129, %mul3A_123] : memref<2x320000xi32, #tpu.memory_space<hbm>> -> memref<1x128xi32, #tpu.memory_space<hbm>>
      %dma_start3A_133 = tpu.memref_squeeze %dma_start3A_132 : memref<1x128xi32, #tpu.memory_space<hbm>> -> memref<128xi32, #tpu.memory_space<hbm>>
      tpu.enqueue_dma source(%dma_start3A_133 : memref<128xi32, #tpu.memory_space<hbm>>) target(%arg12 : memref<128xi32, #tpu.memory_space<vmem>>) target_semaphore(%arg22 : memref<!tpu.dma_semaphore, #tpu.memory_space<semaphore_mem>>)
    } else {
    }
    %gt3A_63 = arith.constant 1 : i32
    %gt3A_64 = arith.cmpi sgt, %sub3A_60, %gt3A_63 : i32
    %convert_element_type3A_65 = arith.extui %gt3A_64 : i1 to i32
    %cond3A_66 = arith.constant 0 : i32
    %cond3A_67 = arith.cmpi ne, %convert_element_type3A_65, %cond3A_66 : i32
    scf.if %cond3A_67 {
      %add3A_120 = arith.constant 1 : i32
      %add3A_121 = arith.addi %select_n3A, %add3A_120 : i32
      %mul3A_122 = arith.constant 128 : i32
      %mul3A_123 = arith.muli %add3A_121, %mul3A_122 : i32
      %dma_start3A_124 = arith.constant 0 : i32
      %dma_start3A_125 = tpu.memref_slice %arg3[%dma_start3A_124, %mul3A_123] : memref<2x320000xi32, #tpu.memory_space<hbm>> -> memref<1x128xi32, #tpu.memory_space<hbm>>
      %dma_start3A_126 = tpu.memref_squeeze %dma_start3A_125 : memref<1x128xi32, #tpu.memory_space<hbm>> -> memref<128xi32, #tpu.memory_space<hbm>>
      %dma_start3A_127 = tpu.memref_slice %arg3[%dma_start3A_124, %mul3A_123] : memref<2x320000xi32, #tpu.memory_space<hbm>> -> memref<1x128xi32, #tpu.memory_space<hbm>>
      %dma_start3A_128 = tpu.memref_squeeze %dma_start3A_127 : memref<1x128xi32, #tpu.memory_space<hbm>> -> memref<128xi32, #tpu.memory_space<hbm>>
      tpu.enqueue_dma source(%dma_start3A_128 : memref<128xi32, #tpu.memory_space<hbm>>) target(%arg7 : memref<128xi32, #tpu.memory_space<vmem>>) target_semaphore(%arg23 : memref<!tpu.dma_semaphore, #tpu.memory_space<semaphore_mem>>)
      %dma_start3A_129 = arith.constant 1 : i32
      %dma_start3A_130 = tpu.memref_slice %arg3[%dma_start3A_129, %mul3A_123] : memref<2x320000xi32, #tpu.memory_space<hbm>> -> memref<1x128xi32, #tpu.memory_space<hbm>>
      %dma_start3A_131 = tpu.memref_squeeze %dma_start3A_130 : memref<1x128xi32, #tpu.memory_space<hbm>> -> memref<128xi32, #tpu.memory_space<hbm>>
      %dma_start3A_132 = tpu.memref_slice %arg3[%dma_start3A_129, %mul3A_123] : memref<2x320000xi32, #tpu.memory_space<hbm>> -> memref<1x128xi32, #tpu.memory_space<hbm>>
      %dma_start3A_133 = tpu.memref_squeeze %dma_start3A_132 : memref<1x128xi32, #tpu.memory_space<hbm>> -> memref<128xi32, #tpu.memory_space<hbm>>
      tpu.enqueue_dma source(%dma_start3A_133 : memref<128xi32, #tpu.memory_space<hbm>>) target(%arg13 : memref<128xi32, #tpu.memory_space<vmem>>) target_semaphore(%arg23 : memref<!tpu.dma_semaphore, #tpu.memory_space<semaphore_mem>>)
    } else {
    }
    %gt3A_68 = arith.constant 2 : i32
    %gt3A_69 = arith.cmpi sgt, %sub3A_60, %gt3A_68 : i32
    %convert_element_type3A_70 = arith.extui %gt3A_69 : i1 to i32
    %cond3A_71 = arith.constant 0 : i32
    %cond3A_72 = arith.cmpi ne, %convert_element_type3A_70, %cond3A_71 : i32
    scf.if %cond3A_72 {
      %add3A_120 = arith.constant 2 : i32
      %add3A_121 = arith.addi %select_n3A, %add3A_120 : i32
      %mul3A_122 = arith.constant 128 : i32
      %mul3A_123 = arith.muli %add3A_121, %mul3A_122 : i32
      %dma_start3A_124 = arith.constant 0 : i32
      %dma_start3A_125 = tpu.memref_slice %arg3[%dma_start3A_124, %mul3A_123] : memref<2x320000xi32, #tpu.memory_space<hbm>> -> memref<1x128xi32, #tpu.memory_space<hbm>>
      %dma_start3A_126 = tpu.memref_squeeze %dma_start3A_125 : memref<1x128xi32, #tpu.memory_space<hbm>> -> memref<128xi32, #tpu.memory_space<hbm>>
      %dma_start3A_127 = tpu.memref_slice %arg3[%dma_start3A_124, %mul3A_123] : memref<2x320000xi32, #tpu.memory_space<hbm>> -> memref<1x128xi32, #tpu.memory_space<hbm>>
      %dma_start3A_128 = tpu.memref_squeeze %dma_start3A_127 : memref<1x128xi32, #tpu.memory_space<hbm>> -> memref<128xi32, #tpu.memory_space<hbm>>
      tpu.enqueue_dma source(%dma_start3A_128 : memref<128xi32, #tpu.memory_space<hbm>>) target(%arg8 : memref<128xi32, #tpu.memory_space<vmem>>) target_semaphore(%arg24 : memref<!tpu.dma_semaphore, #tpu.memory_space<semaphore_mem>>)
      %dma_start3A_129 = arith.constant 1 : i32
      %dma_start3A_130 = tpu.memref_slice %arg3[%dma_start3A_129, %mul3A_123] : memref<2x320000xi32, #tpu.memory_space<hbm>> -> memref<1x128xi32, #tpu.memory_space<hbm>>
      %dma_start3A_131 = tpu.memref_squeeze %dma_start3A_130 : memref<1x128xi32, #tpu.memory_space<hbm>> -> memref<128xi32, #tpu.memory_space<hbm>>
      %dma_start3A_132 = tpu.memref_slice %arg3[%dma_start3A_129, %mul3A_123] : memref<2x320000xi32, #tpu.memory_space<hbm>> -> memref<1x128xi32, #tpu.memory_space<hbm>>
      %dma_start3A_133 = tpu.memref_squeeze %dma_start3A_132 : memref<1x128xi32, #tpu.memory_space<hbm>> -> memref<128xi32, #tpu.memory_space<hbm>>
      tpu.enqueue_dma source(%dma_start3A_133 : memref<128xi32, #tpu.memory_space<hbm>>) target(%arg14 : memref<128xi32, #tpu.memory_space<vmem>>) target_semaphore(%arg24 : memref<!tpu.dma_semaphore, #tpu.memory_space<semaphore_mem>>)
    } else {
    }
    %gt3A_73 = arith.constant 3 : i32
    %gt3A_74 = arith.cmpi sgt, %sub3A_60, %gt3A_73 : i32
    %convert_element_type3A_75 = arith.extui %gt3A_74 : i1 to i32
    %cond3A_76 = arith.constant 0 : i32
    %cond3A_77 = arith.cmpi ne, %convert_element_type3A_75, %cond3A_76 : i32
    scf.if %cond3A_77 {
      %add3A_120 = arith.constant 3 : i32
      %add3A_121 = arith.addi %select_n3A, %add3A_120 : i32
      %mul3A_122 = arith.constant 128 : i32
      %mul3A_123 = arith.muli %add3A_121, %mul3A_122 : i32
      %dma_start3A_124 = arith.constant 0 : i32
      %dma_start3A_125 = tpu.memref_slice %arg3[%dma_start3A_124, %mul3A_123] : memref<2x320000xi32, #tpu.memory_space<hbm>> -> memref<1x128xi32, #tpu.memory_space<hbm>>
      %dma_start3A_126 = tpu.memref_squeeze %dma_start3A_125 : memref<1x128xi32, #tpu.memory_space<hbm>> -> memref<128xi32, #tpu.memory_space<hbm>>
      %dma_start3A_127 = tpu.memref_slice %arg3[%dma_start3A_124, %mul3A_123] : memref<2x320000xi32, #tpu.memory_space<hbm>> -> memref<1x128xi32, #tpu.memory_space<hbm>>
      %dma_start3A_128 = tpu.memref_squeeze %dma_start3A_127 : memref<1x128xi32, #tpu.memory_space<hbm>> -> memref<128xi32, #tpu.memory_space<hbm>>
      tpu.enqueue_dma source(%dma_start3A_128 : memref<128xi32, #tpu.memory_space<hbm>>) target(%arg9 : memref<128xi32, #tpu.memory_space<vmem>>) target_semaphore(%arg25 : memref<!tpu.dma_semaphore, #tpu.memory_space<semaphore_mem>>)
      %dma_start3A_129 = arith.constant 1 : i32
      %dma_start3A_130 = tpu.memref_slice %arg3[%dma_start3A_129, %mul3A_123] : memref<2x320000xi32, #tpu.memory_space<hbm>> -> memref<1x128xi32, #tpu.memory_space<hbm>>
      %dma_start3A_131 = tpu.memref_squeeze %dma_start3A_130 : memref<1x128xi32, #tpu.memory_space<hbm>> -> memref<128xi32, #tpu.memory_space<hbm>>
      %dma_start3A_132 = tpu.memref_slice %arg3[%dma_start3A_129, %mul3A_123] : memref<2x320000xi32, #tpu.memory_space<hbm>> -> memref<1x128xi32, #tpu.memory_space<hbm>>
      %dma_start3A_133 = tpu.memref_squeeze %dma_start3A_132 : memref<1x128xi32, #tpu.memory_space<hbm>> -> memref<128xi32, #tpu.memory_space<hbm>>
      tpu.enqueue_dma source(%dma_start3A_133 : memref<128xi32, #tpu.memory_space<hbm>>) target(%arg15 : memref<128xi32, #tpu.memory_space<vmem>>) target_semaphore(%arg25 : memref<!tpu.dma_semaphore, #tpu.memory_space<semaphore_mem>>)
    } else {
    }
    %gt3A_78 = arith.constant 4 : i32
    %gt3A_79 = arith.cmpi sgt, %sub3A_60, %gt3A_78 : i32
    %convert_element_type3A_80 = arith.extui %gt3A_79 : i1 to i32
    %cond3A_81 = arith.constant 0 : i32
    %cond3A_82 = arith.cmpi ne, %convert_element_type3A_80, %cond3A_81 : i32
    scf.if %cond3A_82 {
      %add3A_120 = arith.constant 4 : i32
      %add3A_121 = arith.addi %select_n3A, %add3A_120 : i32
      %mul3A_122 = arith.constant 128 : i32
      %mul3A_123 = arith.muli %add3A_121, %mul3A_122 : i32
      %dma_start3A_124 = arith.constant 0 : i32
      %dma_start3A_125 = tpu.memref_slice %arg3[%dma_start3A_124, %mul3A_123] : memref<2x320000xi32, #tpu.memory_space<hbm>> -> memref<1x128xi32, #tpu.memory_space<hbm>>
      %dma_start3A_126 = tpu.memref_squeeze %dma_start3A_125 : memref<1x128xi32, #tpu.memory_space<hbm>> -> memref<128xi32, #tpu.memory_space<hbm>>
      %dma_start3A_127 = tpu.memref_slice %arg3[%dma_start3A_124, %mul3A_123] : memref<2x320000xi32, #tpu.memory_space<hbm>> -> memref<1x128xi32, #tpu.memory_space<hbm>>
      %dma_start3A_128 = tpu.memref_squeeze %dma_start3A_127 : memref<1x128xi32, #tpu.memory_space<hbm>> -> memref<128xi32, #tpu.memory_space<hbm>>
      tpu.enqueue_dma source(%dma_start3A_128 : memref<128xi32, #tpu.memory_space<hbm>>) target(%arg10 : memref<128xi32, #tpu.memory_space<vmem>>) target_semaphore(%arg26 : memref<!tpu.dma_semaphore, #tpu.memory_space<semaphore_mem>>)
      %dma_start3A_129 = arith.constant 1 : i32
      %dma_start3A_130 = tpu.memref_slice %arg3[%dma_start3A_129, %mul3A_123] : memref<2x320000xi32, #tpu.memory_space<hbm>> -> memref<1x128xi32, #tpu.memory_space<hbm>>
      %dma_start3A_131 = tpu.memref_squeeze %dma_start3A_130 : memref<1x128xi32, #tpu.memory_space<hbm>> -> memref<128xi32, #tpu.memory_space<hbm>>
      %dma_start3A_132 = tpu.memref_slice %arg3[%dma_start3A_129, %mul3A_123] : memref<2x320000xi32, #tpu.memory_space<hbm>> -> memref<1x128xi32, #tpu.memory_space<hbm>>
      %dma_start3A_133 = tpu.memref_squeeze %dma_start3A_132 : memref<1x128xi32, #tpu.memory_space<hbm>> -> memref<128xi32, #tpu.memory_space<hbm>>
      tpu.enqueue_dma source(%dma_start3A_133 : memref<128xi32, #tpu.memory_space<hbm>>) target(%arg16 : memref<128xi32, #tpu.memory_space<vmem>>) target_semaphore(%arg26 : memref<!tpu.dma_semaphore, #tpu.memory_space<semaphore_mem>>)
    } else {
    }
    %gt3A_83 = arith.constant 5 : i32
    %gt3A_84 = arith.cmpi sgt, %sub3A_60, %gt3A_83 : i32
    %convert_element_type3A_85 = arith.extui %gt3A_84 : i1 to i32
    %cond3A_86 = arith.constant 0 : i32
    %cond3A_87 = arith.cmpi ne, %convert_element_type3A_85, %cond3A_86 : i32
    scf.if %cond3A_87 {
      %add3A_120 = arith.constant 5 : i32
      %add3A_121 = arith.addi %select_n3A, %add3A_120 : i32
      %mul3A_122 = arith.constant 128 : i32
      %mul3A_123 = arith.muli %add3A_121, %mul3A_122 : i32
      %dma_start3A_124 = arith.constant 0 : i32
      %dma_start3A_125 = tpu.memref_slice %arg3[%dma_start3A_124, %mul3A_123] : memref<2x320000xi32, #tpu.memory_space<hbm>> -> memref<1x128xi32, #tpu.memory_space<hbm>>
      %dma_start3A_126 = tpu.memref_squeeze %dma_start3A_125 : memref<1x128xi32, #tpu.memory_space<hbm>> -> memref<128xi32, #tpu.memory_space<hbm>>
      %dma_start3A_127 = tpu.memref_slice %arg3[%dma_start3A_124, %mul3A_123] : memref<2x320000xi32, #tpu.memory_space<hbm>> -> memref<1x128xi32, #tpu.memory_space<hbm>>
      %dma_start3A_128 = tpu.memref_squeeze %dma_start3A_127 : memref<1x128xi32, #tpu.memory_space<hbm>> -> memref<128xi32, #tpu.memory_space<hbm>>
      tpu.enqueue_dma source(%dma_start3A_128 : memref<128xi32, #tpu.memory_space<hbm>>) target(%arg11 : memref<128xi32, #tpu.memory_space<vmem>>) target_semaphore(%arg27 : memref<!tpu.dma_semaphore, #tpu.memory_space<semaphore_mem>>)
      %dma_start3A_129 = arith.constant 1 : i32
      %dma_start3A_130 = tpu.memref_slice %arg3[%dma_start3A_129, %mul3A_123] : memref<2x320000xi32, #tpu.memory_space<hbm>> -> memref<1x128xi32, #tpu.memory_space<hbm>>
      %dma_start3A_131 = tpu.memref_squeeze %dma_start3A_130 : memref<1x128xi32, #tpu.memory_space<hbm>> -> memref<128xi32, #tpu.memory_space<hbm>>
      %dma_start3A_132 = tpu.memref_slice %arg3[%dma_start3A_129, %mul3A_123] : memref<2x320000xi32, #tpu.memory_space<hbm>> -> memref<1x128xi32, #tpu.memory_space<hbm>>
      %dma_start3A_133 = tpu.memref_squeeze %dma_start3A_132 : memref<1x128xi32, #tpu.memory_space<hbm>> -> memref<128xi32, #tpu.memory_space<hbm>>
      tpu.enqueue_dma source(%dma_start3A_133 : memref<128xi32, #tpu.memory_space<hbm>>) target(%arg17 : memref<128xi32, #tpu.memory_space<vmem>>) target_semaphore(%arg27 : memref<!tpu.dma_semaphore, #tpu.memory_space<semaphore_mem>>)
    } else {
    }
    %barrier3A = arith.constant 0 : index
    tpu.barrier barrier_id(%barrier3A)
    %dma_wait3A = arith.constant 0 : i32
    %dma_wait3A_88 = arith.constant 0 : i32
    %dma_wait3A_89 = tpu.memref_slice %arg3[%dma_wait3A, %dma_wait3A_88] : memref<2x320000xi32, #tpu.memory_space<hbm>> -> memref<1x128xi32, #tpu.memory_space<hbm>>
    %dma_wait3A_90 = tpu.memref_squeeze %dma_wait3A_89 : memref<1x128xi32, #tpu.memory_space<hbm>> -> memref<128xi32, #tpu.memory_space<hbm>>
    %dma_wait3A_91 = arith.constant 0 : i32
    %dma_wait3A_92 = tpu.memref_slice %arg3[%dma_wait3A, %dma_wait3A_91] : memref<2x320000xi32, #tpu.memory_space<hbm>> -> memref<1x128xi32, #tpu.memory_space<hbm>>
    %dma_wait3A_93 = tpu.memref_squeeze %dma_wait3A_92 : memref<1x128xi32, #tpu.memory_space<hbm>> -> memref<128xi32, #tpu.memory_space<hbm>>
    tpu.wait_dma2 semaphore(%arg22 : memref<!tpu.dma_semaphore, #tpu.memory_space<semaphore_mem>>) src(%dma_wait3A_93 : memref<128xi32, #tpu.memory_space<hbm>>) dst(%arg6 : memref<128xi32, #tpu.memory_space<vmem>>)
    %dma_wait3A_94 = arith.constant 0 : i32
    %dma_wait3A_95 = arith.constant 0 : i32
    %dma_wait3A_96 = tpu.memref_slice %arg3[%dma_wait3A_94, %dma_wait3A_95] : memref<2x320000xi32, #tpu.memory_space<hbm>> -> memref<1x128xi32, #tpu.memory_space<hbm>>
    %dma_wait3A_97 = tpu.memref_squeeze %dma_wait3A_96 : memref<1x128xi32, #tpu.memory_space<hbm>> -> memref<128xi32, #tpu.memory_space<hbm>>
    %dma_wait3A_98 = arith.constant 0 : i32
    %dma_wait3A_99 = tpu.memref_slice %arg3[%dma_wait3A_94, %dma_wait3A_98] : memref<2x320000xi32, #tpu.memory_space<hbm>> -> memref<1x128xi32, #tpu.memory_space<hbm>>
    %dma_wait3A_100 = tpu.memref_squeeze %dma_wait3A_99 : memref<1x128xi32, #tpu.memory_space<hbm>> -> memref<128xi32, #tpu.memory_space<hbm>>
    tpu.wait_dma2 semaphore(%arg22 : memref<!tpu.dma_semaphore, #tpu.memory_space<semaphore_mem>>) src(%dma_wait3A_100 : memref<128xi32, #tpu.memory_space<hbm>>) dst(%arg12 : memref<128xi32, #tpu.memory_space<vmem>>)
    %dma_start3A = arith.constant 0 : i32
    %dma_start3A_101 = arith.constant 0 : i32
    %dma_start3A_102 = tpu.memref_slice %arg2[%dma_start3A, %dma_start3A_101] : memref<10000x128xf32, #tpu.memory_space<hbm>> -> memref<10000x128xf32, #tpu.memory_space<hbm>>
    tpu.enqueue_indirect_dma source(%dma_start3A_102 : memref<10000x128xf32, #tpu.memory_space<hbm>>) target(%arg18 : memref<128x128xf32, #tpu.memory_space<vmem>>) offsets(%arg6 : memref<128xi32, #tpu.memory_space<vmem>>) semaphore(%arg28 : memref<!tpu.dma_semaphore, #tpu.memory_space<semaphore_mem>>)
    %scan3A_103 = arith.constant 0 : i32
    %scan3A_104 = arith.constant 0 : i32
    %scan3A_105 = arith.constant 14 : i32
    %scan3A_106 = arith.addi %scan3A_104, %scan3A_105 : i32
    %scan3A_107 = arith.constant 1 : i32
    %scan3A_108 = scf.for %scan3A_120 = %scan3A_104 to %scan3A_106 step %scan3A_107 iter_args(%scan3A_121 = %scan3A_103) -> (i32)  : i32 {
      %mul3A_122 = arith.constant 6 : i32
      %mul3A_123 = arith.muli %mul3A_122, %scan3A_120 : i32
      %add3A_124 = arith.constant 0 : i32
      %add3A_125 = arith.addi %mul3A_123, %add3A_124 : i32
      %ge3A = arith.constant 1 : i32
      %ge3A_126 = arith.cmpi sge, %add3A_125, %ge3A : i32
      %sub3A_127 = arith.constant 1 : i32
      %sub3A_128 = arith.subi %add3A_125, %sub3A_127 : i32
      %lt3A = arith.cmpi slt, %sub3A_128, %sub3A_60 : i32
      %and3A_129 = arith.andi %ge3A_126, %lt3A : i1
      %convert_element_type3A_130 = arith.extui %and3A_129 : i1 to i32
      %cond3A_131 = arith.constant 0 : i32
      %cond3A_132 = arith.cmpi ne, %convert_element_type3A_130, %cond3A_131 : i32
      scf.if %cond3A_132 {
        %dma_wait3A_289 = arith.constant 0 : i32
        %dma_wait3A_290 = arith.constant 0 : i32
        %dma_wait3A_291 = tpu.memref_slice %arg2[%dma_wait3A_289, %dma_wait3A_290] : memref<10000x128xf32, #tpu.memory_space<hbm>> -> memref<128x128xf32, #tpu.memory_space<hbm>>
        %dma_wait3A_292 = arith.constant 0 : i32
        %dma_wait3A_293 = arith.constant 0 : i32
        %dma_wait3A_294 = tpu.memref_slice %arg2[%dma_wait3A_292, %dma_wait3A_293] : memref<10000x128xf32, #tpu.memory_space<hbm>> -> memref<128x128xf32, #tpu.memory_space<hbm>>
        tpu.wait_dma2 semaphore(%arg30 : memref<!tpu.dma_semaphore, #tpu.memory_space<semaphore_mem>>) src(%dma_wait3A_294 : memref<128x128xf32, #tpu.memory_space<hbm>>) dst(%arg20 : memref<128x128xf32, #tpu.memory_space<vmem>>)
        %dma_start3A_295 = arith.constant 0 : i32
        %dma_start3A_296 = arith.constant 0 : i32
        %dma_start3A_297 = tpu.memref_slice %arg21[%dma_start3A_295, %dma_start3A_296] : memref<10000x128xf32, #tpu.memory_space<vmem_shared>> -> memref<10000x128xf32, #tpu.memory_space<vmem_shared>>
        tpu.enqueue_indirect_dma source(%arg20 : memref<128x128xf32, #tpu.memory_space<vmem>>) target(%dma_start3A_297 : memref<10000x128xf32, #tpu.memory_space<vmem_shared>>) offsets(%arg17 : memref<128xi32, #tpu.memory_space<vmem>>) semaphore(%arg33 : memref<!tpu.dma_semaphore, #tpu.memory_space<semaphore_mem>>) {add = true}
        %add3A_298 = arith.constant 5 : i32
        %add3A_299 = arith.addi %add3A_125, %add3A_298 : i32
        %lt3A_300 = arith.cmpi slt, %add3A_299, %sub3A_60 : i32
        %convert_element_type3A_301 = arith.extui %lt3A_300 : i1 to i32
        %cond3A_302 = arith.constant 0 : i32
        %cond3A_303 = arith.cmpi ne, %convert_element_type3A_301, %cond3A_302 : i32
        scf.if %cond3A_303 {
          %add3A_304 = arith.constant 5 : i32
          %add3A_305 = arith.addi %add3A_125, %add3A_304 : i32
          %add3A_306 = arith.addi %select_n3A, %add3A_305 : i32
          %mul3A_307 = arith.constant 128 : i32
          %mul3A_308 = arith.muli %add3A_306, %mul3A_307 : i32
          %dma_start3A_309 = arith.constant 0 : i32
          %dma_start3A_310 = tpu.memref_slice %arg3[%dma_start3A_309, %mul3A_308] : memref<2x320000xi32, #tpu.memory_space<hbm>> -> memref<1x128xi32, #tpu.memory_space<hbm>>
          %dma_start3A_311 = tpu.memref_squeeze %dma_start3A_310 : memref<1x128xi32, #tpu.memory_space<hbm>> -> memref<128xi32, #tpu.memory_space<hbm>>
          %dma_start3A_312 = tpu.memref_slice %arg3[%dma_start3A_309, %mul3A_308] : memref<2x320000xi32, #tpu.memory_space<hbm>> -> memref<1x128xi32, #tpu.memory_space<hbm>>
          %dma_start3A_313 = tpu.memref_squeeze %dma_start3A_312 : memref<1x128xi32, #tpu.memory_space<hbm>> -> memref<128xi32, #tpu.memory_space<hbm>>
          tpu.enqueue_dma source(%dma_start3A_313 : memref<128xi32, #tpu.memory_space<hbm>>) target(%arg11 : memref<128xi32, #tpu.memory_space<vmem>>) target_semaphore(%arg27 : memref<!tpu.dma_semaphore, #tpu.memory_space<semaphore_mem>>)
          %dma_start3A_314 = arith.constant 1 : i32
          %dma_start3A_315 = tpu.memref_slice %arg3[%dma_start3A_314, %mul3A_308] : memref<2x320000xi32, #tpu.memory_space<hbm>> -> memref<1x128xi32, #tpu.memory_space<hbm>>
          %dma_start3A_316 = tpu.memref_squeeze %dma_start3A_315 : memref<1x128xi32, #tpu.memory_space<hbm>> -> memref<128xi32, #tpu.memory_space<hbm>>
          %dma_start3A_317 = tpu.memref_slice %arg3[%dma_start3A_314, %mul3A_308] : memref<2x320000xi32, #tpu.memory_space<hbm>> -> memref<1x128xi32, #tpu.memory_space<hbm>>
          %dma_start3A_318 = tpu.memref_squeeze %dma_start3A_317 : memref<1x128xi32, #tpu.memory_space<hbm>> -> memref<128xi32, #tpu.memory_space<hbm>>
          tpu.enqueue_dma source(%dma_start3A_318 : memref<128xi32, #tpu.memory_space<hbm>>) target(%arg17 : memref<128xi32, #tpu.memory_space<vmem>>) target_semaphore(%arg27 : memref<!tpu.dma_semaphore, #tpu.memory_space<semaphore_mem>>)
        } else {
        }
      } else {
      }
      %ge3A_133 = arith.constant 2 : i32
      %ge3A_134 = arith.cmpi sge, %add3A_125, %ge3A_133 : i32
      %sub3A_135 = arith.constant 2 : i32
      %sub3A_136 = arith.subi %add3A_125, %sub3A_135 : i32
      %lt3A_137 = arith.cmpi slt, %sub3A_136, %sub3A_60 : i32
      %and3A_138 = arith.andi %ge3A_134, %lt3A_137 : i1
      %convert_element_type3A_139 = arith.extui %and3A_138 : i1 to i32
      %cond3A_140 = arith.constant 0 : i32
      %cond3A_141 = arith.cmpi ne, %convert_element_type3A_139, %cond3A_140 : i32
      scf.if %cond3A_141 {
        %dma_wait3A_289 = arith.constant 0 : i32
        %dma_wait3A_290 = arith.constant 0 : i32
        %dma_wait3A_291 = tpu.memref_slice %arg21[%dma_wait3A_289, %dma_wait3A_290] : memref<10000x128xf32, #tpu.memory_space<vmem_shared>> -> memref<128x128xf32, #tpu.memory_space<vmem_shared>>
        %dma_wait3A_292 = arith.constant 0 : i32
        %dma_wait3A_293 = arith.constant 0 : i32
        %dma_wait3A_294 = tpu.memref_slice %arg21[%dma_wait3A_292, %dma_wait3A_293] : memref<10000x128xf32, #tpu.memory_space<vmem_shared>> -> memref<128x128xf32, #tpu.memory_space<vmem_shared>>
        tpu.wait_dma2 semaphore(%arg32 : memref<!tpu.dma_semaphore, #tpu.memory_space<semaphore_mem>>) src(%arg19 : memref<128x128xf32, #tpu.memory_space<vmem>>) dst(%dma_wait3A_294 : memref<128x128xf32, #tpu.memory_space<vmem_shared>>)
      } else {
      }
      %add3A_142 = arith.constant 1 : i32
      %add3A_143 = arith.addi %add3A_125, %add3A_142 : i32
      %lt3A_144 = arith.cmpi slt, %add3A_143, %sub3A_60 : i32
      %convert_element_type3A_145 = arith.extui %lt3A_144 : i1 to i32
      %cond3A_146 = arith.constant 0 : i32
      %cond3A_147 = arith.cmpi ne, %convert_element_type3A_145, %cond3A_146 : i32
      scf.if %cond3A_147 {
        %dma_wait3A_289 = arith.constant 0 : i32
        %dma_wait3A_290 = arith.constant 0 : i32
        %dma_wait3A_291 = tpu.memref_slice %arg3[%dma_wait3A_289, %dma_wait3A_290] : memref<2x320000xi32, #tpu.memory_space<hbm>> -> memref<1x128xi32, #tpu.memory_space<hbm>>
        %dma_wait3A_292 = tpu.memref_squeeze %dma_wait3A_291 : memref<1x128xi32, #tpu.memory_space<hbm>> -> memref<128xi32, #tpu.memory_space<hbm>>
        %dma_wait3A_293 = arith.constant 0 : i32
        %dma_wait3A_294 = tpu.memref_slice %arg3[%dma_wait3A_289, %dma_wait3A_293] : memref<2x320000xi32, #tpu.memory_space<hbm>> -> memref<1x128xi32, #tpu.memory_space<hbm>>
        %dma_wait3A_295 = tpu.memref_squeeze %dma_wait3A_294 : memref<1x128xi32, #tpu.memory_space<hbm>> -> memref<128xi32, #tpu.memory_space<hbm>>
        tpu.wait_dma2 semaphore(%arg23 : memref<!tpu.dma_semaphore, #tpu.memory_space<semaphore_mem>>) src(%dma_wait3A_295 : memref<128xi32, #tpu.memory_space<hbm>>) dst(%arg7 : memref<128xi32, #tpu.memory_space<vmem>>)
        %dma_wait3A_296 = arith.constant 0 : i32
        %dma_wait3A_297 = arith.constant 0 : i32
        %dma_wait3A_298 = tpu.memref_slice %arg3[%dma_wait3A_296, %dma_wait3A_297] : memref<2x320000xi32, #tpu.memory_space<hbm>> -> memref<1x128xi32, #tpu.memory_space<hbm>>
        %dma_wait3A_299 = tpu.memref_squeeze %dma_wait3A_298 : memref<1x128xi32, #tpu.memory_space<hbm>> -> memref<128xi32, #tpu.memory_space<hbm>>
        %dma_wait3A_300 = arith.constant 0 : i32
        %dma_wait3A_301 = tpu.memref_slice %arg3[%dma_wait3A_296, %dma_wait3A_300] : memref<2x320000xi32, #tpu.memory_space<hbm>> -> memref<1x128xi32, #tpu.memory_space<hbm>>
        %dma_wait3A_302 = tpu.memref_squeeze %dma_wait3A_301 : memref<1x128xi32, #tpu.memory_space<hbm>> -> memref<128xi32, #tpu.memory_space<hbm>>
        tpu.wait_dma2 semaphore(%arg23 : memref<!tpu.dma_semaphore, #tpu.memory_space<semaphore_mem>>) src(%dma_wait3A_302 : memref<128xi32, #tpu.memory_space<hbm>>) dst(%arg13 : memref<128xi32, #tpu.memory_space<vmem>>)
        %dma_start3A_303 = arith.constant 0 : i32
        %dma_start3A_304 = arith.constant 0 : i32
        %dma_start3A_305 = tpu.memref_slice %arg2[%dma_start3A_303, %dma_start3A_304] : memref<10000x128xf32, #tpu.memory_space<hbm>> -> memref<10000x128xf32, #tpu.memory_space<hbm>>
        tpu.enqueue_indirect_dma source(%dma_start3A_305 : memref<10000x128xf32, #tpu.memory_space<hbm>>) target(%arg19 : memref<128x128xf32, #tpu.memory_space<vmem>>) offsets(%arg7 : memref<128xi32, #tpu.memory_space<vmem>>) semaphore(%arg29 : memref<!tpu.dma_semaphore, #tpu.memory_space<semaphore_mem>>)
      } else {
      }
      %mul3A_148 = arith.constant 6 : i32
      %mul3A_149 = arith.muli %mul3A_148, %scan3A_120 : i32
      %add3A_150 = arith.constant 1 : i32
      %add3A_151 = arith.addi %mul3A_149, %add3A_150 : i32
      %ge3A_152 = arith.constant 1 : i32
      %ge3A_153 = arith.cmpi sge, %add3A_151, %ge3A_152 : i32
      %sub3A_154 = arith.constant 1 : i32
      %sub3A_155 = arith.subi %add3A_151, %sub3A_154 : i32
      %lt3A_156 = arith.cmpi slt, %sub3A_155, %sub3A_60 : i32
      %and3A_157 = arith.andi %ge3A_153, %lt3A_156 : i1
      %convert_element_type3A_158 = arith.extui %and3A_157 : i1 to i32
      %cond3A_159 = arith.constant 0 : i32
      %cond3A_160 = arith.cmpi ne, %convert_element_type3A_158, %cond3A_159 : i32
      scf.if %cond3A_160 {
        %dma_wait3A_289 = arith.constant 0 : i32
        %dma_wait3A_290 = arith.constant 0 : i32
        %dma_wait3A_291 = tpu.memref_slice %arg2[%dma_wait3A_289, %dma_wait3A_290] : memref<10000x128xf32, #tpu.memory_space<hbm>> -> memref<128x128xf32, #tpu.memory_space<hbm>>
        %dma_wait3A_292 = arith.constant 0 : i32
        %dma_wait3A_293 = arith.constant 0 : i32
        %dma_wait3A_294 = tpu.memref_slice %arg2[%dma_wait3A_292, %dma_wait3A_293] : memref<10000x128xf32, #tpu.memory_space<hbm>> -> memref<128x128xf32, #tpu.memory_space<hbm>>
        tpu.wait_dma2 semaphore(%arg28 : memref<!tpu.dma_semaphore, #tpu.memory_space<semaphore_mem>>) src(%dma_wait3A_294 : memref<128x128xf32, #tpu.memory_space<hbm>>) dst(%arg18 : memref<128x128xf32, #tpu.memory_space<vmem>>)
        %dma_start3A_295 = arith.constant 0 : i32
        %dma_start3A_296 = arith.constant 0 : i32
        %dma_start3A_297 = tpu.memref_slice %arg21[%dma_start3A_295, %dma_start3A_296] : memref<10000x128xf32, #tpu.memory_space<vmem_shared>> -> memref<10000x128xf32, #tpu.memory_space<vmem_shared>>
        tpu.enqueue_indirect_dma source(%arg18 : memref<128x128xf32, #tpu.memory_space<vmem>>) target(%dma_start3A_297 : memref<10000x128xf32, #tpu.memory_space<vmem_shared>>) offsets(%arg12 : memref<128xi32, #tpu.memory_space<vmem>>) semaphore(%arg31 : memref<!tpu.dma_semaphore, #tpu.memory_space<semaphore_mem>>) {add = true}
        %add3A_298 = arith.constant 5 : i32
        %add3A_299 = arith.addi %add3A_151, %add3A_298 : i32
        %lt3A_300 = arith.cmpi slt, %add3A_299, %sub3A_60 : i32
        %convert_element_type3A_301 = arith.extui %lt3A_300 : i1 to i32
        %cond3A_302 = arith.constant 0 : i32
        %cond3A_303 = arith.cmpi ne, %convert_element_type3A_301, %cond3A_302 : i32
        scf.if %cond3A_303 {
          %add3A_304 = arith.constant 5 : i32
          %add3A_305 = arith.addi %add3A_151, %add3A_304 : i32
          %add3A_306 = arith.addi %select_n3A, %add3A_305 : i32
          %mul3A_307 = arith.constant 128 : i32
          %mul3A_308 = arith.muli %add3A_306, %mul3A_307 : i32
          %dma_start3A_309 = arith.constant 0 : i32
          %dma_start3A_310 = tpu.memref_slice %arg3[%dma_start3A_309, %mul3A_308] : memref<2x320000xi32, #tpu.memory_space<hbm>> -> memref<1x128xi32, #tpu.memory_space<hbm>>
          %dma_start3A_311 = tpu.memref_squeeze %dma_start3A_310 : memref<1x128xi32, #tpu.memory_space<hbm>> -> memref<128xi32, #tpu.memory_space<hbm>>
          %dma_start3A_312 = tpu.memref_slice %arg3[%dma_start3A_309, %mul3A_308] : memref<2x320000xi32, #tpu.memory_space<hbm>> -> memref<1x128xi32, #tpu.memory_space<hbm>>
          %dma_start3A_313 = tpu.memref_squeeze %dma_start3A_312 : memref<1x128xi32, #tpu.memory_space<hbm>> -> memref<128xi32, #tpu.memory_space<hbm>>
          tpu.enqueue_dma source(%dma_start3A_313 : memref<128xi32, #tpu.memory_space<hbm>>) target(%arg6 : memref<128xi32, #tpu.memory_space<vmem>>) target_semaphore(%arg22 : memref<!tpu.dma_semaphore, #tpu.memory_space<semaphore_mem>>)
          %dma_start3A_314 = arith.constant 1 : i32
          %dma_start3A_315 = tpu.memref_slice %arg3[%dma_start3A_314, %mul3A_308] : memref<2x320000xi32, #tpu.memory_space<hbm>> -> memref<1x128xi32, #tpu.memory_space<hbm>>
          %dma_start3A_316 = tpu.memref_squeeze %dma_start3A_315 : memref<1x128xi32, #tpu.memory_space<hbm>> -> memref<128xi32, #tpu.memory_space<hbm>>
          %dma_start3A_317 = tpu.memref_slice %arg3[%dma_start3A_314, %mul3A_308] : memref<2x320000xi32, #tpu.memory_space<hbm>> -> memref<1x128xi32, #tpu.memory_space<hbm>>
          %dma_start3A_318 = tpu.memref_squeeze %dma_start3A_317 : memref<1x128xi32, #tpu.memory_space<hbm>> -> memref<128xi32, #tpu.memory_space<hbm>>
          tpu.enqueue_dma source(%dma_start3A_318 : memref<128xi32, #tpu.memory_space<hbm>>) target(%arg12 : memref<128xi32, #tpu.memory_space<vmem>>) target_semaphore(%arg22 : memref<!tpu.dma_semaphore, #tpu.memory_space<semaphore_mem>>)
        } else {
        }
      } else {
      }
      %ge3A_161 = arith.constant 2 : i32
      %ge3A_162 = arith.cmpi sge, %add3A_151, %ge3A_161 : i32
      %sub3A_163 = arith.constant 2 : i32
      %sub3A_164 = arith.subi %add3A_151, %sub3A_163 : i32
      %lt3A_165 = arith.cmpi slt, %sub3A_164, %sub3A_60 : i32
      %and3A_166 = arith.andi %ge3A_162, %lt3A_165 : i1
      %convert_element_type3A_167 = arith.extui %and3A_166 : i1 to i32
      %cond3A_168 = arith.constant 0 : i32
      %cond3A_169 = arith.cmpi ne, %convert_element_type3A_167, %cond3A_168 : i32
      scf.if %cond3A_169 {
        %dma_wait3A_289 = arith.constant 0 : i32
        %dma_wait3A_290 = arith.constant 0 : i32
        %dma_wait3A_291 = tpu.memref_slice %arg21[%dma_wait3A_289, %dma_wait3A_290] : memref<10000x128xf32, #tpu.memory_space<vmem_shared>> -> memref<128x128xf32, #tpu.memory_space<vmem_shared>>
        %dma_wait3A_292 = arith.constant 0 : i32
        %dma_wait3A_293 = arith.constant 0 : i32
        %dma_wait3A_294 = tpu.memref_slice %arg21[%dma_wait3A_292, %dma_wait3A_293] : memref<10000x128xf32, #tpu.memory_space<vmem_shared>> -> memref<128x128xf32, #tpu.memory_space<vmem_shared>>
        tpu.wait_dma2 semaphore(%arg33 : memref<!tpu.dma_semaphore, #tpu.memory_space<semaphore_mem>>) src(%arg20 : memref<128x128xf32, #tpu.memory_space<vmem>>) dst(%dma_wait3A_294 : memref<128x128xf32, #tpu.memory_space<vmem_shared>>)
      } else {
      }
      %add3A_170 = arith.constant 1 : i32
      %add3A_171 = arith.addi %add3A_151, %add3A_170 : i32
      %lt3A_172 = arith.cmpi slt, %add3A_171, %sub3A_60 : i32
      %convert_element_type3A_173 = arith.extui %lt3A_172 : i1 to i32
      %cond3A_174 = arith.constant 0 : i32
      %cond3A_175 = arith.cmpi ne, %convert_element_type3A_173, %cond3A_174 : i32
      scf.if %cond3A_175 {
        %dma_wait3A_289 = arith.constant 0 : i32
        %dma_wait3A_290 = arith.constant 0 : i32
        %dma_wait3A_291 = tpu.memref_slice %arg3[%dma_wait3A_289, %dma_wait3A_290] : memref<2x320000xi32, #tpu.memory_space<hbm>> -> memref<1x128xi32, #tpu.memory_space<hbm>>
        %dma_wait3A_292 = tpu.memref_squeeze %dma_wait3A_291 : memref<1x128xi32, #tpu.memory_space<hbm>> -> memref<128xi32, #tpu.memory_space<hbm>>
        %dma_wait3A_293 = arith.constant 0 : i32
        %dma_wait3A_294 = tpu.memref_slice %arg3[%dma_wait3A_289, %dma_wait3A_293] : memref<2x320000xi32, #tpu.memory_space<hbm>> -> memref<1x128xi32, #tpu.memory_space<hbm>>
        %dma_wait3A_295 = tpu.memref_squeeze %dma_wait3A_294 : memref<1x128xi32, #tpu.memory_space<hbm>> -> memref<128xi32, #tpu.memory_space<hbm>>
        tpu.wait_dma2 semaphore(%arg24 : memref<!tpu.dma_semaphore, #tpu.memory_space<semaphore_mem>>) src(%dma_wait3A_295 : memref<128xi32, #tpu.memory_space<hbm>>) dst(%arg8 : memref<128xi32, #tpu.memory_space<vmem>>)
        %dma_wait3A_296 = arith.constant 0 : i32
        %dma_wait3A_297 = arith.constant 0 : i32
        %dma_wait3A_298 = tpu.memref_slice %arg3[%dma_wait3A_296, %dma_wait3A_297] : memref<2x320000xi32, #tpu.memory_space<hbm>> -> memref<1x128xi32, #tpu.memory_space<hbm>>
        %dma_wait3A_299 = tpu.memref_squeeze %dma_wait3A_298 : memref<1x128xi32, #tpu.memory_space<hbm>> -> memref<128xi32, #tpu.memory_space<hbm>>
        %dma_wait3A_300 = arith.constant 0 : i32
        %dma_wait3A_301 = tpu.memref_slice %arg3[%dma_wait3A_296, %dma_wait3A_300] : memref<2x320000xi32, #tpu.memory_space<hbm>> -> memref<1x128xi32, #tpu.memory_space<hbm>>
        %dma_wait3A_302 = tpu.memref_squeeze %dma_wait3A_301 : memref<1x128xi32, #tpu.memory_space<hbm>> -> memref<128xi32, #tpu.memory_space<hbm>>
        tpu.wait_dma2 semaphore(%arg24 : memref<!tpu.dma_semaphore, #tpu.memory_space<semaphore_mem>>) src(%dma_wait3A_302 : memref<128xi32, #tpu.memory_space<hbm>>) dst(%arg14 : memref<128xi32, #tpu.memory_space<vmem>>)
        %dma_start3A_303 = arith.constant 0 : i32
        %dma_start3A_304 = arith.constant 0 : i32
        %dma_start3A_305 = tpu.memref_slice %arg2[%dma_start3A_303, %dma_start3A_304] : memref<10000x128xf32, #tpu.memory_space<hbm>> -> memref<10000x128xf32, #tpu.memory_space<hbm>>
        tpu.enqueue_indirect_dma source(%dma_start3A_305 : memref<10000x128xf32, #tpu.memory_space<hbm>>) target(%arg20 : memref<128x128xf32, #tpu.memory_space<vmem>>) offsets(%arg8 : memref<128xi32, #tpu.memory_space<vmem>>) semaphore(%arg30 : memref<!tpu.dma_semaphore, #tpu.memory_space<semaphore_mem>>)
      } else {
      }
      %mul3A_176 = arith.constant 6 : i32
      %mul3A_177 = arith.muli %mul3A_176, %scan3A_120 : i32
      %add3A_178 = arith.constant 2 : i32
      %add3A_179 = arith.addi %mul3A_177, %add3A_178 : i32
      %ge3A_180 = arith.constant 1 : i32
      %ge3A_181 = arith.cmpi sge, %add3A_179, %ge3A_180 : i32
      %sub3A_182 = arith.constant 1 : i32
      %sub3A_183 = arith.subi %add3A_179, %sub3A_182 : i32
      %lt3A_184 = arith.cmpi slt, %sub3A_183, %sub3A_60 : i32
      %and3A_185 = arith.andi %ge3A_181, %lt3A_184 : i1
      %convert_element_type3A_186 = arith.extui %and3A_185 : i1 to i32
      %cond3A_187 = arith.constant 0 : i32
      %cond3A_188 = arith.cmpi ne, %convert_element_type3A_186, %cond3A_187 : i32
      scf.if %cond3A_188 {
        %dma_wait3A_289 = arith.constant 0 : i32
        %dma_wait3A_290 = arith.constant 0 : i32
        %dma_wait3A_291 = tpu.memref_slice %arg2[%dma_wait3A_289, %dma_wait3A_290] : memref<10000x128xf32, #tpu.memory_space<hbm>> -> memref<128x128xf32, #tpu.memory_space<hbm>>
        %dma_wait3A_292 = arith.constant 0 : i32
        %dma_wait3A_293 = arith.constant 0 : i32
        %dma_wait3A_294 = tpu.memref_slice %arg2[%dma_wait3A_292, %dma_wait3A_293] : memref<10000x128xf32, #tpu.memory_space<hbm>> -> memref<128x128xf32, #tpu.memory_space<hbm>>
        tpu.wait_dma2 semaphore(%arg29 : memref<!tpu.dma_semaphore, #tpu.memory_space<semaphore_mem>>) src(%dma_wait3A_294 : memref<128x128xf32, #tpu.memory_space<hbm>>) dst(%arg19 : memref<128x128xf32, #tpu.memory_space<vmem>>)
        %dma_start3A_295 = arith.constant 0 : i32
        %dma_start3A_296 = arith.constant 0 : i32
        %dma_start3A_297 = tpu.memref_slice %arg21[%dma_start3A_295, %dma_start3A_296] : memref<10000x128xf32, #tpu.memory_space<vmem_shared>> -> memref<10000x128xf32, #tpu.memory_space<vmem_shared>>
        tpu.enqueue_indirect_dma source(%arg19 : memref<128x128xf32, #tpu.memory_space<vmem>>) target(%dma_start3A_297 : memref<10000x128xf32, #tpu.memory_space<vmem_shared>>) offsets(%arg13 : memref<128xi32, #tpu.memory_space<vmem>>) semaphore(%arg32 : memref<!tpu.dma_semaphore, #tpu.memory_space<semaphore_mem>>) {add = true}
        %add3A_298 = arith.constant 5 : i32
        %add3A_299 = arith.addi %add3A_179, %add3A_298 : i32
        %lt3A_300 = arith.cmpi slt, %add3A_299, %sub3A_60 : i32
        %convert_element_type3A_301 = arith.extui %lt3A_300 : i1 to i32
        %cond3A_302 = arith.constant 0 : i32
        %cond3A_303 = arith.cmpi ne, %convert_element_type3A_301, %cond3A_302 : i32
        scf.if %cond3A_303 {
          %add3A_304 = arith.constant 5 : i32
          %add3A_305 = arith.addi %add3A_179, %add3A_304 : i32
          %add3A_306 = arith.addi %select_n3A, %add3A_305 : i32
          %mul3A_307 = arith.constant 128 : i32
          %mul3A_308 = arith.muli %add3A_306, %mul3A_307 : i32
          %dma_start3A_309 = arith.constant 0 : i32
          %dma_start3A_310 = tpu.memref_slice %arg3[%dma_start3A_309, %mul3A_308] : memref<2x320000xi32, #tpu.memory_space<hbm>> -> memref<1x128xi32, #tpu.memory_space<hbm>>
          %dma_start3A_311 = tpu.memref_squeeze %dma_start3A_310 : memref<1x128xi32, #tpu.memory_space<hbm>> -> memref<128xi32, #tpu.memory_space<hbm>>
          %dma_start3A_312 = tpu.memref_slice %arg3[%dma_start3A_309, %mul3A_308] : memref<2x320000xi32, #tpu.memory_space<hbm>> -> memref<1x128xi32, #tpu.memory_space<hbm>>
          %dma_start3A_313 = tpu.memref_squeeze %dma_start3A_312 : memref<1x128xi32, #tpu.memory_space<hbm>> -> memref<128xi32, #tpu.memory_space<hbm>>
          tpu.enqueue_dma source(%dma_start3A_313 : memref<128xi32, #tpu.memory_space<hbm>>) target(%arg7 : memref<128xi32, #tpu.memory_space<vmem>>) target_semaphore(%arg23 : memref<!tpu.dma_semaphore, #tpu.memory_space<semaphore_mem>>)
          %dma_start3A_314 = arith.constant 1 : i32
          %dma_start3A_315 = tpu.memref_slice %arg3[%dma_start3A_314, %mul3A_308] : memref<2x320000xi32, #tpu.memory_space<hbm>> -> memref<1x128xi32, #tpu.memory_space<hbm>>
          %dma_start3A_316 = tpu.memref_squeeze %dma_start3A_315 : memref<1x128xi32, #tpu.memory_space<hbm>> -> memref<128xi32, #tpu.memory_space<hbm>>
          %dma_start3A_317 = tpu.memref_slice %arg3[%dma_start3A_314, %mul3A_308] : memref<2x320000xi32, #tpu.memory_space<hbm>> -> memref<1x128xi32, #tpu.memory_space<hbm>>
          %dma_start3A_318 = tpu.memref_squeeze %dma_start3A_317 : memref<1x128xi32, #tpu.memory_space<hbm>> -> memref<128xi32, #tpu.memory_space<hbm>>
          tpu.enqueue_dma source(%dma_start3A_318 : memref<128xi32, #tpu.memory_space<hbm>>) target(%arg13 : memref<128xi32, #tpu.memory_space<vmem>>) target_semaphore(%arg23 : memref<!tpu.dma_semaphore, #tpu.memory_space<semaphore_mem>>)
        } else {
        }
      } else {
      }
      %ge3A_189 = arith.constant 2 : i32
      %ge3A_190 = arith.cmpi sge, %add3A_179, %ge3A_189 : i32
      %sub3A_191 = arith.constant 2 : i32
      %sub3A_192 = arith.subi %add3A_179, %sub3A_191 : i32
      %lt3A_193 = arith.cmpi slt, %sub3A_192, %sub3A_60 : i32
      %and3A_194 = arith.andi %ge3A_190, %lt3A_193 : i1
      %convert_element_type3A_195 = arith.extui %and3A_194 : i1 to i32
      %cond3A_196 = arith.constant 0 : i32
      %cond3A_197 = arith.cmpi ne, %convert_element_type3A_195, %cond3A_196 : i32
      scf.if %cond3A_197 {
        %dma_wait3A_289 = arith.constant 0 : i32
        %dma_wait3A_290 = arith.constant 0 : i32
        %dma_wait3A_291 = tpu.memref_slice %arg21[%dma_wait3A_289, %dma_wait3A_290] : memref<10000x128xf32, #tpu.memory_space<vmem_shared>> -> memref<128x128xf32, #tpu.memory_space<vmem_shared>>
        %dma_wait3A_292 = arith.constant 0 : i32
        %dma_wait3A_293 = arith.constant 0 : i32
        %dma_wait3A_294 = tpu.memref_slice %arg21[%dma_wait3A_292, %dma_wait3A_293] : memref<10000x128xf32, #tpu.memory_space<vmem_shared>> -> memref<128x128xf32, #tpu.memory_space<vmem_shared>>
        tpu.wait_dma2 semaphore(%arg31 : memref<!tpu.dma_semaphore, #tpu.memory_space<semaphore_mem>>) src(%arg18 : memref<128x128xf32, #tpu.memory_space<vmem>>) dst(%dma_wait3A_294 : memref<128x128xf32, #tpu.memory_space<vmem_shared>>)
      } else {
      }
      %add3A_198 = arith.constant 1 : i32
      %add3A_199 = arith.addi %add3A_179, %add3A_198 : i32
      %lt3A_200 = arith.cmpi slt, %add3A_199, %sub3A_60 : i32
      %convert_element_type3A_201 = arith.extui %lt3A_200 : i1 to i32
      %cond3A_202 = arith.constant 0 : i32
      %cond3A_203 = arith.cmpi ne, %convert_element_type3A_201, %cond3A_202 : i32
      scf.if %cond3A_203 {
        %dma_wait3A_289 = arith.constant 0 : i32
        %dma_wait3A_290 = arith.constant 0 : i32
        %dma_wait3A_291 = tpu.memref_slice %arg3[%dma_wait3A_289, %dma_wait3A_290] : memref<2x320000xi32, #tpu.memory_space<hbm>> -> memref<1x128xi32, #tpu.memory_space<hbm>>
        %dma_wait3A_292 = tpu.memref_squeeze %dma_wait3A_291 : memref<1x128xi32, #tpu.memory_space<hbm>> -> memref<128xi32, #tpu.memory_space<hbm>>
        %dma_wait3A_293 = arith.constant 0 : i32
        %dma_wait3A_294 = tpu.memref_slice %arg3[%dma_wait3A_289, %dma_wait3A_293] : memref<2x320000xi32, #tpu.memory_space<hbm>> -> memref<1x128xi32, #tpu.memory_space<hbm>>
        %dma_wait3A_295 = tpu.memref_squeeze %dma_wait3A_294 : memref<1x128xi32, #tpu.memory_space<hbm>> -> memref<128xi32, #tpu.memory_space<hbm>>
        tpu.wait_dma2 semaphore(%arg25 : memref<!tpu.dma_semaphore, #tpu.memory_space<semaphore_mem>>) src(%dma_wait3A_295 : memref<128xi32, #tpu.memory_space<hbm>>) dst(%arg9 : memref<128xi32, #tpu.memory_space<vmem>>)
        %dma_wait3A_296 = arith.constant 0 : i32
        %dma_wait3A_297 = arith.constant 0 : i32
        %dma_wait3A_298 = tpu.memref_slice %arg3[%dma_wait3A_296, %dma_wait3A_297] : memref<2x320000xi32, #tpu.memory_space<hbm>> -> memref<1x128xi32, #tpu.memory_space<hbm>>
        %dma_wait3A_299 = tpu.memref_squeeze %dma_wait3A_298 : memref<1x128xi32, #tpu.memory_space<hbm>> -> memref<128xi32, #tpu.memory_space<hbm>>
        %dma_wait3A_300 = arith.constant 0 : i32
        %dma_wait3A_301 = tpu.memref_slice %arg3[%dma_wait3A_296, %dma_wait3A_300] : memref<2x320000xi32, #tpu.memory_space<hbm>> -> memref<1x128xi32, #tpu.memory_space<hbm>>
        %dma_wait3A_302 = tpu.memref_squeeze %dma_wait3A_301 : memref<1x128xi32, #tpu.memory_space<hbm>> -> memref<128xi32, #tpu.memory_space<hbm>>
        tpu.wait_dma2 semaphore(%arg25 : memref<!tpu.dma_semaphore, #tpu.memory_space<semaphore_mem>>) src(%dma_wait3A_302 : memref<128xi32, #tpu.memory_space<hbm>>) dst(%arg15 : memref<128xi32, #tpu.memory_space<vmem>>)
        %dma_start3A_303 = arith.constant 0 : i32
        %dma_start3A_304 = arith.constant 0 : i32
        %dma_start3A_305 = tpu.memref_slice %arg2[%dma_start3A_303, %dma_start3A_304] : memref<10000x128xf32, #tpu.memory_space<hbm>> -> memref<10000x128xf32, #tpu.memory_space<hbm>>
        tpu.enqueue_indirect_dma source(%dma_start3A_305 : memref<10000x128xf32, #tpu.memory_space<hbm>>) target(%arg18 : memref<128x128xf32, #tpu.memory_space<vmem>>) offsets(%arg9 : memref<128xi32, #tpu.memory_space<vmem>>) semaphore(%arg28 : memref<!tpu.dma_semaphore, #tpu.memory_space<semaphore_mem>>)
      } else {
      }
      %mul3A_204 = arith.constant 6 : i32
      %mul3A_205 = arith.muli %mul3A_204, %scan3A_120 : i32
      %add3A_206 = arith.constant 3 : i32
      %add3A_207 = arith.addi %mul3A_205, %add3A_206 : i32
      %ge3A_208 = arith.constant 1 : i32
      %ge3A_209 = arith.cmpi sge, %add3A_207, %ge3A_208 : i32
      %sub3A_210 = arith.constant 1 : i32
      %sub3A_211 = arith.subi %add3A_207, %sub3A_210 : i32
      %lt3A_212 = arith.cmpi slt, %sub3A_211, %sub3A_60 : i32
      %and3A_213 = arith.andi %ge3A_209, %lt3A_212 : i1
      %convert_element_type3A_214 = arith.extui %and3A_213 : i1 to i32
      %cond3A_215 = arith.constant 0 : i32
      %cond3A_216 = arith.cmpi ne, %convert_element_type3A_214, %cond3A_215 : i32
      scf.if %cond3A_216 {
        %dma_wait3A_289 = arith.constant 0 : i32
        %dma_wait3A_290 = arith.constant 0 : i32
        %dma_wait3A_291 = tpu.memref_slice %arg2[%dma_wait3A_289, %dma_wait3A_290] : memref<10000x128xf32, #tpu.memory_space<hbm>> -> memref<128x128xf32, #tpu.memory_space<hbm>>
        %dma_wait3A_292 = arith.constant 0 : i32
        %dma_wait3A_293 = arith.constant 0 : i32
        %dma_wait3A_294 = tpu.memref_slice %arg2[%dma_wait3A_292, %dma_wait3A_293] : memref<10000x128xf32, #tpu.memory_space<hbm>> -> memref<128x128xf32, #tpu.memory_space<hbm>>
        tpu.wait_dma2 semaphore(%arg30 : memref<!tpu.dma_semaphore, #tpu.memory_space<semaphore_mem>>) src(%dma_wait3A_294 : memref<128x128xf32, #tpu.memory_space<hbm>>) dst(%arg20 : memref<128x128xf32, #tpu.memory_space<vmem>>)
        %dma_start3A_295 = arith.constant 0 : i32
        %dma_start3A_296 = arith.constant 0 : i32
        %dma_start3A_297 = tpu.memref_slice %arg21[%dma_start3A_295, %dma_start3A_296] : memref<10000x128xf32, #tpu.memory_space<vmem_shared>> -> memref<10000x128xf32, #tpu.memory_space<vmem_shared>>
        tpu.enqueue_indirect_dma source(%arg20 : memref<128x128xf32, #tpu.memory_space<vmem>>) target(%dma_start3A_297 : memref<10000x128xf32, #tpu.memory_space<vmem_shared>>) offsets(%arg14 : memref<128xi32, #tpu.memory_space<vmem>>) semaphore(%arg33 : memref<!tpu.dma_semaphore, #tpu.memory_space<semaphore_mem>>) {add = true}
        %add3A_298 = arith.constant 5 : i32
        %add3A_299 = arith.addi %add3A_207, %add3A_298 : i32
        %lt3A_300 = arith.cmpi slt, %add3A_299, %sub3A_60 : i32
        %convert_element_type3A_301 = arith.extui %lt3A_300 : i1 to i32
        %cond3A_302 = arith.constant 0 : i32
        %cond3A_303 = arith.cmpi ne, %convert_element_type3A_301, %cond3A_302 : i32
        scf.if %cond3A_303 {
          %add3A_304 = arith.constant 5 : i32
          %add3A_305 = arith.addi %add3A_207, %add3A_304 : i32
          %add3A_306 = arith.addi %select_n3A, %add3A_305 : i32
          %mul3A_307 = arith.constant 128 : i32
          %mul3A_308 = arith.muli %add3A_306, %mul3A_307 : i32
          %dma_start3A_309 = arith.constant 0 : i32
          %dma_start3A_310 = tpu.memref_slice %arg3[%dma_start3A_309, %mul3A_308] : memref<2x320000xi32, #tpu.memory_space<hbm>> -> memref<1x128xi32, #tpu.memory_space<hbm>>
          %dma_start3A_311 = tpu.memref_squeeze %dma_start3A_310 : memref<1x128xi32, #tpu.memory_space<hbm>> -> memref<128xi32, #tpu.memory_space<hbm>>
          %dma_start3A_312 = tpu.memref_slice %arg3[%dma_start3A_309, %mul3A_308] : memref<2x320000xi32, #tpu.memory_space<hbm>> -> memref<1x128xi32, #tpu.memory_space<hbm>>
          %dma_start3A_313 = tpu.memref_squeeze %dma_start3A_312 : memref<1x128xi32, #tpu.memory_space<hbm>> -> memref<128xi32, #tpu.memory_space<hbm>>
          tpu.enqueue_dma source(%dma_start3A_313 : memref<128xi32, #tpu.memory_space<hbm>>) target(%arg8 : memref<128xi32, #tpu.memory_space<vmem>>) target_semaphore(%arg24 : memref<!tpu.dma_semaphore, #tpu.memory_space<semaphore_mem>>)
          %dma_start3A_314 = arith.constant 1 : i32
          %dma_start3A_315 = tpu.memref_slice %arg3[%dma_start3A_314, %mul3A_308] : memref<2x320000xi32, #tpu.memory_space<hbm>> -> memref<1x128xi32, #tpu.memory_space<hbm>>
          %dma_start3A_316 = tpu.memref_squeeze %dma_start3A_315 : memref<1x128xi32, #tpu.memory_space<hbm>> -> memref<128xi32, #tpu.memory_space<hbm>>
          %dma_start3A_317 = tpu.memref_slice %arg3[%dma_start3A_314, %mul3A_308] : memref<2x320000xi32, #tpu.memory_space<hbm>> -> memref<1x128xi32, #tpu.memory_space<hbm>>
          %dma_start3A_318 = tpu.memref_squeeze %dma_start3A_317 : memref<1x128xi32, #tpu.memory_space<hbm>> -> memref<128xi32, #tpu.memory_space<hbm>>
          tpu.enqueue_dma source(%dma_start3A_318 : memref<128xi32, #tpu.memory_space<hbm>>) target(%arg14 : memref<128xi32, #tpu.memory_space<vmem>>) target_semaphore(%arg24 : memref<!tpu.dma_semaphore, #tpu.memory_space<semaphore_mem>>)
        } else {
        }
      } else {
      }
      %ge3A_217 = arith.constant 2 : i32
      %ge3A_218 = arith.cmpi sge, %add3A_207, %ge3A_217 : i32
      %sub3A_219 = arith.constant 2 : i32
      %sub3A_220 = arith.subi %add3A_207, %sub3A_219 : i32
      %lt3A_221 = arith.cmpi slt, %sub3A_220, %sub3A_60 : i32
      %and3A_222 = arith.andi %ge3A_218, %lt3A_221 : i1
      %convert_element_type3A_223 = arith.extui %and3A_222 : i1 to i32
      %cond3A_224 = arith.constant 0 : i32
      %cond3A_225 = arith.cmpi ne, %convert_element_type3A_223, %cond3A_224 : i32
      scf.if %cond3A_225 {
        %dma_wait3A_289 = arith.constant 0 : i32
        %dma_wait3A_290 = arith.constant 0 : i32
        %dma_wait3A_291 = tpu.memref_slice %arg21[%dma_wait3A_289, %dma_wait3A_290] : memref<10000x128xf32, #tpu.memory_space<vmem_shared>> -> memref<128x128xf32, #tpu.memory_space<vmem_shared>>
        %dma_wait3A_292 = arith.constant 0 : i32
        %dma_wait3A_293 = arith.constant 0 : i32
        %dma_wait3A_294 = tpu.memref_slice %arg21[%dma_wait3A_292, %dma_wait3A_293] : memref<10000x128xf32, #tpu.memory_space<vmem_shared>> -> memref<128x128xf32, #tpu.memory_space<vmem_shared>>
        tpu.wait_dma2 semaphore(%arg32 : memref<!tpu.dma_semaphore, #tpu.memory_space<semaphore_mem>>) src(%arg19 : memref<128x128xf32, #tpu.memory_space<vmem>>) dst(%dma_wait3A_294 : memref<128x128xf32, #tpu.memory_space<vmem_shared>>)
      } else {
      }
      %add3A_226 = arith.constant 1 : i32
      %add3A_227 = arith.addi %add3A_207, %add3A_226 : i32
      %lt3A_228 = arith.cmpi slt, %add3A_227, %sub3A_60 : i32
      %convert_element_type3A_229 = arith.extui %lt3A_228 : i1 to i32
      %cond3A_230 = arith.constant 0 : i32
      %cond3A_231 = arith.cmpi ne, %convert_element_type3A_229, %cond3A_230 : i32
      scf.if %cond3A_231 {
        %dma_wait3A_289 = arith.constant 0 : i32
        %dma_wait3A_290 = arith.constant 0 : i32
        %dma_wait3A_291 = tpu.memref_slice %arg3[%dma_wait3A_289, %dma_wait3A_290] : memref<2x320000xi32, #tpu.memory_space<hbm>> -> memref<1x128xi32, #tpu.memory_space<hbm>>
        %dma_wait3A_292 = tpu.memref_squeeze %dma_wait3A_291 : memref<1x128xi32, #tpu.memory_space<hbm>> -> memref<128xi32, #tpu.memory_space<hbm>>
        %dma_wait3A_293 = arith.constant 0 : i32
        %dma_wait3A_294 = tpu.memref_slice %arg3[%dma_wait3A_289, %dma_wait3A_293] : memref<2x320000xi32, #tpu.memory_space<hbm>> -> memref<1x128xi32, #tpu.memory_space<hbm>>
        %dma_wait3A_295 = tpu.memref_squeeze %dma_wait3A_294 : memref<1x128xi32, #tpu.memory_space<hbm>> -> memref<128xi32, #tpu.memory_space<hbm>>
        tpu.wait_dma2 semaphore(%arg26 : memref<!tpu.dma_semaphore, #tpu.memory_space<semaphore_mem>>) src(%dma_wait3A_295 : memref<128xi32, #tpu.memory_space<hbm>>) dst(%arg10 : memref<128xi32, #tpu.memory_space<vmem>>)
        %dma_wait3A_296 = arith.constant 0 : i32
        %dma_wait3A_297 = arith.constant 0 : i32
        %dma_wait3A_298 = tpu.memref_slice %arg3[%dma_wait3A_296, %dma_wait3A_297] : memref<2x320000xi32, #tpu.memory_space<hbm>> -> memref<1x128xi32, #tpu.memory_space<hbm>>
        %dma_wait3A_299 = tpu.memref_squeeze %dma_wait3A_298 : memref<1x128xi32, #tpu.memory_space<hbm>> -> memref<128xi32, #tpu.memory_space<hbm>>
        %dma_wait3A_300 = arith.constant 0 : i32
        %dma_wait3A_301 = tpu.memref_slice %arg3[%dma_wait3A_296, %dma_wait3A_300] : memref<2x320000xi32, #tpu.memory_space<hbm>> -> memref<1x128xi32, #tpu.memory_space<hbm>>
        %dma_wait3A_302 = tpu.memref_squeeze %dma_wait3A_301 : memref<1x128xi32, #tpu.memory_space<hbm>> -> memref<128xi32, #tpu.memory_space<hbm>>
        tpu.wait_dma2 semaphore(%arg26 : memref<!tpu.dma_semaphore, #tpu.memory_space<semaphore_mem>>) src(%dma_wait3A_302 : memref<128xi32, #tpu.memory_space<hbm>>) dst(%arg16 : memref<128xi32, #tpu.memory_space<vmem>>)
        %dma_start3A_303 = arith.constant 0 : i32
        %dma_start3A_304 = arith.constant 0 : i32
        %dma_start3A_305 = tpu.memref_slice %arg2[%dma_start3A_303, %dma_start3A_304] : memref<10000x128xf32, #tpu.memory_space<hbm>> -> memref<10000x128xf32, #tpu.memory_space<hbm>>
        tpu.enqueue_indirect_dma source(%dma_start3A_305 : memref<10000x128xf32, #tpu.memory_space<hbm>>) target(%arg19 : memref<128x128xf32, #tpu.memory_space<vmem>>) offsets(%arg10 : memref<128xi32, #tpu.memory_space<vmem>>) semaphore(%arg29 : memref<!tpu.dma_semaphore, #tpu.memory_space<semaphore_mem>>)
      } else {
      }
      %mul3A_232 = arith.constant 6 : i32
      %mul3A_233 = arith.muli %mul3A_232, %scan3A_120 : i32
      %add3A_234 = arith.constant 4 : i32
      %add3A_235 = arith.addi %mul3A_233, %add3A_234 : i32
      %ge3A_236 = arith.constant 1 : i32
      %ge3A_237 = arith.cmpi sge, %add3A_235, %ge3A_236 : i32
      %sub3A_238 = arith.constant 1 : i32
      %sub3A_239 = arith.subi %add3A_235, %sub3A_238 : i32
      %lt3A_240 = arith.cmpi slt, %sub3A_239, %sub3A_60 : i32
      %and3A_241 = arith.andi %ge3A_237, %lt3A_240 : i1
      %convert_element_type3A_242 = arith.extui %and3A_241 : i1 to i32
      %cond3A_243 = arith.constant 0 : i32
      %cond3A_244 = arith.cmpi ne, %convert_element_type3A_242, %cond3A_243 : i32
      scf.if %cond3A_244 {
        %dma_wait3A_289 = arith.constant 0 : i32
        %dma_wait3A_290 = arith.constant 0 : i32
        %dma_wait3A_291 = tpu.memref_slice %arg2[%dma_wait3A_289, %dma_wait3A_290] : memref<10000x128xf32, #tpu.memory_space<hbm>> -> memref<128x128xf32, #tpu.memory_space<hbm>>
        %dma_wait3A_292 = arith.constant 0 : i32
        %dma_wait3A_293 = arith.constant 0 : i32
        %dma_wait3A_294 = tpu.memref_slice %arg2[%dma_wait3A_292, %dma_wait3A_293] : memref<10000x128xf32, #tpu.memory_space<hbm>> -> memref<128x128xf32, #tpu.memory_space<hbm>>
        tpu.wait_dma2 semaphore(%arg28 : memref<!tpu.dma_semaphore, #tpu.memory_space<semaphore_mem>>) src(%dma_wait3A_294 : memref<128x128xf32, #tpu.memory_space<hbm>>) dst(%arg18 : memref<128x128xf32, #tpu.memory_space<vmem>>)
        %dma_start3A_295 = arith.constant 0 : i32
        %dma_start3A_296 = arith.constant 0 : i32
        %dma_start3A_297 = tpu.memref_slice %arg21[%dma_start3A_295, %dma_start3A_296] : memref<10000x128xf32, #tpu.memory_space<vmem_shared>> -> memref<10000x128xf32, #tpu.memory_space<vmem_shared>>
        tpu.enqueue_indirect_dma source(%arg18 : memref<128x128xf32, #tpu.memory_space<vmem>>) target(%dma_start3A_297 : memref<10000x128xf32, #tpu.memory_space<vmem_shared>>) offsets(%arg15 : memref<128xi32, #tpu.memory_space<vmem>>) semaphore(%arg31 : memref<!tpu.dma_semaphore, #tpu.memory_space<semaphore_mem>>) {add = true}
        %add3A_298 = arith.constant 5 : i32
        %add3A_299 = arith.addi %add3A_235, %add3A_298 : i32
        %lt3A_300 = arith.cmpi slt, %add3A_299, %sub3A_60 : i32
        %convert_element_type3A_301 = arith.extui %lt3A_300 : i1 to i32
        %cond3A_302 = arith.constant 0 : i32
        %cond3A_303 = arith.cmpi ne, %convert_element_type3A_301, %cond3A_302 : i32
        scf.if %cond3A_303 {
          %add3A_304 = arith.constant 5 : i32
          %add3A_305 = arith.addi %add3A_235, %add3A_304 : i32
          %add3A_306 = arith.addi %select_n3A, %add3A_305 : i32
          %mul3A_307 = arith.constant 128 : i32
          %mul3A_308 = arith.muli %add3A_306, %mul3A_307 : i32
          %dma_start3A_309 = arith.constant 0 : i32
          %dma_start3A_310 = tpu.memref_slice %arg3[%dma_start3A_309, %mul3A_308] : memref<2x320000xi32, #tpu.memory_space<hbm>> -> memref<1x128xi32, #tpu.memory_space<hbm>>
          %dma_start3A_311 = tpu.memref_squeeze %dma_start3A_310 : memref<1x128xi32, #tpu.memory_space<hbm>> -> memref<128xi32, #tpu.memory_space<hbm>>
          %dma_start3A_312 = tpu.memref_slice %arg3[%dma_start3A_309, %mul3A_308] : memref<2x320000xi32, #tpu.memory_space<hbm>> -> memref<1x128xi32, #tpu.memory_space<hbm>>
          %dma_start3A_313 = tpu.memref_squeeze %dma_start3A_312 : memref<1x128xi32, #tpu.memory_space<hbm>> -> memref<128xi32, #tpu.memory_space<hbm>>
          tpu.enqueue_dma source(%dma_start3A_313 : memref<128xi32, #tpu.memory_space<hbm>>) target(%arg9 : memref<128xi32, #tpu.memory_space<vmem>>) target_semaphore(%arg25 : memref<!tpu.dma_semaphore, #tpu.memory_space<semaphore_mem>>)
          %dma_start3A_314 = arith.constant 1 : i32
          %dma_start3A_315 = tpu.memref_slice %arg3[%dma_start3A_314, %mul3A_308] : memref<2x320000xi32, #tpu.memory_space<hbm>> -> memref<1x128xi32, #tpu.memory_space<hbm>>
          %dma_start3A_316 = tpu.memref_squeeze %dma_start3A_315 : memref<1x128xi32, #tpu.memory_space<hbm>> -> memref<128xi32, #tpu.memory_space<hbm>>
          %dma_start3A_317 = tpu.memref_slice %arg3[%dma_start3A_314, %mul3A_308] : memref<2x320000xi32, #tpu.memory_space<hbm>> -> memref<1x128xi32, #tpu.memory_space<hbm>>
          %dma_start3A_318 = tpu.memref_squeeze %dma_start3A_317 : memref<1x128xi32, #tpu.memory_space<hbm>> -> memref<128xi32, #tpu.memory_space<hbm>>
          tpu.enqueue_dma source(%dma_start3A_318 : memref<128xi32, #tpu.memory_space<hbm>>) target(%arg15 : memref<128xi32, #tpu.memory_space<vmem>>) target_semaphore(%arg25 : memref<!tpu.dma_semaphore, #tpu.memory_space<semaphore_mem>>)
        } else {
        }
      } else {
      }
      %ge3A_245 = arith.constant 2 : i32
      %ge3A_246 = arith.cmpi sge, %add3A_235, %ge3A_245 : i32
      %sub3A_247 = arith.constant 2 : i32
      %sub3A_248 = arith.subi %add3A_235, %sub3A_247 : i32
      %lt3A_249 = arith.cmpi slt, %sub3A_248, %sub3A_60 : i32
      %and3A_250 = arith.andi %ge3A_246, %lt3A_249 : i1
      %convert_element_type3A_251 = arith.extui %and3A_250 : i1 to i32
      %cond3A_252 = arith.constant 0 : i32
      %cond3A_253 = arith.cmpi ne, %convert_element_type3A_251, %cond3A_252 : i32
      scf.if %cond3A_253 {
        %dma_wait3A_289 = arith.constant 0 : i32
        %dma_wait3A_290 = arith.constant 0 : i32
        %dma_wait3A_291 = tpu.memref_slice %arg21[%dma_wait3A_289, %dma_wait3A_290] : memref<10000x128xf32, #tpu.memory_space<vmem_shared>> -> memref<128x128xf32, #tpu.memory_space<vmem_shared>>
        %dma_wait3A_292 = arith.constant 0 : i32
        %dma_wait3A_293 = arith.constant 0 : i32
        %dma_wait3A_294 = tpu.memref_slice %arg21[%dma_wait3A_292, %dma_wait3A_293] : memref<10000x128xf32, #tpu.memory_space<vmem_shared>> -> memref<128x128xf32, #tpu.memory_space<vmem_shared>>
        tpu.wait_dma2 semaphore(%arg33 : memref<!tpu.dma_semaphore, #tpu.memory_space<semaphore_mem>>) src(%arg20 : memref<128x128xf32, #tpu.memory_space<vmem>>) dst(%dma_wait3A_294 : memref<128x128xf32, #tpu.memory_space<vmem_shared>>)
      } else {
      }
      %add3A_254 = arith.constant 1 : i32
      %add3A_255 = arith.addi %add3A_235, %add3A_254 : i32
      %lt3A_256 = arith.cmpi slt, %add3A_255, %sub3A_60 : i32
      %convert_element_type3A_257 = arith.extui %lt3A_256 : i1 to i32
      %cond3A_258 = arith.constant 0 : i32
      %cond3A_259 = arith.cmpi ne, %convert_element_type3A_257, %cond3A_258 : i32
      scf.if %cond3A_259 {
        %dma_wait3A_289 = arith.constant 0 : i32
        %dma_wait3A_290 = arith.constant 0 : i32
        %dma_wait3A_291 = tpu.memref_slice %arg3[%dma_wait3A_289, %dma_wait3A_290] : memref<2x320000xi32, #tpu.memory_space<hbm>> -> memref<1x128xi32, #tpu.memory_space<hbm>>
        %dma_wait3A_292 = tpu.memref_squeeze %dma_wait3A_291 : memref<1x128xi32, #tpu.memory_space<hbm>> -> memref<128xi32, #tpu.memory_space<hbm>>
        %dma_wait3A_293 = arith.constant 0 : i32
        %dma_wait3A_294 = tpu.memref_slice %arg3[%dma_wait3A_289, %dma_wait3A_293] : memref<2x320000xi32, #tpu.memory_space<hbm>> -> memref<1x128xi32, #tpu.memory_space<hbm>>
        %dma_wait3A_295 = tpu.memref_squeeze %dma_wait3A_294 : memref<1x128xi32, #tpu.memory_space<hbm>> -> memref<128xi32, #tpu.memory_space<hbm>>
        tpu.wait_dma2 semaphore(%arg27 : memref<!tpu.dma_semaphore, #tpu.memory_space<semaphore_mem>>) src(%dma_wait3A_295 : memref<128xi32, #tpu.memory_space<hbm>>) dst(%arg11 : memref<128xi32, #tpu.memory_space<vmem>>)
        %dma_wait3A_296 = arith.constant 0 : i32
        %dma_wait3A_297 = arith.constant 0 : i32
        %dma_wait3A_298 = tpu.memref_slice %arg3[%dma_wait3A_296, %dma_wait3A_297] : memref<2x320000xi32, #tpu.memory_space<hbm>> -> memref<1x128xi32, #tpu.memory_space<hbm>>
        %dma_wait3A_299 = tpu.memref_squeeze %dma_wait3A_298 : memref<1x128xi32, #tpu.memory_space<hbm>> -> memref<128xi32, #tpu.memory_space<hbm>>
        %dma_wait3A_300 = arith.constant 0 : i32
        %dma_wait3A_301 = tpu.memref_slice %arg3[%dma_wait3A_296, %dma_wait3A_300] : memref<2x320000xi32, #tpu.memory_space<hbm>> -> memref<1x128xi32, #tpu.memory_space<hbm>>
        %dma_wait3A_302 = tpu.memref_squeeze %dma_wait3A_301 : memref<1x128xi32, #tpu.memory_space<hbm>> -> memref<128xi32, #tpu.memory_space<hbm>>
        tpu.wait_dma2 semaphore(%arg27 : memref<!tpu.dma_semaphore, #tpu.memory_space<semaphore_mem>>) src(%dma_wait3A_302 : memref<128xi32, #tpu.memory_space<hbm>>) dst(%arg17 : memref<128xi32, #tpu.memory_space<vmem>>)
        %dma_start3A_303 = arith.constant 0 : i32
        %dma_start3A_304 = arith.constant 0 : i32
        %dma_start3A_305 = tpu.memref_slice %arg2[%dma_start3A_303, %dma_start3A_304] : memref<10000x128xf32, #tpu.memory_space<hbm>> -> memref<10000x128xf32, #tpu.memory_space<hbm>>
        tpu.enqueue_indirect_dma source(%dma_start3A_305 : memref<10000x128xf32, #tpu.memory_space<hbm>>) target(%arg20 : memref<128x128xf32, #tpu.memory_space<vmem>>) offsets(%arg11 : memref<128xi32, #tpu.memory_space<vmem>>) semaphore(%arg30 : memref<!tpu.dma_semaphore, #tpu.memory_space<semaphore_mem>>)
      } else {
      }
      %mul3A_260 = arith.constant 6 : i32
      %mul3A_261 = arith.muli %mul3A_260, %scan3A_120 : i32
      %add3A_262 = arith.constant 5 : i32
      %add3A_263 = arith.addi %mul3A_261, %add3A_262 : i32
      %ge3A_264 = arith.constant 1 : i32
      %ge3A_265 = arith.cmpi sge, %add3A_263, %ge3A_264 : i32
      %sub3A_266 = arith.constant 1 : i32
      %sub3A_267 = arith.subi %add3A_263, %sub3A_266 : i32
      %lt3A_268 = arith.cmpi slt, %sub3A_267, %sub3A_60 : i32
      %and3A_269 = arith.andi %ge3A_265, %lt3A_268 : i1
      %convert_element_type3A_270 = arith.extui %and3A_269 : i1 to i32
      %cond3A_271 = arith.constant 0 : i32
      %cond3A_272 = arith.cmpi ne, %convert_element_type3A_270, %cond3A_271 : i32
      scf.if %cond3A_272 {
        %dma_wait3A_289 = arith.constant 0 : i32
        %dma_wait3A_290 = arith.constant 0 : i32
        %dma_wait3A_291 = tpu.memref_slice %arg2[%dma_wait3A_289, %dma_wait3A_290] : memref<10000x128xf32, #tpu.memory_space<hbm>> -> memref<128x128xf32, #tpu.memory_space<hbm>>
        %dma_wait3A_292 = arith.constant 0 : i32
        %dma_wait3A_293 = arith.constant 0 : i32
        %dma_wait3A_294 = tpu.memref_slice %arg2[%dma_wait3A_292, %dma_wait3A_293] : memref<10000x128xf32, #tpu.memory_space<hbm>> -> memref<128x128xf32, #tpu.memory_space<hbm>>
        tpu.wait_dma2 semaphore(%arg29 : memref<!tpu.dma_semaphore, #tpu.memory_space<semaphore_mem>>) src(%dma_wait3A_294 : memref<128x128xf32, #tpu.memory_space<hbm>>) dst(%arg19 : memref<128x128xf32, #tpu.memory_space<vmem>>)
        %dma_start3A_295 = arith.constant 0 : i32
        %dma_start3A_296 = arith.constant 0 : i32
        %dma_start3A_297 = tpu.memref_slice %arg21[%dma_start3A_295, %dma_start3A_296] : memref<10000x128xf32, #tpu.memory_space<vmem_shared>> -> memref<10000x128xf32, #tpu.memory_space<vmem_shared>>
        tpu.enqueue_indirect_dma source(%arg19 : memref<128x128xf32, #tpu.memory_space<vmem>>) target(%dma_start3A_297 : memref<10000x128xf32, #tpu.memory_space<vmem_shared>>) offsets(%arg16 : memref<128xi32, #tpu.memory_space<vmem>>) semaphore(%arg32 : memref<!tpu.dma_semaphore, #tpu.memory_space<semaphore_mem>>) {add = true}
        %add3A_298 = arith.constant 5 : i32
        %add3A_299 = arith.addi %add3A_263, %add3A_298 : i32
        %lt3A_300 = arith.cmpi slt, %add3A_299, %sub3A_60 : i32
        %convert_element_type3A_301 = arith.extui %lt3A_300 : i1 to i32
        %cond3A_302 = arith.constant 0 : i32
        %cond3A_303 = arith.cmpi ne, %convert_element_type3A_301, %cond3A_302 : i32
        scf.if %cond3A_303 {
          %add3A_304 = arith.constant 5 : i32
          %add3A_305 = arith.addi %add3A_263, %add3A_304 : i32
          %add3A_306 = arith.addi %select_n3A, %add3A_305 : i32
          %mul3A_307 = arith.constant 128 : i32
          %mul3A_308 = arith.muli %add3A_306, %mul3A_307 : i32
          %dma_start3A_309 = arith.constant 0 : i32
          %dma_start3A_310 = tpu.memref_slice %arg3[%dma_start3A_309, %mul3A_308] : memref<2x320000xi32, #tpu.memory_space<hbm>> -> memref<1x128xi32, #tpu.memory_space<hbm>>
          %dma_start3A_311 = tpu.memref_squeeze %dma_start3A_310 : memref<1x128xi32, #tpu.memory_space<hbm>> -> memref<128xi32, #tpu.memory_space<hbm>>
          %dma_start3A_312 = tpu.memref_slice %arg3[%dma_start3A_309, %mul3A_308] : memref<2x320000xi32, #tpu.memory_space<hbm>> -> memref<1x128xi32, #tpu.memory_space<hbm>>
          %dma_start3A_313 = tpu.memref_squeeze %dma_start3A_312 : memref<1x128xi32, #tpu.memory_space<hbm>> -> memref<128xi32, #tpu.memory_space<hbm>>
          tpu.enqueue_dma source(%dma_start3A_313 : memref<128xi32, #tpu.memory_space<hbm>>) target(%arg10 : memref<128xi32, #tpu.memory_space<vmem>>) target_semaphore(%arg26 : memref<!tpu.dma_semaphore, #tpu.memory_space<semaphore_mem>>)
          %dma_start3A_314 = arith.constant 1 : i32
          %dma_start3A_315 = tpu.memref_slice %arg3[%dma_start3A_314, %mul3A_308] : memref<2x320000xi32, #tpu.memory_space<hbm>> -> memref<1x128xi32, #tpu.memory_space<hbm>>
          %dma_start3A_316 = tpu.memref_squeeze %dma_start3A_315 : memref<1x128xi32, #tpu.memory_space<hbm>> -> memref<128xi32, #tpu.memory_space<hbm>>
          %dma_start3A_317 = tpu.memref_slice %arg3[%dma_start3A_314, %mul3A_308] : memref<2x320000xi32, #tpu.memory_space<hbm>> -> memref<1x128xi32, #tpu.memory_space<hbm>>
          %dma_start3A_318 = tpu.memref_squeeze %dma_start3A_317 : memref<1x128xi32, #tpu.memory_space<hbm>> -> memref<128xi32, #tpu.memory_space<hbm>>
          tpu.enqueue_dma source(%dma_start3A_318 : memref<128xi32, #tpu.memory_space<hbm>>) target(%arg16 : memref<128xi32, #tpu.memory_space<vmem>>) target_semaphore(%arg26 : memref<!tpu.dma_semaphore, #tpu.memory_space<semaphore_mem>>)
        } else {
        }
      } else {
      }
      %ge3A_273 = arith.constant 2 : i32
      %ge3A_274 = arith.cmpi sge, %add3A_263, %ge3A_273 : i32
      %sub3A_275 = arith.constant 2 : i32
      %sub3A_276 = arith.subi %add3A_263, %sub3A_275 : i32
      %lt3A_277 = arith.cmpi slt, %sub3A_276, %sub3A_60 : i32
      %and3A_278 = arith.andi %ge3A_274, %lt3A_277 : i1
      %convert_element_type3A_279 = arith.extui %and3A_278 : i1 to i32
      %cond3A_280 = arith.constant 0 : i32
      %cond3A_281 = arith.cmpi ne, %convert_element_type3A_279, %cond3A_280 : i32
      scf.if %cond3A_281 {
        %dma_wait3A_289 = arith.constant 0 : i32
        %dma_wait3A_290 = arith.constant 0 : i32
        %dma_wait3A_291 = tpu.memref_slice %arg21[%dma_wait3A_289, %dma_wait3A_290] : memref<10000x128xf32, #tpu.memory_space<vmem_shared>> -> memref<128x128xf32, #tpu.memory_space<vmem_shared>>
        %dma_wait3A_292 = arith.constant 0 : i32
        %dma_wait3A_293 = arith.constant 0 : i32
        %dma_wait3A_294 = tpu.memref_slice %arg21[%dma_wait3A_292, %dma_wait3A_293] : memref<10000x128xf32, #tpu.memory_space<vmem_shared>> -> memref<128x128xf32, #tpu.memory_space<vmem_shared>>
        tpu.wait_dma2 semaphore(%arg31 : memref<!tpu.dma_semaphore, #tpu.memory_space<semaphore_mem>>) src(%arg18 : memref<128x128xf32, #tpu.memory_space<vmem>>) dst(%dma_wait3A_294 : memref<128x128xf32, #tpu.memory_space<vmem_shared>>)
      } else {
      }
      %add3A_282 = arith.constant 1 : i32
      %add3A_283 = arith.addi %add3A_263, %add3A_282 : i32
      %lt3A_284 = arith.cmpi slt, %add3A_283, %sub3A_60 : i32
      %convert_element_type3A_285 = arith.extui %lt3A_284 : i1 to i32
      %cond3A_286 = arith.constant 0 : i32
      %cond3A_287 = arith.cmpi ne, %convert_element_type3A_285, %cond3A_286 : i32
      scf.if %cond3A_287 {
        %dma_wait3A_289 = arith.constant 0 : i32
        %dma_wait3A_290 = arith.constant 0 : i32
        %dma_wait3A_291 = tpu.memref_slice %arg3[%dma_wait3A_289, %dma_wait3A_290] : memref<2x320000xi32, #tpu.memory_space<hbm>> -> memref<1x128xi32, #tpu.memory_space<hbm>>
        %dma_wait3A_292 = tpu.memref_squeeze %dma_wait3A_291 : memref<1x128xi32, #tpu.memory_space<hbm>> -> memref<128xi32, #tpu.memory_space<hbm>>
        %dma_wait3A_293 = arith.constant 0 : i32
        %dma_wait3A_294 = tpu.memref_slice %arg3[%dma_wait3A_289, %dma_wait3A_293] : memref<2x320000xi32, #tpu.memory_space<hbm>> -> memref<1x128xi32, #tpu.memory_space<hbm>>
        %dma_wait3A_295 = tpu.memref_squeeze %dma_wait3A_294 : memref<1x128xi32, #tpu.memory_space<hbm>> -> memref<128xi32, #tpu.memory_space<hbm>>
        tpu.wait_dma2 semaphore(%arg22 : memref<!tpu.dma_semaphore, #tpu.memory_space<semaphore_mem>>) src(%dma_wait3A_295 : memref<128xi32, #tpu.memory_space<hbm>>) dst(%arg6 : memref<128xi32, #tpu.memory_space<vmem>>)
        %dma_wait3A_296 = arith.constant 0 : i32
        %dma_wait3A_297 = arith.constant 0 : i32
        %dma_wait3A_298 = tpu.memref_slice %arg3[%dma_wait3A_296, %dma_wait3A_297] : memref<2x320000xi32, #tpu.memory_space<hbm>> -> memref<1x128xi32, #tpu.memory_space<hbm>>
        %dma_wait3A_299 = tpu.memref_squeeze %dma_wait3A_298 : memref<1x128xi32, #tpu.memory_space<hbm>> -> memref<128xi32, #tpu.memory_space<hbm>>
        %dma_wait3A_300 = arith.constant 0 : i32
        %dma_wait3A_301 = tpu.memref_slice %arg3[%dma_wait3A_296, %dma_wait3A_300] : memref<2x320000xi32, #tpu.memory_space<hbm>> -> memref<1x128xi32, #tpu.memory_space<hbm>>
        %dma_wait3A_302 = tpu.memref_squeeze %dma_wait3A_301 : memref<1x128xi32, #tpu.memory_space<hbm>> -> memref<128xi32, #tpu.memory_space<hbm>>
        tpu.wait_dma2 semaphore(%arg22 : memref<!tpu.dma_semaphore, #tpu.memory_space<semaphore_mem>>) src(%dma_wait3A_302 : memref<128xi32, #tpu.memory_space<hbm>>) dst(%arg12 : memref<128xi32, #tpu.memory_space<vmem>>)
        %dma_start3A_303 = arith.constant 0 : i32
        %dma_start3A_304 = arith.constant 0 : i32
        %dma_start3A_305 = tpu.memref_slice %arg2[%dma_start3A_303, %dma_start3A_304] : memref<10000x128xf32, #tpu.memory_space<hbm>> -> memref<10000x128xf32, #tpu.memory_space<hbm>>
        tpu.enqueue_indirect_dma source(%dma_start3A_305 : memref<10000x128xf32, #tpu.memory_space<hbm>>) target(%arg18 : memref<128x128xf32, #tpu.memory_space<vmem>>) offsets(%arg6 : memref<128xi32, #tpu.memory_space<vmem>>) semaphore(%arg28 : memref<!tpu.dma_semaphore, #tpu.memory_space<semaphore_mem>>)
      } else {
      }
      %scan3A_288 = arith.constant 0 : i32
      scf.yield %scan3A_288 : i32
    }
    %scan3A_109 = arith.constant 14 : i32
    %barrier3A_110 = arith.constant 0 : index
    tpu.barrier barrier_id(%barrier3A_110)
    %eq3A = arith.constant 0 : i32
    %eq3A_111 = arith.cmpi eq, %arg0, %eq3A : i32
    %convert_element_type3A_112 = arith.extui %eq3A_111 : i1 to i32
    %cond3A_113 = arith.constant 0 : i32
    %cond3A_114 = arith.cmpi ne, %convert_element_type3A_112, %cond3A_113 : i32
    scf.if %cond3A_114 {
      %scan3A_120 = arith.constant 0 : i32
      %scan3A_121 = arith.constant 0 : i32
      %scan3A_122 = arith.constant 5 : i32
      %scan3A_123 = arith.addi %scan3A_121, %scan3A_122 : i32
      %scan3A_124 = arith.constant 1 : i32
      %scan3A_125 = scf.for %scan3A_127 = %scan3A_121 to %scan3A_123 step %scan3A_124 iter_args(%scan3A_128 = %scan3A_120) -> (i32)  : i32 {
        %mul3A_129 = arith.constant 16 : i32
        %mul3A_130 = arith.muli %mul3A_129, %scan3A_127 : i32
        %add3A_131 = arith.addi %arg1, %mul3A_130 : i32
        %mul3A_132 = arith.constant 128 : i32
        %mul3A_133 = arith.muli %add3A_131, %mul3A_132 : i32
        %lt3A = arith.constant 78 : i32
        %lt3A_134 = arith.cmpi slt, %add3A_131, %lt3A : i32
        %convert_element_type3A_135 = arith.extui %lt3A_134 : i1 to i32
        %cond3A_136 = arith.constant 0 : i32
        %cond3A_137 = arith.cmpi ne, %convert_element_type3A_135, %cond3A_136 : i32
        scf.if %cond3A_137 {
          "tpu.region"() ({
            %run_scoped3A = tpu.sem_alloc : memref<!tpu.dma_semaphore, #tpu.memory_space<semaphore_mem>>
            %dma_start3A_144 = arith.constant 0 : i32
            %dma_start3A_145 = tpu.memref_slice %arg21[%mul3A_133, %dma_start3A_144] : memref<10000x128xf32, #tpu.memory_space<vmem_shared>> -> memref<128x128xf32, #tpu.memory_space<vmem_shared>>
            %dma_start3A_146 = arith.constant 0 : i32
            %dma_start3A_147 = tpu.memref_slice %arg21[%mul3A_133, %dma_start3A_146] : memref<10000x128xf32, #tpu.memory_space<vmem_shared>> -> memref<128x128xf32, #tpu.memory_space<vmem_shared>>
            tpu.enqueue_dma source(%dma_start3A_147 : memref<128x128xf32, #tpu.memory_space<vmem_shared>>) target(%arg18 : memref<128x128xf32, #tpu.memory_space<vmem>>) target_semaphore(%run_scoped3A : memref<!tpu.dma_semaphore, #tpu.memory_space<semaphore_mem>>)
            %dma_wait3A_148 = arith.constant 0 : i32
            %dma_wait3A_149 = tpu.memref_slice %arg21[%mul3A_133, %dma_wait3A_148] : memref<10000x128xf32, #tpu.memory_space<vmem_shared>> -> memref<128x128xf32, #tpu.memory_space<vmem_shared>>
            %dma_wait3A_150 = arith.constant 0 : i32
            %dma_wait3A_151 = tpu.memref_slice %arg21[%mul3A_133, %dma_wait3A_150] : memref<10000x128xf32, #tpu.memory_space<vmem_shared>> -> memref<128x128xf32, #tpu.memory_space<vmem_shared>>
            tpu.wait_dma2 semaphore(%run_scoped3A : memref<!tpu.dma_semaphore, #tpu.memory_space<semaphore_mem>>) src(%dma_wait3A_151 : memref<128x128xf32, #tpu.memory_space<vmem_shared>>) dst(%arg18 : memref<128x128xf32, #tpu.memory_space<vmem>>)
            tpu.yield
          }) : () -> ()
          "tpu.region"() ({
            %run_scoped3A = tpu.sem_alloc : memref<!tpu.dma_semaphore, #tpu.memory_space<semaphore_mem>>
            %dma_start3A_144 = arith.constant 0 : i32
            %dma_start3A_145 = tpu.memref_slice %arg4[%mul3A_133, %dma_start3A_144] : memref<10000x128xf32, #tpu.memory_space<hbm>> -> memref<128x128xf32, #tpu.memory_space<hbm>>
            %dma_start3A_146 = arith.constant 0 : i32
            %dma_start3A_147 = tpu.memref_slice %arg4[%mul3A_133, %dma_start3A_146] : memref<10000x128xf32, #tpu.memory_space<hbm>> -> memref<128x128xf32, #tpu.memory_space<hbm>>
            tpu.enqueue_dma source(%arg18 : memref<128x128xf32, #tpu.memory_space<vmem>>) target(%dma_start3A_147 : memref<128x128xf32, #tpu.memory_space<hbm>>) target_semaphore(%run_scoped3A : memref<!tpu.dma_semaphore, #tpu.memory_space<semaphore_mem>>)
            %dma_wait3A_148 = arith.constant 0 : i32
            %dma_wait3A_149 = tpu.memref_slice %arg4[%mul3A_133, %dma_wait3A_148] : memref<10000x128xf32, #tpu.memory_space<hbm>> -> memref<128x128xf32, #tpu.memory_space<hbm>>
            %dma_wait3A_150 = arith.constant 0 : i32
            %dma_wait3A_151 = tpu.memref_slice %arg4[%mul3A_133, %dma_wait3A_150] : memref<10000x128xf32, #tpu.memory_space<hbm>> -> memref<128x128xf32, #tpu.memory_space<hbm>>
            tpu.wait_dma2 semaphore(%run_scoped3A : memref<!tpu.dma_semaphore, #tpu.memory_space<semaphore_mem>>) src(%arg18 : memref<128x128xf32, #tpu.memory_space<vmem>>) dst(%dma_wait3A_151 : memref<128x128xf32, #tpu.memory_space<hbm>>)
            tpu.yield
          }) : () -> ()
        } else {
        }
        %eq3A_138 = arith.constant 78 : i32
        %eq3A_139 = arith.cmpi eq, %add3A_131, %eq3A_138 : i32
        %convert_element_type3A_140 = arith.extui %eq3A_139 : i1 to i32
        %cond3A_141 = arith.constant 0 : i32
        %cond3A_142 = arith.cmpi ne, %convert_element_type3A_140, %cond3A_141 : i32
        scf.if %cond3A_142 {
          "tpu.region"() ({
            %run_scoped3A = tpu.sem_alloc : memref<!tpu.dma_semaphore, #tpu.memory_space<semaphore_mem>>
            %dma_start3A_144 = arith.constant 0 : i32
            %dma_start3A_145 = arith.constant 0 : i32
            %dma_start3A_146 = tpu.memref_slice %arg19[%dma_start3A_144, %dma_start3A_145] : memref<128x128xf32, #tpu.memory_space<vmem>> -> memref<16x128xf32, #tpu.memory_space<vmem>>
            %dma_start3A_147 = arith.constant 0 : i32
            %dma_start3A_148 = tpu.memref_slice %arg21[%mul3A_133, %dma_start3A_147] : memref<10000x128xf32, #tpu.memory_space<vmem_shared>> -> memref<16x128xf32, #tpu.memory_space<vmem_shared>>
            %dma_start3A_149 = arith.constant 0 : i32
            %dma_start3A_150 = arith.constant 0 : i32
            %dma_start3A_151 = tpu.memref_slice %arg19[%dma_start3A_149, %dma_start3A_150] : memref<128x128xf32, #tpu.memory_space<vmem>> -> memref<16x128xf32, #tpu.memory_space<vmem>>
            %dma_start3A_152 = arith.constant 0 : i32
            %dma_start3A_153 = tpu.memref_slice %arg21[%mul3A_133, %dma_start3A_152] : memref<10000x128xf32, #tpu.memory_space<vmem_shared>> -> memref<16x128xf32, #tpu.memory_space<vmem_shared>>
            tpu.enqueue_dma source(%dma_start3A_153 : memref<16x128xf32, #tpu.memory_space<vmem_shared>>) target(%dma_start3A_151 : memref<16x128xf32, #tpu.memory_space<vmem>>) target_semaphore(%run_scoped3A : memref<!tpu.dma_semaphore, #tpu.memory_space<semaphore_mem>>)
            %dma_wait3A_154 = arith.constant 0 : i32
            %dma_wait3A_155 = arith.constant 0 : i32
            %dma_wait3A_156 = tpu.memref_slice %arg19[%dma_wait3A_154, %dma_wait3A_155] : memref<128x128xf32, #tpu.memory_space<vmem>> -> memref<16x128xf32, #tpu.memory_space<vmem>>
            %dma_wait3A_157 = arith.constant 0 : i32
            %dma_wait3A_158 = tpu.memref_slice %arg21[%mul3A_133, %dma_wait3A_157] : memref<10000x128xf32, #tpu.memory_space<vmem_shared>> -> memref<16x128xf32, #tpu.memory_space<vmem_shared>>
            %dma_wait3A_159 = arith.constant 0 : i32
            %dma_wait3A_160 = arith.constant 0 : i32
            %dma_wait3A_161 = tpu.memref_slice %arg19[%dma_wait3A_159, %dma_wait3A_160] : memref<128x128xf32, #tpu.memory_space<vmem>> -> memref<16x128xf32, #tpu.memory_space<vmem>>
            %dma_wait3A_162 = arith.constant 0 : i32
            %dma_wait3A_163 = tpu.memref_slice %arg21[%mul3A_133, %dma_wait3A_162] : memref<10000x128xf32, #tpu.memory_space<vmem_shared>> -> memref<16x128xf32, #tpu.memory_space<vmem_shared>>
            tpu.wait_dma2 semaphore(%run_scoped3A : memref<!tpu.dma_semaphore, #tpu.memory_space<semaphore_mem>>) src(%dma_wait3A_163 : memref<16x128xf32, #tpu.memory_space<vmem_shared>>) dst(%dma_wait3A_161 : memref<16x128xf32, #tpu.memory_space<vmem>>)
            tpu.yield
          }) : () -> ()
          "tpu.region"() ({
            %run_scoped3A = tpu.sem_alloc : memref<!tpu.dma_semaphore, #tpu.memory_space<semaphore_mem>>
            %dma_start3A_144 = arith.constant 0 : i32
            %dma_start3A_145 = arith.constant 0 : i32
            %dma_start3A_146 = tpu.memref_slice %arg19[%dma_start3A_144, %dma_start3A_145] : memref<128x128xf32, #tpu.memory_space<vmem>> -> memref<16x128xf32, #tpu.memory_space<vmem>>
            %dma_start3A_147 = arith.constant 0 : i32
            %dma_start3A_148 = tpu.memref_slice %arg4[%mul3A_133, %dma_start3A_147] : memref<10000x128xf32, #tpu.memory_space<hbm>> -> memref<16x128xf32, #tpu.memory_space<hbm>>
            %dma_start3A_149 = arith.constant 0 : i32
            %dma_start3A_150 = tpu.memref_slice %arg4[%mul3A_133, %dma_start3A_149] : memref<10000x128xf32, #tpu.memory_space<hbm>> -> memref<16x128xf32, #tpu.memory_space<hbm>>
            %dma_start3A_151 = arith.constant 0 : i32
            %dma_start3A_152 = arith.constant 0 : i32
            %dma_start3A_153 = tpu.memref_slice %arg19[%dma_start3A_151, %dma_start3A_152] : memref<128x128xf32, #tpu.memory_space<vmem>> -> memref<16x128xf32, #tpu.memory_space<vmem>>
            tpu.enqueue_dma source(%dma_start3A_153 : memref<16x128xf32, #tpu.memory_space<vmem>>) target(%dma_start3A_150 : memref<16x128xf32, #tpu.memory_space<hbm>>) target_semaphore(%run_scoped3A : memref<!tpu.dma_semaphore, #tpu.memory_space<semaphore_mem>>)
            %dma_wait3A_154 = arith.constant 0 : i32
            %dma_wait3A_155 = arith.constant 0 : i32
            %dma_wait3A_156 = tpu.memref_slice %arg19[%dma_wait3A_154, %dma_wait3A_155] : memref<128x128xf32, #tpu.memory_space<vmem>> -> memref<16x128xf32, #tpu.memory_space<vmem>>
            %dma_wait3A_157 = arith.constant 0 : i32
            %dma_wait3A_158 = tpu.memref_slice %arg4[%mul3A_133, %dma_wait3A_157] : memref<10000x128xf32, #tpu.memory_space<hbm>> -> memref<16x128xf32, #tpu.memory_space<hbm>>
            %dma_wait3A_159 = arith.constant 0 : i32
            %dma_wait3A_160 = tpu.memref_slice %arg4[%mul3A_133, %dma_wait3A_159] : memref<10000x128xf32, #tpu.memory_space<hbm>> -> memref<16x128xf32, #tpu.memory_space<hbm>>
            %dma_wait3A_161 = arith.constant 0 : i32
            %dma_wait3A_162 = arith.constant 0 : i32
            %dma_wait3A_163 = tpu.memref_slice %arg19[%dma_wait3A_161, %dma_wait3A_162] : memref<128x128xf32, #tpu.memory_space<vmem>> -> memref<16x128xf32, #tpu.memory_space<vmem>>
            tpu.wait_dma2 semaphore(%run_scoped3A : memref<!tpu.dma_semaphore, #tpu.memory_space<semaphore_mem>>) src(%dma_wait3A_163 : memref<16x128xf32, #tpu.memory_space<vmem>>) dst(%dma_wait3A_160 : memref<16x128xf32, #tpu.memory_space<hbm>>)
            tpu.yield
          }) : () -> ()
        } else {
        }
        %scan3A_143 = arith.constant 0 : i32
        scf.yield %scan3A_143 : i32
      }
      %scan3A_126 = arith.constant 5 : i32
    } else {
    }
    %eq3A_115 = arith.constant 1 : i32
    %eq3A_116 = arith.cmpi eq, %arg0, %eq3A_115 : i32
    %convert_element_type3A_117 = arith.extui %eq3A_116 : i1 to i32
    %cond3A_118 = arith.constant 0 : i32
    %cond3A_119 = arith.cmpi ne, %convert_element_type3A_117, %cond3A_118 : i32
    scf.if %cond3A_119 {
      %scan3A_120 = arith.constant 0 : i32
      %scan3A_121 = arith.constant 0 : i32
      %scan3A_122 = arith.constant 5 : i32
      %scan3A_123 = arith.addi %scan3A_121, %scan3A_122 : i32
      %scan3A_124 = arith.constant 1 : i32
      %scan3A_125 = scf.for %scan3A_127 = %scan3A_121 to %scan3A_123 step %scan3A_124 iter_args(%scan3A_128 = %scan3A_120) -> (i32)  : i32 {
        %mul3A_129 = arith.constant 16 : i32
        %mul3A_130 = arith.muli %mul3A_129, %scan3A_127 : i32
        %add3A_131 = arith.addi %arg1, %mul3A_130 : i32
        %mul3A_132 = arith.constant 128 : i32
        %mul3A_133 = arith.muli %add3A_131, %mul3A_132 : i32
        %lt3A = arith.constant 78 : i32
        %lt3A_134 = arith.cmpi slt, %add3A_131, %lt3A : i32
        %convert_element_type3A_135 = arith.extui %lt3A_134 : i1 to i32
        %cond3A_136 = arith.constant 0 : i32
        %cond3A_137 = arith.cmpi ne, %convert_element_type3A_135, %cond3A_136 : i32
        scf.if %cond3A_137 {
          "tpu.region"() ({
            %run_scoped3A = tpu.sem_alloc : memref<!tpu.dma_semaphore, #tpu.memory_space<semaphore_mem>>
            %dma_start3A_144 = arith.constant 0 : i32
            %dma_start3A_145 = tpu.memref_slice %arg21[%mul3A_133, %dma_start3A_144] : memref<10000x128xf32, #tpu.memory_space<vmem_shared>> -> memref<128x128xf32, #tpu.memory_space<vmem_shared>>
            %dma_start3A_146 = arith.constant 0 : i32
            %dma_start3A_147 = tpu.memref_slice %arg21[%mul3A_133, %dma_start3A_146] : memref<10000x128xf32, #tpu.memory_space<vmem_shared>> -> memref<128x128xf32, #tpu.memory_space<vmem_shared>>
            tpu.enqueue_dma source(%dma_start3A_147 : memref<128x128xf32, #tpu.memory_space<vmem_shared>>) target(%arg18 : memref<128x128xf32, #tpu.memory_space<vmem>>) target_semaphore(%run_scoped3A : memref<!tpu.dma_semaphore, #tpu.memory_space<semaphore_mem>>)
            %dma_wait3A_148 = arith.constant 0 : i32
            %dma_wait3A_149 = tpu.memref_slice %arg21[%mul3A_133, %dma_wait3A_148] : memref<10000x128xf32, #tpu.memory_space<vmem_shared>> -> memref<128x128xf32, #tpu.memory_space<vmem_shared>>
            %dma_wait3A_150 = arith.constant 0 : i32
            %dma_wait3A_151 = tpu.memref_slice %arg21[%mul3A_133, %dma_wait3A_150] : memref<10000x128xf32, #tpu.memory_space<vmem_shared>> -> memref<128x128xf32, #tpu.memory_space<vmem_shared>>
            tpu.wait_dma2 semaphore(%run_scoped3A : memref<!tpu.dma_semaphore, #tpu.memory_space<semaphore_mem>>) src(%dma_wait3A_151 : memref<128x128xf32, #tpu.memory_space<vmem_shared>>) dst(%arg18 : memref<128x128xf32, #tpu.memory_space<vmem>>)
            tpu.yield
          }) : () -> ()
          "tpu.region"() ({
            %run_scoped3A = tpu.sem_alloc : memref<!tpu.dma_semaphore, #tpu.memory_space<semaphore_mem>>
            %dma_start3A_144 = arith.constant 0 : i32
            %dma_start3A_145 = tpu.memref_slice %arg5[%mul3A_133, %dma_start3A_144] : memref<10000x128xf32, #tpu.memory_space<hbm>> -> memref<128x128xf32, #tpu.memory_space<hbm>>
            %dma_start3A_146 = arith.constant 0 : i32
            %dma_start3A_147 = tpu.memref_slice %arg5[%mul3A_133, %dma_start3A_146] : memref<10000x128xf32, #tpu.memory_space<hbm>> -> memref<128x128xf32, #tpu.memory_space<hbm>>
            tpu.enqueue_dma source(%arg18 : memref<128x128xf32, #tpu.memory_space<vmem>>) target(%dma_start3A_147 : memref<128x128xf32, #tpu.memory_space<hbm>>) target_semaphore(%run_scoped3A : memref<!tpu.dma_semaphore, #tpu.memory_space<semaphore_mem>>)
            %dma_wait3A_148 = arith.constant 0 : i32
            %dma_wait3A_149 = tpu.memref_slice %arg5[%mul3A_133, %dma_wait3A_148] : memref<10000x128xf32, #tpu.memory_space<hbm>> -> memref<128x128xf32, #tpu.memory_space<hbm>>
            %dma_wait3A_150 = arith.constant 0 : i32
            %dma_wait3A_151 = tpu.memref_slice %arg5[%mul3A_133, %dma_wait3A_150] : memref<10000x128xf32, #tpu.memory_space<hbm>> -> memref<128x128xf32, #tpu.memory_space<hbm>>
            tpu.wait_dma2 semaphore(%run_scoped3A : memref<!tpu.dma_semaphore, #tpu.memory_space<semaphore_mem>>) src(%arg18 : memref<128x128xf32, #tpu.memory_space<vmem>>) dst(%dma_wait3A_151 : memref<128x128xf32, #tpu.memory_space<hbm>>)
            tpu.yield
          }) : () -> ()
        } else {
        }
        %eq3A_138 = arith.constant 78 : i32
        %eq3A_139 = arith.cmpi eq, %add3A_131, %eq3A_138 : i32
        %convert_element_type3A_140 = arith.extui %eq3A_139 : i1 to i32
        %cond3A_141 = arith.constant 0 : i32
        %cond3A_142 = arith.cmpi ne, %convert_element_type3A_140, %cond3A_141 : i32
        scf.if %cond3A_142 {
          "tpu.region"() ({
            %run_scoped3A = tpu.sem_alloc : memref<!tpu.dma_semaphore, #tpu.memory_space<semaphore_mem>>
            %dma_start3A_144 = arith.constant 0 : i32
            %dma_start3A_145 = arith.constant 0 : i32
            %dma_start3A_146 = tpu.memref_slice %arg19[%dma_start3A_144, %dma_start3A_145] : memref<128x128xf32, #tpu.memory_space<vmem>> -> memref<16x128xf32, #tpu.memory_space<vmem>>
            %dma_start3A_147 = arith.constant 0 : i32
            %dma_start3A_148 = tpu.memref_slice %arg21[%mul3A_133, %dma_start3A_147] : memref<10000x128xf32, #tpu.memory_space<vmem_shared>> -> memref<16x128xf32, #tpu.memory_space<vmem_shared>>
            %dma_start3A_149 = arith.constant 0 : i32
            %dma_start3A_150 = arith.constant 0 : i32
            %dma_start3A_151 = tpu.memref_slice %arg19[%dma_start3A_149, %dma_start3A_150] : memref<128x128xf32, #tpu.memory_space<vmem>> -> memref<16x128xf32, #tpu.memory_space<vmem>>
            %dma_start3A_152 = arith.constant 0 : i32
            %dma_start3A_153 = tpu.memref_slice %arg21[%mul3A_133, %dma_start3A_152] : memref<10000x128xf32, #tpu.memory_space<vmem_shared>> -> memref<16x128xf32, #tpu.memory_space<vmem_shared>>
            tpu.enqueue_dma source(%dma_start3A_153 : memref<16x128xf32, #tpu.memory_space<vmem_shared>>) target(%dma_start3A_151 : memref<16x128xf32, #tpu.memory_space<vmem>>) target_semaphore(%run_scoped3A : memref<!tpu.dma_semaphore, #tpu.memory_space<semaphore_mem>>)
            %dma_wait3A_154 = arith.constant 0 : i32
            %dma_wait3A_155 = arith.constant 0 : i32
            %dma_wait3A_156 = tpu.memref_slice %arg19[%dma_wait3A_154, %dma_wait3A_155] : memref<128x128xf32, #tpu.memory_space<vmem>> -> memref<16x128xf32, #tpu.memory_space<vmem>>
            %dma_wait3A_157 = arith.constant 0 : i32
            %dma_wait3A_158 = tpu.memref_slice %arg21[%mul3A_133, %dma_wait3A_157] : memref<10000x128xf32, #tpu.memory_space<vmem_shared>> -> memref<16x128xf32, #tpu.memory_space<vmem_shared>>
            %dma_wait3A_159 = arith.constant 0 : i32
            %dma_wait3A_160 = arith.constant 0 : i32
            %dma_wait3A_161 = tpu.memref_slice %arg19[%dma_wait3A_159, %dma_wait3A_160] : memref<128x128xf32, #tpu.memory_space<vmem>> -> memref<16x128xf32, #tpu.memory_space<vmem>>
            %dma_wait3A_162 = arith.constant 0 : i32
            %dma_wait3A_163 = tpu.memref_slice %arg21[%mul3A_133, %dma_wait3A_162] : memref<10000x128xf32, #tpu.memory_space<vmem_shared>> -> memref<16x128xf32, #tpu.memory_space<vmem_shared>>
            tpu.wait_dma2 semaphore(%run_scoped3A : memref<!tpu.dma_semaphore, #tpu.memory_space<semaphore_mem>>) src(%dma_wait3A_163 : memref<16x128xf32, #tpu.memory_space<vmem_shared>>) dst(%dma_wait3A_161 : memref<16x128xf32, #tpu.memory_space<vmem>>)
            tpu.yield
          }) : () -> ()
          "tpu.region"() ({
            %run_scoped3A = tpu.sem_alloc : memref<!tpu.dma_semaphore, #tpu.memory_space<semaphore_mem>>
            %dma_start3A_144 = arith.constant 0 : i32
            %dma_start3A_145 = arith.constant 0 : i32
            %dma_start3A_146 = tpu.memref_slice %arg19[%dma_start3A_144, %dma_start3A_145] : memref<128x128xf32, #tpu.memory_space<vmem>> -> memref<16x128xf32, #tpu.memory_space<vmem>>
            %dma_start3A_147 = arith.constant 0 : i32
            %dma_start3A_148 = tpu.memref_slice %arg5[%mul3A_133, %dma_start3A_147] : memref<10000x128xf32, #tpu.memory_space<hbm>> -> memref<16x128xf32, #tpu.memory_space<hbm>>
            %dma_start3A_149 = arith.constant 0 : i32
            %dma_start3A_150 = tpu.memref_slice %arg5[%mul3A_133, %dma_start3A_149] : memref<10000x128xf32, #tpu.memory_space<hbm>> -> memref<16x128xf32, #tpu.memory_space<hbm>>
            %dma_start3A_151 = arith.constant 0 : i32
            %dma_start3A_152 = arith.constant 0 : i32
            %dma_start3A_153 = tpu.memref_slice %arg19[%dma_start3A_151, %dma_start3A_152] : memref<128x128xf32, #tpu.memory_space<vmem>> -> memref<16x128xf32, #tpu.memory_space<vmem>>
            tpu.enqueue_dma source(%dma_start3A_153 : memref<16x128xf32, #tpu.memory_space<vmem>>) target(%dma_start3A_150 : memref<16x128xf32, #tpu.memory_space<hbm>>) target_semaphore(%run_scoped3A : memref<!tpu.dma_semaphore, #tpu.memory_space<semaphore_mem>>)
            %dma_wait3A_154 = arith.constant 0 : i32
            %dma_wait3A_155 = arith.constant 0 : i32
            %dma_wait3A_156 = tpu.memref_slice %arg19[%dma_wait3A_154, %dma_wait3A_155] : memref<128x128xf32, #tpu.memory_space<vmem>> -> memref<16x128xf32, #tpu.memory_space<vmem>>
            %dma_wait3A_157 = arith.constant 0 : i32
            %dma_wait3A_158 = tpu.memref_slice %arg5[%mul3A_133, %dma_wait3A_157] : memref<10000x128xf32, #tpu.memory_space<hbm>> -> memref<16x128xf32, #tpu.memory_space<hbm>>
            %dma_wait3A_159 = arith.constant 0 : i32
            %dma_wait3A_160 = tpu.memref_slice %arg5[%mul3A_133, %dma_wait3A_159] : memref<10000x128xf32, #tpu.memory_space<hbm>> -> memref<16x128xf32, #tpu.memory_space<hbm>>
            %dma_wait3A_161 = arith.constant 0 : i32
            %dma_wait3A_162 = arith.constant 0 : i32
            %dma_wait3A_163 = tpu.memref_slice %arg19[%dma_wait3A_161, %dma_wait3A_162] : memref<128x128xf32, #tpu.memory_space<vmem>> -> memref<16x128xf32, #tpu.memory_space<vmem>>
            tpu.wait_dma2 semaphore(%run_scoped3A : memref<!tpu.dma_semaphore, #tpu.memory_space<semaphore_mem>>) src(%dma_wait3A_163 : memref<16x128xf32, #tpu.memory_space<vmem>>) dst(%dma_wait3A_160 : memref<16x128xf32, #tpu.memory_space<hbm>>)
            tpu.yield
          }) : () -> ()
        } else {
        }
        %scan3A_143 = arith.constant 0 : i32
        scf.yield %scan3A_143 : i32
      }
      %scan3A_126 = arith.constant 5 : i32
    } else {
    }
    return
  }
}

#map = affine_map<(d0, d1) -> (0, 0)>
#map1 = affine_map<(d0, d1) -> (0)>
module attributes {stable_mosaic.version = 14 : i64} {
  func.func @_deg_body(%arg0: i32, %arg1: i32, %arg2: memref<2x320000xi32, #tpu.memory_space<hbm>>, %arg3: memref<10000xf32, #tpu.memory_space<hbm>>, %arg4: memref<10000xf32, #tpu.memory_space<hbm>>, %arg5: memref<128xi32, #tpu.memory_space<vmem>>, %arg6: memref<128xi32, #tpu.memory_space<vmem>>, %arg7: memref<128xi32, #tpu.memory_space<vmem>>, %arg8: memref<128xi32, #tpu.memory_space<vmem>>, %arg9: memref<128xi32, #tpu.memory_space<vmem>>, %arg10: memref<128xi32, #tpu.memory_space<vmem>>, %arg11: memref<128xi32, #tpu.memory_space<vmem>>, %arg12: memref<128xi32, #tpu.memory_space<vmem>>, %arg13: memref<128xf32, #tpu.memory_space<vmem>>, %arg14: memref<640xf32, #tpu.memory_space<vmem>>, %arg15: memref<10000xf32, #tpu.memory_space<vmem_shared>>, %arg16: memref<!tpu.dma_semaphore, #tpu.memory_space<semaphore_mem>>, %arg17: memref<!tpu.dma_semaphore, #tpu.memory_space<semaphore_mem>>, %arg18: memref<!tpu.dma_semaphore, #tpu.memory_space<semaphore_mem>>, %arg19: memref<!tpu.dma_semaphore, #tpu.memory_space<semaphore_mem>>, %arg20: memref<!tpu.dma_semaphore, #tpu.memory_space<semaphore_mem>>, %arg21: memref<!tpu.dma_semaphore, #tpu.memory_space<semaphore_mem>>, %arg22: memref<!tpu.dma_semaphore, #tpu.memory_space<semaphore_mem>>, %arg23: memref<!tpu.dma_semaphore, #tpu.memory_space<semaphore_mem>>, %arg24: memref<!tpu.dma_semaphore, #tpu.memory_space<semaphore_mem>>, %arg25: memref<!tpu.dma_semaphore, #tpu.memory_space<semaphore_mem>>, %arg26: memref<!tpu.dma_semaphore, #tpu.memory_space<semaphore_mem>>, %arg27: memref<!tpu.dma_semaphore, #tpu.memory_space<semaphore_mem>>, %arg28: memref<!tpu.dma_semaphore, #tpu.memory_space<semaphore_mem>>, %arg29: memref<!tpu.dma_semaphore, #tpu.memory_space<semaphore_mem>>, %arg30: memref<!tpu.dma_semaphore, #tpu.memory_space<semaphore_mem>>, %arg31: memref<!tpu.dma_semaphore, #tpu.memory_space<semaphore_mem>>) attributes {dimension_semantics = [#tpu.dimension_semantics<core_parallel>, #tpu.dimension_semantics<subcore_parallel>], iteration_bounds = array<i64: 2, 16>, scalar_prefetch = 0 : i64, scratch_operands = 27 : i64, tpu.core_type = #tpu.core_type<sc_vector_subcore>, window_params = [{transform_indices = #map}, {transform_indices = #map1}, {transform_indices = #map1}]} {
    %mul3A = arith.constant 16 : i32
    %mul3A_0 = arith.muli %arg0, %mul3A : i32
    %add3A = arith.addi %mul3A_0, %arg1 : i32
    %broadcast_in_dim3A = arith.constant 1.000000e+00 : f32
    %broadcast_in_dim3A_1 = vector.broadcast %broadcast_in_dim3A : f32 to vector<16xf32>
    %swap3A = arith.constant 0 : index
    %swap3A_2 = tpu.vector_load %arg13[%swap3A] {strides = array<i32>} : memref<128xf32, #tpu.memory_space<vmem>>, vector<16xf32>,
    %swap3A_3 = vector.shape_cast %swap3A_2 : vector<16xf32> to vector<16xf32>
    %swap3A_4 = vector.shape_cast %broadcast_in_dim3A_1 : vector<16xf32> to vector<16xf32>
    tpu.vector_store %arg13[%swap3A], %swap3A_4 {strides = array<i32>} : memref<128xf32, #tpu.memory_space<vmem>>, vector<16xf32>,
    %broadcast_in_dim3A_5 = arith.constant 1.000000e+00 : f32
    %broadcast_in_dim3A_6 = vector.broadcast %broadcast_in_dim3A_5 : f32 to vector<16xf32>
    %swap3A_7 = arith.constant 16 : index
    %swap3A_8 = tpu.vector_load %arg13[%swap3A_7] {strides = array<i32>} : memref<128xf32, #tpu.memory_space<vmem>>, vector<16xf32>,
    %swap3A_9 = vector.shape_cast %swap3A_8 : vector<16xf32> to vector<16xf32>
    %swap3A_10 = vector.shape_cast %broadcast_in_dim3A_6 : vector<16xf32> to vector<16xf32>
    tpu.vector_store %arg13[%swap3A_7], %swap3A_10 {strides = array<i32>} : memref<128xf32, #tpu.memory_space<vmem>>, vector<16xf32>,
    %broadcast_in_dim3A_11 = arith.constant 1.000000e+00 : f32
    %broadcast_in_dim3A_12 = vector.broadcast %broadcast_in_dim3A_11 : f32 to vector<16xf32>
    %swap3A_13 = arith.constant 32 : index
    %swap3A_14 = tpu.vector_load %arg13[%swap3A_13] {strides = array<i32>} : memref<128xf32, #tpu.memory_space<vmem>>, vector<16xf32>,
    %swap3A_15 = vector.shape_cast %swap3A_14 : vector<16xf32> to vector<16xf32>
    %swap3A_16 = vector.shape_cast %broadcast_in_dim3A_12 : vector<16xf32> to vector<16xf32>
    tpu.vector_store %arg13[%swap3A_13], %swap3A_16 {strides = array<i32>} : memref<128xf32, #tpu.memory_space<vmem>>, vector<16xf32>,
    %broadcast_in_dim3A_17 = arith.constant 1.000000e+00 : f32
    %broadcast_in_dim3A_18 = vector.broadcast %broadcast_in_dim3A_17 : f32 to vector<16xf32>
    %swap3A_19 = arith.constant 48 : index
    %swap3A_20 = tpu.vector_load %arg13[%swap3A_19] {strides = array<i32>} : memref<128xf32, #tpu.memory_space<vmem>>, vector<16xf32>,
    %swap3A_21 = vector.shape_cast %swap3A_20 : vector<16xf32> to vector<16xf32>
    %swap3A_22 = vector.shape_cast %broadcast_in_dim3A_18 : vector<16xf32> to vector<16xf32>
    tpu.vector_store %arg13[%swap3A_19], %swap3A_22 {strides = array<i32>} : memref<128xf32, #tpu.memory_space<vmem>>, vector<16xf32>,
    %broadcast_in_dim3A_23 = arith.constant 1.000000e+00 : f32
    %broadcast_in_dim3A_24 = vector.broadcast %broadcast_in_dim3A_23 : f32 to vector<16xf32>
    %swap3A_25 = arith.constant 64 : index
    %swap3A_26 = tpu.vector_load %arg13[%swap3A_25] {strides = array<i32>} : memref<128xf32, #tpu.memory_space<vmem>>, vector<16xf32>,
    %swap3A_27 = vector.shape_cast %swap3A_26 : vector<16xf32> to vector<16xf32>
    %swap3A_28 = vector.shape_cast %broadcast_in_dim3A_24 : vector<16xf32> to vector<16xf32>
    tpu.vector_store %arg13[%swap3A_25], %swap3A_28 {strides = array<i32>} : memref<128xf32, #tpu.memory_space<vmem>>, vector<16xf32>,
    %broadcast_in_dim3A_29 = arith.constant 1.000000e+00 : f32
    %broadcast_in_dim3A_30 = vector.broadcast %broadcast_in_dim3A_29 : f32 to vector<16xf32>
    %swap3A_31 = arith.constant 80 : index
    %swap3A_32 = tpu.vector_load %arg13[%swap3A_31] {strides = array<i32>} : memref<128xf32, #tpu.memory_space<vmem>>, vector<16xf32>,
    %swap3A_33 = vector.shape_cast %swap3A_32 : vector<16xf32> to vector<16xf32>
    %swap3A_34 = vector.shape_cast %broadcast_in_dim3A_30 : vector<16xf32> to vector<16xf32>
    tpu.vector_store %arg13[%swap3A_31], %swap3A_34 {strides = array<i32>} : memref<128xf32, #tpu.memory_space<vmem>>, vector<16xf32>,
    %broadcast_in_dim3A_35 = arith.constant 1.000000e+00 : f32
    %broadcast_in_dim3A_36 = vector.broadcast %broadcast_in_dim3A_35 : f32 to vector<16xf32>
    %swap3A_37 = arith.constant 96 : index
    %swap3A_38 = tpu.vector_load %arg13[%swap3A_37] {strides = array<i32>} : memref<128xf32, #tpu.memory_space<vmem>>, vector<16xf32>,
    %swap3A_39 = vector.shape_cast %swap3A_38 : vector<16xf32> to vector<16xf32>
    %swap3A_40 = vector.shape_cast %broadcast_in_dim3A_36 : vector<16xf32> to vector<16xf32>
    tpu.vector_store %arg13[%swap3A_37], %swap3A_40 {strides = array<i32>} : memref<128xf32, #tpu.memory_space<vmem>>, vector<16xf32>,
    %broadcast_in_dim3A_41 = arith.constant 1.000000e+00 : f32
    %broadcast_in_dim3A_42 = vector.broadcast %broadcast_in_dim3A_41 : f32 to vector<16xf32>
    %swap3A_43 = arith.constant 112 : index
    %swap3A_44 = tpu.vector_load %arg13[%swap3A_43] {strides = array<i32>} : memref<128xf32, #tpu.memory_space<vmem>>, vector<16xf32>,
    %swap3A_45 = vector.shape_cast %swap3A_44 : vector<16xf32> to vector<16xf32>
    %swap3A_46 = vector.shape_cast %broadcast_in_dim3A_42 : vector<16xf32> to vector<16xf32>
    tpu.vector_store %arg13[%swap3A_43], %swap3A_46 {strides = array<i32>} : memref<128xf32, #tpu.memory_space<vmem>>, vector<16xf32>,
    %broadcast_in_dim3A_47 = arith.constant 0.000000e+00 : f32
    %broadcast_in_dim3A_48 = vector.broadcast %broadcast_in_dim3A_47 : f32 to vector<16xf32>
    %swap3A_49 = arith.constant 0 : index
    %swap3A_50 = tpu.vector_load %arg14[%swap3A_49] {strides = array<i32>} : memref<640xf32, #tpu.memory_space<vmem>>, vector<16xf32>,
    %swap3A_51 = vector.shape_cast %swap3A_50 : vector<16xf32> to vector<16xf32>
    %swap3A_52 = vector.shape_cast %broadcast_in_dim3A_48 : vector<16xf32> to vector<16xf32>
    tpu.vector_store %arg14[%swap3A_49], %swap3A_52 {strides = array<i32>} : memref<640xf32, #tpu.memory_space<vmem>>, vector<16xf32>,
    %broadcast_in_dim3A_53 = arith.constant 0.000000e+00 : f32
    %broadcast_in_dim3A_54 = vector.broadcast %broadcast_in_dim3A_53 : f32 to vector<16xf32>
    %swap3A_55 = arith.constant 16 : index
    %swap3A_56 = tpu.vector_load %arg14[%swap3A_55] {strides = array<i32>} : memref<640xf32, #tpu.memory_space<vmem>>, vector<16xf32>,
    %swap3A_57 = vector.shape_cast %swap3A_56 : vector<16xf32> to vector<16xf32>
    %swap3A_58 = vector.shape_cast %broadcast_in_dim3A_54 : vector<16xf32> to vector<16xf32>
    tpu.vector_store %arg14[%swap3A_55], %swap3A_58 {strides = array<i32>} : memref<640xf32, #tpu.memory_space<vmem>>, vector<16xf32>,
    %broadcast_in_dim3A_59 = arith.constant 0.000000e+00 : f32
    %broadcast_in_dim3A_60 = vector.broadcast %broadcast_in_dim3A_59 : f32 to vector<16xf32>
    %swap3A_61 = arith.constant 32 : index
    %swap3A_62 = tpu.vector_load %arg14[%swap3A_61] {strides = array<i32>} : memref<640xf32, #tpu.memory_space<vmem>>, vector<16xf32>,
    %swap3A_63 = vector.shape_cast %swap3A_62 : vector<16xf32> to vector<16xf32>
    %swap3A_64 = vector.shape_cast %broadcast_in_dim3A_60 : vector<16xf32> to vector<16xf32>
    tpu.vector_store %arg14[%swap3A_61], %swap3A_64 {strides = array<i32>} : memref<640xf32, #tpu.memory_space<vmem>>, vector<16xf32>,
    %broadcast_in_dim3A_65 = arith.constant 0.000000e+00 : f32
    %broadcast_in_dim3A_66 = vector.broadcast %broadcast_in_dim3A_65 : f32 to vector<16xf32>
    %swap3A_67 = arith.constant 48 : index
    %swap3A_68 = tpu.vector_load %arg14[%swap3A_67] {strides = array<i32>} : memref<640xf32, #tpu.memory_space<vmem>>, vector<16xf32>,
    %swap3A_69 = vector.shape_cast %swap3A_68 : vector<16xf32> to vector<16xf32>
    %swap3A_70 = vector.shape_cast %broadcast_in_dim3A_66 : vector<16xf32> to vector<16xf32>
    tpu.vector_store %arg14[%swap3A_67], %swap3A_70 {strides = array<i32>} : memref<640xf32, #tpu.memory_space<vmem>>, vector<16xf32>,
    %broadcast_in_dim3A_71 = arith.constant 0.000000e+00 : f32
    %broadcast_in_dim3A_72 = vector.broadcast %broadcast_in_dim3A_71 : f32 to vector<16xf32>
    %swap3A_73 = arith.constant 64 : index
    %swap3A_74 = tpu.vector_load %arg14[%swap3A_73] {strides = array<i32>} : memref<640xf32, #tpu.memory_space<vmem>>, vector<16xf32>,
    %swap3A_75 = vector.shape_cast %swap3A_74 : vector<16xf32> to vector<16xf32>
    %swap3A_76 = vector.shape_cast %broadcast_in_dim3A_72 : vector<16xf32> to vector<16xf32>
    tpu.vector_store %arg14[%swap3A_73], %swap3A_76 {strides = array<i32>} : memref<640xf32, #tpu.memory_space<vmem>>, vector<16xf32>,
    %broadcast_in_dim3A_77 = arith.constant 0.000000e+00 : f32
    %broadcast_in_dim3A_78 = vector.broadcast %broadcast_in_dim3A_77 : f32 to vector<16xf32>
    %swap3A_79 = arith.constant 80 : index
    %swap3A_80 = tpu.vector_load %arg14[%swap3A_79] {strides = array<i32>} : memref<640xf32, #tpu.memory_space<vmem>>, vector<16xf32>,
    %swap3A_81 = vector.shape_cast %swap3A_80 : vector<16xf32> to vector<16xf32>
    %swap3A_82 = vector.shape_cast %broadcast_in_dim3A_78 : vector<16xf32> to vector<16xf32>
    tpu.vector_store %arg14[%swap3A_79], %swap3A_82 {strides = array<i32>} : memref<640xf32, #tpu.memory_space<vmem>>, vector<16xf32>,
    %broadcast_in_dim3A_83 = arith.constant 0.000000e+00 : f32
    %broadcast_in_dim3A_84 = vector.broadcast %broadcast_in_dim3A_83 : f32 to vector<16xf32>
    %swap3A_85 = arith.constant 96 : index
    %swap3A_86 = tpu.vector_load %arg14[%swap3A_85] {strides = array<i32>} : memref<640xf32, #tpu.memory_space<vmem>>, vector<16xf32>,
    %swap3A_87 = vector.shape_cast %swap3A_86 : vector<16xf32> to vector<16xf32>
    %swap3A_88 = vector.shape_cast %broadcast_in_dim3A_84 : vector<16xf32> to vector<16xf32>
    tpu.vector_store %arg14[%swap3A_85], %swap3A_88 {strides = array<i32>} : memref<640xf32, #tpu.memory_space<vmem>>, vector<16xf32>,
    %broadcast_in_dim3A_89 = arith.constant 0.000000e+00 : f32
    %broadcast_in_dim3A_90 = vector.broadcast %broadcast_in_dim3A_89 : f32 to vector<16xf32>
    %swap3A_91 = arith.constant 112 : index
    %swap3A_92 = tpu.vector_load %arg14[%swap3A_91] {strides = array<i32>} : memref<640xf32, #tpu.memory_space<vmem>>, vector<16xf32>,
    %swap3A_93 = vector.shape_cast %swap3A_92 : vector<16xf32> to vector<16xf32>
    %swap3A_94 = vector.shape_cast %broadcast_in_dim3A_90 : vector<16xf32> to vector<16xf32>
    tpu.vector_store %arg14[%swap3A_91], %swap3A_94 {strides = array<i32>} : memref<640xf32, #tpu.memory_space<vmem>>, vector<16xf32>,
    %broadcast_in_dim3A_95 = arith.constant 0.000000e+00 : f32
    %broadcast_in_dim3A_96 = vector.broadcast %broadcast_in_dim3A_95 : f32 to vector<16xf32>
    %swap3A_97 = arith.constant 128 : index
    %swap3A_98 = tpu.vector_load %arg14[%swap3A_97] {strides = array<i32>} : memref<640xf32, #tpu.memory_space<vmem>>, vector<16xf32>,
    %swap3A_99 = vector.shape_cast %swap3A_98 : vector<16xf32> to vector<16xf32>
    %swap3A_100 = vector.shape_cast %broadcast_in_dim3A_96 : vector<16xf32> to vector<16xf32>
    tpu.vector_store %arg14[%swap3A_97], %swap3A_100 {strides = array<i32>} : memref<640xf32, #tpu.memory_space<vmem>>, vector<16xf32>,
    %broadcast_in_dim3A_101 = arith.constant 0.000000e+00 : f32
    %broadcast_in_dim3A_102 = vector.broadcast %broadcast_in_dim3A_101 : f32 to vector<16xf32>
    %swap3A_103 = arith.constant 144 : index
    %swap3A_104 = tpu.vector_load %arg14[%swap3A_103] {strides = array<i32>} : memref<640xf32, #tpu.memory_space<vmem>>, vector<16xf32>,
    %swap3A_105 = vector.shape_cast %swap3A_104 : vector<16xf32> to vector<16xf32>
    %swap3A_106 = vector.shape_cast %broadcast_in_dim3A_102 : vector<16xf32> to vector<16xf32>
    tpu.vector_store %arg14[%swap3A_103], %swap3A_106 {strides = array<i32>} : memref<640xf32, #tpu.memory_space<vmem>>, vector<16xf32>,
    %broadcast_in_dim3A_107 = arith.constant 0.000000e+00 : f32
    %broadcast_in_dim3A_108 = vector.broadcast %broadcast_in_dim3A_107 : f32 to vector<16xf32>
    %swap3A_109 = arith.constant 160 : index
    %swap3A_110 = tpu.vector_load %arg14[%swap3A_109] {strides = array<i32>} : memref<640xf32, #tpu.memory_space<vmem>>, vector<16xf32>,
    %swap3A_111 = vector.shape_cast %swap3A_110 : vector<16xf32> to vector<16xf32>
    %swap3A_112 = vector.shape_cast %broadcast_in_dim3A_108 : vector<16xf32> to vector<16xf32>
    tpu.vector_store %arg14[%swap3A_109], %swap3A_112 {strides = array<i32>} : memref<640xf32, #tpu.memory_space<vmem>>, vector<16xf32>,
    %broadcast_in_dim3A_113 = arith.constant 0.000000e+00 : f32
    %broadcast_in_dim3A_114 = vector.broadcast %broadcast_in_dim3A_113 : f32 to vector<16xf32>
    %swap3A_115 = arith.constant 176 : index
    %swap3A_116 = tpu.vector_load %arg14[%swap3A_115] {strides = array<i32>} : memref<640xf32, #tpu.memory_space<vmem>>, vector<16xf32>,
    %swap3A_117 = vector.shape_cast %swap3A_116 : vector<16xf32> to vector<16xf32>
    %swap3A_118 = vector.shape_cast %broadcast_in_dim3A_114 : vector<16xf32> to vector<16xf32>
    tpu.vector_store %arg14[%swap3A_115], %swap3A_118 {strides = array<i32>} : memref<640xf32, #tpu.memory_space<vmem>>, vector<16xf32>,
    %broadcast_in_dim3A_119 = arith.constant 0.000000e+00 : f32
    %broadcast_in_dim3A_120 = vector.broadcast %broadcast_in_dim3A_119 : f32 to vector<16xf32>
    %swap3A_121 = arith.constant 192 : index
    %swap3A_122 = tpu.vector_load %arg14[%swap3A_121] {strides = array<i32>} : memref<640xf32, #tpu.memory_space<vmem>>, vector<16xf32>,
    %swap3A_123 = vector.shape_cast %swap3A_122 : vector<16xf32> to vector<16xf32>
    %swap3A_124 = vector.shape_cast %broadcast_in_dim3A_120 : vector<16xf32> to vector<16xf32>
    tpu.vector_store %arg14[%swap3A_121], %swap3A_124 {strides = array<i32>} : memref<640xf32, #tpu.memory_space<vmem>>, vector<16xf32>,
    %broadcast_in_dim3A_125 = arith.constant 0.000000e+00 : f32
    %broadcast_in_dim3A_126 = vector.broadcast %broadcast_in_dim3A_125 : f32 to vector<16xf32>
    %swap3A_127 = arith.constant 208 : index
    %swap3A_128 = tpu.vector_load %arg14[%swap3A_127] {strides = array<i32>} : memref<640xf32, #tpu.memory_space<vmem>>, vector<16xf32>,
    %swap3A_129 = vector.shape_cast %swap3A_128 : vector<16xf32> to vector<16xf32>
    %swap3A_130 = vector.shape_cast %broadcast_in_dim3A_126 : vector<16xf32> to vector<16xf32>
    tpu.vector_store %arg14[%swap3A_127], %swap3A_130 {strides = array<i32>} : memref<640xf32, #tpu.memory_space<vmem>>, vector<16xf32>,
    %broadcast_in_dim3A_131 = arith.constant 0.000000e+00 : f32
    %broadcast_in_dim3A_132 = vector.broadcast %broadcast_in_dim3A_131 : f32 to vector<16xf32>
    %swap3A_133 = arith.constant 224 : index
    %swap3A_134 = tpu.vector_load %arg14[%swap3A_133] {strides = array<i32>} : memref<640xf32, #tpu.memory_space<vmem>>, vector<16xf32>,
    %swap3A_135 = vector.shape_cast %swap3A_134 : vector<16xf32> to vector<16xf32>
    %swap3A_136 = vector.shape_cast %broadcast_in_dim3A_132 : vector<16xf32> to vector<16xf32>
    tpu.vector_store %arg14[%swap3A_133], %swap3A_136 {strides = array<i32>} : memref<640xf32, #tpu.memory_space<vmem>>, vector<16xf32>,
    %broadcast_in_dim3A_137 = arith.constant 0.000000e+00 : f32
    %broadcast_in_dim3A_138 = vector.broadcast %broadcast_in_dim3A_137 : f32 to vector<16xf32>
    %swap3A_139 = arith.constant 240 : index
    %swap3A_140 = tpu.vector_load %arg14[%swap3A_139] {strides = array<i32>} : memref<640xf32, #tpu.memory_space<vmem>>, vector<16xf32>,
    %swap3A_141 = vector.shape_cast %swap3A_140 : vector<16xf32> to vector<16xf32>
    %swap3A_142 = vector.shape_cast %broadcast_in_dim3A_138 : vector<16xf32> to vector<16xf32>
    tpu.vector_store %arg14[%swap3A_139], %swap3A_142 {strides = array<i32>} : memref<640xf32, #tpu.memory_space<vmem>>, vector<16xf32>,
    %broadcast_in_dim3A_143 = arith.constant 0.000000e+00 : f32
    %broadcast_in_dim3A_144 = vector.broadcast %broadcast_in_dim3A_143 : f32 to vector<16xf32>
    %swap3A_145 = arith.constant 256 : index
    %swap3A_146 = tpu.vector_load %arg14[%swap3A_145] {strides = array<i32>} : memref<640xf32, #tpu.memory_space<vmem>>, vector<16xf32>,
    %swap3A_147 = vector.shape_cast %swap3A_146 : vector<16xf32> to vector<16xf32>
    %swap3A_148 = vector.shape_cast %broadcast_in_dim3A_144 : vector<16xf32> to vector<16xf32>
    tpu.vector_store %arg14[%swap3A_145], %swap3A_148 {strides = array<i32>} : memref<640xf32, #tpu.memory_space<vmem>>, vector<16xf32>,
    %broadcast_in_dim3A_149 = arith.constant 0.000000e+00 : f32
    %broadcast_in_dim3A_150 = vector.broadcast %broadcast_in_dim3A_149 : f32 to vector<16xf32>
    %swap3A_151 = arith.constant 272 : index
    %swap3A_152 = tpu.vector_load %arg14[%swap3A_151] {strides = array<i32>} : memref<640xf32, #tpu.memory_space<vmem>>, vector<16xf32>,
    %swap3A_153 = vector.shape_cast %swap3A_152 : vector<16xf32> to vector<16xf32>
    %swap3A_154 = vector.shape_cast %broadcast_in_dim3A_150 : vector<16xf32> to vector<16xf32>
    tpu.vector_store %arg14[%swap3A_151], %swap3A_154 {strides = array<i32>} : memref<640xf32, #tpu.memory_space<vmem>>, vector<16xf32>,
    %broadcast_in_dim3A_155 = arith.constant 0.000000e+00 : f32
    %broadcast_in_dim3A_156 = vector.broadcast %broadcast_in_dim3A_155 : f32 to vector<16xf32>
    %swap3A_157 = arith.constant 288 : index
    %swap3A_158 = tpu.vector_load %arg14[%swap3A_157] {strides = array<i32>} : memref<640xf32, #tpu.memory_space<vmem>>, vector<16xf32>,
    %swap3A_159 = vector.shape_cast %swap3A_158 : vector<16xf32> to vector<16xf32>
    %swap3A_160 = vector.shape_cast %broadcast_in_dim3A_156 : vector<16xf32> to vector<16xf32>
    tpu.vector_store %arg14[%swap3A_157], %swap3A_160 {strides = array<i32>} : memref<640xf32, #tpu.memory_space<vmem>>, vector<16xf32>,
    %broadcast_in_dim3A_161 = arith.constant 0.000000e+00 : f32
    %broadcast_in_dim3A_162 = vector.broadcast %broadcast_in_dim3A_161 : f32 to vector<16xf32>
    %swap3A_163 = arith.constant 304 : index
    %swap3A_164 = tpu.vector_load %arg14[%swap3A_163] {strides = array<i32>} : memref<640xf32, #tpu.memory_space<vmem>>, vector<16xf32>,
    %swap3A_165 = vector.shape_cast %swap3A_164 : vector<16xf32> to vector<16xf32>
    %swap3A_166 = vector.shape_cast %broadcast_in_dim3A_162 : vector<16xf32> to vector<16xf32>
    tpu.vector_store %arg14[%swap3A_163], %swap3A_166 {strides = array<i32>} : memref<640xf32, #tpu.memory_space<vmem>>, vector<16xf32>,
    %broadcast_in_dim3A_167 = arith.constant 0.000000e+00 : f32
    %broadcast_in_dim3A_168 = vector.broadcast %broadcast_in_dim3A_167 : f32 to vector<16xf32>
    %swap3A_169 = arith.constant 320 : index
    %swap3A_170 = tpu.vector_load %arg14[%swap3A_169] {strides = array<i32>} : memref<640xf32, #tpu.memory_space<vmem>>, vector<16xf32>,
    %swap3A_171 = vector.shape_cast %swap3A_170 : vector<16xf32> to vector<16xf32>
    %swap3A_172 = vector.shape_cast %broadcast_in_dim3A_168 : vector<16xf32> to vector<16xf32>
    tpu.vector_store %arg14[%swap3A_169], %swap3A_172 {strides = array<i32>} : memref<640xf32, #tpu.memory_space<vmem>>, vector<16xf32>,
    %broadcast_in_dim3A_173 = arith.constant 0.000000e+00 : f32
    %broadcast_in_dim3A_174 = vector.broadcast %broadcast_in_dim3A_173 : f32 to vector<16xf32>
    %swap3A_175 = arith.constant 336 : index
    %swap3A_176 = tpu.vector_load %arg14[%swap3A_175] {strides = array<i32>} : memref<640xf32, #tpu.memory_space<vmem>>, vector<16xf32>,
    %swap3A_177 = vector.shape_cast %swap3A_176 : vector<16xf32> to vector<16xf32>
    %swap3A_178 = vector.shape_cast %broadcast_in_dim3A_174 : vector<16xf32> to vector<16xf32>
    tpu.vector_store %arg14[%swap3A_175], %swap3A_178 {strides = array<i32>} : memref<640xf32, #tpu.memory_space<vmem>>, vector<16xf32>,
    %broadcast_in_dim3A_179 = arith.constant 0.000000e+00 : f32
    %broadcast_in_dim3A_180 = vector.broadcast %broadcast_in_dim3A_179 : f32 to vector<16xf32>
    %swap3A_181 = arith.constant 352 : index
    %swap3A_182 = tpu.vector_load %arg14[%swap3A_181] {strides = array<i32>} : memref<640xf32, #tpu.memory_space<vmem>>, vector<16xf32>,
    %swap3A_183 = vector.shape_cast %swap3A_182 : vector<16xf32> to vector<16xf32>
    %swap3A_184 = vector.shape_cast %broadcast_in_dim3A_180 : vector<16xf32> to vector<16xf32>
    tpu.vector_store %arg14[%swap3A_181], %swap3A_184 {strides = array<i32>} : memref<640xf32, #tpu.memory_space<vmem>>, vector<16xf32>,
    %broadcast_in_dim3A_185 = arith.constant 0.000000e+00 : f32
    %broadcast_in_dim3A_186 = vector.broadcast %broadcast_in_dim3A_185 : f32 to vector<16xf32>
    %swap3A_187 = arith.constant 368 : index
    %swap3A_188 = tpu.vector_load %arg14[%swap3A_187] {strides = array<i32>} : memref<640xf32, #tpu.memory_space<vmem>>, vector<16xf32>,
    %swap3A_189 = vector.shape_cast %swap3A_188 : vector<16xf32> to vector<16xf32>
    %swap3A_190 = vector.shape_cast %broadcast_in_dim3A_186 : vector<16xf32> to vector<16xf32>
    tpu.vector_store %arg14[%swap3A_187], %swap3A_190 {strides = array<i32>} : memref<640xf32, #tpu.memory_space<vmem>>, vector<16xf32>,
    %broadcast_in_dim3A_191 = arith.constant 0.000000e+00 : f32
    %broadcast_in_dim3A_192 = vector.broadcast %broadcast_in_dim3A_191 : f32 to vector<16xf32>
    %swap3A_193 = arith.constant 384 : index
    %swap3A_194 = tpu.vector_load %arg14[%swap3A_193] {strides = array<i32>} : memref<640xf32, #tpu.memory_space<vmem>>, vector<16xf32>,
    %swap3A_195 = vector.shape_cast %swap3A_194 : vector<16xf32> to vector<16xf32>
    %swap3A_196 = vector.shape_cast %broadcast_in_dim3A_192 : vector<16xf32> to vector<16xf32>
    tpu.vector_store %arg14[%swap3A_193], %swap3A_196 {strides = array<i32>} : memref<640xf32, #tpu.memory_space<vmem>>, vector<16xf32>,
    %broadcast_in_dim3A_197 = arith.constant 0.000000e+00 : f32
    %broadcast_in_dim3A_198 = vector.broadcast %broadcast_in_dim3A_197 : f32 to vector<16xf32>
    %swap3A_199 = arith.constant 400 : index
    %swap3A_200 = tpu.vector_load %arg14[%swap3A_199] {strides = array<i32>} : memref<640xf32, #tpu.memory_space<vmem>>, vector<16xf32>,
    %swap3A_201 = vector.shape_cast %swap3A_200 : vector<16xf32> to vector<16xf32>
    %swap3A_202 = vector.shape_cast %broadcast_in_dim3A_198 : vector<16xf32> to vector<16xf32>
    tpu.vector_store %arg14[%swap3A_199], %swap3A_202 {strides = array<i32>} : memref<640xf32, #tpu.memory_space<vmem>>, vector<16xf32>,
    %broadcast_in_dim3A_203 = arith.constant 0.000000e+00 : f32
    %broadcast_in_dim3A_204 = vector.broadcast %broadcast_in_dim3A_203 : f32 to vector<16xf32>
    %swap3A_205 = arith.constant 416 : index
    %swap3A_206 = tpu.vector_load %arg14[%swap3A_205] {strides = array<i32>} : memref<640xf32, #tpu.memory_space<vmem>>, vector<16xf32>,
    %swap3A_207 = vector.shape_cast %swap3A_206 : vector<16xf32> to vector<16xf32>
    %swap3A_208 = vector.shape_cast %broadcast_in_dim3A_204 : vector<16xf32> to vector<16xf32>
    tpu.vector_store %arg14[%swap3A_205], %swap3A_208 {strides = array<i32>} : memref<640xf32, #tpu.memory_space<vmem>>, vector<16xf32>,
    %broadcast_in_dim3A_209 = arith.constant 0.000000e+00 : f32
    %broadcast_in_dim3A_210 = vector.broadcast %broadcast_in_dim3A_209 : f32 to vector<16xf32>
    %swap3A_211 = arith.constant 432 : index
    %swap3A_212 = tpu.vector_load %arg14[%swap3A_211] {strides = array<i32>} : memref<640xf32, #tpu.memory_space<vmem>>, vector<16xf32>,
    %swap3A_213 = vector.shape_cast %swap3A_212 : vector<16xf32> to vector<16xf32>
    %swap3A_214 = vector.shape_cast %broadcast_in_dim3A_210 : vector<16xf32> to vector<16xf32>
    tpu.vector_store %arg14[%swap3A_211], %swap3A_214 {strides = array<i32>} : memref<640xf32, #tpu.memory_space<vmem>>, vector<16xf32>,
    %broadcast_in_dim3A_215 = arith.constant 0.000000e+00 : f32
    %broadcast_in_dim3A_216 = vector.broadcast %broadcast_in_dim3A_215 : f32 to vector<16xf32>
    %swap3A_217 = arith.constant 448 : index
    %swap3A_218 = tpu.vector_load %arg14[%swap3A_217] {strides = array<i32>} : memref<640xf32, #tpu.memory_space<vmem>>, vector<16xf32>,
    %swap3A_219 = vector.shape_cast %swap3A_218 : vector<16xf32> to vector<16xf32>
    %swap3A_220 = vector.shape_cast %broadcast_in_dim3A_216 : vector<16xf32> to vector<16xf32>
    tpu.vector_store %arg14[%swap3A_217], %swap3A_220 {strides = array<i32>} : memref<640xf32, #tpu.memory_space<vmem>>, vector<16xf32>,
    %broadcast_in_dim3A_221 = arith.constant 0.000000e+00 : f32
    %broadcast_in_dim3A_222 = vector.broadcast %broadcast_in_dim3A_221 : f32 to vector<16xf32>
    %swap3A_223 = arith.constant 464 : index
    %swap3A_224 = tpu.vector_load %arg14[%swap3A_223] {strides = array<i32>} : memref<640xf32, #tpu.memory_space<vmem>>, vector<16xf32>,
    %swap3A_225 = vector.shape_cast %swap3A_224 : vector<16xf32> to vector<16xf32>
    %swap3A_226 = vector.shape_cast %broadcast_in_dim3A_222 : vector<16xf32> to vector<16xf32>
    tpu.vector_store %arg14[%swap3A_223], %swap3A_226 {strides = array<i32>} : memref<640xf32, #tpu.memory_space<vmem>>, vector<16xf32>,
    %broadcast_in_dim3A_227 = arith.constant 0.000000e+00 : f32
    %broadcast_in_dim3A_228 = vector.broadcast %broadcast_in_dim3A_227 : f32 to vector<16xf32>
    %swap3A_229 = arith.constant 480 : index
    %swap3A_230 = tpu.vector_load %arg14[%swap3A_229] {strides = array<i32>} : memref<640xf32, #tpu.memory_space<vmem>>, vector<16xf32>,
    %swap3A_231 = vector.shape_cast %swap3A_230 : vector<16xf32> to vector<16xf32>
    %swap3A_232 = vector.shape_cast %broadcast_in_dim3A_228 : vector<16xf32> to vector<16xf32>
    tpu.vector_store %arg14[%swap3A_229], %swap3A_232 {strides = array<i32>} : memref<640xf32, #tpu.memory_space<vmem>>, vector<16xf32>,
    %broadcast_in_dim3A_233 = arith.constant 0.000000e+00 : f32
    %broadcast_in_dim3A_234 = vector.broadcast %broadcast_in_dim3A_233 : f32 to vector<16xf32>
    %swap3A_235 = arith.constant 496 : index
    %swap3A_236 = tpu.vector_load %arg14[%swap3A_235] {strides = array<i32>} : memref<640xf32, #tpu.memory_space<vmem>>, vector<16xf32>,
    %swap3A_237 = vector.shape_cast %swap3A_236 : vector<16xf32> to vector<16xf32>
    %swap3A_238 = vector.shape_cast %broadcast_in_dim3A_234 : vector<16xf32> to vector<16xf32>
    tpu.vector_store %arg14[%swap3A_235], %swap3A_238 {strides = array<i32>} : memref<640xf32, #tpu.memory_space<vmem>>, vector<16xf32>,
    %broadcast_in_dim3A_239 = arith.constant 0.000000e+00 : f32
    %broadcast_in_dim3A_240 = vector.broadcast %broadcast_in_dim3A_239 : f32 to vector<16xf32>
    %swap3A_241 = arith.constant 512 : index
    %swap3A_242 = tpu.vector_load %arg14[%swap3A_241] {strides = array<i32>} : memref<640xf32, #tpu.memory_space<vmem>>, vector<16xf32>,
    %swap3A_243 = vector.shape_cast %swap3A_242 : vector<16xf32> to vector<16xf32>
    %swap3A_244 = vector.shape_cast %broadcast_in_dim3A_240 : vector<16xf32> to vector<16xf32>
    tpu.vector_store %arg14[%swap3A_241], %swap3A_244 {strides = array<i32>} : memref<640xf32, #tpu.memory_space<vmem>>, vector<16xf32>,
    %broadcast_in_dim3A_245 = arith.constant 0.000000e+00 : f32
    %broadcast_in_dim3A_246 = vector.broadcast %broadcast_in_dim3A_245 : f32 to vector<16xf32>
    %swap3A_247 = arith.constant 528 : index
    %swap3A_248 = tpu.vector_load %arg14[%swap3A_247] {strides = array<i32>} : memref<640xf32, #tpu.memory_space<vmem>>, vector<16xf32>,
    %swap3A_249 = vector.shape_cast %swap3A_248 : vector<16xf32> to vector<16xf32>
    %swap3A_250 = vector.shape_cast %broadcast_in_dim3A_246 : vector<16xf32> to vector<16xf32>
    tpu.vector_store %arg14[%swap3A_247], %swap3A_250 {strides = array<i32>} : memref<640xf32, #tpu.memory_space<vmem>>, vector<16xf32>,
    %broadcast_in_dim3A_251 = arith.constant 0.000000e+00 : f32
    %broadcast_in_dim3A_252 = vector.broadcast %broadcast_in_dim3A_251 : f32 to vector<16xf32>
    %swap3A_253 = arith.constant 544 : index
    %swap3A_254 = tpu.vector_load %arg14[%swap3A_253] {strides = array<i32>} : memref<640xf32, #tpu.memory_space<vmem>>, vector<16xf32>,
    %swap3A_255 = vector.shape_cast %swap3A_254 : vector<16xf32> to vector<16xf32>
    %swap3A_256 = vector.shape_cast %broadcast_in_dim3A_252 : vector<16xf32> to vector<16xf32>
    tpu.vector_store %arg14[%swap3A_253], %swap3A_256 {strides = array<i32>} : memref<640xf32, #tpu.memory_space<vmem>>, vector<16xf32>,
    %broadcast_in_dim3A_257 = arith.constant 0.000000e+00 : f32
    %broadcast_in_dim3A_258 = vector.broadcast %broadcast_in_dim3A_257 : f32 to vector<16xf32>
    %swap3A_259 = arith.constant 560 : index
    %swap3A_260 = tpu.vector_load %arg14[%swap3A_259] {strides = array<i32>} : memref<640xf32, #tpu.memory_space<vmem>>, vector<16xf32>,
    %swap3A_261 = vector.shape_cast %swap3A_260 : vector<16xf32> to vector<16xf32>
    %swap3A_262 = vector.shape_cast %broadcast_in_dim3A_258 : vector<16xf32> to vector<16xf32>
    tpu.vector_store %arg14[%swap3A_259], %swap3A_262 {strides = array<i32>} : memref<640xf32, #tpu.memory_space<vmem>>, vector<16xf32>,
    %broadcast_in_dim3A_263 = arith.constant 0.000000e+00 : f32
    %broadcast_in_dim3A_264 = vector.broadcast %broadcast_in_dim3A_263 : f32 to vector<16xf32>
    %swap3A_265 = arith.constant 576 : index
    %swap3A_266 = tpu.vector_load %arg14[%swap3A_265] {strides = array<i32>} : memref<640xf32, #tpu.memory_space<vmem>>, vector<16xf32>,
    %swap3A_267 = vector.shape_cast %swap3A_266 : vector<16xf32> to vector<16xf32>
    %swap3A_268 = vector.shape_cast %broadcast_in_dim3A_264 : vector<16xf32> to vector<16xf32>
    tpu.vector_store %arg14[%swap3A_265], %swap3A_268 {strides = array<i32>} : memref<640xf32, #tpu.memory_space<vmem>>, vector<16xf32>,
    %broadcast_in_dim3A_269 = arith.constant 0.000000e+00 : f32
    %broadcast_in_dim3A_270 = vector.broadcast %broadcast_in_dim3A_269 : f32 to vector<16xf32>
    %swap3A_271 = arith.constant 592 : index
    %swap3A_272 = tpu.vector_load %arg14[%swap3A_271] {strides = array<i32>} : memref<640xf32, #tpu.memory_space<vmem>>, vector<16xf32>,
    %swap3A_273 = vector.shape_cast %swap3A_272 : vector<16xf32> to vector<16xf32>
    %swap3A_274 = vector.shape_cast %broadcast_in_dim3A_270 : vector<16xf32> to vector<16xf32>
    tpu.vector_store %arg14[%swap3A_271], %swap3A_274 {strides = array<i32>} : memref<640xf32, #tpu.memory_space<vmem>>, vector<16xf32>,
    %broadcast_in_dim3A_275 = arith.constant 0.000000e+00 : f32
    %broadcast_in_dim3A_276 = vector.broadcast %broadcast_in_dim3A_275 : f32 to vector<16xf32>
    %swap3A_277 = arith.constant 608 : index
    %swap3A_278 = tpu.vector_load %arg14[%swap3A_277] {strides = array<i32>} : memref<640xf32, #tpu.memory_space<vmem>>, vector<16xf32>,
    %swap3A_279 = vector.shape_cast %swap3A_278 : vector<16xf32> to vector<16xf32>
    %swap3A_280 = vector.shape_cast %broadcast_in_dim3A_276 : vector<16xf32> to vector<16xf32>
    tpu.vector_store %arg14[%swap3A_277], %swap3A_280 {strides = array<i32>} : memref<640xf32, #tpu.memory_space<vmem>>, vector<16xf32>,
    %broadcast_in_dim3A_281 = arith.constant 0.000000e+00 : f32
    %broadcast_in_dim3A_282 = vector.broadcast %broadcast_in_dim3A_281 : f32 to vector<16xf32>
    %swap3A_283 = arith.constant 624 : index
    %swap3A_284 = tpu.vector_load %arg14[%swap3A_283] {strides = array<i32>} : memref<640xf32, #tpu.memory_space<vmem>>, vector<16xf32>,
    %swap3A_285 = vector.shape_cast %swap3A_284 : vector<16xf32> to vector<16xf32>
    %swap3A_286 = vector.shape_cast %broadcast_in_dim3A_282 : vector<16xf32> to vector<16xf32>
    tpu.vector_store %arg14[%swap3A_283], %swap3A_286 {strides = array<i32>} : memref<640xf32, #tpu.memory_space<vmem>>, vector<16xf32>,
    %mul3A_287 = arith.constant 640 : i32
    %mul3A_288 = arith.muli %arg1, %mul3A_287 : i32
    %lt3A = arith.constant 15 : i32
    %lt3A_289 = arith.cmpi slt, %arg1, %lt3A : i32
    %convert_element_type3A = arith.extui %lt3A_289 : i1 to i32
    %cond3A = arith.constant 0 : i32
    %cond3A_290 = arith.cmpi ne, %convert_element_type3A, %cond3A : i32
    scf.if %cond3A_290 {
      "tpu.region"() ({
        %run_scoped3A = tpu.sem_alloc : memref<!tpu.dma_semaphore, #tpu.memory_space<semaphore_mem>>
        %dma_start3A = tpu.memref_slice %arg15[%mul3A_288] : memref<10000xf32, #tpu.memory_space<vmem_shared>> -> memref<640xf32, #tpu.memory_space<vmem_shared>>
        %dma_start3A_398 = tpu.memref_slice %arg15[%mul3A_288] : memref<10000xf32, #tpu.memory_space<vmem_shared>> -> memref<640xf32, #tpu.memory_space<vmem_shared>>
        tpu.enqueue_dma source(%arg14 : memref<640xf32, #tpu.memory_space<vmem>>) target(%dma_start3A_398 : memref<640xf32, #tpu.memory_space<vmem_shared>>) target_semaphore(%run_scoped3A : memref<!tpu.dma_semaphore, #tpu.memory_space<semaphore_mem>>)
        %dma_wait3A = tpu.memref_slice %arg15[%mul3A_288] : memref<10000xf32, #tpu.memory_space<vmem_shared>> -> memref<640xf32, #tpu.memory_space<vmem_shared>>
        %dma_wait3A_399 = tpu.memref_slice %arg15[%mul3A_288] : memref<10000xf32, #tpu.memory_space<vmem_shared>> -> memref<640xf32, #tpu.memory_space<vmem_shared>>
        tpu.wait_dma2 semaphore(%run_scoped3A : memref<!tpu.dma_semaphore, #tpu.memory_space<semaphore_mem>>) src(%arg14 : memref<640xf32, #tpu.memory_space<vmem>>) dst(%dma_wait3A_399 : memref<640xf32, #tpu.memory_space<vmem_shared>>)
        tpu.yield
      }) : () -> ()
    } else {
    }
    %eq3A = arith.constant 15 : i32
    %eq3A_291 = arith.cmpi eq, %arg1, %eq3A : i32
    %convert_element_type3A_292 = arith.extui %eq3A_291 : i1 to i32
    %cond3A_293 = arith.constant 0 : i32
    %cond3A_294 = arith.cmpi ne, %convert_element_type3A_292, %cond3A_293 : i32
    scf.if %cond3A_294 {
      "tpu.region"() ({
        %run_scoped3A = tpu.sem_alloc : memref<!tpu.dma_semaphore, #tpu.memory_space<semaphore_mem>>
        %dma_start3A = arith.constant 0 : i32
        %dma_start3A_398 = tpu.memref_slice %arg14[%dma_start3A] : memref<640xf32, #tpu.memory_space<vmem>> -> memref<400xf32, #tpu.memory_space<vmem>>
        %dma_start3A_399 = tpu.memref_slice %arg15[%mul3A_288] : memref<10000xf32, #tpu.memory_space<vmem_shared>> -> memref<400xf32, #tpu.memory_space<vmem_shared>>
        %dma_start3A_400 = tpu.memref_slice %arg15[%mul3A_288] : memref<10000xf32, #tpu.memory_space<vmem_shared>> -> memref<400xf32, #tpu.memory_space<vmem_shared>>
        %dma_start3A_401 = arith.constant 0 : i32
        %dma_start3A_402 = tpu.memref_slice %arg14[%dma_start3A_401] : memref<640xf32, #tpu.memory_space<vmem>> -> memref<400xf32, #tpu.memory_space<vmem>>
        tpu.enqueue_dma source(%dma_start3A_402 : memref<400xf32, #tpu.memory_space<vmem>>) target(%dma_start3A_400 : memref<400xf32, #tpu.memory_space<vmem_shared>>) target_semaphore(%run_scoped3A : memref<!tpu.dma_semaphore, #tpu.memory_space<semaphore_mem>>)
        %dma_wait3A = arith.constant 0 : i32
        %dma_wait3A_403 = tpu.memref_slice %arg14[%dma_wait3A] : memref<640xf32, #tpu.memory_space<vmem>> -> memref<400xf32, #tpu.memory_space<vmem>>
        %dma_wait3A_404 = tpu.memref_slice %arg15[%mul3A_288] : memref<10000xf32, #tpu.memory_space<vmem_shared>> -> memref<400xf32, #tpu.memory_space<vmem_shared>>
        %dma_wait3A_405 = tpu.memref_slice %arg15[%mul3A_288] : memref<10000xf32, #tpu.memory_space<vmem_shared>> -> memref<400xf32, #tpu.memory_space<vmem_shared>>
        %dma_wait3A_406 = arith.constant 0 : i32
        %dma_wait3A_407 = tpu.memref_slice %arg14[%dma_wait3A_406] : memref<640xf32, #tpu.memory_space<vmem>> -> memref<400xf32, #tpu.memory_space<vmem>>
        tpu.wait_dma2 semaphore(%run_scoped3A : memref<!tpu.dma_semaphore, #tpu.memory_space<semaphore_mem>>) src(%dma_wait3A_407 : memref<400xf32, #tpu.memory_space<vmem>>) dst(%dma_wait3A_405 : memref<400xf32, #tpu.memory_space<vmem_shared>>)
        tpu.yield
      }) : () -> ()
    } else {
    }
    %mul3A_295 = arith.constant 2500 : i32
    %mul3A_296 = arith.muli %mul3A_295, %add3A : i32
    %jit3A = arith.constant 32 : i32
    %div3A = arith.divsi %mul3A_296, %jit3A : i32
    %sign3A = arith.constant 0 : i32
    %sign3A_297 = arith.cmpi sgt, %mul3A_296, %sign3A : i32
    %sign3A_298 = arith.extui %sign3A_297 : i1 to i32
    %sign3A_299 = arith.constant 0 : i32
    %sign3A_300 = arith.cmpi slt, %mul3A_296, %sign3A_299 : i32
    %sign3A_301 = arith.extui %sign3A_300 : i1 to i32
    %sign3A_302 = arith.subi %sign3A_298, %sign3A_301 : i32
    %sign3A_303 = arith.constant 0 : i32
    %sign3A_304 = arith.cmpi sgt, %jit3A, %sign3A_303 : i32
    %sign3A_305 = arith.extui %sign3A_304 : i1 to i32
    %sign3A_306 = arith.constant 0 : i32
    %sign3A_307 = arith.cmpi slt, %jit3A, %sign3A_306 : i32
    %sign3A_308 = arith.extui %sign3A_307 : i1 to i32
    %sign3A_309 = arith.subi %sign3A_305, %sign3A_308 : i32
    %ne3A = arith.cmpi ne, %sign3A_302, %sign3A_309 : i32
    %rem3A = arith.remsi %mul3A_296, %jit3A : i32
    %ne3A_310 = arith.constant 0 : i32
    %ne3A_311 = arith.cmpi ne, %rem3A, %ne3A_310 : i32
    %and3A = arith.andi %ne3A, %ne3A_311 : i1
    %sub3A = arith.constant 1 : i32
    %sub3A_312 = arith.subi %div3A, %sub3A : i32
    %select_n3A = arith.select %and3A, %sub3A_312, %div3A : i32
    %add3A_313 = arith.constant 1 : i32
    %add3A_314 = arith.addi %add3A, %add3A_313 : i32
    %mul3A_315 = arith.constant 2500 : i32
    %mul3A_316 = arith.muli %mul3A_315, %add3A_314 : i32
    %jit3A_317 = arith.constant 32 : i32
    %div3A_318 = arith.divsi %mul3A_316, %jit3A_317 : i32
    %sign3A_319 = arith.constant 0 : i32
    %sign3A_320 = arith.cmpi sgt, %mul3A_316, %sign3A_319 : i32
    %sign3A_321 = arith.extui %sign3A_320 : i1 to i32
    %sign3A_322 = arith.constant 0 : i32
    %sign3A_323 = arith.cmpi slt, %mul3A_316, %sign3A_322 : i32
    %sign3A_324 = arith.extui %sign3A_323 : i1 to i32
    %sign3A_325 = arith.subi %sign3A_321, %sign3A_324 : i32
    %sign3A_326 = arith.constant 0 : i32
    %sign3A_327 = arith.cmpi sgt, %jit3A_317, %sign3A_326 : i32
    %sign3A_328 = arith.extui %sign3A_327 : i1 to i32
    %sign3A_329 = arith.constant 0 : i32
    %sign3A_330 = arith.cmpi slt, %jit3A_317, %sign3A_329 : i32
    %sign3A_331 = arith.extui %sign3A_330 : i1 to i32
    %sign3A_332 = arith.subi %sign3A_328, %sign3A_331 : i32
    %ne3A_333 = arith.cmpi ne, %sign3A_325, %sign3A_332 : i32
    %rem3A_334 = arith.remsi %mul3A_316, %jit3A_317 : i32
    %ne3A_335 = arith.constant 0 : i32
    %ne3A_336 = arith.cmpi ne, %rem3A_334, %ne3A_335 : i32
    %and3A_337 = arith.andi %ne3A_333, %ne3A_336 : i1
    %sub3A_338 = arith.constant 1 : i32
    %sub3A_339 = arith.subi %div3A_318, %sub3A_338 : i32
    %select_n3A_340 = arith.select %and3A_337, %sub3A_339, %div3A_318 : i32
    %sub3A_341 = arith.subi %select_n3A_340, %select_n3A : i32
    %gt3A = arith.constant 0 : i32
    %gt3A_342 = arith.cmpi sgt, %sub3A_341, %gt3A : i32
    %convert_element_type3A_343 = arith.extui %gt3A_342 : i1 to i32
    %cond3A_344 = arith.constant 0 : i32
    %cond3A_345 = arith.cmpi ne, %convert_element_type3A_343, %cond3A_344 : i32
    scf.if %cond3A_345 {
      %add3A_398 = arith.constant 0 : i32
      %add3A_399 = arith.addi %select_n3A, %add3A_398 : i32
      %mul3A_400 = arith.constant 128 : i32
      %mul3A_401 = arith.muli %add3A_399, %mul3A_400 : i32
      %dma_start3A = arith.constant 1 : i32
      %dma_start3A_402 = tpu.memref_slice %arg2[%dma_start3A, %mul3A_401] : memref<2x320000xi32, #tpu.memory_space<hbm>> -> memref<1x128xi32, #tpu.memory_space<hbm>>
      %dma_start3A_403 = tpu.memref_squeeze %dma_start3A_402 : memref<1x128xi32, #tpu.memory_space<hbm>> -> memref<128xi32, #tpu.memory_space<hbm>>
      %dma_start3A_404 = tpu.memref_slice %arg2[%dma_start3A, %mul3A_401] : memref<2x320000xi32, #tpu.memory_space<hbm>> -> memref<1x128xi32, #tpu.memory_space<hbm>>
      %dma_start3A_405 = tpu.memref_squeeze %dma_start3A_404 : memref<1x128xi32, #tpu.memory_space<hbm>> -> memref<128xi32, #tpu.memory_space<hbm>>
      tpu.enqueue_dma source(%dma_start3A_405 : memref<128xi32, #tpu.memory_space<hbm>>) target(%arg5 : memref<128xi32, #tpu.memory_space<vmem>>) target_semaphore(%arg16 : memref<!tpu.dma_semaphore, #tpu.memory_space<semaphore_mem>>)
    } else {
    }
    %gt3A_346 = arith.constant 1 : i32
    %gt3A_347 = arith.cmpi sgt, %sub3A_341, %gt3A_346 : i32
    %convert_element_type3A_348 = arith.extui %gt3A_347 : i1 to i32
    %cond3A_349 = arith.constant 0 : i32
    %cond3A_350 = arith.cmpi ne, %convert_element_type3A_348, %cond3A_349 : i32
    scf.if %cond3A_350 {
      %add3A_398 = arith.constant 1 : i32
      %add3A_399 = arith.addi %select_n3A, %add3A_398 : i32
      %mul3A_400 = arith.constant 128 : i32
      %mul3A_401 = arith.muli %add3A_399, %mul3A_400 : i32
      %dma_start3A = arith.constant 1 : i32
      %dma_start3A_402 = tpu.memref_slice %arg2[%dma_start3A, %mul3A_401] : memref<2x320000xi32, #tpu.memory_space<hbm>> -> memref<1x128xi32, #tpu.memory_space<hbm>>
      %dma_start3A_403 = tpu.memref_squeeze %dma_start3A_402 : memref<1x128xi32, #tpu.memory_space<hbm>> -> memref<128xi32, #tpu.memory_space<hbm>>
      %dma_start3A_404 = tpu.memref_slice %arg2[%dma_start3A, %mul3A_401] : memref<2x320000xi32, #tpu.memory_space<hbm>> -> memref<1x128xi32, #tpu.memory_space<hbm>>
      %dma_start3A_405 = tpu.memref_squeeze %dma_start3A_404 : memref<1x128xi32, #tpu.memory_space<hbm>> -> memref<128xi32, #tpu.memory_space<hbm>>
      tpu.enqueue_dma source(%dma_start3A_405 : memref<128xi32, #tpu.memory_space<hbm>>) target(%arg6 : memref<128xi32, #tpu.memory_space<vmem>>) target_semaphore(%arg17 : memref<!tpu.dma_semaphore, #tpu.memory_space<semaphore_mem>>)
    } else {
    }
    %gt3A_351 = arith.constant 2 : i32
    %gt3A_352 = arith.cmpi sgt, %sub3A_341, %gt3A_351 : i32
    %convert_element_type3A_353 = arith.extui %gt3A_352 : i1 to i32
    %cond3A_354 = arith.constant 0 : i32
    %cond3A_355 = arith.cmpi ne, %convert_element_type3A_353, %cond3A_354 : i32
    scf.if %cond3A_355 {
      %add3A_398 = arith.constant 2 : i32
      %add3A_399 = arith.addi %select_n3A, %add3A_398 : i32
      %mul3A_400 = arith.constant 128 : i32
      %mul3A_401 = arith.muli %add3A_399, %mul3A_400 : i32
      %dma_start3A = arith.constant 1 : i32
      %dma_start3A_402 = tpu.memref_slice %arg2[%dma_start3A, %mul3A_401] : memref<2x320000xi32, #tpu.memory_space<hbm>> -> memref<1x128xi32, #tpu.memory_space<hbm>>
      %dma_start3A_403 = tpu.memref_squeeze %dma_start3A_402 : memref<1x128xi32, #tpu.memory_space<hbm>> -> memref<128xi32, #tpu.memory_space<hbm>>
      %dma_start3A_404 = tpu.memref_slice %arg2[%dma_start3A, %mul3A_401] : memref<2x320000xi32, #tpu.memory_space<hbm>> -> memref<1x128xi32, #tpu.memory_space<hbm>>
      %dma_start3A_405 = tpu.memref_squeeze %dma_start3A_404 : memref<1x128xi32, #tpu.memory_space<hbm>> -> memref<128xi32, #tpu.memory_space<hbm>>
      tpu.enqueue_dma source(%dma_start3A_405 : memref<128xi32, #tpu.memory_space<hbm>>) target(%arg7 : memref<128xi32, #tpu.memory_space<vmem>>) target_semaphore(%arg18 : memref<!tpu.dma_semaphore, #tpu.memory_space<semaphore_mem>>)
    } else {
    }
    %gt3A_356 = arith.constant 3 : i32
    %gt3A_357 = arith.cmpi sgt, %sub3A_341, %gt3A_356 : i32
    %convert_element_type3A_358 = arith.extui %gt3A_357 : i1 to i32
    %cond3A_359 = arith.constant 0 : i32
    %cond3A_360 = arith.cmpi ne, %convert_element_type3A_358, %cond3A_359 : i32
    scf.if %cond3A_360 {
      %add3A_398 = arith.constant 3 : i32
      %add3A_399 = arith.addi %select_n3A, %add3A_398 : i32
      %mul3A_400 = arith.constant 128 : i32
      %mul3A_401 = arith.muli %add3A_399, %mul3A_400 : i32
      %dma_start3A = arith.constant 1 : i32
      %dma_start3A_402 = tpu.memref_slice %arg2[%dma_start3A, %mul3A_401] : memref<2x320000xi32, #tpu.memory_space<hbm>> -> memref<1x128xi32, #tpu.memory_space<hbm>>
      %dma_start3A_403 = tpu.memref_squeeze %dma_start3A_402 : memref<1x128xi32, #tpu.memory_space<hbm>> -> memref<128xi32, #tpu.memory_space<hbm>>
      %dma_start3A_404 = tpu.memref_slice %arg2[%dma_start3A, %mul3A_401] : memref<2x320000xi32, #tpu.memory_space<hbm>> -> memref<1x128xi32, #tpu.memory_space<hbm>>
      %dma_start3A_405 = tpu.memref_squeeze %dma_start3A_404 : memref<1x128xi32, #tpu.memory_space<hbm>> -> memref<128xi32, #tpu.memory_space<hbm>>
      tpu.enqueue_dma source(%dma_start3A_405 : memref<128xi32, #tpu.memory_space<hbm>>) target(%arg8 : memref<128xi32, #tpu.memory_space<vmem>>) target_semaphore(%arg19 : memref<!tpu.dma_semaphore, #tpu.memory_space<semaphore_mem>>)
    } else {
    }
    %gt3A_361 = arith.constant 4 : i32
    %gt3A_362 = arith.cmpi sgt, %sub3A_341, %gt3A_361 : i32
    %convert_element_type3A_363 = arith.extui %gt3A_362 : i1 to i32
    %cond3A_364 = arith.constant 0 : i32
    %cond3A_365 = arith.cmpi ne, %convert_element_type3A_363, %cond3A_364 : i32
    scf.if %cond3A_365 {
      %add3A_398 = arith.constant 4 : i32
      %add3A_399 = arith.addi %select_n3A, %add3A_398 : i32
      %mul3A_400 = arith.constant 128 : i32
      %mul3A_401 = arith.muli %add3A_399, %mul3A_400 : i32
      %dma_start3A = arith.constant 1 : i32
      %dma_start3A_402 = tpu.memref_slice %arg2[%dma_start3A, %mul3A_401] : memref<2x320000xi32, #tpu.memory_space<hbm>> -> memref<1x128xi32, #tpu.memory_space<hbm>>
      %dma_start3A_403 = tpu.memref_squeeze %dma_start3A_402 : memref<1x128xi32, #tpu.memory_space<hbm>> -> memref<128xi32, #tpu.memory_space<hbm>>
      %dma_start3A_404 = tpu.memref_slice %arg2[%dma_start3A, %mul3A_401] : memref<2x320000xi32, #tpu.memory_space<hbm>> -> memref<1x128xi32, #tpu.memory_space<hbm>>
      %dma_start3A_405 = tpu.memref_squeeze %dma_start3A_404 : memref<1x128xi32, #tpu.memory_space<hbm>> -> memref<128xi32, #tpu.memory_space<hbm>>
      tpu.enqueue_dma source(%dma_start3A_405 : memref<128xi32, #tpu.memory_space<hbm>>) target(%arg9 : memref<128xi32, #tpu.memory_space<vmem>>) target_semaphore(%arg20 : memref<!tpu.dma_semaphore, #tpu.memory_space<semaphore_mem>>)
    } else {
    }
    %gt3A_366 = arith.constant 5 : i32
    %gt3A_367 = arith.cmpi sgt, %sub3A_341, %gt3A_366 : i32
    %convert_element_type3A_368 = arith.extui %gt3A_367 : i1 to i32
    %cond3A_369 = arith.constant 0 : i32
    %cond3A_370 = arith.cmpi ne, %convert_element_type3A_368, %cond3A_369 : i32
    scf.if %cond3A_370 {
      %add3A_398 = arith.constant 5 : i32
      %add3A_399 = arith.addi %select_n3A, %add3A_398 : i32
      %mul3A_400 = arith.constant 128 : i32
      %mul3A_401 = arith.muli %add3A_399, %mul3A_400 : i32
      %dma_start3A = arith.constant 1 : i32
      %dma_start3A_402 = tpu.memref_slice %arg2[%dma_start3A, %mul3A_401] : memref<2x320000xi32, #tpu.memory_space<hbm>> -> memref<1x128xi32, #tpu.memory_space<hbm>>
      %dma_start3A_403 = tpu.memref_squeeze %dma_start3A_402 : memref<1x128xi32, #tpu.memory_space<hbm>> -> memref<128xi32, #tpu.memory_space<hbm>>
      %dma_start3A_404 = tpu.memref_slice %arg2[%dma_start3A, %mul3A_401] : memref<2x320000xi32, #tpu.memory_space<hbm>> -> memref<1x128xi32, #tpu.memory_space<hbm>>
      %dma_start3A_405 = tpu.memref_squeeze %dma_start3A_404 : memref<1x128xi32, #tpu.memory_space<hbm>> -> memref<128xi32, #tpu.memory_space<hbm>>
      tpu.enqueue_dma source(%dma_start3A_405 : memref<128xi32, #tpu.memory_space<hbm>>) target(%arg10 : memref<128xi32, #tpu.memory_space<vmem>>) target_semaphore(%arg21 : memref<!tpu.dma_semaphore, #tpu.memory_space<semaphore_mem>>)
    } else {
    }
    %gt3A_371 = arith.constant 6 : i32
    %gt3A_372 = arith.cmpi sgt, %sub3A_341, %gt3A_371 : i32
    %convert_element_type3A_373 = arith.extui %gt3A_372 : i1 to i32
    %cond3A_374 = arith.constant 0 : i32
    %cond3A_375 = arith.cmpi ne, %convert_element_type3A_373, %cond3A_374 : i32
    scf.if %cond3A_375 {
      %add3A_398 = arith.constant 6 : i32
      %add3A_399 = arith.addi %select_n3A, %add3A_398 : i32
      %mul3A_400 = arith.constant 128 : i32
      %mul3A_401 = arith.muli %add3A_399, %mul3A_400 : i32
      %dma_start3A = arith.constant 1 : i32
      %dma_start3A_402 = tpu.memref_slice %arg2[%dma_start3A, %mul3A_401] : memref<2x320000xi32, #tpu.memory_space<hbm>> -> memref<1x128xi32, #tpu.memory_space<hbm>>
      %dma_start3A_403 = tpu.memref_squeeze %dma_start3A_402 : memref<1x128xi32, #tpu.memory_space<hbm>> -> memref<128xi32, #tpu.memory_space<hbm>>
      %dma_start3A_404 = tpu.memref_slice %arg2[%dma_start3A, %mul3A_401] : memref<2x320000xi32, #tpu.memory_space<hbm>> -> memref<1x128xi32, #tpu.memory_space<hbm>>
      %dma_start3A_405 = tpu.memref_squeeze %dma_start3A_404 : memref<1x128xi32, #tpu.memory_space<hbm>> -> memref<128xi32, #tpu.memory_space<hbm>>
      tpu.enqueue_dma source(%dma_start3A_405 : memref<128xi32, #tpu.memory_space<hbm>>) target(%arg11 : memref<128xi32, #tpu.memory_space<vmem>>) target_semaphore(%arg22 : memref<!tpu.dma_semaphore, #tpu.memory_space<semaphore_mem>>)
    } else {
    }
    %gt3A_376 = arith.constant 7 : i32
    %gt3A_377 = arith.cmpi sgt, %sub3A_341, %gt3A_376 : i32
    %convert_element_type3A_378 = arith.extui %gt3A_377 : i1 to i32
    %cond3A_379 = arith.constant 0 : i32
    %cond3A_380 = arith.cmpi ne, %convert_element_type3A_378, %cond3A_379 : i32
    scf.if %cond3A_380 {
      %add3A_398 = arith.constant 7 : i32
      %add3A_399 = arith.addi %select_n3A, %add3A_398 : i32
      %mul3A_400 = arith.constant 128 : i32
      %mul3A_401 = arith.muli %add3A_399, %mul3A_400 : i32
      %dma_start3A = arith.constant 1 : i32
      %dma_start3A_402 = tpu.memref_slice %arg2[%dma_start3A, %mul3A_401] : memref<2x320000xi32, #tpu.memory_space<hbm>> -> memref<1x128xi32, #tpu.memory_space<hbm>>
      %dma_start3A_403 = tpu.memref_squeeze %dma_start3A_402 : memref<1x128xi32, #tpu.memory_space<hbm>> -> memref<128xi32, #tpu.memory_space<hbm>>
      %dma_start3A_404 = tpu.memref_slice %arg2[%dma_start3A, %mul3A_401] : memref<2x320000xi32, #tpu.memory_space<hbm>> -> memref<1x128xi32, #tpu.memory_space<hbm>>
      %dma_start3A_405 = tpu.memref_squeeze %dma_start3A_404 : memref<1x128xi32, #tpu.memory_space<hbm>> -> memref<128xi32, #tpu.memory_space<hbm>>
      tpu.enqueue_dma source(%dma_start3A_405 : memref<128xi32, #tpu.memory_space<hbm>>) target(%arg12 : memref<128xi32, #tpu.memory_space<vmem>>) target_semaphore(%arg23 : memref<!tpu.dma_semaphore, #tpu.memory_space<semaphore_mem>>)
    } else {
    }
    %barrier3A = arith.constant 0 : index
    tpu.barrier barrier_id(%barrier3A)
    %scan3A = arith.constant 0 : i32
    %scan3A_381 = arith.constant 0 : i32
    %scan3A_382 = arith.constant 11 : i32
    %scan3A_383 = arith.addi %scan3A_381, %scan3A_382 : i32
    %scan3A_384 = arith.constant 1 : i32
    %scan3A_385 = scf.for %scan3A_398 = %scan3A_381 to %scan3A_383 step %scan3A_384 iter_args(%scan3A_399 = %scan3A) -> (i32)  : i32 {
      %mul3A_400 = arith.constant 8 : i32
      %mul3A_401 = arith.muli %mul3A_400, %scan3A_398 : i32
      %add3A_402 = arith.constant 0 : i32
      %add3A_403 = arith.addi %mul3A_401, %add3A_402 : i32
      %lt3A_404 = arith.cmpi slt, %add3A_403, %sub3A_341 : i32
      %convert_element_type3A_405 = arith.extui %lt3A_404 : i1 to i32
      %cond3A_406 = arith.constant 0 : i32
      %cond3A_407 = arith.cmpi ne, %convert_element_type3A_405, %cond3A_406 : i32
      scf.if %cond3A_407 {
        %dma_wait3A = arith.constant 1 : i32
        %dma_wait3A_536 = arith.constant 0 : i32
        %dma_wait3A_537 = tpu.memref_slice %arg2[%dma_wait3A, %dma_wait3A_536] : memref<2x320000xi32, #tpu.memory_space<hbm>> -> memref<1x128xi32, #tpu.memory_space<hbm>>
        %dma_wait3A_538 = tpu.memref_squeeze %dma_wait3A_537 : memref<1x128xi32, #tpu.memory_space<hbm>> -> memref<128xi32, #tpu.memory_space<hbm>>
        %dma_wait3A_539 = arith.constant 0 : i32
        %dma_wait3A_540 = tpu.memref_slice %arg2[%dma_wait3A, %dma_wait3A_539] : memref<2x320000xi32, #tpu.memory_space<hbm>> -> memref<1x128xi32, #tpu.memory_space<hbm>>
        %dma_wait3A_541 = tpu.memref_squeeze %dma_wait3A_540 : memref<1x128xi32, #tpu.memory_space<hbm>> -> memref<128xi32, #tpu.memory_space<hbm>>
        tpu.wait_dma2 semaphore(%arg16 : memref<!tpu.dma_semaphore, #tpu.memory_space<semaphore_mem>>) src(%dma_wait3A_541 : memref<128xi32, #tpu.memory_space<hbm>>) dst(%arg5 : memref<128xi32, #tpu.memory_space<vmem>>)
        %dma_start3A = arith.constant 0 : i32
        %dma_start3A_542 = tpu.memref_slice %arg15[%dma_start3A] : memref<10000xf32, #tpu.memory_space<vmem_shared>> -> memref<10000xf32, #tpu.memory_space<vmem_shared>>
        tpu.enqueue_indirect_dma source(%arg13 : memref<128xf32, #tpu.memory_space<vmem>>) target(%dma_start3A_542 : memref<10000xf32, #tpu.memory_space<vmem_shared>>) offsets(%arg5 : memref<128xi32, #tpu.memory_space<vmem>>) semaphore(%arg24 : memref<!tpu.dma_semaphore, #tpu.memory_space<semaphore_mem>>) {add = true}
      } else {
      }
      %ge3A = arith.constant 4 : i32
      %ge3A_408 = arith.cmpi sge, %add3A_403, %ge3A : i32
      %sub3A_409 = arith.constant 4 : i32
      %sub3A_410 = arith.subi %add3A_403, %sub3A_409 : i32
      %lt3A_411 = arith.cmpi slt, %sub3A_410, %sub3A_341 : i32
      %and3A_412 = arith.andi %ge3A_408, %lt3A_411 : i1
      %convert_element_type3A_413 = arith.extui %and3A_412 : i1 to i32
      %cond3A_414 = arith.constant 0 : i32
      %cond3A_415 = arith.cmpi ne, %convert_element_type3A_413, %cond3A_414 : i32
      scf.if %cond3A_415 {
        %dma_wait3A = arith.constant 0 : i32
        %dma_wait3A_536 = tpu.memref_slice %arg15[%dma_wait3A] : memref<10000xf32, #tpu.memory_space<vmem_shared>> -> memref<128xf32, #tpu.memory_space<vmem_shared>>
        %dma_wait3A_537 = arith.constant 0 : i32
        %dma_wait3A_538 = tpu.memref_slice %arg15[%dma_wait3A_537] : memref<10000xf32, #tpu.memory_space<vmem_shared>> -> memref<128xf32, #tpu.memory_space<vmem_shared>>
        tpu.wait_dma2 semaphore(%arg28 : memref<!tpu.dma_semaphore, #tpu.memory_space<semaphore_mem>>) src(%arg13 : memref<128xf32, #tpu.memory_space<vmem>>) dst(%dma_wait3A_538 : memref<128xf32, #tpu.memory_space<vmem_shared>>)
        %add3A_539 = arith.constant 4 : i32
        %add3A_540 = arith.addi %add3A_403, %add3A_539 : i32
        %lt3A_541 = arith.cmpi slt, %add3A_540, %sub3A_341 : i32
        %convert_element_type3A_542 = arith.extui %lt3A_541 : i1 to i32
        %cond3A_543 = arith.constant 0 : i32
        %cond3A_544 = arith.cmpi ne, %convert_element_type3A_542, %cond3A_543 : i32
        scf.if %cond3A_544 {
          %add3A_545 = arith.constant 4 : i32
          %add3A_546 = arith.addi %add3A_403, %add3A_545 : i32
          %add3A_547 = arith.addi %select_n3A, %add3A_546 : i32
          %mul3A_548 = arith.constant 128 : i32
          %mul3A_549 = arith.muli %add3A_547, %mul3A_548 : i32
          %dma_start3A = arith.constant 1 : i32
          %dma_start3A_550 = tpu.memref_slice %arg2[%dma_start3A, %mul3A_549] : memref<2x320000xi32, #tpu.memory_space<hbm>> -> memref<1x128xi32, #tpu.memory_space<hbm>>
          %dma_start3A_551 = tpu.memref_squeeze %dma_start3A_550 : memref<1x128xi32, #tpu.memory_space<hbm>> -> memref<128xi32, #tpu.memory_space<hbm>>
          %dma_start3A_552 = tpu.memref_slice %arg2[%dma_start3A, %mul3A_549] : memref<2x320000xi32, #tpu.memory_space<hbm>> -> memref<1x128xi32, #tpu.memory_space<hbm>>
          %dma_start3A_553 = tpu.memref_squeeze %dma_start3A_552 : memref<1x128xi32, #tpu.memory_space<hbm>> -> memref<128xi32, #tpu.memory_space<hbm>>
          tpu.enqueue_dma source(%dma_start3A_553 : memref<128xi32, #tpu.memory_space<hbm>>) target(%arg9 : memref<128xi32, #tpu.memory_space<vmem>>) target_semaphore(%arg20 : memref<!tpu.dma_semaphore, #tpu.memory_space<semaphore_mem>>)
        } else {
        }
      } else {
      }
      %mul3A_416 = arith.constant 8 : i32
      %mul3A_417 = arith.muli %mul3A_416, %scan3A_398 : i32
      %add3A_418 = arith.constant 1 : i32
      %add3A_419 = arith.addi %mul3A_417, %add3A_418 : i32
      %lt3A_420 = arith.cmpi slt, %add3A_419, %sub3A_341 : i32
      %convert_element_type3A_421 = arith.extui %lt3A_420 : i1 to i32
      %cond3A_422 = arith.constant 0 : i32
      %cond3A_423 = arith.cmpi ne, %convert_element_type3A_421, %cond3A_422 : i32
      scf.if %cond3A_423 {
        %dma_wait3A = arith.constant 1 : i32
        %dma_wait3A_536 = arith.constant 0 : i32
        %dma_wait3A_537 = tpu.memref_slice %arg2[%dma_wait3A, %dma_wait3A_536] : memref<2x320000xi32, #tpu.memory_space<hbm>> -> memref<1x128xi32, #tpu.memory_space<hbm>>
        %dma_wait3A_538 = tpu.memref_squeeze %dma_wait3A_537 : memref<1x128xi32, #tpu.memory_space<hbm>> -> memref<128xi32, #tpu.memory_space<hbm>>
        %dma_wait3A_539 = arith.constant 0 : i32
        %dma_wait3A_540 = tpu.memref_slice %arg2[%dma_wait3A, %dma_wait3A_539] : memref<2x320000xi32, #tpu.memory_space<hbm>> -> memref<1x128xi32, #tpu.memory_space<hbm>>
        %dma_wait3A_541 = tpu.memref_squeeze %dma_wait3A_540 : memref<1x128xi32, #tpu.memory_space<hbm>> -> memref<128xi32, #tpu.memory_space<hbm>>
        tpu.wait_dma2 semaphore(%arg17 : memref<!tpu.dma_semaphore, #tpu.memory_space<semaphore_mem>>) src(%dma_wait3A_541 : memref<128xi32, #tpu.memory_space<hbm>>) dst(%arg6 : memref<128xi32, #tpu.memory_space<vmem>>)
        %dma_start3A = arith.constant 0 : i32
        %dma_start3A_542 = tpu.memref_slice %arg15[%dma_start3A] : memref<10000xf32, #tpu.memory_space<vmem_shared>> -> memref<10000xf32, #tpu.memory_space<vmem_shared>>
        tpu.enqueue_indirect_dma source(%arg13 : memref<128xf32, #tpu.memory_space<vmem>>) target(%dma_start3A_542 : memref<10000xf32, #tpu.memory_space<vmem_shared>>) offsets(%arg6 : memref<128xi32, #tpu.memory_space<vmem>>) semaphore(%arg25 : memref<!tpu.dma_semaphore, #tpu.memory_space<semaphore_mem>>) {add = true}
      } else {
      }
      %ge3A_424 = arith.constant 4 : i32
      %ge3A_425 = arith.cmpi sge, %add3A_419, %ge3A_424 : i32
      %sub3A_426 = arith.constant 4 : i32
      %sub3A_427 = arith.subi %add3A_419, %sub3A_426 : i32
      %lt3A_428 = arith.cmpi slt, %sub3A_427, %sub3A_341 : i32
      %and3A_429 = arith.andi %ge3A_425, %lt3A_428 : i1
      %convert_element_type3A_430 = arith.extui %and3A_429 : i1 to i32
      %cond3A_431 = arith.constant 0 : i32
      %cond3A_432 = arith.cmpi ne, %convert_element_type3A_430, %cond3A_431 : i32
      scf.if %cond3A_432 {
        %dma_wait3A = arith.constant 0 : i32
        %dma_wait3A_536 = tpu.memref_slice %arg15[%dma_wait3A] : memref<10000xf32, #tpu.memory_space<vmem_shared>> -> memref<128xf32, #tpu.memory_space<vmem_shared>>
        %dma_wait3A_537 = arith.constant 0 : i32
        %dma_wait3A_538 = tpu.memref_slice %arg15[%dma_wait3A_537] : memref<10000xf32, #tpu.memory_space<vmem_shared>> -> memref<128xf32, #tpu.memory_space<vmem_shared>>
        tpu.wait_dma2 semaphore(%arg29 : memref<!tpu.dma_semaphore, #tpu.memory_space<semaphore_mem>>) src(%arg13 : memref<128xf32, #tpu.memory_space<vmem>>) dst(%dma_wait3A_538 : memref<128xf32, #tpu.memory_space<vmem_shared>>)
        %add3A_539 = arith.constant 4 : i32
        %add3A_540 = arith.addi %add3A_419, %add3A_539 : i32
        %lt3A_541 = arith.cmpi slt, %add3A_540, %sub3A_341 : i32
        %convert_element_type3A_542 = arith.extui %lt3A_541 : i1 to i32
        %cond3A_543 = arith.constant 0 : i32
        %cond3A_544 = arith.cmpi ne, %convert_element_type3A_542, %cond3A_543 : i32
        scf.if %cond3A_544 {
          %add3A_545 = arith.constant 4 : i32
          %add3A_546 = arith.addi %add3A_419, %add3A_545 : i32
          %add3A_547 = arith.addi %select_n3A, %add3A_546 : i32
          %mul3A_548 = arith.constant 128 : i32
          %mul3A_549 = arith.muli %add3A_547, %mul3A_548 : i32
          %dma_start3A = arith.constant 1 : i32
          %dma_start3A_550 = tpu.memref_slice %arg2[%dma_start3A, %mul3A_549] : memref<2x320000xi32, #tpu.memory_space<hbm>> -> memref<1x128xi32, #tpu.memory_space<hbm>>
          %dma_start3A_551 = tpu.memref_squeeze %dma_start3A_550 : memref<1x128xi32, #tpu.memory_space<hbm>> -> memref<128xi32, #tpu.memory_space<hbm>>
          %dma_start3A_552 = tpu.memref_slice %arg2[%dma_start3A, %mul3A_549] : memref<2x320000xi32, #tpu.memory_space<hbm>> -> memref<1x128xi32, #tpu.memory_space<hbm>>
          %dma_start3A_553 = tpu.memref_squeeze %dma_start3A_552 : memref<1x128xi32, #tpu.memory_space<hbm>> -> memref<128xi32, #tpu.memory_space<hbm>>
          tpu.enqueue_dma source(%dma_start3A_553 : memref<128xi32, #tpu.memory_space<hbm>>) target(%arg10 : memref<128xi32, #tpu.memory_space<vmem>>) target_semaphore(%arg21 : memref<!tpu.dma_semaphore, #tpu.memory_space<semaphore_mem>>)
        } else {
        }
      } else {
      }
      %mul3A_433 = arith.constant 8 : i32
      %mul3A_434 = arith.muli %mul3A_433, %scan3A_398 : i32
      %add3A_435 = arith.constant 2 : i32
      %add3A_436 = arith.addi %mul3A_434, %add3A_435 : i32
      %lt3A_437 = arith.cmpi slt, %add3A_436, %sub3A_341 : i32
      %convert_element_type3A_438 = arith.extui %lt3A_437 : i1 to i32
      %cond3A_439 = arith.constant 0 : i32
      %cond3A_440 = arith.cmpi ne, %convert_element_type3A_438, %cond3A_439 : i32
      scf.if %cond3A_440 {
        %dma_wait3A = arith.constant 1 : i32
        %dma_wait3A_536 = arith.constant 0 : i32
        %dma_wait3A_537 = tpu.memref_slice %arg2[%dma_wait3A, %dma_wait3A_536] : memref<2x320000xi32, #tpu.memory_space<hbm>> -> memref<1x128xi32, #tpu.memory_space<hbm>>
        %dma_wait3A_538 = tpu.memref_squeeze %dma_wait3A_537 : memref<1x128xi32, #tpu.memory_space<hbm>> -> memref<128xi32, #tpu.memory_space<hbm>>
        %dma_wait3A_539 = arith.constant 0 : i32
        %dma_wait3A_540 = tpu.memref_slice %arg2[%dma_wait3A, %dma_wait3A_539] : memref<2x320000xi32, #tpu.memory_space<hbm>> -> memref<1x128xi32, #tpu.memory_space<hbm>>
        %dma_wait3A_541 = tpu.memref_squeeze %dma_wait3A_540 : memref<1x128xi32, #tpu.memory_space<hbm>> -> memref<128xi32, #tpu.memory_space<hbm>>
        tpu.wait_dma2 semaphore(%arg18 : memref<!tpu.dma_semaphore, #tpu.memory_space<semaphore_mem>>) src(%dma_wait3A_541 : memref<128xi32, #tpu.memory_space<hbm>>) dst(%arg7 : memref<128xi32, #tpu.memory_space<vmem>>)
        %dma_start3A = arith.constant 0 : i32
        %dma_start3A_542 = tpu.memref_slice %arg15[%dma_start3A] : memref<10000xf32, #tpu.memory_space<vmem_shared>> -> memref<10000xf32, #tpu.memory_space<vmem_shared>>
        tpu.enqueue_indirect_dma source(%arg13 : memref<128xf32, #tpu.memory_space<vmem>>) target(%dma_start3A_542 : memref<10000xf32, #tpu.memory_space<vmem_shared>>) offsets(%arg7 : memref<128xi32, #tpu.memory_space<vmem>>) semaphore(%arg26 : memref<!tpu.dma_semaphore, #tpu.memory_space<semaphore_mem>>) {add = true}
      } else {
      }
      %ge3A_441 = arith.constant 4 : i32
      %ge3A_442 = arith.cmpi sge, %add3A_436, %ge3A_441 : i32
      %sub3A_443 = arith.constant 4 : i32
      %sub3A_444 = arith.subi %add3A_436, %sub3A_443 : i32
      %lt3A_445 = arith.cmpi slt, %sub3A_444, %sub3A_341 : i32
      %and3A_446 = arith.andi %ge3A_442, %lt3A_445 : i1
      %convert_element_type3A_447 = arith.extui %and3A_446 : i1 to i32
      %cond3A_448 = arith.constant 0 : i32
      %cond3A_449 = arith.cmpi ne, %convert_element_type3A_447, %cond3A_448 : i32
      scf.if %cond3A_449 {
        %dma_wait3A = arith.constant 0 : i32
        %dma_wait3A_536 = tpu.memref_slice %arg15[%dma_wait3A] : memref<10000xf32, #tpu.memory_space<vmem_shared>> -> memref<128xf32, #tpu.memory_space<vmem_shared>>
        %dma_wait3A_537 = arith.constant 0 : i32
        %dma_wait3A_538 = tpu.memref_slice %arg15[%dma_wait3A_537] : memref<10000xf32, #tpu.memory_space<vmem_shared>> -> memref<128xf32, #tpu.memory_space<vmem_shared>>
        tpu.wait_dma2 semaphore(%arg30 : memref<!tpu.dma_semaphore, #tpu.memory_space<semaphore_mem>>) src(%arg13 : memref<128xf32, #tpu.memory_space<vmem>>) dst(%dma_wait3A_538 : memref<128xf32, #tpu.memory_space<vmem_shared>>)
        %add3A_539 = arith.constant 4 : i32
        %add3A_540 = arith.addi %add3A_436, %add3A_539 : i32
        %lt3A_541 = arith.cmpi slt, %add3A_540, %sub3A_341 : i32
        %convert_element_type3A_542 = arith.extui %lt3A_541 : i1 to i32
        %cond3A_543 = arith.constant 0 : i32
        %cond3A_544 = arith.cmpi ne, %convert_element_type3A_542, %cond3A_543 : i32
        scf.if %cond3A_544 {
          %add3A_545 = arith.constant 4 : i32
          %add3A_546 = arith.addi %add3A_436, %add3A_545 : i32
          %add3A_547 = arith.addi %select_n3A, %add3A_546 : i32
          %mul3A_548 = arith.constant 128 : i32
          %mul3A_549 = arith.muli %add3A_547, %mul3A_548 : i32
          %dma_start3A = arith.constant 1 : i32
          %dma_start3A_550 = tpu.memref_slice %arg2[%dma_start3A, %mul3A_549] : memref<2x320000xi32, #tpu.memory_space<hbm>> -> memref<1x128xi32, #tpu.memory_space<hbm>>
          %dma_start3A_551 = tpu.memref_squeeze %dma_start3A_550 : memref<1x128xi32, #tpu.memory_space<hbm>> -> memref<128xi32, #tpu.memory_space<hbm>>
          %dma_start3A_552 = tpu.memref_slice %arg2[%dma_start3A, %mul3A_549] : memref<2x320000xi32, #tpu.memory_space<hbm>> -> memref<1x128xi32, #tpu.memory_space<hbm>>
          %dma_start3A_553 = tpu.memref_squeeze %dma_start3A_552 : memref<1x128xi32, #tpu.memory_space<hbm>> -> memref<128xi32, #tpu.memory_space<hbm>>
          tpu.enqueue_dma source(%dma_start3A_553 : memref<128xi32, #tpu.memory_space<hbm>>) target(%arg11 : memref<128xi32, #tpu.memory_space<vmem>>) target_semaphore(%arg22 : memref<!tpu.dma_semaphore, #tpu.memory_space<semaphore_mem>>)
        } else {
        }
      } else {
      }
      %mul3A_450 = arith.constant 8 : i32
      %mul3A_451 = arith.muli %mul3A_450, %scan3A_398 : i32
      %add3A_452 = arith.constant 3 : i32
      %add3A_453 = arith.addi %mul3A_451, %add3A_452 : i32
      %lt3A_454 = arith.cmpi slt, %add3A_453, %sub3A_341 : i32
      %convert_element_type3A_455 = arith.extui %lt3A_454 : i1 to i32
      %cond3A_456 = arith.constant 0 : i32
      %cond3A_457 = arith.cmpi ne, %convert_element_type3A_455, %cond3A_456 : i32
      scf.if %cond3A_457 {
        %dma_wait3A = arith.constant 1 : i32
        %dma_wait3A_536 = arith.constant 0 : i32
        %dma_wait3A_537 = tpu.memref_slice %arg2[%dma_wait3A, %dma_wait3A_536] : memref<2x320000xi32, #tpu.memory_space<hbm>> -> memref<1x128xi32, #tpu.memory_space<hbm>>
        %dma_wait3A_538 = tpu.memref_squeeze %dma_wait3A_537 : memref<1x128xi32, #tpu.memory_space<hbm>> -> memref<128xi32, #tpu.memory_space<hbm>>
        %dma_wait3A_539 = arith.constant 0 : i32
        %dma_wait3A_540 = tpu.memref_slice %arg2[%dma_wait3A, %dma_wait3A_539] : memref<2x320000xi32, #tpu.memory_space<hbm>> -> memref<1x128xi32, #tpu.memory_space<hbm>>
        %dma_wait3A_541 = tpu.memref_squeeze %dma_wait3A_540 : memref<1x128xi32, #tpu.memory_space<hbm>> -> memref<128xi32, #tpu.memory_space<hbm>>
        tpu.wait_dma2 semaphore(%arg19 : memref<!tpu.dma_semaphore, #tpu.memory_space<semaphore_mem>>) src(%dma_wait3A_541 : memref<128xi32, #tpu.memory_space<hbm>>) dst(%arg8 : memref<128xi32, #tpu.memory_space<vmem>>)
        %dma_start3A = arith.constant 0 : i32
        %dma_start3A_542 = tpu.memref_slice %arg15[%dma_start3A] : memref<10000xf32, #tpu.memory_space<vmem_shared>> -> memref<10000xf32, #tpu.memory_space<vmem_shared>>
        tpu.enqueue_indirect_dma source(%arg13 : memref<128xf32, #tpu.memory_space<vmem>>) target(%dma_start3A_542 : memref<10000xf32, #tpu.memory_space<vmem_shared>>) offsets(%arg8 : memref<128xi32, #tpu.memory_space<vmem>>) semaphore(%arg27 : memref<!tpu.dma_semaphore, #tpu.memory_space<semaphore_mem>>) {add = true}
      } else {
      }
      %ge3A_458 = arith.constant 4 : i32
      %ge3A_459 = arith.cmpi sge, %add3A_453, %ge3A_458 : i32
      %sub3A_460 = arith.constant 4 : i32
      %sub3A_461 = arith.subi %add3A_453, %sub3A_460 : i32
      %lt3A_462 = arith.cmpi slt, %sub3A_461, %sub3A_341 : i32
      %and3A_463 = arith.andi %ge3A_459, %lt3A_462 : i1
      %convert_element_type3A_464 = arith.extui %and3A_463 : i1 to i32
      %cond3A_465 = arith.constant 0 : i32
      %cond3A_466 = arith.cmpi ne, %convert_element_type3A_464, %cond3A_465 : i32
      scf.if %cond3A_466 {
        %dma_wait3A = arith.constant 0 : i32
        %dma_wait3A_536 = tpu.memref_slice %arg15[%dma_wait3A] : memref<10000xf32, #tpu.memory_space<vmem_shared>> -> memref<128xf32, #tpu.memory_space<vmem_shared>>
        %dma_wait3A_537 = arith.constant 0 : i32
        %dma_wait3A_538 = tpu.memref_slice %arg15[%dma_wait3A_537] : memref<10000xf32, #tpu.memory_space<vmem_shared>> -> memref<128xf32, #tpu.memory_space<vmem_shared>>
        tpu.wait_dma2 semaphore(%arg31 : memref<!tpu.dma_semaphore, #tpu.memory_space<semaphore_mem>>) src(%arg13 : memref<128xf32, #tpu.memory_space<vmem>>) dst(%dma_wait3A_538 : memref<128xf32, #tpu.memory_space<vmem_shared>>)
        %add3A_539 = arith.constant 4 : i32
        %add3A_540 = arith.addi %add3A_453, %add3A_539 : i32
        %lt3A_541 = arith.cmpi slt, %add3A_540, %sub3A_341 : i32
        %convert_element_type3A_542 = arith.extui %lt3A_541 : i1 to i32
        %cond3A_543 = arith.constant 0 : i32
        %cond3A_544 = arith.cmpi ne, %convert_element_type3A_542, %cond3A_543 : i32
        scf.if %cond3A_544 {
          %add3A_545 = arith.constant 4 : i32
          %add3A_546 = arith.addi %add3A_453, %add3A_545 : i32
          %add3A_547 = arith.addi %select_n3A, %add3A_546 : i32
          %mul3A_548 = arith.constant 128 : i32
          %mul3A_549 = arith.muli %add3A_547, %mul3A_548 : i32
          %dma_start3A = arith.constant 1 : i32
          %dma_start3A_550 = tpu.memref_slice %arg2[%dma_start3A, %mul3A_549] : memref<2x320000xi32, #tpu.memory_space<hbm>> -> memref<1x128xi32, #tpu.memory_space<hbm>>
          %dma_start3A_551 = tpu.memref_squeeze %dma_start3A_550 : memref<1x128xi32, #tpu.memory_space<hbm>> -> memref<128xi32, #tpu.memory_space<hbm>>
          %dma_start3A_552 = tpu.memref_slice %arg2[%dma_start3A, %mul3A_549] : memref<2x320000xi32, #tpu.memory_space<hbm>> -> memref<1x128xi32, #tpu.memory_space<hbm>>
          %dma_start3A_553 = tpu.memref_squeeze %dma_start3A_552 : memref<1x128xi32, #tpu.memory_space<hbm>> -> memref<128xi32, #tpu.memory_space<hbm>>
          tpu.enqueue_dma source(%dma_start3A_553 : memref<128xi32, #tpu.memory_space<hbm>>) target(%arg12 : memref<128xi32, #tpu.memory_space<vmem>>) target_semaphore(%arg23 : memref<!tpu.dma_semaphore, #tpu.memory_space<semaphore_mem>>)
        } else {
        }
      } else {
      }
      %mul3A_467 = arith.constant 8 : i32
      %mul3A_468 = arith.muli %mul3A_467, %scan3A_398 : i32
      %add3A_469 = arith.constant 4 : i32
      %add3A_470 = arith.addi %mul3A_468, %add3A_469 : i32
      %lt3A_471 = arith.cmpi slt, %add3A_470, %sub3A_341 : i32
      %convert_element_type3A_472 = arith.extui %lt3A_471 : i1 to i32
      %cond3A_473 = arith.constant 0 : i32
      %cond3A_474 = arith.cmpi ne, %convert_element_type3A_472, %cond3A_473 : i32
      scf.if %cond3A_474 {
        %dma_wait3A = arith.constant 1 : i32
        %dma_wait3A_536 = arith.constant 0 : i32
        %dma_wait3A_537 = tpu.memref_slice %arg2[%dma_wait3A, %dma_wait3A_536] : memref<2x320000xi32, #tpu.memory_space<hbm>> -> memref<1x128xi32, #tpu.memory_space<hbm>>
        %dma_wait3A_538 = tpu.memref_squeeze %dma_wait3A_537 : memref<1x128xi32, #tpu.memory_space<hbm>> -> memref<128xi32, #tpu.memory_space<hbm>>
        %dma_wait3A_539 = arith.constant 0 : i32
        %dma_wait3A_540 = tpu.memref_slice %arg2[%dma_wait3A, %dma_wait3A_539] : memref<2x320000xi32, #tpu.memory_space<hbm>> -> memref<1x128xi32, #tpu.memory_space<hbm>>
        %dma_wait3A_541 = tpu.memref_squeeze %dma_wait3A_540 : memref<1x128xi32, #tpu.memory_space<hbm>> -> memref<128xi32, #tpu.memory_space<hbm>>
        tpu.wait_dma2 semaphore(%arg20 : memref<!tpu.dma_semaphore, #tpu.memory_space<semaphore_mem>>) src(%dma_wait3A_541 : memref<128xi32, #tpu.memory_space<hbm>>) dst(%arg9 : memref<128xi32, #tpu.memory_space<vmem>>)
        %dma_start3A = arith.constant 0 : i32
        %dma_start3A_542 = tpu.memref_slice %arg15[%dma_start3A] : memref<10000xf32, #tpu.memory_space<vmem_shared>> -> memref<10000xf32, #tpu.memory_space<vmem_shared>>
        tpu.enqueue_indirect_dma source(%arg13 : memref<128xf32, #tpu.memory_space<vmem>>) target(%dma_start3A_542 : memref<10000xf32, #tpu.memory_space<vmem_shared>>) offsets(%arg9 : memref<128xi32, #tpu.memory_space<vmem>>) semaphore(%arg28 : memref<!tpu.dma_semaphore, #tpu.memory_space<semaphore_mem>>) {add = true}
      } else {
      }
      %ge3A_475 = arith.constant 4 : i32
      %ge3A_476 = arith.cmpi sge, %add3A_470, %ge3A_475 : i32
      %sub3A_477 = arith.constant 4 : i32
      %sub3A_478 = arith.subi %add3A_470, %sub3A_477 : i32
      %lt3A_479 = arith.cmpi slt, %sub3A_478, %sub3A_341 : i32
      %and3A_480 = arith.andi %ge3A_476, %lt3A_479 : i1
      %convert_element_type3A_481 = arith.extui %and3A_480 : i1 to i32
      %cond3A_482 = arith.constant 0 : i32
      %cond3A_483 = arith.cmpi ne, %convert_element_type3A_481, %cond3A_482 : i32
      scf.if %cond3A_483 {
        %dma_wait3A = arith.constant 0 : i32
        %dma_wait3A_536 = tpu.memref_slice %arg15[%dma_wait3A] : memref<10000xf32, #tpu.memory_space<vmem_shared>> -> memref<128xf32, #tpu.memory_space<vmem_shared>>
        %dma_wait3A_537 = arith.constant 0 : i32
        %dma_wait3A_538 = tpu.memref_slice %arg15[%dma_wait3A_537] : memref<10000xf32, #tpu.memory_space<vmem_shared>> -> memref<128xf32, #tpu.memory_space<vmem_shared>>
        tpu.wait_dma2 semaphore(%arg24 : memref<!tpu.dma_semaphore, #tpu.memory_space<semaphore_mem>>) src(%arg13 : memref<128xf32, #tpu.memory_space<vmem>>) dst(%dma_wait3A_538 : memref<128xf32, #tpu.memory_space<vmem_shared>>)
        %add3A_539 = arith.constant 4 : i32
        %add3A_540 = arith.addi %add3A_470, %add3A_539 : i32
        %lt3A_541 = arith.cmpi slt, %add3A_540, %sub3A_341 : i32
        %convert_element_type3A_542 = arith.extui %lt3A_541 : i1 to i32
        %cond3A_543 = arith.constant 0 : i32
        %cond3A_544 = arith.cmpi ne, %convert_element_type3A_542, %cond3A_543 : i32
        scf.if %cond3A_544 {
          %add3A_545 = arith.constant 4 : i32
          %add3A_546 = arith.addi %add3A_470, %add3A_545 : i32
          %add3A_547 = arith.addi %select_n3A, %add3A_546 : i32
          %mul3A_548 = arith.constant 128 : i32
          %mul3A_549 = arith.muli %add3A_547, %mul3A_548 : i32
          %dma_start3A = arith.constant 1 : i32
          %dma_start3A_550 = tpu.memref_slice %arg2[%dma_start3A, %mul3A_549] : memref<2x320000xi32, #tpu.memory_space<hbm>> -> memref<1x128xi32, #tpu.memory_space<hbm>>
          %dma_start3A_551 = tpu.memref_squeeze %dma_start3A_550 : memref<1x128xi32, #tpu.memory_space<hbm>> -> memref<128xi32, #tpu.memory_space<hbm>>
          %dma_start3A_552 = tpu.memref_slice %arg2[%dma_start3A, %mul3A_549] : memref<2x320000xi32, #tpu.memory_space<hbm>> -> memref<1x128xi32, #tpu.memory_space<hbm>>
          %dma_start3A_553 = tpu.memref_squeeze %dma_start3A_552 : memref<1x128xi32, #tpu.memory_space<hbm>> -> memref<128xi32, #tpu.memory_space<hbm>>
          tpu.enqueue_dma source(%dma_start3A_553 : memref<128xi32, #tpu.memory_space<hbm>>) target(%arg5 : memref<128xi32, #tpu.memory_space<vmem>>) target_semaphore(%arg16 : memref<!tpu.dma_semaphore, #tpu.memory_space<semaphore_mem>>)
        } else {
        }
      } else {
      }
      %mul3A_484 = arith.constant 8 : i32
      %mul3A_485 = arith.muli %mul3A_484, %scan3A_398 : i32
      %add3A_486 = arith.constant 5 : i32
      %add3A_487 = arith.addi %mul3A_485, %add3A_486 : i32
      %lt3A_488 = arith.cmpi slt, %add3A_487, %sub3A_341 : i32
      %convert_element_type3A_489 = arith.extui %lt3A_488 : i1 to i32
      %cond3A_490 = arith.constant 0 : i32
      %cond3A_491 = arith.cmpi ne, %convert_element_type3A_489, %cond3A_490 : i32
      scf.if %cond3A_491 {
        %dma_wait3A = arith.constant 1 : i32
        %dma_wait3A_536 = arith.constant 0 : i32
        %dma_wait3A_537 = tpu.memref_slice %arg2[%dma_wait3A, %dma_wait3A_536] : memref<2x320000xi32, #tpu.memory_space<hbm>> -> memref<1x128xi32, #tpu.memory_space<hbm>>
        %dma_wait3A_538 = tpu.memref_squeeze %dma_wait3A_537 : memref<1x128xi32, #tpu.memory_space<hbm>> -> memref<128xi32, #tpu.memory_space<hbm>>
        %dma_wait3A_539 = arith.constant 0 : i32
        %dma_wait3A_540 = tpu.memref_slice %arg2[%dma_wait3A, %dma_wait3A_539] : memref<2x320000xi32, #tpu.memory_space<hbm>> -> memref<1x128xi32, #tpu.memory_space<hbm>>
        %dma_wait3A_541 = tpu.memref_squeeze %dma_wait3A_540 : memref<1x128xi32, #tpu.memory_space<hbm>> -> memref<128xi32, #tpu.memory_space<hbm>>
        tpu.wait_dma2 semaphore(%arg21 : memref<!tpu.dma_semaphore, #tpu.memory_space<semaphore_mem>>) src(%dma_wait3A_541 : memref<128xi32, #tpu.memory_space<hbm>>) dst(%arg10 : memref<128xi32, #tpu.memory_space<vmem>>)
        %dma_start3A = arith.constant 0 : i32
        %dma_start3A_542 = tpu.memref_slice %arg15[%dma_start3A] : memref<10000xf32, #tpu.memory_space<vmem_shared>> -> memref<10000xf32, #tpu.memory_space<vmem_shared>>
        tpu.enqueue_indirect_dma source(%arg13 : memref<128xf32, #tpu.memory_space<vmem>>) target(%dma_start3A_542 : memref<10000xf32, #tpu.memory_space<vmem_shared>>) offsets(%arg10 : memref<128xi32, #tpu.memory_space<vmem>>) semaphore(%arg29 : memref<!tpu.dma_semaphore, #tpu.memory_space<semaphore_mem>>) {add = true}
      } else {
      }
      %ge3A_492 = arith.constant 4 : i32
      %ge3A_493 = arith.cmpi sge, %add3A_487, %ge3A_492 : i32
      %sub3A_494 = arith.constant 4 : i32
      %sub3A_495 = arith.subi %add3A_487, %sub3A_494 : i32
      %lt3A_496 = arith.cmpi slt, %sub3A_495, %sub3A_341 : i32
      %and3A_497 = arith.andi %ge3A_493, %lt3A_496 : i1
      %convert_element_type3A_498 = arith.extui %and3A_497 : i1 to i32
      %cond3A_499 = arith.constant 0 : i32
      %cond3A_500 = arith.cmpi ne, %convert_element_type3A_498, %cond3A_499 : i32
      scf.if %cond3A_500 {
        %dma_wait3A = arith.constant 0 : i32
        %dma_wait3A_536 = tpu.memref_slice %arg15[%dma_wait3A] : memref<10000xf32, #tpu.memory_space<vmem_shared>> -> memref<128xf32, #tpu.memory_space<vmem_shared>>
        %dma_wait3A_537 = arith.constant 0 : i32
        %dma_wait3A_538 = tpu.memref_slice %arg15[%dma_wait3A_537] : memref<10000xf32, #tpu.memory_space<vmem_shared>> -> memref<128xf32, #tpu.memory_space<vmem_shared>>
        tpu.wait_dma2 semaphore(%arg25 : memref<!tpu.dma_semaphore, #tpu.memory_space<semaphore_mem>>) src(%arg13 : memref<128xf32, #tpu.memory_space<vmem>>) dst(%dma_wait3A_538 : memref<128xf32, #tpu.memory_space<vmem_shared>>)
        %add3A_539 = arith.constant 4 : i32
        %add3A_540 = arith.addi %add3A_487, %add3A_539 : i32
        %lt3A_541 = arith.cmpi slt, %add3A_540, %sub3A_341 : i32
        %convert_element_type3A_542 = arith.extui %lt3A_541 : i1 to i32
        %cond3A_543 = arith.constant 0 : i32
        %cond3A_544 = arith.cmpi ne, %convert_element_type3A_542, %cond3A_543 : i32
        scf.if %cond3A_544 {
          %add3A_545 = arith.constant 4 : i32
          %add3A_546 = arith.addi %add3A_487, %add3A_545 : i32
          %add3A_547 = arith.addi %select_n3A, %add3A_546 : i32
          %mul3A_548 = arith.constant 128 : i32
          %mul3A_549 = arith.muli %add3A_547, %mul3A_548 : i32
          %dma_start3A = arith.constant 1 : i32
          %dma_start3A_550 = tpu.memref_slice %arg2[%dma_start3A, %mul3A_549] : memref<2x320000xi32, #tpu.memory_space<hbm>> -> memref<1x128xi32, #tpu.memory_space<hbm>>
          %dma_start3A_551 = tpu.memref_squeeze %dma_start3A_550 : memref<1x128xi32, #tpu.memory_space<hbm>> -> memref<128xi32, #tpu.memory_space<hbm>>
          %dma_start3A_552 = tpu.memref_slice %arg2[%dma_start3A, %mul3A_549] : memref<2x320000xi32, #tpu.memory_space<hbm>> -> memref<1x128xi32, #tpu.memory_space<hbm>>
          %dma_start3A_553 = tpu.memref_squeeze %dma_start3A_552 : memref<1x128xi32, #tpu.memory_space<hbm>> -> memref<128xi32, #tpu.memory_space<hbm>>
          tpu.enqueue_dma source(%dma_start3A_553 : memref<128xi32, #tpu.memory_space<hbm>>) target(%arg6 : memref<128xi32, #tpu.memory_space<vmem>>) target_semaphore(%arg17 : memref<!tpu.dma_semaphore, #tpu.memory_space<semaphore_mem>>)
        } else {
        }
      } else {
      }
      %mul3A_501 = arith.constant 8 : i32
      %mul3A_502 = arith.muli %mul3A_501, %scan3A_398 : i32
      %add3A_503 = arith.constant 6 : i32
      %add3A_504 = arith.addi %mul3A_502, %add3A_503 : i32
      %lt3A_505 = arith.cmpi slt, %add3A_504, %sub3A_341 : i32
      %convert_element_type3A_506 = arith.extui %lt3A_505 : i1 to i32
      %cond3A_507 = arith.constant 0 : i32
      %cond3A_508 = arith.cmpi ne, %convert_element_type3A_506, %cond3A_507 : i32
      scf.if %cond3A_508 {
        %dma_wait3A = arith.constant 1 : i32
        %dma_wait3A_536 = arith.constant 0 : i32
        %dma_wait3A_537 = tpu.memref_slice %arg2[%dma_wait3A, %dma_wait3A_536] : memref<2x320000xi32, #tpu.memory_space<hbm>> -> memref<1x128xi32, #tpu.memory_space<hbm>>
        %dma_wait3A_538 = tpu.memref_squeeze %dma_wait3A_537 : memref<1x128xi32, #tpu.memory_space<hbm>> -> memref<128xi32, #tpu.memory_space<hbm>>
        %dma_wait3A_539 = arith.constant 0 : i32
        %dma_wait3A_540 = tpu.memref_slice %arg2[%dma_wait3A, %dma_wait3A_539] : memref<2x320000xi32, #tpu.memory_space<hbm>> -> memref<1x128xi32, #tpu.memory_space<hbm>>
        %dma_wait3A_541 = tpu.memref_squeeze %dma_wait3A_540 : memref<1x128xi32, #tpu.memory_space<hbm>> -> memref<128xi32, #tpu.memory_space<hbm>>
        tpu.wait_dma2 semaphore(%arg22 : memref<!tpu.dma_semaphore, #tpu.memory_space<semaphore_mem>>) src(%dma_wait3A_541 : memref<128xi32, #tpu.memory_space<hbm>>) dst(%arg11 : memref<128xi32, #tpu.memory_space<vmem>>)
        %dma_start3A = arith.constant 0 : i32
        %dma_start3A_542 = tpu.memref_slice %arg15[%dma_start3A] : memref<10000xf32, #tpu.memory_space<vmem_shared>> -> memref<10000xf32, #tpu.memory_space<vmem_shared>>
        tpu.enqueue_indirect_dma source(%arg13 : memref<128xf32, #tpu.memory_space<vmem>>) target(%dma_start3A_542 : memref<10000xf32, #tpu.memory_space<vmem_shared>>) offsets(%arg11 : memref<128xi32, #tpu.memory_space<vmem>>) semaphore(%arg30 : memref<!tpu.dma_semaphore, #tpu.memory_space<semaphore_mem>>) {add = true}
      } else {
      }
      %ge3A_509 = arith.constant 4 : i32
      %ge3A_510 = arith.cmpi sge, %add3A_504, %ge3A_509 : i32
      %sub3A_511 = arith.constant 4 : i32
      %sub3A_512 = arith.subi %add3A_504, %sub3A_511 : i32
      %lt3A_513 = arith.cmpi slt, %sub3A_512, %sub3A_341 : i32
      %and3A_514 = arith.andi %ge3A_510, %lt3A_513 : i1
      %convert_element_type3A_515 = arith.extui %and3A_514 : i1 to i32
      %cond3A_516 = arith.constant 0 : i32
      %cond3A_517 = arith.cmpi ne, %convert_element_type3A_515, %cond3A_516 : i32
      scf.if %cond3A_517 {
        %dma_wait3A = arith.constant 0 : i32
        %dma_wait3A_536 = tpu.memref_slice %arg15[%dma_wait3A] : memref<10000xf32, #tpu.memory_space<vmem_shared>> -> memref<128xf32, #tpu.memory_space<vmem_shared>>
        %dma_wait3A_537 = arith.constant 0 : i32
        %dma_wait3A_538 = tpu.memref_slice %arg15[%dma_wait3A_537] : memref<10000xf32, #tpu.memory_space<vmem_shared>> -> memref<128xf32, #tpu.memory_space<vmem_shared>>
        tpu.wait_dma2 semaphore(%arg26 : memref<!tpu.dma_semaphore, #tpu.memory_space<semaphore_mem>>) src(%arg13 : memref<128xf32, #tpu.memory_space<vmem>>) dst(%dma_wait3A_538 : memref<128xf32, #tpu.memory_space<vmem_shared>>)
        %add3A_539 = arith.constant 4 : i32
        %add3A_540 = arith.addi %add3A_504, %add3A_539 : i32
        %lt3A_541 = arith.cmpi slt, %add3A_540, %sub3A_341 : i32
        %convert_element_type3A_542 = arith.extui %lt3A_541 : i1 to i32
        %cond3A_543 = arith.constant 0 : i32
        %cond3A_544 = arith.cmpi ne, %convert_element_type3A_542, %cond3A_543 : i32
        scf.if %cond3A_544 {
          %add3A_545 = arith.constant 4 : i32
          %add3A_546 = arith.addi %add3A_504, %add3A_545 : i32
          %add3A_547 = arith.addi %select_n3A, %add3A_546 : i32
          %mul3A_548 = arith.constant 128 : i32
          %mul3A_549 = arith.muli %add3A_547, %mul3A_548 : i32
          %dma_start3A = arith.constant 1 : i32
          %dma_start3A_550 = tpu.memref_slice %arg2[%dma_start3A, %mul3A_549] : memref<2x320000xi32, #tpu.memory_space<hbm>> -> memref<1x128xi32, #tpu.memory_space<hbm>>
          %dma_start3A_551 = tpu.memref_squeeze %dma_start3A_550 : memref<1x128xi32, #tpu.memory_space<hbm>> -> memref<128xi32, #tpu.memory_space<hbm>>
          %dma_start3A_552 = tpu.memref_slice %arg2[%dma_start3A, %mul3A_549] : memref<2x320000xi32, #tpu.memory_space<hbm>> -> memref<1x128xi32, #tpu.memory_space<hbm>>
          %dma_start3A_553 = tpu.memref_squeeze %dma_start3A_552 : memref<1x128xi32, #tpu.memory_space<hbm>> -> memref<128xi32, #tpu.memory_space<hbm>>
          tpu.enqueue_dma source(%dma_start3A_553 : memref<128xi32, #tpu.memory_space<hbm>>) target(%arg7 : memref<128xi32, #tpu.memory_space<vmem>>) target_semaphore(%arg18 : memref<!tpu.dma_semaphore, #tpu.memory_space<semaphore_mem>>)
        } else {
        }
      } else {
      }
      %mul3A_518 = arith.constant 8 : i32
      %mul3A_519 = arith.muli %mul3A_518, %scan3A_398 : i32
      %add3A_520 = arith.constant 7 : i32
      %add3A_521 = arith.addi %mul3A_519, %add3A_520 : i32
      %lt3A_522 = arith.cmpi slt, %add3A_521, %sub3A_341 : i32
      %convert_element_type3A_523 = arith.extui %lt3A_522 : i1 to i32
      %cond3A_524 = arith.constant 0 : i32
      %cond3A_525 = arith.cmpi ne, %convert_element_type3A_523, %cond3A_524 : i32
      scf.if %cond3A_525 {
        %dma_wait3A = arith.constant 1 : i32
        %dma_wait3A_536 = arith.constant 0 : i32
        %dma_wait3A_537 = tpu.memref_slice %arg2[%dma_wait3A, %dma_wait3A_536] : memref<2x320000xi32, #tpu.memory_space<hbm>> -> memref<1x128xi32, #tpu.memory_space<hbm>>
        %dma_wait3A_538 = tpu.memref_squeeze %dma_wait3A_537 : memref<1x128xi32, #tpu.memory_space<hbm>> -> memref<128xi32, #tpu.memory_space<hbm>>
        %dma_wait3A_539 = arith.constant 0 : i32
        %dma_wait3A_540 = tpu.memref_slice %arg2[%dma_wait3A, %dma_wait3A_539] : memref<2x320000xi32, #tpu.memory_space<hbm>> -> memref<1x128xi32, #tpu.memory_space<hbm>>
        %dma_wait3A_541 = tpu.memref_squeeze %dma_wait3A_540 : memref<1x128xi32, #tpu.memory_space<hbm>> -> memref<128xi32, #tpu.memory_space<hbm>>
        tpu.wait_dma2 semaphore(%arg23 : memref<!tpu.dma_semaphore, #tpu.memory_space<semaphore_mem>>) src(%dma_wait3A_541 : memref<128xi32, #tpu.memory_space<hbm>>) dst(%arg12 : memref<128xi32, #tpu.memory_space<vmem>>)
        %dma_start3A = arith.constant 0 : i32
        %dma_start3A_542 = tpu.memref_slice %arg15[%dma_start3A] : memref<10000xf32, #tpu.memory_space<vmem_shared>> -> memref<10000xf32, #tpu.memory_space<vmem_shared>>
        tpu.enqueue_indirect_dma source(%arg13 : memref<128xf32, #tpu.memory_space<vmem>>) target(%dma_start3A_542 : memref<10000xf32, #tpu.memory_space<vmem_shared>>) offsets(%arg12 : memref<128xi32, #tpu.memory_space<vmem>>) semaphore(%arg31 : memref<!tpu.dma_semaphore, #tpu.memory_space<semaphore_mem>>) {add = true}
      } else {
      }
      %ge3A_526 = arith.constant 4 : i32
      %ge3A_527 = arith.cmpi sge, %add3A_521, %ge3A_526 : i32
      %sub3A_528 = arith.constant 4 : i32
      %sub3A_529 = arith.subi %add3A_521, %sub3A_528 : i32
      %lt3A_530 = arith.cmpi slt, %sub3A_529, %sub3A_341 : i32
      %and3A_531 = arith.andi %ge3A_527, %lt3A_530 : i1
      %convert_element_type3A_532 = arith.extui %and3A_531 : i1 to i32
      %cond3A_533 = arith.constant 0 : i32
      %cond3A_534 = arith.cmpi ne, %convert_element_type3A_532, %cond3A_533 : i32
      scf.if %cond3A_534 {
        %dma_wait3A = arith.constant 0 : i32
        %dma_wait3A_536 = tpu.memref_slice %arg15[%dma_wait3A] : memref<10000xf32, #tpu.memory_space<vmem_shared>> -> memref<128xf32, #tpu.memory_space<vmem_shared>>
        %dma_wait3A_537 = arith.constant 0 : i32
        %dma_wait3A_538 = tpu.memref_slice %arg15[%dma_wait3A_537] : memref<10000xf32, #tpu.memory_space<vmem_shared>> -> memref<128xf32, #tpu.memory_space<vmem_shared>>
        tpu.wait_dma2 semaphore(%arg27 : memref<!tpu.dma_semaphore, #tpu.memory_space<semaphore_mem>>) src(%arg13 : memref<128xf32, #tpu.memory_space<vmem>>) dst(%dma_wait3A_538 : memref<128xf32, #tpu.memory_space<vmem_shared>>)
        %add3A_539 = arith.constant 4 : i32
        %add3A_540 = arith.addi %add3A_521, %add3A_539 : i32
        %lt3A_541 = arith.cmpi slt, %add3A_540, %sub3A_341 : i32
        %convert_element_type3A_542 = arith.extui %lt3A_541 : i1 to i32
        %cond3A_543 = arith.constant 0 : i32
        %cond3A_544 = arith.cmpi ne, %convert_element_type3A_542, %cond3A_543 : i32
        scf.if %cond3A_544 {
          %add3A_545 = arith.constant 4 : i32
          %add3A_546 = arith.addi %add3A_521, %add3A_545 : i32
          %add3A_547 = arith.addi %select_n3A, %add3A_546 : i32
          %mul3A_548 = arith.constant 128 : i32
          %mul3A_549 = arith.muli %add3A_547, %mul3A_548 : i32
          %dma_start3A = arith.constant 1 : i32
          %dma_start3A_550 = tpu.memref_slice %arg2[%dma_start3A, %mul3A_549] : memref<2x320000xi32, #tpu.memory_space<hbm>> -> memref<1x128xi32, #tpu.memory_space<hbm>>
          %dma_start3A_551 = tpu.memref_squeeze %dma_start3A_550 : memref<1x128xi32, #tpu.memory_space<hbm>> -> memref<128xi32, #tpu.memory_space<hbm>>
          %dma_start3A_552 = tpu.memref_slice %arg2[%dma_start3A, %mul3A_549] : memref<2x320000xi32, #tpu.memory_space<hbm>> -> memref<1x128xi32, #tpu.memory_space<hbm>>
          %dma_start3A_553 = tpu.memref_squeeze %dma_start3A_552 : memref<1x128xi32, #tpu.memory_space<hbm>> -> memref<128xi32, #tpu.memory_space<hbm>>
          tpu.enqueue_dma source(%dma_start3A_553 : memref<128xi32, #tpu.memory_space<hbm>>) target(%arg8 : memref<128xi32, #tpu.memory_space<vmem>>) target_semaphore(%arg19 : memref<!tpu.dma_semaphore, #tpu.memory_space<semaphore_mem>>)
        } else {
        }
      } else {
      }
      %scan3A_535 = arith.constant 0 : i32
      scf.yield %scan3A_535 : i32
    }
    %scan3A_386 = arith.constant 11 : i32
    %barrier3A_387 = arith.constant 0 : index
    tpu.barrier barrier_id(%barrier3A_387)
    %eq3A_388 = arith.constant 0 : i32
    %eq3A_389 = arith.cmpi eq, %arg0, %eq3A_388 : i32
    %convert_element_type3A_390 = arith.extui %eq3A_389 : i1 to i32
    %cond3A_391 = arith.constant 0 : i32
    %cond3A_392 = arith.cmpi ne, %convert_element_type3A_390, %cond3A_391 : i32
    scf.if %cond3A_392 {
      %lt3A_398 = arith.constant 15 : i32
      %lt3A_399 = arith.cmpi slt, %arg1, %lt3A_398 : i32
      %convert_element_type3A_400 = arith.extui %lt3A_399 : i1 to i32
      %cond3A_401 = arith.constant 0 : i32
      %cond3A_402 = arith.cmpi ne, %convert_element_type3A_400, %cond3A_401 : i32
      scf.if %cond3A_402 {
        "tpu.region"() ({
          %run_scoped3A = tpu.sem_alloc : memref<!tpu.dma_semaphore, #tpu.memory_space<semaphore_mem>>
          %dma_start3A = tpu.memref_slice %arg15[%mul3A_288] : memref<10000xf32, #tpu.memory_space<vmem_shared>> -> memref<640xf32, #tpu.memory_space<vmem_shared>>
          %dma_start3A_408 = tpu.memref_slice %arg15[%mul3A_288] : memref<10000xf32, #tpu.memory_space<vmem_shared>> -> memref<640xf32, #tpu.memory_space<vmem_shared>>
          tpu.enqueue_dma source(%dma_start3A_408 : memref<640xf32, #tpu.memory_space<vmem_shared>>) target(%arg14 : memref<640xf32, #tpu.memory_space<vmem>>) target_semaphore(%run_scoped3A : memref<!tpu.dma_semaphore, #tpu.memory_space<semaphore_mem>>)
          %dma_wait3A = tpu.memref_slice %arg15[%mul3A_288] : memref<10000xf32, #tpu.memory_space<vmem_shared>> -> memref<640xf32, #tpu.memory_space<vmem_shared>>
          %dma_wait3A_409 = tpu.memref_slice %arg15[%mul3A_288] : memref<10000xf32, #tpu.memory_space<vmem_shared>> -> memref<640xf32, #tpu.memory_space<vmem_shared>>
          tpu.wait_dma2 semaphore(%run_scoped3A : memref<!tpu.dma_semaphore, #tpu.memory_space<semaphore_mem>>) src(%dma_wait3A_409 : memref<640xf32, #tpu.memory_space<vmem_shared>>) dst(%arg14 : memref<640xf32, #tpu.memory_space<vmem>>)
          tpu.yield
        }) : () -> ()
        "tpu.region"() ({
          %run_scoped3A = tpu.sem_alloc : memref<!tpu.dma_semaphore, #tpu.memory_space<semaphore_mem>>
          %dma_start3A = tpu.memref_slice %arg3[%mul3A_288] : memref<10000xf32, #tpu.memory_space<hbm>> -> memref<640xf32, #tpu.memory_space<hbm>>
          %dma_start3A_408 = tpu.memref_slice %arg3[%mul3A_288] : memref<10000xf32, #tpu.memory_space<hbm>> -> memref<640xf32, #tpu.memory_space<hbm>>
          tpu.enqueue_dma source(%arg14 : memref<640xf32, #tpu.memory_space<vmem>>) target(%dma_start3A_408 : memref<640xf32, #tpu.memory_space<hbm>>) target_semaphore(%run_scoped3A : memref<!tpu.dma_semaphore, #tpu.memory_space<semaphore_mem>>)
          %dma_wait3A = tpu.memref_slice %arg3[%mul3A_288] : memref<10000xf32, #tpu.memory_space<hbm>> -> memref<640xf32, #tpu.memory_space<hbm>>
          %dma_wait3A_409 = tpu.memref_slice %arg3[%mul3A_288] : memref<10000xf32, #tpu.memory_space<hbm>> -> memref<640xf32, #tpu.memory_space<hbm>>
          tpu.wait_dma2 semaphore(%run_scoped3A : memref<!tpu.dma_semaphore, #tpu.memory_space<semaphore_mem>>) src(%arg14 : memref<640xf32, #tpu.memory_space<vmem>>) dst(%dma_wait3A_409 : memref<640xf32, #tpu.memory_space<hbm>>)
          tpu.yield
        }) : () -> ()
      } else {
      }
      %eq3A_403 = arith.constant 15 : i32
      %eq3A_404 = arith.cmpi eq, %arg1, %eq3A_403 : i32
      %convert_element_type3A_405 = arith.extui %eq3A_404 : i1 to i32
      %cond3A_406 = arith.constant 0 : i32
      %cond3A_407 = arith.cmpi ne, %convert_element_type3A_405, %cond3A_406 : i32
      scf.if %cond3A_407 {
        "tpu.region"() ({
          %run_scoped3A = tpu.sem_alloc : memref<!tpu.dma_semaphore, #tpu.memory_space<semaphore_mem>>
          %dma_start3A = arith.constant 0 : i32
          %dma_start3A_408 = tpu.memref_slice %arg14[%dma_start3A] : memref<640xf32, #tpu.memory_space<vmem>> -> memref<400xf32, #tpu.memory_space<vmem>>
          %dma_start3A_409 = tpu.memref_slice %arg15[%mul3A_288] : memref<10000xf32, #tpu.memory_space<vmem_shared>> -> memref<400xf32, #tpu.memory_space<vmem_shared>>
          %dma_start3A_410 = arith.constant 0 : i32
          %dma_start3A_411 = tpu.memref_slice %arg14[%dma_start3A_410] : memref<640xf32, #tpu.memory_space<vmem>> -> memref<400xf32, #tpu.memory_space<vmem>>
          %dma_start3A_412 = tpu.memref_slice %arg15[%mul3A_288] : memref<10000xf32, #tpu.memory_space<vmem_shared>> -> memref<400xf32, #tpu.memory_space<vmem_shared>>
          tpu.enqueue_dma source(%dma_start3A_412 : memref<400xf32, #tpu.memory_space<vmem_shared>>) target(%dma_start3A_411 : memref<400xf32, #tpu.memory_space<vmem>>) target_semaphore(%run_scoped3A : memref<!tpu.dma_semaphore, #tpu.memory_space<semaphore_mem>>)
          %dma_wait3A = arith.constant 0 : i32
          %dma_wait3A_413 = tpu.memref_slice %arg14[%dma_wait3A] : memref<640xf32, #tpu.memory_space<vmem>> -> memref<400xf32, #tpu.memory_space<vmem>>
          %dma_wait3A_414 = tpu.memref_slice %arg15[%mul3A_288] : memref<10000xf32, #tpu.memory_space<vmem_shared>> -> memref<400xf32, #tpu.memory_space<vmem_shared>>
          %dma_wait3A_415 = arith.constant 0 : i32
          %dma_wait3A_416 = tpu.memref_slice %arg14[%dma_wait3A_415] : memref<640xf32, #tpu.memory_space<vmem>> -> memref<400xf32, #tpu.memory_space<vmem>>
          %dma_wait3A_417 = tpu.memref_slice %arg15[%mul3A_288] : memref<10000xf32, #tpu.memory_space<vmem_shared>> -> memref<400xf32, #tpu.memory_space<vmem_shared>>
          tpu.wait_dma2 semaphore(%run_scoped3A : memref<!tpu.dma_semaphore, #tpu.memory_space<semaphore_mem>>) src(%dma_wait3A_417 : memref<400xf32, #tpu.memory_space<vmem_shared>>) dst(%dma_wait3A_416 : memref<400xf32, #tpu.memory_space<vmem>>)
          tpu.yield
        }) : () -> ()
        "tpu.region"() ({
          %run_scoped3A = tpu.sem_alloc : memref<!tpu.dma_semaphore, #tpu.memory_space<semaphore_mem>>
          %dma_start3A = arith.constant 0 : i32
          %dma_start3A_408 = tpu.memref_slice %arg14[%dma_start3A] : memref<640xf32, #tpu.memory_space<vmem>> -> memref<400xf32, #tpu.memory_space<vmem>>
          %dma_start3A_409 = tpu.memref_slice %arg3[%mul3A_288] : memref<10000xf32, #tpu.memory_space<hbm>> -> memref<400xf32, #tpu.memory_space<hbm>>
          %dma_start3A_410 = tpu.memref_slice %arg3[%mul3A_288] : memref<10000xf32, #tpu.memory_space<hbm>> -> memref<400xf32, #tpu.memory_space<hbm>>
          %dma_start3A_411 = arith.constant 0 : i32
          %dma_start3A_412 = tpu.memref_slice %arg14[%dma_start3A_411] : memref<640xf32, #tpu.memory_space<vmem>> -> memref<400xf32, #tpu.memory_space<vmem>>
          tpu.enqueue_dma source(%dma_start3A_412 : memref<400xf32, #tpu.memory_space<vmem>>) target(%dma_start3A_410 : memref<400xf32, #tpu.memory_space<hbm>>) target_semaphore(%run_scoped3A : memref<!tpu.dma_semaphore, #tpu.memory_space<semaphore_mem>>)
          %dma_wait3A = arith.constant 0 : i32
          %dma_wait3A_413 = tpu.memref_slice %arg14[%dma_wait3A] : memref<640xf32, #tpu.memory_space<vmem>> -> memref<400xf32, #tpu.memory_space<vmem>>
          %dma_wait3A_414 = tpu.memref_slice %arg3[%mul3A_288] : memref<10000xf32, #tpu.memory_space<hbm>> -> memref<400xf32, #tpu.memory_space<hbm>>
          %dma_wait3A_415 = tpu.memref_slice %arg3[%mul3A_288] : memref<10000xf32, #tpu.memory_space<hbm>> -> memref<400xf32, #tpu.memory_space<hbm>>
          %dma_wait3A_416 = arith.constant 0 : i32
          %dma_wait3A_417 = tpu.memref_slice %arg14[%dma_wait3A_416] : memref<640xf32, #tpu.memory_space<vmem>> -> memref<400xf32, #tpu.memory_space<vmem>>
          tpu.wait_dma2 semaphore(%run_scoped3A : memref<!tpu.dma_semaphore, #tpu.memory_space<semaphore_mem>>) src(%dma_wait3A_417 : memref<400xf32, #tpu.memory_space<vmem>>) dst(%dma_wait3A_415 : memref<400xf32, #tpu.memory_space<hbm>>)
          tpu.yield
        }) : () -> ()
      } else {
      }
    } else {
    }
    %eq3A_393 = arith.constant 1 : i32
    %eq3A_394 = arith.cmpi eq, %arg0, %eq3A_393 : i32
    %convert_element_type3A_395 = arith.extui %eq3A_394 : i1 to i32
    %cond3A_396 = arith.constant 0 : i32
    %cond3A_397 = arith.cmpi ne, %convert_element_type3A_395, %cond3A_396 : i32
    scf.if %cond3A_397 {
      %lt3A_398 = arith.constant 15 : i32
      %lt3A_399 = arith.cmpi slt, %arg1, %lt3A_398 : i32
      %convert_element_type3A_400 = arith.extui %lt3A_399 : i1 to i32
      %cond3A_401 = arith.constant 0 : i32
      %cond3A_402 = arith.cmpi ne, %convert_element_type3A_400, %cond3A_401 : i32
      scf.if %cond3A_402 {
        "tpu.region"() ({
          %run_scoped3A = tpu.sem_alloc : memref<!tpu.dma_semaphore, #tpu.memory_space<semaphore_mem>>
          %dma_start3A = tpu.memref_slice %arg15[%mul3A_288] : memref<10000xf32, #tpu.memory_space<vmem_shared>> -> memref<640xf32, #tpu.memory_space<vmem_shared>>
          %dma_start3A_408 = tpu.memref_slice %arg15[%mul3A_288] : memref<10000xf32, #tpu.memory_space<vmem_shared>> -> memref<640xf32, #tpu.memory_space<vmem_shared>>
          tpu.enqueue_dma source(%dma_start3A_408 : memref<640xf32, #tpu.memory_space<vmem_shared>>) target(%arg14 : memref<640xf32, #tpu.memory_space<vmem>>) target_semaphore(%run_scoped3A : memref<!tpu.dma_semaphore, #tpu.memory_space<semaphore_mem>>)
          %dma_wait3A = tpu.memref_slice %arg15[%mul3A_288] : memref<10000xf32, #tpu.memory_space<vmem_shared>> -> memref<640xf32, #tpu.memory_space<vmem_shared>>
          %dma_wait3A_409 = tpu.memref_slice %arg15[%mul3A_288] : memref<10000xf32, #tpu.memory_space<vmem_shared>> -> memref<640xf32, #tpu.memory_space<vmem_shared>>
          tpu.wait_dma2 semaphore(%run_scoped3A : memref<!tpu.dma_semaphore, #tpu.memory_space<semaphore_mem>>) src(%dma_wait3A_409 : memref<640xf32, #tpu.memory_space<vmem_shared>>) dst(%arg14 : memref<640xf32, #tpu.memory_space<vmem>>)
          tpu.yield
        }) : () -> ()
        "tpu.region"() ({
          %run_scoped3A = tpu.sem_alloc : memref<!tpu.dma_semaphore, #tpu.memory_space<semaphore_mem>>
          %dma_start3A = tpu.memref_slice %arg4[%mul3A_288] : memref<10000xf32, #tpu.memory_space<hbm>> -> memref<640xf32, #tpu.memory_space<hbm>>
          %dma_start3A_408 = tpu.memref_slice %arg4[%mul3A_288] : memref<10000xf32, #tpu.memory_space<hbm>> -> memref<640xf32, #tpu.memory_space<hbm>>
          tpu.enqueue_dma source(%arg14 : memref<640xf32, #tpu.memory_space<vmem>>) target(%dma_start3A_408 : memref<640xf32, #tpu.memory_space<hbm>>) target_semaphore(%run_scoped3A : memref<!tpu.dma_semaphore, #tpu.memory_space<semaphore_mem>>)
          %dma_wait3A = tpu.memref_slice %arg4[%mul3A_288] : memref<10000xf32, #tpu.memory_space<hbm>> -> memref<640xf32, #tpu.memory_space<hbm>>
          %dma_wait3A_409 = tpu.memref_slice %arg4[%mul3A_288] : memref<10000xf32, #tpu.memory_space<hbm>> -> memref<640xf32, #tpu.memory_space<hbm>>
          tpu.wait_dma2 semaphore(%run_scoped3A : memref<!tpu.dma_semaphore, #tpu.memory_space<semaphore_mem>>) src(%arg14 : memref<640xf32, #tpu.memory_space<vmem>>) dst(%dma_wait3A_409 : memref<640xf32, #tpu.memory_space<hbm>>)
          tpu.yield
        }) : () -> ()
      } else {
      }
      %eq3A_403 = arith.constant 15 : i32
      %eq3A_404 = arith.cmpi eq, %arg1, %eq3A_403 : i32
      %convert_element_type3A_405 = arith.extui %eq3A_404 : i1 to i32
      %cond3A_406 = arith.constant 0 : i32
      %cond3A_407 = arith.cmpi ne, %convert_element_type3A_405, %cond3A_406 : i32
      scf.if %cond3A_407 {
        "tpu.region"() ({
          %run_scoped3A = tpu.sem_alloc : memref<!tpu.dma_semaphore, #tpu.memory_space<semaphore_mem>>
          %dma_start3A = arith.constant 0 : i32
          %dma_start3A_408 = tpu.memref_slice %arg14[%dma_start3A] : memref<640xf32, #tpu.memory_space<vmem>> -> memref<400xf32, #tpu.memory_space<vmem>>
          %dma_start3A_409 = tpu.memref_slice %arg15[%mul3A_288] : memref<10000xf32, #tpu.memory_space<vmem_shared>> -> memref<400xf32, #tpu.memory_space<vmem_shared>>
          %dma_start3A_410 = arith.constant 0 : i32
          %dma_start3A_411 = tpu.memref_slice %arg14[%dma_start3A_410] : memref<640xf32, #tpu.memory_space<vmem>> -> memref<400xf32, #tpu.memory_space<vmem>>
          %dma_start3A_412 = tpu.memref_slice %arg15[%mul3A_288] : memref<10000xf32, #tpu.memory_space<vmem_shared>> -> memref<400xf32, #tpu.memory_space<vmem_shared>>
          tpu.enqueue_dma source(%dma_start3A_412 : memref<400xf32, #tpu.memory_space<vmem_shared>>) target(%dma_start3A_411 : memref<400xf32, #tpu.memory_space<vmem>>) target_semaphore(%run_scoped3A : memref<!tpu.dma_semaphore, #tpu.memory_space<semaphore_mem>>)
          %dma_wait3A = arith.constant 0 : i32
          %dma_wait3A_413 = tpu.memref_slice %arg14[%dma_wait3A] : memref<640xf32, #tpu.memory_space<vmem>> -> memref<400xf32, #tpu.memory_space<vmem>>
          %dma_wait3A_414 = tpu.memref_slice %arg15[%mul3A_288] : memref<10000xf32, #tpu.memory_space<vmem_shared>> -> memref<400xf32, #tpu.memory_space<vmem_shared>>
          %dma_wait3A_415 = arith.constant 0 : i32
          %dma_wait3A_416 = tpu.memref_slice %arg14[%dma_wait3A_415] : memref<640xf32, #tpu.memory_space<vmem>> -> memref<400xf32, #tpu.memory_space<vmem>>
          %dma_wait3A_417 = tpu.memref_slice %arg15[%mul3A_288] : memref<10000xf32, #tpu.memory_space<vmem_shared>> -> memref<400xf32, #tpu.memory_space<vmem_shared>>
          tpu.wait_dma2 semaphore(%run_scoped3A : memref<!tpu.dma_semaphore, #tpu.memory_space<semaphore_mem>>) src(%dma_wait3A_417 : memref<400xf32, #tpu.memory_space<vmem_shared>>) dst(%dma_wait3A_416 : memref<400xf32, #tpu.memory_space<vmem>>)
          tpu.yield
        }) : () -> ()
        "tpu.region"() ({
          %run_scoped3A = tpu.sem_alloc : memref<!tpu.dma_semaphore, #tpu.memory_space<semaphore_mem>>
          %dma_start3A = arith.constant 0 : i32
          %dma_start3A_408 = tpu.memref_slice %arg14[%dma_start3A] : memref<640xf32, #tpu.memory_space<vmem>> -> memref<400xf32, #tpu.memory_space<vmem>>
          %dma_start3A_409 = tpu.memref_slice %arg4[%mul3A_288] : memref<10000xf32, #tpu.memory_space<hbm>> -> memref<400xf32, #tpu.memory_space<hbm>>
          %dma_start3A_410 = tpu.memref_slice %arg4[%mul3A_288] : memref<10000xf32, #tpu.memory_space<hbm>> -> memref<400xf32, #tpu.memory_space<hbm>>
          %dma_start3A_411 = arith.constant 0 : i32
          %dma_start3A_412 = tpu.memref_slice %arg14[%dma_start3A_411] : memref<640xf32, #tpu.memory_space<vmem>> -> memref<400xf32, #tpu.memory_space<vmem>>
          tpu.enqueue_dma source(%dma_start3A_412 : memref<400xf32, #tpu.memory_space<vmem>>) target(%dma_start3A_410 : memref<400xf32, #tpu.memory_space<hbm>>) target_semaphore(%run_scoped3A : memref<!tpu.dma_semaphore, #tpu.memory_space<semaphore_mem>>)
          %dma_wait3A = arith.constant 0 : i32
          %dma_wait3A_413 = tpu.memref_slice %arg14[%dma_wait3A] : memref<640xf32, #tpu.memory_space<vmem>> -> memref<400xf32, #tpu.memory_space<vmem>>
          %dma_wait3A_414 = tpu.memref_slice %arg4[%mul3A_288] : memref<10000xf32, #tpu.memory_space<hbm>> -> memref<400xf32, #tpu.memory_space<hbm>>
          %dma_wait3A_415 = tpu.memref_slice %arg4[%mul3A_288] : memref<10000xf32, #tpu.memory_space<hbm>> -> memref<400xf32, #tpu.memory_space<hbm>>
          %dma_wait3A_416 = arith.constant 0 : i32
          %dma_wait3A_417 = tpu.memref_slice %arg14[%dma_wait3A_416] : memref<640xf32, #tpu.memory_space<vmem>> -> memref<400xf32, #tpu.memory_space<vmem>>
          tpu.wait_dma2 semaphore(%run_scoped3A : memref<!tpu.dma_semaphore, #tpu.memory_space<semaphore_mem>>) src(%dma_wait3A_417 : memref<400xf32, #tpu.memory_space<vmem>>) dst(%dma_wait3A_415 : memref<400xf32, #tpu.memory_space<hbm>>)
          tpu.yield
        }) : () -> ()
      } else {
      }
    } else {
    }
    return
  }
}

module attributes {stable_mosaic.version = 14 : i64} {
  func.func @_b2_body(%arg0: i32, %arg1: memref<2000x128xf32, #tpu.memory_space<vmem>>, %arg2: memref<2000x128xf32, #tpu.memory_space<vmem>>, %arg3: memref<2000x128xf32, #tpu.memory_space<vmem>>, %arg4: memref<2000x1xf32, #tpu.memory_space<vmem>>, %arg5: memref<2000x1xf32, #tpu.memory_space<vmem>>, %arg6: memref<1x128xf32, #tpu.memory_space<vmem>>, %arg7: memref<128x128xf32, #tpu.memory_space<vmem>>, %arg8: memref<2000x128xf32, #tpu.memory_space<vmem>>) attributes {dimension_semantics = [#tpu.dimension_semantics<arbitrary>], iteration_bounds = array<i64: 5>, scalar_prefetch = 0 : i64, scratch_operands = 0 : i64, tpu.core_type = #tpu.core_type<tc>, window_params = [{transform_indices = @transform_0, window_bounds = array<i64: 2000, 128>}, {transform_indices = @transform_1, window_bounds = array<i64: 2000, 128>}, {transform_indices = @transform_2, window_bounds = array<i64: 2000, 128>}, {transform_indices = @transform_3, window_bounds = array<i64: 2000, 1>}, {transform_indices = @transform_4, window_bounds = array<i64: 2000, 1>}, {pipeline_mode = #tpu.pipeline_mode<synchronous>, transform_indices = @transform_5, window_bounds = array<i64: 1, 128>}, {pipeline_mode = #tpu.pipeline_mode<synchronous>, transform_indices = @transform_6, window_bounds = array<i64: 128, 128>}, {transform_indices = @transform_7, window_bounds = array<i64: 2000, 128>}]} {
    %get3A = arith.constant 0 : index
    %get3A_0 = arith.constant 0 : index
    %get3A_1 = vector.load %arg4[%get3A, %get3A_0] : memref<2000x1xf32, #tpu.memory_space<vmem>>, vector<2000x1xf32>
    %get3A_2 = arith.constant 0 : index
    %get3A_3 = arith.constant 0 : index
    %get3A_4 = vector.load %arg5[%get3A_2, %get3A_3] : memref<2000x1xf32, #tpu.memory_space<vmem>>, vector<2000x1xf32>
    %add3A = arith.addf %get3A_1, %get3A_4 : vector<2000x1xf32>
    %add3A_5 = arith.constant 1.000000e+00 : f32
    %add3A_6 = vector.broadcast %add3A_5 : f32 to vector<2000x1xf32>
    %add3A_7 = arith.addf %add3A, %add3A_6 : vector<2000x1xf32>
    %sqrt3A = math.sqrt %add3A_7 : vector<2000x1xf32>
    %div3A = arith.constant 1.000000e+00 : f32
    %div3A_8 = vector.broadcast %div3A : f32 to vector<2000x1xf32>
    %div3A_9 = arith.divf %div3A_8, %sqrt3A : vector<2000x1xf32>
    %get3A_10 = arith.constant 0 : index
    %get3A_11 = arith.constant 0 : index
    %get3A_12 = vector.load %arg1[%get3A_10, %get3A_11] : memref<2000x128xf32, #tpu.memory_space<vmem>>, vector<2000x128xf32>
    %get3A_13 = arith.constant 0 : index
    %get3A_14 = arith.constant 0 : index
    %get3A_15 = vector.load %arg2[%get3A_13, %get3A_14] : memref<2000x128xf32, #tpu.memory_space<vmem>>, vector<2000x128xf32>
    %add3A_16 = arith.addf %get3A_12, %get3A_15 : vector<2000x128xf32>
    %get3A_17 = arith.constant 0 : index
    %get3A_18 = arith.constant 0 : index
    %get3A_19 = vector.load %arg3[%get3A_17, %get3A_18] : memref<2000x128xf32, #tpu.memory_space<vmem>>, vector<2000x128xf32>
    %add3A_20 = arith.addf %add3A_16, %get3A_19 : vector<2000x128xf32>
    %mul3A = vector.broadcast %div3A_9 : vector<2000x1xf32> to vector<2000x128xf32>
    %mul3A_21 = arith.mulf %mul3A, %add3A_20 : vector<2000x128xf32>
    %get3A_22 = arith.constant 0 : index
    %get3A_23 = arith.constant 0 : index
    %get3A_24 = vector.load %arg6[%get3A_22, %get3A_23] : memref<1x128xf32, #tpu.memory_space<vmem>>, vector<1x128xf32>
    %add3A_25 = vector.broadcast %get3A_24 : vector<1x128xf32> to vector<2000x128xf32>
    %add3A_26 = arith.addf %mul3A_21, %add3A_25 : vector<2000x128xf32>
    %max3A = arith.constant 0.000000e+00 : f32
    %max3A_27 = vector.broadcast %max3A : f32 to vector<2000x128xf32>
    %max3A_28 = arith.maximumf %add3A_26, %max3A_27 : vector<2000x128xf32>
    %get3A_29 = arith.constant 0 : index
    %get3A_30 = arith.constant 0 : index
    %get3A_31 = vector.load %arg7[%get3A_29, %get3A_30] : memref<128x128xf32, #tpu.memory_space<vmem>>, vector<128x128xf32>
    %dot_general3A = arith.constant dense<0.000000e+00> : vector<2000x128xf32>
    %dot_general3A_32 = tpu.matmul %max3A_28, %get3A_31, %dot_general3A {dimension_numbers = #tpu.dot_dimension_numbers<[1], [0], [0], [1], [0, 0, 1, 1], [], []>, transpose_lhs_hint = false} : vector<2000x128xf32>, vector<128x128xf32>, vector<2000x128xf32> -> vector<2000x128xf32>
    %mul3A_33 = vector.broadcast %div3A_9 : vector<2000x1xf32> to vector<2000x128xf32>
    %mul3A_34 = arith.mulf %dot_general3A_32, %mul3A_33 : vector<2000x128xf32>
    %swap3A = arith.constant 0 : index
    %swap3A_35 = arith.constant 0 : index
    %swap3A_36 = vector.load %arg8[%swap3A, %swap3A_35] : memref<2000x128xf32, #tpu.memory_space<vmem>>, vector<2000x128xf32>
    tpu.vector_store %arg8[%swap3A, %swap3A_35], %mul3A_34 {strides = array<i32>} : memref<2000x128xf32, #tpu.memory_space<vmem>>, vector<2000x128xf32>,
    return
  }
  func.func @transform_0(%arg0: i32) -> (i32, i32) {
    %c0_i32 = arith.constant 0 : i32
    %c0_i32_0 = arith.constant 0 : i32
    return %arg0, %c0_i32 : i32, i32
  }
  func.func @transform_1(%arg0: i32) -> (i32, i32) {
    %c0_i32 = arith.constant 0 : i32
    %c0_i32_0 = arith.constant 0 : i32
    return %arg0, %c0_i32 : i32, i32
  }
  func.func @transform_2(%arg0: i32) -> (i32, i32) {
    %c0_i32 = arith.constant 0 : i32
    %c0_i32_0 = arith.constant 0 : i32
    return %arg0, %c0_i32 : i32, i32
  }
  func.func @transform_3(%arg0: i32) -> (i32, i32) {
    %c0_i32 = arith.constant 0 : i32
    %c0_i32_0 = arith.constant 0 : i32
    return %arg0, %c0_i32 : i32, i32
  }
  func.func @transform_4(%arg0: i32) -> (i32, i32) {
    %c0_i32 = arith.constant 0 : i32
    %c0_i32_0 = arith.constant 0 : i32
    return %arg0, %c0_i32 : i32, i32
  }
  func.func @transform_5(%arg0: i32) -> (i32, i32) {
    %c0_i32 = arith.constant 0 : i32
    %c0_i32_0 = arith.constant 0 : i32
    %c0_i32_1 = arith.constant 0 : i32
    return %c0_i32, %c0_i32_0 : i32, i32
  }
  func.func @transform_6(%arg0: i32) -> (i32, i32) {
    %c0_i32 = arith.constant 0 : i32
    %c0_i32_0 = arith.constant 0 : i32
    %c0_i32_1 = arith.constant 0 : i32
    return %c0_i32, %c0_i32_0 : i32, i32
  }
  func.func @transform_7(%arg0: i32) -> (i32, i32) {
    %c0_i32 = arith.constant 0 : i32
    %c0_i32_0 = arith.constant 0 : i32
    return %arg0, %c0_i32 : i32, i32
  }
}

module attributes {stable_mosaic.version = 14 : i64} {
  func.func @_b1_body(%arg0: i32, %arg1: memref<2000x128xf32, #tpu.memory_space<vmem>>, %arg2: memref<128x128xf32, #tpu.memory_space<vmem>>, %arg3: memref<2000x1xf32, #tpu.memory_space<vmem>>, %arg4: memref<2000x1xf32, #tpu.memory_space<vmem>>, %arg5: memref<2000x128xf32, #tpu.memory_space<vmem>>) attributes {dimension_semantics = [#tpu.dimension_semantics<arbitrary>], iteration_bounds = array<i64: 5>, scalar_prefetch = 0 : i64, scratch_operands = 0 : i64, tpu.core_type = #tpu.core_type<tc>, window_params = [{transform_indices = @transform_0, window_bounds = array<i64: 2000, 128>}, {pipeline_mode = #tpu.pipeline_mode<synchronous>, transform_indices = @transform_1, window_bounds = array<i64: 128, 128>}, {transform_indices = @transform_2, window_bounds = array<i64: 2000, 1>}, {transform_indices = @transform_3, window_bounds = array<i64: 2000, 1>}, {transform_indices = @transform_4, window_bounds = array<i64: 2000, 128>}]} {
    %get3A = arith.constant 0 : index
    %get3A_0 = arith.constant 0 : index
    %get3A_1 = vector.load %arg3[%get3A, %get3A_0] : memref<2000x1xf32, #tpu.memory_space<vmem>>, vector<2000x1xf32>
    %get3A_2 = arith.constant 0 : index
    %get3A_3 = arith.constant 0 : index
    %get3A_4 = vector.load %arg4[%get3A_2, %get3A_3] : memref<2000x1xf32, #tpu.memory_space<vmem>>, vector<2000x1xf32>
    %add3A = arith.addf %get3A_1, %get3A_4 : vector<2000x1xf32>
    %add3A_5 = arith.constant 1.000000e+00 : f32
    %add3A_6 = vector.broadcast %add3A_5 : f32 to vector<2000x1xf32>
    %add3A_7 = arith.addf %add3A, %add3A_6 : vector<2000x1xf32>
    %sqrt3A = math.sqrt %add3A_7 : vector<2000x1xf32>
    %div3A = arith.constant 1.000000e+00 : f32
    %div3A_8 = vector.broadcast %div3A : f32 to vector<2000x1xf32>
    %div3A_9 = arith.divf %div3A_8, %sqrt3A : vector<2000x1xf32>
    %get3A_10 = arith.constant 0 : index
    %get3A_11 = arith.constant 0 : index
    %get3A_12 = vector.load %arg1[%get3A_10, %get3A_11] : memref<2000x128xf32, #tpu.memory_space<vmem>>, vector<2000x128xf32>
    %get3A_13 = arith.constant 0 : index
    %get3A_14 = arith.constant 0 : index
    %get3A_15 = vector.load %arg2[%get3A_13, %get3A_14] : memref<128x128xf32, #tpu.memory_space<vmem>>, vector<128x128xf32>
    %dot_general3A = arith.constant dense<0.000000e+00> : vector<2000x128xf32>
    %dot_general3A_16 = tpu.matmul %get3A_12, %get3A_15, %dot_general3A {dimension_numbers = #tpu.dot_dimension_numbers<[1], [0], [0], [1], [0, 0, 1, 1], [], []>, transpose_lhs_hint = false} : vector<2000x128xf32>, vector<128x128xf32>, vector<2000x128xf32> -> vector<2000x128xf32>
    %mul3A = vector.broadcast %div3A_9 : vector<2000x1xf32> to vector<2000x128xf32>
    %mul3A_17 = arith.mulf %dot_general3A_16, %mul3A : vector<2000x128xf32>
    %swap3A = arith.constant 0 : index
    %swap3A_18 = arith.constant 0 : index
    %swap3A_19 = vector.load %arg5[%swap3A, %swap3A_18] : memref<2000x128xf32, #tpu.memory_space<vmem>>, vector<2000x128xf32>
    tpu.vector_store %arg5[%swap3A, %swap3A_18], %mul3A_17 {strides = array<i32>} : memref<2000x128xf32, #tpu.memory_space<vmem>>, vector<2000x128xf32>,
    return
  }
  func.func @transform_0(%arg0: i32) -> (i32, i32) {
    %c0_i32 = arith.constant 0 : i32
    %c0_i32_0 = arith.constant 0 : i32
    return %arg0, %c0_i32 : i32, i32
  }
  func.func @transform_1(%arg0: i32) -> (i32, i32) {
    %c0_i32 = arith.constant 0 : i32
    %c0_i32_0 = arith.constant 0 : i32
    %c0_i32_1 = arith.constant 0 : i32
    return %c0_i32, %c0_i32_0 : i32, i32
  }
  func.func @transform_2(%arg0: i32) -> (i32, i32) {
    %c0_i32 = arith.constant 0 : i32
    %c0_i32_0 = arith.constant 0 : i32
    return %arg0, %c0_i32 : i32, i32
  }
  func.func @transform_3(%arg0: i32) -> (i32, i32) {
    %c0_i32 = arith.constant 0 : i32
    %c0_i32_0 = arith.constant 0 : i32
    return %arg0, %c0_i32 : i32, i32
  }
  func.func @transform_4(%arg0: i32) -> (i32, i32) {
    %c0_i32 = arith.constant 0 : i32
    %c0_i32_0 = arith.constant 0 : i32
    return %arg0, %c0_i32 : i32, i32
  }
}

module attributes {stable_mosaic.version = 14 : i64} {
  func.func @_b3_body(%arg0: i32, %arg1: memref<2000x128xf32, #tpu.memory_space<vmem>>, %arg2: memref<2000x128xf32, #tpu.memory_space<vmem>>, %arg3: memref<2000x128xf32, #tpu.memory_space<vmem>>, %arg4: memref<2000x1xf32, #tpu.memory_space<vmem>>, %arg5: memref<2000x1xf32, #tpu.memory_space<vmem>>, %arg6: memref<1x128xf32, #tpu.memory_space<vmem>>, %arg7: memref<128x128xf32, #tpu.memory_space<vmem>>, %arg8: memref<1x128xf32, #tpu.memory_space<vmem>>, %arg9: memref<128x1xf32, #tpu.memory_space<vmem>>, %arg10: memref<1x1xf32, #tpu.memory_space<vmem>>, %arg11: memref<1x1xf32, #tpu.memory_space<vmem>>, %arg12: memref<1x128xf32, #tpu.memory_space<vmem>>) attributes {dimension_semantics = [#tpu.dimension_semantics<arbitrary>], iteration_bounds = array<i64: 5>, scalar_prefetch = 0 : i64, scratch_operands = 1 : i64, tpu.core_type = #tpu.core_type<tc>, window_params = [{transform_indices = @transform_0, window_bounds = array<i64: 2000, 128>}, {transform_indices = @transform_1, window_bounds = array<i64: 2000, 128>}, {transform_indices = @transform_2, window_bounds = array<i64: 2000, 128>}, {transform_indices = @transform_3, window_bounds = array<i64: 2000, 1>}, {transform_indices = @transform_4, window_bounds = array<i64: 2000, 1>}, {pipeline_mode = #tpu.pipeline_mode<synchronous>, transform_indices = @transform_5, window_bounds = array<i64: 1, 128>}, {pipeline_mode = #tpu.pipeline_mode<synchronous>, transform_indices = @transform_6, window_bounds = array<i64: 128, 128>}, {pipeline_mode = #tpu.pipeline_mode<synchronous>, transform_indices = @transform_7, window_bounds = array<i64: 1, 128>}, {pipeline_mode = #tpu.pipeline_mode<synchronous>, transform_indices = @transform_8, window_bounds = array<i64: 128, 1>}, {pipeline_mode = #tpu.pipeline_mode<synchronous>, transform_indices = @transform_9, window_bounds = array<i64: 1, 1>}, {pipeline_mode = #tpu.pipeline_mode<synchronous>, transform_indices = @transform_10, window_bounds = array<i64: 1, 1>}]} {
    %get3A = arith.constant 0 : index
    %get3A_0 = arith.constant 0 : index
    %get3A_1 = vector.load %arg4[%get3A, %get3A_0] : memref<2000x1xf32, #tpu.memory_space<vmem>>, vector<2000x1xf32>
    %get3A_2 = arith.constant 0 : index
    %get3A_3 = arith.constant 0 : index
    %get3A_4 = vector.load %arg5[%get3A_2, %get3A_3] : memref<2000x1xf32, #tpu.memory_space<vmem>>, vector<2000x1xf32>
    %add3A = arith.addf %get3A_1, %get3A_4 : vector<2000x1xf32>
    %add3A_5 = arith.constant 1.000000e+00 : f32
    %add3A_6 = vector.broadcast %add3A_5 : f32 to vector<2000x1xf32>
    %add3A_7 = arith.addf %add3A, %add3A_6 : vector<2000x1xf32>
    %sqrt3A = math.sqrt %add3A_7 : vector<2000x1xf32>
    %div3A = arith.constant 1.000000e+00 : f32
    %div3A_8 = vector.broadcast %div3A : f32 to vector<2000x1xf32>
    %div3A_9 = arith.divf %div3A_8, %sqrt3A : vector<2000x1xf32>
    %get3A_10 = arith.constant 0 : index
    %get3A_11 = arith.constant 0 : index
    %get3A_12 = vector.load %arg1[%get3A_10, %get3A_11] : memref<2000x128xf32, #tpu.memory_space<vmem>>, vector<2000x128xf32>
    %get3A_13 = arith.constant 0 : index
    %get3A_14 = arith.constant 0 : index
    %get3A_15 = vector.load %arg2[%get3A_13, %get3A_14] : memref<2000x128xf32, #tpu.memory_space<vmem>>, vector<2000x128xf32>
    %add3A_16 = arith.addf %get3A_12, %get3A_15 : vector<2000x128xf32>
    %get3A_17 = arith.constant 0 : index
    %get3A_18 = arith.constant 0 : index
    %get3A_19 = vector.load %arg3[%get3A_17, %get3A_18] : memref<2000x128xf32, #tpu.memory_space<vmem>>, vector<2000x128xf32>
    %add3A_20 = arith.addf %add3A_16, %get3A_19 : vector<2000x128xf32>
    %mul3A = vector.broadcast %div3A_9 : vector<2000x1xf32> to vector<2000x128xf32>
    %mul3A_21 = arith.mulf %mul3A, %add3A_20 : vector<2000x128xf32>
    %get3A_22 = arith.constant 0 : index
    %get3A_23 = arith.constant 0 : index
    %get3A_24 = vector.load %arg6[%get3A_22, %get3A_23] : memref<1x128xf32, #tpu.memory_space<vmem>>, vector<1x128xf32>
    %add3A_25 = vector.broadcast %get3A_24 : vector<1x128xf32> to vector<2000x128xf32>
    %add3A_26 = arith.addf %mul3A_21, %add3A_25 : vector<2000x128xf32>
    %max3A = arith.constant 0.000000e+00 : f32
    %max3A_27 = vector.broadcast %max3A : f32 to vector<2000x128xf32>
    %max3A_28 = arith.maximumf %add3A_26, %max3A_27 : vector<2000x128xf32>
    %reduce_sum3A = arith.constant dense<0.000000e+00> : vector<128xf32>
    %reduce_sum3A_29 = vector.multi_reduction <add>, %max3A_28, %reduce_sum3A [0] : vector<2000x128xf32> to vector<128xf32>
    %broadcast_in_dim3A = vector.shape_cast %reduce_sum3A_29 : vector<128xf32> to vector<1x128xf32>
    %eq3A = arith.constant 0 : i32
    %eq3A_30 = arith.cmpi eq, %arg0, %eq3A : i32
    %convert_element_type3A = arith.extui %eq3A_30 : i1 to i32
    %cond3A = arith.constant 0 : i32
    %cond3A_31 = arith.cmpi ne, %convert_element_type3A, %cond3A : i32
    scf.if %cond3A_31 {
      %swap3A = arith.constant 0 : index
      %swap3A_41 = arith.constant 0 : index
      %swap3A_42 = vector.load %arg12[%swap3A, %swap3A_41] : memref<1x128xf32, #tpu.memory_space<vmem>>, vector<1x128xf32>
      tpu.vector_store %arg12[%swap3A, %swap3A_41], %broadcast_in_dim3A {strides = array<i32>} : memref<1x128xf32, #tpu.memory_space<vmem>>, vector<1x128xf32>,
    } else {
    }
    %ne3A = arith.constant 0 : i32
    %ne3A_32 = arith.cmpi ne, %arg0, %ne3A : i32
    %convert_element_type3A_33 = arith.extui %ne3A_32 : i1 to i32
    %cond3A_34 = arith.constant 0 : i32
    %cond3A_35 = arith.cmpi ne, %convert_element_type3A_33, %cond3A_34 : i32
    scf.if %cond3A_35 {
      %get3A_41 = arith.constant 0 : index
      %get3A_42 = arith.constant 0 : index
      %get3A_43 = vector.load %arg12[%get3A_41, %get3A_42] : memref<1x128xf32, #tpu.memory_space<vmem>>, vector<1x128xf32>
      %add3A_44 = arith.addf %get3A_43, %broadcast_in_dim3A : vector<1x128xf32>
      %swap3A = arith.constant 0 : index
      %swap3A_45 = arith.constant 0 : index
      %swap3A_46 = vector.load %arg12[%swap3A, %swap3A_45] : memref<1x128xf32, #tpu.memory_space<vmem>>, vector<1x128xf32>
      tpu.vector_store %arg12[%swap3A, %swap3A_45], %add3A_44 {strides = array<i32>} : memref<1x128xf32, #tpu.memory_space<vmem>>, vector<1x128xf32>,
    } else {
    }
    %eq3A_36 = arith.constant 4 : i32
    %eq3A_37 = arith.cmpi eq, %arg0, %eq3A_36 : i32
    %convert_element_type3A_38 = arith.extui %eq3A_37 : i1 to i32
    %cond3A_39 = arith.constant 0 : i32
    %cond3A_40 = arith.cmpi ne, %convert_element_type3A_38, %cond3A_39 : i32
    scf.if %cond3A_40 {
      %get3A_41 = arith.constant 0 : index
      %get3A_42 = arith.constant 0 : index
      %get3A_43 = vector.load %arg12[%get3A_41, %get3A_42] : memref<1x128xf32, #tpu.memory_space<vmem>>, vector<1x128xf32>
      %mul3A_44 = arith.constant 9.99999974E-5 : f32
      %mul3A_45 = vector.broadcast %mul3A_44 : f32 to vector<1x128xf32>
      %mul3A_46 = arith.mulf %get3A_43, %mul3A_45 : vector<1x128xf32>
      %get3A_47 = arith.constant 0 : index
      %get3A_48 = arith.constant 0 : index
      %get3A_49 = vector.load %arg7[%get3A_47, %get3A_48] : memref<128x128xf32, #tpu.memory_space<vmem>>, vector<128x128xf32>
      %dot_general3A = arith.constant dense<0.000000e+00> : vector<1x128xf32>
      %dot_general3A_50 = tpu.matmul %mul3A_46, %get3A_49, %dot_general3A {dimension_numbers = #tpu.dot_dimension_numbers<[1], [0], [0], [1], [0, 0, 1, 1], [], []>, transpose_lhs_hint = false} : vector<1x128xf32>, vector<128x128xf32>, vector<1x128xf32> -> vector<1x128xf32>
      %get3A_51 = arith.constant 0 : index
      %get3A_52 = arith.constant 0 : index
      %get3A_53 = vector.load %arg8[%get3A_51, %get3A_52] : memref<1x128xf32, #tpu.memory_space<vmem>>, vector<1x128xf32>
      %add3A_54 = arith.addf %dot_general3A_50, %get3A_53 : vector<1x128xf32>
      %max3A_55 = arith.constant 0.000000e+00 : f32
      %max3A_56 = vector.broadcast %max3A_55 : f32 to vector<1x128xf32>
      %max3A_57 = arith.maximumf %add3A_54, %max3A_56 : vector<1x128xf32>
      %get3A_58 = arith.constant 0 : index
      %get3A_59 = arith.constant 0 : index
      %get3A_60 = vector.load %arg9[%get3A_58, %get3A_59] : memref<128x1xf32, #tpu.memory_space<vmem>>, vector<128x1xf32>
      %dot_general3A_61 = arith.constant dense<0.000000e+00> : vector<1x1xf32>
      %dot_general3A_62 = tpu.matmul %max3A_57, %get3A_60, %dot_general3A_61 {dimension_numbers = #tpu.dot_dimension_numbers<[1], [0], [0], [1], [0, 0, 1, 1], [], []>, transpose_lhs_hint = false} : vector<1x128xf32>, vector<128x1xf32>, vector<1x1xf32> -> vector<1x1xf32>
      %get3A_63 = arith.constant 0 : index
      %get3A_64 = arith.constant 0 : index
      %get3A_65 = vector.load %arg10[%get3A_63, %get3A_64] : memref<1x1xf32, #tpu.memory_space<vmem>>, vector<1x1xf32>
      %add3A_66 = arith.addf %dot_general3A_62, %get3A_65 : vector<1x1xf32>
      %max3A_67 = arith.constant 0.000000e+00 : f32
      %max3A_68 = vector.broadcast %max3A_67 : f32 to vector<1x1xf32>
      %max3A_69 = arith.maximumf %add3A_66, %max3A_68 : vector<1x1xf32>
      %swap3A = arith.constant 0 : index
      %swap3A_70 = arith.constant 0 : index
      %swap3A_71 = vector.load %arg11[%swap3A, %swap3A_70] : memref<1x1xf32, #tpu.memory_space<vmem>>, vector<1x1xf32>
      tpu.vector_store %arg11[%swap3A, %swap3A_70], %max3A_69 {strides = array<i32>} : memref<1x1xf32, #tpu.memory_space<vmem>>, vector<1x1xf32>,
    } else {
    }
    return
  }
  func.func @transform_0(%arg0: i32) -> (i32, i32) {
    %c0_i32 = arith.constant 0 : i32
    %c0_i32_0 = arith.constant 0 : i32
    return %arg0, %c0_i32 : i32, i32
  }
  func.func @transform_1(%arg0: i32) -> (i32, i32) {
    %c0_i32 = arith.constant 0 : i32
    %c0_i32_0 = arith.constant 0 : i32
    return %arg0, %c0_i32 : i32, i32
  }
  func.func @transform_2(%arg0: i32) -> (i32, i32) {
    %c0_i32 = arith.constant 0 : i32
    %c0_i32_0 = arith.constant 0 : i32
    return %arg0, %c0_i32 : i32, i32
  }
  func.func @transform_3(%arg0: i32) -> (i32, i32) {
    %c0_i32 = arith.constant 0 : i32
    %c0_i32_0 = arith.constant 0 : i32
    return %arg0, %c0_i32 : i32, i32
  }
  func.func @transform_4(%arg0: i32) -> (i32, i32) {
    %c0_i32 = arith.constant 0 : i32
    %c0_i32_0 = arith.constant 0 : i32
    return %arg0, %c0_i32 : i32, i32
  }
  func.func @transform_5(%arg0: i32) -> (i32, i32) {
    %c0_i32 = arith.constant 0 : i32
    %c0_i32_0 = arith.constant 0 : i32
    %c0_i32_1 = arith.constant 0 : i32
    return %c0_i32, %c0_i32_0 : i32, i32
  }
  func.func @transform_6(%arg0: i32) -> (i32, i32) {
    %c0_i32 = arith.constant 0 : i32
    %c0_i32_0 = arith.constant 0 : i32
    %c0_i32_1 = arith.constant 0 : i32
    return %c0_i32, %c0_i32_0 : i32, i32
  }
  func.func @transform_7(%arg0: i32) -> (i32, i32) {
    %c0_i32 = arith.constant 0 : i32
    %c0_i32_0 = arith.constant 0 : i32
    %c0_i32_1 = arith.constant 0 : i32
    return %c0_i32, %c0_i32_0 : i32, i32
  }
  func.func @transform_8(%arg0: i32) -> (i32, i32) {
    %c0_i32 = arith.constant 0 : i32
    %c0_i32_0 = arith.constant 0 : i32
    %c0_i32_1 = arith.constant 0 : i32
    return %c0_i32, %c0_i32_0 : i32, i32
  }
  func.func @transform_9(%arg0: i32) -> (i32, i32) {
    %c0_i32 = arith.constant 0 : i32
    %c0_i32_0 = arith.constant 0 : i32
    %c0_i32_1 = arith.constant 0 : i32
    return %c0_i32, %c0_i32_0 : i32, i32
  }
  func.func @transform_10(%arg0: i32) -> (i32, i32) {
    %c0_i32 = arith.constant 0 : i32
    %c0_i32_0 = arith.constant 0 : i32
    %c0_i32_1 = arith.constant 0 : i32
    return %c0_i32, %c0_i32_0 : i32, i32
  }
}

</mosaic_0001>

<sc_bundles>
// kernel: kernel.11.cloned.1.call-start
scs
__scs_entry_jumppad:
0x0: {  	(pc) =	sbr.rel $0x88, $3  }
0x1: {  	(tag) =	ssettag $0x0;
	lr =	simm.s32 $0x1  }
0x2: {  	[smem:$0x3F97] =	sst lr;
	_ =	strace $0xD0000000  }
0x3: {  	_ = 	snop  }
0x4: {  	_ = 	snop  }
0x5: {  	_ = 	snop  }
0x6: {  	_ = 	snop  }
0x7: {  	_ = 	snop  }
__scs_overlays_trampoline_lowered:
0x8: {  	[smem:$0x3FA6] =	sst s0  }
0x9: {  	[smem:$0x3FA7] =	sst s1  }
0xa: {  	[smem:$0x3FA8] =	sst s2  }
0xb: {  	[smem:$0x3FA9] =	sst s3  }
0xc: {  	[smem:$0x3FAA] =	sst s4  }
0xd: {  	[smem:$0x3FAB] =	sst s5  }
0xe: {  	[smem:$0x3FAC] =	sst s6  }
0xf: {  	[smem:$0x3FAD] =	sst s7  }
0x10: {  	[smem:$0x3FAE] =	sst s8  }
0x11: {  	[smem:$0x3FAF] =	sst s9;
	s0 =	simm.s32 @!p0 $0x0  }
0x12: {  	s1 =	sld [smem:$0x3F95];
	s0 =	simm.s32 @p0 $0x1  }
0x13: {  	[smem:$0x3FB0] =	sst s0;
	s0 =	simm.s32 @!p1 $0x0  }
0x14: {  	s2 =	sld [smem:$0x3F94];
	s0 =	simm.s32 @p1 $0x1  }
0x15: {  	[smem:$0x3FB1] =	sst s0;
	s0 =	simm.s32 @!p2 $0x0  }
0x16: {  	s3 =	sld [smem:$0x3FDB];
	s0 =	simm.s32 @p2 $0x1  }
0x17: {  	s4 =	simm.s32 $0x1BF5;
	[smem:$0x3FB3] =	sst s0  }
0x18: {  	s0 =	sld [smem:$0x3F96];
	_ =	swait.ge [sflag:s4], $0x0  }
0x19: {  	s7 =	sld [smem:$0x3F97]  }
0x1a: {  	s8 =	sadd.s32 $0xFFFFE003, lr  }
0x1b: {  	s9 =	sadd.s32 $0xFFFFFEF7, lr;
	s5 =	simm.s32 $0xFFFFFFFF;
	p2 =	slt.u32 s8, $0xFFFFF086  }
0x1c: {  	p1 =	slt.u32 s9, $0xF7A;
	s5 =	simm.s32 @!p2 $0x0  }
0x1d: {  	s5 =	simm.s32 @p1 $0x1;
	p0 =	seq.s32 s7, s2  }
0x1e: {  	s7 =	smul.u32 @!p0 $0xF7A, s2;
	p2 =	seq.s32 @!p0 s5, $0x0  }
0x1f: {  	s9 =	smul.u32 $0xF7A, s1;
	s8 =	simm.s32 @!p0 $0x1BF5;
	p2 =	por !p2, p0  }
0x20: {  	[sflag:s8] =	ssyncset.s32 @!p0 $0xFFFFF086;
	s6 =	sadd.s32 @!p0 s3, s7;
	s7 =	simm.s32 @!p0 $0x108  }
0x21: {  	s3 =	sadd.s32 s3, s9;
	s6 =	sadd.s32 @!p0 $0x88, s6;
	s7 =	simm.s32 @p2 $0x1082  }
0x22: {  	[simem:s7], [sflag:s8] =	dma.local @!p0 [hbm:s6], $0xF7A  }
0x23: {  	s9 =	sor.u32 $0xD0000000, s2;
	s6 =	simm.s32 $0x108;
	_ =	swait.ge @!p0 [sflag:s8], $0x0  }
0x24: {  	s3 =	sadd.s32 $0x88, s3;
	s6 =	simm.s32 @!p1 $0x1082;
	[sflag:s4] =	ssyncset.s32 $0xFFFFF086  }
0x25: {  	[simem:s6], [sflag:s4] =	dma.local [hbm:s3], $0xF7A  }
0x26: {  	[smem:$0x3F97] =	sst s1;
	(tag) =	ssettag s2;
	_ =	strace s9  }
0x27: {  	s1 =	sld [smem:$0x3FA7]  }
0x28: {  	s2 =	sld [smem:$0x3FA8]  }
0x29: {  	s4 =	sld [smem:$0x3FAA]  }
0x2a: {  	p0 =	seq.s32 s5, $0x0;
	s5 =	sld [smem:$0x3FAB]  }
0x2b: {  	s6 =	sld [smem:$0x3FAC]  }
0x2c: {  	s7 =	sld [smem:$0x3FAD]  }
0x2d: {  	s3 =	simm.s32 $0x108;
	s8 =	sld [smem:$0x3FAE]  }
0x2e: {  	s3 =	simm.s32 @!p0 $0x1082;
	s9 =	sld [smem:$0x3FAF]  }
0x2f: {  	lr =	sadd.s32 s0, s3;
	s0 =	sld [smem:$0x3FA6]  }
0x30: {  	s3 =	sld [smem:$0x3FA9]  }
0x31: {  	[smem:$0x3FB2] =	sst s10  }
0x32: {  	s10 =	sld [smem:$0x3FB0];
	_ =	sdelay $0x3  }
0x33: {  	p0 =	seq.s32 s10, $0x1;
	s10 =	sld [smem:$0x3FB2];
	_ =	sdelay $0x3  }
0x34: {  	[smem:$0x3FB2] =	sst s10  }
0x35: {  	s10 =	sld [smem:$0x3FB1];
	_ =	sdelay $0x3  }
0x36: {  	p1 =	seq.s32 s10, $0x1;
	s10 =	sld [smem:$0x3FB2];
	_ =	sdelay $0x3  }
0x37: {  	[smem:$0x3FB2] =	sst s10  }
0x38: {  	s10 =	sld [smem:$0x3FB3]  }
0x39: {  	_ = 	snop;
	(pc) =	sbr.ind lr, $3  }
0x3a: {  	_ = 	snop  }
0x3b: {  	_ = 	snop  }
0x3c: {  	p2 =	seq.s32 s10, $0x1;
	s10 =	sld [smem:$0x3FB2]  }
0x3d: {  	_ =	shalt  }
0x3e: {  	_ =	shalt  }
0x3f: {  	_ =	shalt  }
0x40: {  	_ =	shalt  }
0x41: {  	_ =	shalt  }
0x42: {  	_ =	shalt  }
0x43: {  	_ =	shalt  }
0x44: {  	_ =	shalt  }
0x45: {  	_ =	shalt  }
0x46: {  	_ =	shalt  }
0x47: {  	_ =	shalt  }
0x48: {  	_ =	shalt  }
0x49: {  	_ =	shalt  }
0x4a: {  	_ =	shalt  }
0x4b: {  	_ =	shalt  }
0x4c: {  	_ =	shalt  }
0x4d: {  	_ =	shalt  }
0x4e: {  	_ =	shalt  }
0x4f: {  	_ =	shalt  }
0x50: {  	_ =	shalt  }
0x51: {  	_ =	shalt  }
0x52: {  	_ =	shalt  }
0x53: {  	_ =	shalt  }
0x54: {  	_ =	shalt  }
0x55: {  	_ =	shalt  }
0x56: {  	_ =	shalt  }
0x57: {  	_ =	shalt  }
0x58: {  	_ =	shalt  }
0x59: {  	_ =	shalt  }
0x5a: {  	_ =	shalt  }
0x5b: {  	_ =	shalt  }
0x5c: {  	_ =	shalt  }
0x5d: {  	_ =	shalt  }
0x5e: {  	_ =	shalt  }
0x5f: {  	_ =	shalt  }
0x60: {  	_ =	shalt  }
0x61: {  	_ =	shalt  }
0x62: {  	_ =	shalt  }
0x63: {  	_ =	shalt  }
0x64: {  	_ =	shalt  }
0x65: {  	_ =	shalt  }
0x66: {  	_ =	shalt  }
0x67: {  	_ =	shalt  }
0x68: {  	_ =	shalt  }
0x69: {  	_ =	shalt  }
0x6a: {  	_ =	shalt  }
0x6b: {  	_ =	shalt  }
0x6c: {  	_ =	shalt  }
0x6d: {  	_ =	shalt  }
0x6e: {  	_ =	shalt  }
0x6f: {  	_ =	shalt  }
0x70: {  	_ =	shalt  }
0x71: {  	_ =	shalt  }
0x72: {  	_ =	shalt  }
0x73: {  	_ =	shalt  }
0x74: {  	_ =	shalt  }
0x75: {  	_ =	shalt  }
0x76: {  	_ =	shalt  }
0x77: {  	_ =	shalt  }
0x78: {  	_ =	shalt  }
0x79: {  	_ =	shalt  }
0x7a: {  	_ =	shalt  }
0x7b: {  	_ =	shalt  }
0x7c: {  	_ =	shalt  }
0x7d: {  	_ =	shalt  }
0x7e: {  	_ =	shalt  }
0x7f: {  	_ =	shalt  }
0x80: {  	_ =	shalt  }
0x81: {  	_ =	shalt  }
0x82: {  	_ =	shalt  }
0x83: {  	_ =	shalt  }
0x84: {  	_ =	shalt  }
0x85: {  	_ =	shalt  }
0x86: {  	_ =	shalt  }
0x87: {  	_ =	shalt  }
.Lfunc_end0:
.L_simem_size_0:
called_computation.1_lowered:
.L_overlay_start_0:
0x88: {  	s2 =	sld [smem:$0x3FD9]  }
0x89: {  	s3 =	sld [smem:$0x3FFE];
	_ =	sdelay $0x1  }
0x8a: {  	s1 =	srdreg.scid  }
0x8b: {  	s0 =	sand.u32 $0x1, s1  }
0x8c: {  	s17 =	sshll.u32 s0, $0xA;
	s2 =	sadd.s32 s3, s2  }
0x8d: {  	s2 =	sadd.s32 s2, s17  }
0x8e: {  	[smem:$0x3FBE] =	sst s2  }
0x8f: {  	_ = 	snop  }
0x90: {  	s2 =	sld [smem:$0x3FC8];
	(tm) =	ssettm $0x1  }
0x91: {  	s18 =	sld [smem:$0x3FFB];
	_ =	sdelay $0x3  }
0x92: {  	_ =	strace s18  }
0x93: {  	s3 =	sld [smem:$0x3FFC];
	_ =	sdelay $0x3  }
0x94: {  	_ =	strace s3  }
0x95: {  	s3 =	sld [smem:$0x3FFD];
	_ =	sdelay $0x3  }
0x96: {  	_ =	strace s3  }
0x97: {  	_ =	strace $0x8FFFFFFF  }
0x98: {  	s19 =	sld [smem:$0x3FDB];
	_ =	sdelay $0x1  }
0x99: {  	s4 =	simm.s32 $_scs_section_size  }
0x9a: {  	s5 =	simm.s32 $_size__tile_overlayer_lowered;
	s6 =	simm.s32 $_tile_overlayer_lowered  }
0x9b: {  	s22 =	simm.s32 $0x1BFF;
	s21 =	sshll.u32 s6, $0x1;
	s3 =	sadd.s32 s4, s19  }
0x9c: {  	s7 =	simm.s32 $0x0;
	s20 =	sshll.u32 s5, $0x1;
	s5 =	sadd.s32 s21, s3  }
0x9d: {  	[timem:s7], [sflag:s22] =	dma.local [hbm:s5], s20  }
0x9e: {  	_ =	swait.ge [sflag:s22], s20  }
0x9f: {  	s4 =	ssub.s32 $0x0, s20;
	[sflag:s22] =	ssyncset.done $0x0  }
0xa0: {  	[sflag:s22] =	ssyncadd.s32 s4;
	_ =	sdelay $0x1  }
0xa1: {  	s23 =	simm.s32 $0x1B8B  }
0xa2: {  	_ =	swait.ge [sflag:s23], $0x1  }
0xa3: {  	[sflag:s23] =	ssyncset.done $0x0  }
0xa4: {  	s25 =	simm.s32 $0x1B8E;
	s24 =	sld [smem:$0x3FFE];
	[sflag:s23] =	ssyncadd.s32 $0xFFFFFFFF  }
0xa5: {  	s26 =	simm.s32 $execute0_lowered;
	[smem:$0x3FD2] =	sst s25  }
0xa6: {  	s5 =	sshll.u32 s26, $0x1;
	_ =	strace $0x80000049;
	[dreg:$0x1] =	wrdreg $0xFFFFFFFF  }
0xa7: {  	s28 =	simm.s32 $_size_execute0_lowered;
	s3 =	sadd.s32 s3, s5;
	[dreg:$0x0] =	wrdreg $0x0  }
0xa8: {  	s5 =	sshll.u32 s28, $0x1;
	[dreg:$0x2] =	wrdreg s3  }
0xa9: {  	[dreg:$0x3] =	wrdreg s5  }
0xaa: {  	[dreg:$0x4] =	wrdreg $0xC0  }
0xab: {  	_ =	task [dreg:s7], $0x5FFFF  }
0xac: {  	[dreg:$0x1] =	wrdreg $0xFFFFFFFF  }
0xad: {  	[dreg:$0x0] =	wrdreg $0x60  }
0xae: {  	[dreg:$0x2] =	wrdreg s24  }
0xaf: {  	[dreg:$0x3] =	wrdreg s2  }
0xb0: {  	[dreg:$0x4] =	wrdreg $0xC6000  }
0xb1: {  	[dreg:$0x5] =	wrdreg $0x9  }
0xb2: {  	_ =	task.clear_ibuf [dreg:s7], $0x6FFFF;
	_ =	strace $0x90000049  }
0xb3: {  	s29 =	simm.s32 $0x9;
	_ =	strace $0x8000004B  }
0xb4: {  	_ =	swait.ge [sflag:s29], $0x1  }
0xb5: {  	[sflag:s29] =	ssyncadd.s32 $0xFFFFFFFF  }
0xb6: {  	_ =	strace $0x9000004B  }
0xb7: {  	_ =	sfence  }
0xb8: {  	s30 =	sld [smem:$0x0];
	_ =	sdelay $0x2  }
0xb9: {  	s31 =	sshll.u32 s1, $0xD;
	s1 =	sshrl.u32 s1, $0x2  }
0xba: {  	s3 =	sand.u32 $0x4000, s31;
	s1 =	sadd.s32 s1, s30  }
0xbb: {  	s0 =	sor.u32 s3, s0;
	s1 =	sshll.u32 s1, $0x11  }
0xbc: {  	s0 =	sor.u32 s1, s0  }
0xbd: {  	s0 =	sadd.s32 $0x8F2B, s0  }
0xbe: {  	[sflag:s0] =	ssyncadd.remote.s32 $0x1  }
0xbf: {  	_ =	sfence.sel $0xFFFF  }
0xc0: {  	[dreg:$0x0] =	wrdreg $0xFFFFFFFF;
	(pc) =	sbr.abs _section_cstart, $3  }
0xc1: {  	[dreg:$0x1] =	wrdreg $0xFFFFFFFF  }
0xc2: {  	_ =	task.clear_ibuf [dreg:s7], $0x2FFFF;
	_ =	strace $0x9FFFFFFF  }
0xc3: {  	(tm) =	ssettm $0x7FFFFFFF  }
tec
execute0_lowered:
.L_overlay_start_1:
0x0: {  	(tag) =	ssettag $0x1  }
0x1: {  	s7 =	rddreg [dreg:$0x0]  }
0x2: {  	s0 =	srdreg.scid;
	s8 =	rddreg [dreg:$0x1]  }
0x3: {  	s26 =	stileid.u32;
	s2 =	rddreg [dreg:$0x2];
	s3 =	simm.s32 $0x0  }
0x4: {  	s0 =	sand.u32 $0x1, s0;
	[smem:$0x7FF] =	sst s3;
	s9 =	sadd.s32 $0x7AE00, s7  }
0x5: {  	s10 =	sadd.s32 $0xA2000, s7;
	s14 =	sor.u32 $0x40, s26;
	s15 =	sshll.u32 s26, $0xB  }
0x6: {  	s18 =	smul.u32 $0x9C4, s26;
	s1 =	sshll.u32 s0, $0x4;
	s11 =	ssub.s32 $0x2, s0  }
0x7: {  	p0 =	seq.s32 s0, $0x1;
	s0 =	smul.u32 $0x9C40, s0;
	s1 =	sor.u32 s26, s1  }
0x8: {  	_ =	strace $0x8000004A;
	s16 =	sadd.s32 s9, s15;
	s1 =	smul.u32 $0x9C4, s1  }
0x9: {  	s20 =	sshll.u32 s14, $0xB;
	p2 =	slt.u32 s14, $0x4E;
	s12 =	sshrl.u32 s11, $0x1  }
0xa: {  	s11 =	ssub.s32 s11, s12;
	s12 =	sor.u32 $0x20, s26;
	s4 =	sadd.s32 $0x9C4, s1  }
0xb: {  	s30 =	sshll.u32 s12, $0xB;
	s5 =	sshrl.u32 s1, $0x5;
	s4 =	sshrl.u32 s4, $0x5  }
0xc: {  	[dreg:$0xb] =	wrdreg s16;
	s19 =	sadd.s32 s9, s30;
	s4 =	ssub.s32 s4, s5  }
0xd: {  	s0 =	sadd.s32 s18, s0;
	[dreg:$0xd] =	wrdreg s19;
	s6 =	sadd.s32 $0x2, s4  }
0xe: {  	s0 =	sand.u32 $0x1FFE0, s0;
	s21 =	sadd.s32 $0xFFFFFFFF, s4;
	[dreg:$0x4] =	wrdreg s6  }
0xf: {  	s1 =	sand.u32 $0x1FFE0, s1;
	s22 =	sadd.s32 $0xFFFFFFFE, s4;
	[dreg:$0x5] =	wrdreg s21  }
0x10: {  	s18 =	sadd.s32 s0, s8;
	s23 =	sadd.s32 $0xFFFFFFFD, s4;
	[dreg:$0x6] =	wrdreg s22  }
0x11: {  	s5 =	sadd.s32 $0x53C00, s7;
	s24 =	sadd.s32 $0xFFFFFFFC, s4;
	[dreg:$0x7] =	wrdreg s23  }
0x12: {  	s25 =	sadd.s32 $0xFFFFFFFB, s4;
	s13 =	sadd.s32 $0xFFFFFFFA, s4;
	[dreg:$0x8] =	wrdreg s24  }
0x13: {  	p3 =	slt.u32 s4, $0x3;
	p4 =	slt.s32 s4, $0x1;
	[dreg:$0x9] =	wrdreg s25  }
0x14: {  	s6 =	sadd.s32 s8, s1;
	[dreg:$0xa] =	wrdreg s13;
	s1 =	simm.s32 @!p0 $0x0  }
0x15: {  	s13 =	sor.u32 $0x30, s26;
	s22 =	sadd.s32 s10, s15;
	s24 =	sadd.s32 s10, s30  }
0x16: {  	s30 =	sadd.s32 $0xA1E00, s7;
	s7 =	sadd.s32 $0xC9000, s7;
	[dreg:$0x10] =	wrdreg s22  }
0x17: {  	s8 =	smax.u32 s11, $0x1;
	p5 =	seq.s32 @!p3 s4, $0x3;
	[dreg:$0x12] =	wrdreg s24  }
0x18: {  	p1 =	seq.s32 @!p4 s4, $0x1;
	s0 =	simm.s32 @!p3 $0x0;
	[dreg:$0x15] =	wrdreg s30  }
0x19: {  	s1 =	simm.s32 @p0 $0x1;
	s31 =	sshll.u32 s13, $0xB;
	[dreg:$0x16] =	wrdreg s7  }
0x1a: {  	[dreg:$0x17] =	wrdreg s8;
	s11 =	sshll.u32 s13, $0xE;
	p0 =	sne.s32 @!p2 s26, $0xE  }
0x1b: {  	s0 =	simm.s32 @p3 $0x1;
	p3 =	por p5, p3;
	[smem:$0x7F3] =	sst s1  }
0x1c: {  	s28 =	sadd.s32 $0x10, s6;
	s13 =	sadd.s32 $0x20, s6;
	[smem:$0x7F4] =	sst s0  }
0x1d: {  	s15 =	sadd.s32 $0x40, s6;
	s16 =	sadd.s32 $0x50, s6;
	[dreg:$0x18] =	wrdreg s13  }
0x1e: {  	s19 =	sadd.s32 $0x70, s6;
	s30 =	sadd.s32 $0xA0, s6;
	[dreg:$0x1a] =	wrdreg s15  }
0x1f: {  	s1 =	sor.u32 $0x10, s26;
	s21 =	sadd.s32 s9, s31;
	[dreg:$0x1b] =	wrdreg s16  }
0x20: {  	s25 =	sadd.s32 s10, s31;
	s31 =	sshll.u32 s26, $0xE;
	[dreg:$0x1d] =	wrdreg s19  }
0x21: {  	s24 =	sadd.s32 s11, s2;
	s0 =	simm.s32 @!p5 $0x0;
	[smem:$0x7FA] =	sst s30  }
0x22: {  	s26 =	sadd.s32 $0x138000, s2;
	s13 =	simm.s32 $0xE;
	[dreg:$0xe] =	wrdreg s21  }
0x23: {  	s16 =	simm.s32 $0x0;
	s29 =	sshll.u32 s1, $0xB;
	[dreg:$0x13] =	wrdreg s25  }
0x24: {  	s21 =	sadd.s32 s31, s2;
	s0 =	simm.s32 @p5 $0x1;
	p5 =	por p0, p2  }
0x25: {  	p0 =	por p4, p1;
	s31 =	sadd.s32 $0xB0, s6;
	[smem:$0x7F5] =	sst s0  }
0x26: {  	s17 =	sadd.s32 s9, s29;
	s9 =	sadd.s32 s9, s20;
	[smem:$0x7FB] =	sst s31  }
0x27: {  	s23 =	sadd.s32 s10, s29;
	s29 =	sadd.s32 s10, s20;
	[dreg:$0xc] =	wrdreg s17  }
0x28: {  	s10 =	sshll.u32 s12, $0xE;
	s0 =	simm.s32 @!p4 $0x0;
	[dreg:$0xf] =	wrdreg s9  }
0x29: {  	s12 =	sshll.u32 s14, $0xE;
	[dreg:$0x11] =	wrdreg s23;
	s0 =	simm.s32 @p4 $0x1  }
0x2a: {  	s14 =	sadd.s32 $0x30, s6;
	[smem:$0x7F6] =	sst s0;
	s0 =	simm.s32 @!p0 $0x0  }
0x2b: {  	s20 =	sadd.s32 $0x80, s6;
	[dreg:$0x14] =	wrdreg s29;
	s0 =	simm.s32 @p0 $0x1  }
0x2c: {  	s9 =	sshll.u32 s1, $0xE;
	[smem:$0x7F7] =	sst s0;
	s0 =	simm.s32 @!p3 $0x0  }
0x2d: {  	[dreg:$0x19] =	wrdreg s14;
	p0 =	slt.u32 @!p3 s4, $0x5;
	s0 =	simm.s32 @p3 $0x1  }
0x2e: {  	s23 =	sadd.s32 s10, s2;
	[smem:$0x7F8] =	sst s0;
	s0 =	simm.s32 @!p0 $0x0  }
0x2f: {  	s17 =	sadd.s32 $0x60, s6;
	[dreg:$0x1e] =	wrdreg s20;
	s0 =	simm.s32 @p0 $0x1  }
.Ltmp0:
0x30: {  	[smem:$0x7F9] =	sst s0;
	s0 =	simm.s32 @!p2 $0x0;
	(pc) =	sbr.rel .LBB2_1-.Ltmp0, $4  }
0x31: {  	s25 =	sadd.s32 s12, s2;
	[dreg:$0x1c] =	wrdreg s17;
	s0 =	simm.s32 @p2 $0x1  }
0x32: {  	s29 =	sadd.s32 $0x90, s6;
	[smem:$0x7FC] =	sst s0;
	s0 =	simm.s32 @!p5 $0x0  }
0x33: {  	s12 =	simm.s32 $0x600;
	[dreg:$0x1f] =	wrdreg s29;
	s0 =	simm.s32 @p5 $0x1  }
0x34: {  	v0 =	vimm.f32 $0.0e+00;
	s14 =	simm.s32 $0x1;
	s22 =	sadd.s32 s9, s2;
	[smem:$0x7FD] =	sst s0  }
.LBB2_9:
0x35: {  	[tilespmem:s12], [sflag:$0xE] =	stream.linear.gather [spmem:s21], $0x4000, $0x38;
	[tilespmem:$0x1FE80] =	vst v63  }
0x36: {  	_ =	swait.ge [sflag:s13], $0x4000  }
0x37: {  	[sflag:s13] =	ssyncset.done $0x0  }
0x38: {  	s0 =	rddreg [dreg:$0x10];
	[sflag:s13] =	ssyncadd.s32 $0xFFFFC000  }
0x39: {  	[hbm4b:s0+s3] =	stream.linear.scatter [tilespmem:s12], [sflag:$0xE], $0x4000, $0x38;
	[tilespmem:$0x1FE80] =	vst v63  }
0x3a: {  	_ =	swait.ge [sflag:s13], $0x4000  }
0x3b: {  	[sflag:s13] =	ssyncset.done $0x0  }
0x3c: {  	[sflag:s13] =	ssyncadd.s32 $0xFFFFC000  }
0x3d: {  	[tilespmem:s12], [sflag:$0xE] =	stream.linear.gather [spmem:s22], $0x4000, $0x38;
	[tilespmem:$0x1FE80] =	vst v63  }
0x3e: {  	_ =	swait.ge [sflag:s13], $0x4000  }
0x3f: {  	[sflag:s13] =	ssyncset.done $0x0  }
0x40: {  	s20 =	rddreg [dreg:$0x11];
	[sflag:s13] =	ssyncadd.s32 $0xFFFFC000  }
0x41: {  	[hbm4b:s20+s3] =	stream.linear.scatter [tilespmem:s12], [sflag:$0xE], $0x4000, $0x38;
	[tilespmem:$0x1FE80] =	vst v63  }
0x42: {  	_ =	swait.ge [sflag:s13], $0x4000  }
0x43: {  	[sflag:s13] =	ssyncset.done $0x0  }
0x44: {  	[sflag:s13] =	ssyncadd.s32 $0xFFFFC000  }
0x45: {  	[tilespmem:s12], [sflag:$0xE] =	stream.linear.gather [spmem:s23], $0x4000, $0x38;
	[tilespmem:$0x1FE80] =	vst v63  }
0x46: {  	_ =	swait.ge [sflag:s13], $0x4000  }
0x47: {  	[sflag:s13] =	ssyncset.done $0x0  }
0x48: {  	s29 =	rddreg [dreg:$0x12];
	[sflag:s13] =	ssyncadd.s32 $0xFFFFC000  }
0x49: {  	[hbm4b:s29+s3] =	stream.linear.scatter [tilespmem:s12], [sflag:$0xE], $0x4000, $0x38;
	[tilespmem:$0x1FE80] =	vst v63  }
0x4a: {  	_ =	swait.ge [sflag:s13], $0x4000  }
0x4b: {  	[sflag:s13] =	ssyncset.done $0x0  }
0x4c: {  	[sflag:s13] =	ssyncadd.s32 $0xFFFFC000  }
0x4d: {  	[tilespmem:s12], [sflag:$0xE] =	stream.linear.gather [spmem:s24], $0x4000, $0x38;
	[tilespmem:$0x1FE80] =	vst v63  }
0x4e: {  	_ =	swait.ge [sflag:s13], $0x4000  }
0x4f: {  	[sflag:s13] =	ssyncset.done $0x0  }
0x50: {  	s30 =	rddreg [dreg:$0x13];
	[sflag:s13] =	ssyncadd.s32 $0xFFFFC000  }
0x51: {  	[hbm4b:s30+s3] =	stream.linear.scatter [tilespmem:s12], [sflag:$0xE], $0x4000, $0x38;
	[tilespmem:$0x1FE80] =	vst v63  }
0x52: {  	_ =	swait.ge [sflag:s13], $0x4000  }
0x53: {  	[sflag:s13] =	ssyncset.done $0x0  }
0x54: {  	s1 =	simm.s32 @p2 $0xE;
	s0 =	simm.s32 @p2 $0x600;
	[sflag:s13] =	ssyncadd.s32 $0xFFFFC000  }
0x55: {  	[tilespmem:s0], [sflag:$0xE] =	stream.linear.gather @p2 [spmem:s25], $0x4000, $0x38;
	[tilespmem:$0x1FE80] =	vst v63  }
0x56: {  	_ =	swait.ge @p2 [sflag:s1], $0x4000  }
0x57: {  	[sflag:s1] =	ssyncset.done @p2 $0x0  }
0x58: {  	s7 =	simm.s32 @p2 $0x0;
	s8 =	rddreg [dreg:$0x14];
	[sflag:s1] =	ssyncadd.s32 @p2 $0xFFFFC000  }
0x59: {  	[hbm4b:s8+s7] =	stream.linear.scatter @p2 [tilespmem:s0], [sflag:$0xE], $0x4000, $0x38;
	[tilespmem:$0x1FE80] =	vst v63  }
0x5a: {  	_ =	swait.ge @p2 [sflag:s1], $0x4000  }
0x5b: {  	s31 =	sld [smem:$0x7FD];
	_ =	sdelay $0x2  }
0x5c: {  	[sflag:s1] =	ssyncset.done @p2 $0x0;
	p5 =	seq.s32 s31, $0x1  }
0x5d: {  	[sflag:s1] =	ssyncadd.s32 @p2 $0xFFFFC000;
	s0 =	simm.s32 @!p5 $0x4600;
	s1 =	simm.s32 @!p5 $0xE  }
0x5e: {  	[tilespmem:s0], [sflag:$0xE] =	stream.linear.gather @!p5 [spmem:s26], $0x800, $0x38;
	[tilespmem:$0x1FE80] =	vst v63  }
0x5f: {  	_ =	swait.ge @!p5 [sflag:s1], $0x800  }
0x60: {  	[sflag:s1] =	ssyncset.done @!p5 $0x0  }
0x61: {  	s7 =	rddreg [dreg:$0x16];
	[sflag:s1] =	ssyncadd.s32 @!p5 $0xFFFFF800;
	s1 =	simm.s32 @!p5 $0x0  }
0x62: {  	[hbm4b:s7+s1] =	stream.linear.scatter @!p5 [tilespmem:s0], [sflag:$0xD], $0x800, $0x38;
	[tilespmem:$0x1FE80] =	vst v63  }
0x63: {  	s0 =	simm.s32 @!p5 $0xD  }
0x64: {  	_ =	swait.ge @!p5 [sflag:s0], $0x800  }
0x65: {  	[sflag:s0] =	ssyncset.done @!p5 $0x0  }
0x66: {  	[sflag:s0] =	ssyncadd.s32 @!p5 $0xFFFFF800  }
.LBB2_10:
0x67: {  	s16 =	sadd.s32 $0x1, s16;
	s0 =	rddreg [dreg:$0x17]  }
0x68: {  	p0 =	sne.s32 s16, s0  }
.Ltmp1:
0x69: {  	_ = 	snop;
	(pc) =	sbr.rel @!p0 .LBB2_11-.Ltmp1, $1  }
0x6a: {  	_ =	sdelay $0x3  }
.LBB2_1:
0x6b: {  	s0 =	simm.s32 $0x0;
	s1 =	simm.s32 $0x200  }
.LBB2_2:
0x6c: {  	p0 =	sne.s32 s1, $0xFE00;
	[tilespmem:s0+$0x670] =	vst v0  }
0x6d: {  	[tilespmem:s0+$0x600] =	vst v0  }
0x6e: {  	[tilespmem:s0+$0x610] =	vst v0  }
.Ltmp2:
0x6f: {  	[tilespmem:s0+$0x620] =	vst v0;
	(pc) =	sbr.rel @p0 .LBB2_2-.Ltmp2, $4  }
0x70: {  	[tilespmem:s0+$0x630] =	vst v0  }
0x71: {  	[tilespmem:s0+$0x640] =	vst v0  }
0x72: {  	[tilespmem:s0+$0x650] =	vst v0  }
0x73: {  	[tilespmem:s0+$0x660] =	vst v0;
	s0 =	sshra.s32 s1, $0x2;
	s1 =	sadd.s32 $0x200, s1  }
0x74: {  	[tilespmem:s0+$0x670] =	vst v0  }
0x75: {  	[tilespmem:s0+$0x600] =	vst v0  }
0x76: {  	[tilespmem:s0+$0x610] =	vst v0  }
0x77: {  	[tilespmem:s0+$0x620] =	vst v0  }
0x78: {  	[tilespmem:s0+$0x630] =	vst v0  }
0x79: {  	[tilespmem:s0+$0x640] =	vst v0  }
0x7a: {  	[tilespmem:s0+$0x650] =	vst v0  }
0x7b: {  	[tilespmem:s0+$0x660] =	vst v0  }
0x7c: {  	[spmem:s21] =	stream.linear.scatter [tilespmem:s12], [sflag:$0xE], $0x4000, $0x38;
	[tilespmem:$0x1FE80] =	vst v63  }
0x7d: {  	_ =	swait.ge [sflag:s13], $0x4000  }
0x7e: {  	[sflag:s13] =	ssyncset.done $0x0  }
0x7f: {  	[sflag:s13] =	ssyncadd.s32 $0xFFFFC000  }
0x80: {  	[spmem:s22] =	stream.linear.scatter [tilespmem:s12], [sflag:$0xE], $0x4000, $0x38;
	[tilespmem:$0x1FE80] =	vst v63  }
0x81: {  	_ =	swait.ge [sflag:s13], $0x4000  }
0x82: {  	[sflag:s13] =	ssyncset.done $0x0  }
0x83: {  	[sflag:s13] =	ssyncadd.s32 $0xFFFFC000  }
0x84: {  	[spmem:s23] =	stream.linear.scatter [tilespmem:s12], [sflag:$0xE], $0x4000, $0x38;
	[tilespmem:$0x1FE80] =	vst v63  }
0x85: {  	_ =	swait.ge [sflag:s13], $0x4000  }
0x86: {  	[sflag:s13] =	ssyncset.done $0x0  }
0x87: {  	[sflag:s13] =	ssyncadd.s32 $0xFFFFC000  }
0x88: {  	[spmem:s24] =	stream.linear.scatter [tilespmem:s12], [sflag:$0xE], $0x4000, $0x38;
	[tilespmem:$0x1FE80] =	vst v63  }
0x89: {  	_ =	swait.ge [sflag:s13], $0x4000  }
0x8a: {  	[sflag:s13] =	ssyncset.done $0x0  }
0x8b: {  	s0 =	simm.s32 @p2 $0x600;
	[sflag:s13] =	ssyncadd.s32 $0xFFFFC000  }
0x8c: {  	[spmem:s25] =	stream.linear.scatter @p2 [tilespmem:s0], [sflag:$0xE], $0x4000, $0x38;
	[tilespmem:$0x1FE80] =	vst v63  }
0x8d: {  	s0 =	simm.s32 @p2 $0xE  }
0x8e: {  	_ =	swait.ge @p2 [sflag:s0], $0x4000  }
0x8f: {  	[sflag:s0] =	ssyncset.done @p2 $0x0  }
0x90: {  	[sflag:s0] =	ssyncadd.s32 @p2 $0xFFFFC000;
	s0 =	simm.s32 @!p5 $0x600  }
0x91: {  	[spmem:s26] =	stream.linear.scatter @!p5 [tilespmem:s0], [sflag:$0xD], $0x800, $0x38;
	[tilespmem:$0x1FE80] =	vst v63  }
0x92: {  	s0 =	simm.s32 @!p5 $0xD  }
0x93: {  	_ =	swait.ge @!p5 [sflag:s0], $0x800  }
0x94: {  	s30 =	sld [smem:$0x7F6];
	_ =	sdelay $0x2  }
0x95: {  	[sflag:s0] =	ssyncset.done @!p5 $0x0;
	p0 =	seq.s32 s30, $0x1  }
0x96: {  	s31 =	sld [smem:$0x7F7];
	[sflag:s0] =	ssyncadd.s32 @!p5 $0xFFFFF800;
	s0 =	simm.s32 @!p0 $0x0  }
0x97: {  	[tilespmem:s0], [sflag:$0x1] =	stream.linear.gather @!p0 [hbm4b:s6+s0], $0x80, $0x38;
	[tilespmem:$0x1FE80] =	vst v63  }
0x98: {  	s1 =	simm.s32 @!p0 $0x300  }
0x99: {  	[tilespmem:s1], [sflag:$0x1] =	stream.linear.gather @!p0 [hbm4b:s28+s0], $0x80, $0x38;
	[tilespmem:$0x1FE80] =	vst v63  }
0x9a: {  	p0 =	seq.s32 s31, $0x1  }
.Ltmp3:
0x9b: {  	_ = 	snop;
	(pc) =	sbr.rel @p0 .LBB2_5-.Ltmp3, $1  }
0x9c: {  	_ =	sdelay $0x3  }
0x9d: {  	s0 =	rddreg [dreg:$0x18]  }
0x9e: {  	s17 =	rddreg [dreg:$0x19]  }
0x9f: {  	s20 =	sld [smem:$0x7F4]  }
0xa0: {  	s7 =	rddreg [dreg:$0x1a]  }
0xa1: {  	s29 =	sld [smem:$0x7F8]  }
0xa2: {  	s1 =	simm.s32 $0x80;
	s30 =	sld [smem:$0x7F5]  }
0xa3: {  	[tilespmem:s1], [sflag:$0x2] =	stream.linear.gather [hbm4b:s0+s3], $0x80, $0x38;
	[tilespmem:$0x1FE80] =	vst v63  }
0xa4: {  	s19 =	simm.s32 $0x380;
	s31 =	sld [smem:$0x7F9]  }
0xa5: {  	[tilespmem:s19], [sflag:$0x2] =	stream.linear.gather [hbm4b:s17+s3], $0x80, $0x38;
	[tilespmem:$0x1FE80] =	vst v63  }
0xa6: {  	p2 =	seq.s32 s20, $0x1;
	p4 =	seq.s32 s29, $0x1;
	p3 =	seq.s32 s30, $0x1  }
0xa7: {  	p5 =	seq.s32 s31, $0x1;
	s0 =	simm.s32 @!p2 $0x0;
	s1 =	simm.s32 @!p2 $0x100  }
0xa8: {  	[tilespmem:s1], [sflag:$0x3] =	stream.linear.gather @!p2 [hbm4b:s7+s0], $0x80, $0x38;
	[tilespmem:$0x1FE80] =	vst v63  }
0xa9: {  	p0 =	por @!p2 p5, p3;
	s1 =	simm.s32 @!p2 $0x400;
	s7 =	rddreg [dreg:$0x1b]  }
0xaa: {  	[tilespmem:s1], [sflag:$0x3] =	stream.linear.gather @!p2 [hbm4b:s7+s0], $0x80, $0x38;
	[tilespmem:$0x1FE80] =	vst v63  }
0xab: {  	s0 =	simm.s32 @!p4 $0x0;
	s1 =	simm.s32 @!p4 $0x180;
	s7 =	rddreg [dreg:$0x1c]  }
0xac: {  	[tilespmem:s1], [sflag:$0x4] =	stream.linear.gather @!p4 [hbm4b:s7+s0], $0x80, $0x38;
	[tilespmem:$0x1FE80] =	vst v63  }
0xad: {  	p0 =	por p0, p2;
	s1 =	simm.s32 @!p4 $0x480;
	s7 =	rddreg [dreg:$0x1d]  }
0xae: {  	[tilespmem:s1], [sflag:$0x4] =	stream.linear.gather @!p4 [hbm4b:s7+s0], $0x80, $0x38;
	[tilespmem:$0x1FE80] =	vst v63  }
0xaf: {  	s0 =	simm.s32 @!p0 $0x0;
	s1 =	simm.s32 @!p0 $0x200;
	s7 =	rddreg [dreg:$0x1e]  }
0xb0: {  	[tilespmem:s1], [sflag:$0x5] =	stream.linear.gather @!p0 [hbm4b:s7+s0], $0x80, $0x38;
	[tilespmem:$0x1FE80] =	vst v63  }
0xb1: {  	p1 =	seq.s32 @!p0 s4, $0x5;
	s1 =	simm.s32 @!p0 $0x500;
	s7 =	rddreg [dreg:$0x1f]  }
0xb2: {  	[tilespmem:s1], [sflag:$0x5] =	stream.linear.gather @!p0 [hbm4b:s7+s0], $0x80, $0x38;
	[tilespmem:$0x1FE80] =	vst v63  }
0xb3: {  	p0 =	por @!p4 p1, p5  }
0xb4: {  	s7 =	sld [smem:$0x7FA];
	p0 =	por @!p2 p0, p3  }
0xb5: {  	p0 =	por p0, p2  }
0xb6: {  	s0 =	simm.s32 @!p0 $0x0;
	s1 =	simm.s32 @!p0 $0x280  }
0xb7: {  	[tilespmem:s1], [sflag:$0x6] =	stream.linear.gather @!p0 [hbm4b:s7+s0], $0x80, $0x38;
	[tilespmem:$0x1FE80] =	vst v63  }
0xb8: {  	s7 =	sld [smem:$0x7FB];
	_ =	sdelay $0x1  }
0xb9: {  	s1 =	simm.s32 @!p0 $0x580  }
0xba: {  	[tilespmem:s1], [sflag:$0x6] =	stream.linear.gather @!p0 [hbm4b:s7+s0], $0x80, $0x38;
	[tilespmem:$0x1FE80] =	vst v63  }
.LBB2_5:
0xbb: {  	[bflag:$0x0] =	sbarrier.arrive $0xFFFF  }
0xbc: {  	_ =	swait.ge [sflag:s14], $0x80  }
0xbd: {  	[sflag:s14] =	ssyncset.done $0x0  }
0xbe: {  	[sflag:s14] =	ssyncadd.s32 $0xFFFFFF80  }
0xbf: {  	p0 =	por $0x0, $0x0;
	p1 =	sge.s32 s4, $0x0;
	_ =	swait.ge [sflag:s14], $0x80  }
0xc0: {  	s0 =	simm.s32 $0x0;
	p0 =	por !p0, !p1;
	[sflag:s14] =	ssyncset.done $0x0  }
0xc1: {  	s1 =	simm.s32 $0x80;
	p1 =	por !p0, !p0;
	[sflag:s14] =	ssyncadd.s32 $0xFFFFFF80  }
0xc2: {  	[tilespmem:s12], [sflag:$0x7] =	stream.indirect.gather [hbm4b:s5+s1], $0x80, s0, s1, $0xb8;
	[tilespmem:$0x1FE80] =	vst v63  }
0xc3: {  	s0 =	simm.s32 @p1 $0x9  }
0xc4: {  	p2 =	por $0x1, $0x1;
	p0 =	sle.u32 @p1 s4, $0x5;
	_ =	swait.ge @p1 [sflag:s0], $0x4000  }
0xc5: {  	s7 =	simm.s32 @p1 $0x80;
	s17 =	simm.s32 @p1 $0x580;
	[sflag:s0] =	ssyncset.done @p1 $0x0  }
0xc6: {  	p0 =	por p0, !p1;
	s1 =	simm.s32 @p1 $0x8600;
	[sflag:s0] =	ssyncadd.s32 @p1 $0xFFFFC000  }
0xc7: {  	[spmem:s2] =	stream.indirect.scatter.add.f32 @p1 [tilespmem:s1], [sflag:$0xC], $0x80, s17, s7, $0xb8;
	[tilespmem:$0x1FE80] =	vst v63  }
0xc8: {  	s0 =	rddreg [dreg:$0x4];
	s1 =	sadd.s32 @!p0 $0x0, s18;
	s7 =	simm.s32 @!p0 $0x0  }
0xc9: {  	s17 =	simm.s32 @!p0 $0x280;
	p3 =	sle.s32 @!p2 s0, $0x0;
	s19 =	sadd.s32 @!p0 $0xA0, s1  }
0xca: {  	[tilespmem:s17], [sflag:$0x6] =	stream.linear.gather @!p0 [hbm4b:s19+s7], $0x80, $0x38;
	[tilespmem:$0x1FE80] =	vst v63  }
0xcb: {  	s0 =	sadd.s32 @!p0 $0xB0, s1;
	s1 =	simm.s32 @!p0 $0x580;
	p2 =	por p3, p2  }
0xcc: {  	[tilespmem:s1], [sflag:$0x6] =	stream.linear.gather @!p0 [hbm4b:s0+s7], $0x80, $0x38;
	[tilespmem:$0x1FE80] =	vst v63  }
0xcd: {  	s0 =	simm.s32 @!p2 $0xB  }
0xce: {  	_ =	swait.ge @!p2 [sflag:s0], $0x4000  }
0xcf: {  	s10 =	rddreg [dreg:$0x5]  }
0xd0: {  	[sflag:s0] =	ssyncset.done @!p2 $0x0;
	p0 =	sle.s32 s10, $0x0  }
0xd1: {  	[sflag:s0] =	ssyncadd.s32 @!p2 $0xFFFFC000;
	s0 =	simm.s32 @!p0 $0x2  }
0xd2: {  	_ =	swait.ge @!p0 [sflag:s0], $0x80  }
0xd3: {  	[sflag:s0] =	ssyncset.done @!p0 $0x0  }
0xd4: {  	[sflag:s0] =	ssyncadd.s32 @!p0 $0xFFFFFF80  }
0xd5: {  	_ =	swait.ge @!p0 [sflag:s0], $0x80  }
0xd6: {  	p2 =	sle.s32 s4, $0x0;
	s1 =	simm.s32 @!p0 $0x4600;
	[sflag:s0] =	ssyncset.done @!p0 $0x0  }
0xd7: {  	s7 =	simm.s32 @!p0 $0x80;
	[sflag:s0] =	ssyncadd.s32 @!p0 $0xFFFFFF80;
	s0 =	simm.s32 @!p2 $0x7  }
0xd8: {  	[tilespmem:s1], [sflag:$0x8] =	stream.indirect.gather @!p0 [hbm4b:s5+s7], $0x80, s7, s7, $0xb8;
	[tilespmem:$0x1FE80] =	vst v63  }
0xd9: {  	s17 =	simm.s32 @!p2 $0x600;
	p3 =	sle.s32 @!p2 s4, $0x6;
	_ =	swait.ge @!p2 [sflag:s0], $0x4000  }
0xda: {  	s19 =	simm.s32 @!p2 $0x300;
	p3 =	por p3, p2;
	[sflag:s0] =	ssyncset.done @!p2 $0x0  }
0xdb: {  	s29 =	simm.s32 @!p2 $0x80;
	[sflag:s0] =	ssyncadd.s32 @!p2 $0xFFFFC000;
	s0 =	sadd.s32 @!p3 $0x0, s18  }
0xdc: {  	[spmem:s2] =	stream.indirect.scatter.add.f32 @!p2 [tilespmem:s17], [sflag:$0xA], $0x80, s19, s29, $0xb8;
	[tilespmem:$0x1FE80] =	vst v63  }
0xdd: {  	s17 =	simm.s32 @!p3 $0x0;
	s19 =	sadd.s32 @!p3 $0xC0, s0  }
0xde: {  	[tilespmem:s17], [sflag:$0x1] =	stream.linear.gather @!p3 [hbm4b:s19+s17], $0x80, $0x38;
	[tilespmem:$0x1FE80] =	vst v63  }
0xdf: {  	s0 =	sadd.s32 @!p3 $0xD0, s0;
	s29 =	simm.s32 @p1 $0xC;
	s19 =	simm.s32 @!p3 $0x300  }
0xe0: {  	[tilespmem:s19], [sflag:$0x1] =	stream.linear.gather @!p3 [hbm4b:s0+s17], $0x80, $0x38;
	[tilespmem:$0x1FE80] =	vst v63  }
0xe1: {  	_ =	swait.ge @p1 [sflag:s29], $0x4000  }
0xe2: {  	s11 =	rddreg [dreg:$0x6]  }
0xe3: {  	[sflag:s29] =	ssyncset.done @p1 $0x0;
	p4 =	sle.s32 s11, $0x0  }
0xe4: {  	[sflag:s29] =	ssyncadd.s32 @p1 $0xFFFFC000;
	s0 =	simm.s32 @!p4 $0x3  }
0xe5: {  	_ =	swait.ge @!p4 [sflag:s0], $0x80  }
0xe6: {  	[sflag:s0] =	ssyncset.done @!p4 $0x0  }
0xe7: {  	[sflag:s0] =	ssyncadd.s32 @!p4 $0xFFFFFF80  }
0xe8: {  	_ =	swait.ge @!p4 [sflag:s0], $0x80  }
0xe9: {  	s17 =	simm.s32 @!p4 $0x8600;
	s19 =	simm.s32 @!p4 $0x80;
	[sflag:s0] =	ssyncset.done @!p4 $0x0  }
0xea: {  	s29 =	simm.s32 @!p4 $0x100;
	[sflag:s0] =	ssyncadd.s32 @!p4 $0xFFFFFF80;
	s0 =	simm.s32 @!p0 $0x8  }
0xeb: {  	[tilespmem:s17], [sflag:$0x9] =	stream.indirect.gather @!p4 [hbm4b:s5+s19], $0x80, s29, s19, $0xb8;
	[tilespmem:$0x1FE80] =	vst v63  }
0xec: {  	p1 =	sle.s32 @!p0 s4, $0x7;
	_ =	swait.ge @!p0 [sflag:s0], $0x4000  }
0xed: {  	p1 =	por p1, p0;
	[sflag:s0] =	ssyncset.done @!p0 $0x0  }
0xee: {  	s29 =	simm.s32 @!p0 $0x380;
	[sflag:s0] =	ssyncadd.s32 @!p0 $0xFFFFC000;
	s0 =	sadd.s32 @!p1 $0x0, s18  }
0xef: {  	[spmem:s2] =	stream.indirect.scatter.add.f32 @!p0 [tilespmem:s1], [sflag:$0xB], $0x80, s29, s7, $0xb8;
	[tilespmem:$0x1FE80] =	vst v63  }
0xf0: {  	s1 =	sadd.s32 @!p1 $0xE0, s0;
	s7 =	simm.s32 @!p1 $0x0;
	s29 =	simm.s32 @!p1 $0x80  }
0xf1: {  	[tilespmem:s29], [sflag:$0x2] =	stream.linear.gather @!p1 [hbm4b:s1+s7], $0x80, $0x38;
	[tilespmem:$0x1FE80] =	vst v63  }
0xf2: {  	s0 =	sadd.s32 @!p1 $0xF0, s0;
	s1 =	simm.s32 @!p1 $0x380;
	s29 =	simm.s32 @!p2 $0xA  }
0xf3: {  	[tilespmem:s1], [sflag:$0x2] =	stream.linear.gather @!p1 [hbm4b:s0+s7], $0x80, $0x38;
	[tilespmem:$0x1FE80] =	vst v63  }
0xf4: {  	_ =	swait.ge @!p2 [sflag:s29], $0x4000  }
0xf5: {  	s15 =	rddreg [dreg:$0x7]  }
0xf6: {  	[sflag:s29] =	ssyncset.done @!p2 $0x0;
	p3 =	sle.s32 s15, $0x0  }
0xf7: {  	[sflag:s29] =	ssyncadd.s32 @!p2 $0xFFFFC000;
	s0 =	simm.s32 @!p3 $0x4  }
0xf8: {  	_ =	swait.ge @!p3 [sflag:s0], $0x80  }
0xf9: {  	[sflag:s0] =	ssyncset.done @!p3 $0x0  }
0xfa: {  	[sflag:s0] =	ssyncadd.s32 @!p3 $0xFFFFFF80  }
0xfb: {  	_ =	swait.ge @!p3 [sflag:s0], $0x80  }
0xfc: {  	s30 =	simm.s32 @!p4 $0x9;
	s1 =	simm.s32 @!p3 $0x180;
	[sflag:s0] =	ssyncset.done @!p3 $0x0  }
0xfd: {  	s7 =	simm.s32 @!p3 $0x600;
	s29 =	simm.s32 @!p3 $0x80;
	[sflag:s0] =	ssyncadd.s32 @!p3 $0xFFFFFF80  }
0xfe: {  	[tilespmem:s7], [sflag:$0x7] =	stream.indirect.gather @!p3 [hbm4b:s5+s29], $0x80, s1, s29, $0xb8;
	[tilespmem:$0x1FE80] =	vst v63  }
0xff: {  	p1 =	sle.s32 @!p4 s4, $0x8;
	_ =	swait.ge @!p4 [sflag:s30], $0x4000  }
0x100: {  	p1 =	por p1, p4;
	[sflag:s30] =	ssyncset.done @!p4 $0x0  }
0x101: {  	s0 =	simm.s32 @!p4 $0x400;
	s1 =	sadd.s32 @!p1 $0x0, s18;
	[sflag:s30] =	ssyncadd.s32 @!p4 $0xFFFFC000  }
0x102: {  	[spmem:s2] =	stream.indirect.scatter.add.f32 @!p4 [tilespmem:s17], [sflag:$0xC], $0x80, s0, s19, $0xb8;
	[tilespmem:$0x1FE80] =	vst v63  }
0x103: {  	s0 =	sadd.s32 @!p1 $0x100, s1;
	s17 =	simm.s32 @!p1 $0x100;
	s19 =	simm.s32 @!p1 $0x0  }
0x104: {  	[tilespmem:s17], [sflag:$0x3] =	stream.linear.gather @!p1 [hbm4b:s0+s19], $0x80, $0x38;
	[tilespmem:$0x1FE80] =	vst v63  }
0x105: {  	s1 =	sadd.s32 @!p1 $0x110, s1;
	s0 =	simm.s32 @!p1 $0x400;
	s17 =	simm.s32 @!p0 $0xB  }
0x106: {  	[tilespmem:s0], [sflag:$0x3] =	stream.linear.gather @!p1 [hbm4b:s1+s19], $0x80, $0x38;
	[tilespmem:$0x1FE80] =	vst v63  }
0x107: {  	_ =	swait.ge @!p0 [sflag:s17], $0x4000  }
0x108: {  	s20 =	rddreg [dreg:$0x8]  }
0x109: {  	[sflag:s17] =	ssyncset.done @!p0 $0x0;
	p1 =	sle.s32 s20, $0x0  }
0x10a: {  	[sflag:s17] =	ssyncadd.s32 @!p0 $0xFFFFC000;
	s0 =	simm.s32 @!p1 $0x5  }
0x10b: {  	_ =	swait.ge @!p1 [sflag:s0], $0x80  }
0x10c: {  	[sflag:s0] =	ssyncset.done @!p1 $0x0  }
0x10d: {  	[sflag:s0] =	ssyncadd.s32 @!p1 $0xFFFFFF80  }
0x10e: {  	_ =	swait.ge @!p1 [sflag:s0], $0x80  }
0x10f: {  	s17 =	simm.s32 @!p3 $0x7;
	s1 =	simm.s32 @!p1 $0x4600;
	[sflag:s0] =	ssyncset.done @!p1 $0x0  }
0x110: {  	s19 =	simm.s32 @!p1 $0x200;
	[sflag:s0] =	ssyncadd.s32 @!p1 $0xFFFFFF80;
	s0 =	simm.s32 @!p1 $0x80  }
0x111: {  	[tilespmem:s1], [sflag:$0x8] =	stream.indirect.gather @!p1 [hbm4b:s5+s0], $0x80, s19, s0, $0xb8;
	[tilespmem:$0x1FE80] =	vst v63  }
0x112: {  	p0 =	sle.s32 @!p3 s4, $0x9;
	_ =	swait.ge @!p3 [sflag:s17], $0x4000  }
0x113: {  	p0 =	por p0, p3;
	[sflag:s17] =	ssyncset.done @!p3 $0x0  }
0x114: {  	s30 =	sadd.s32 @!p0 $0x0, s18;
	s19 =	simm.s32 @!p3 $0x480;
	[sflag:s17] =	ssyncadd.s32 @!p3 $0xFFFFC000  }
0x115: {  	[spmem:s2] =	stream.indirect.scatter.add.f32 @!p3 [tilespmem:s7], [sflag:$0xA], $0x80, s19, s29, $0xb8;
	[tilespmem:$0x1FE80] =	vst v63  }
0x116: {  	s17 =	simm.s32 @!p0 $0x180;
	s7 =	sadd.s32 @!p0 $0x120, s30;
	s19 =	simm.s32 @!p0 $0x0  }
0x117: {  	[tilespmem:s17], [sflag:$0x4] =	stream.linear.gather @!p0 [hbm4b:s7+s19], $0x80, $0x38;
	[tilespmem:$0x1FE80] =	vst v63  }
0x118: {  	s29 =	simm.s32 @!p4 $0xC;
	s7 =	simm.s32 @!p0 $0x480;
	s17 =	sadd.s32 @!p0 $0x130, s30  }
0x119: {  	[tilespmem:s7], [sflag:$0x4] =	stream.linear.gather @!p0 [hbm4b:s17+s19], $0x80, $0x38;
	[tilespmem:$0x1FE80] =	vst v63  }
0x11a: {  	_ =	swait.ge @!p4 [sflag:s29], $0x4000  }
0x11b: {  	s30 =	rddreg [dreg:$0x9]  }
0x11c: {  	[sflag:s29] =	ssyncset.done @!p4 $0x0;
	p0 =	sle.s32 s30, $0x0  }
0x11d: {  	[sflag:s29] =	ssyncadd.s32 @!p4 $0xFFFFC000;
	s7 =	simm.s32 @!p0 $0x6  }
0x11e: {  	_ =	swait.ge @!p0 [sflag:s7], $0x80  }
0x11f: {  	[sflag:s7] =	ssyncset.done @!p0 $0x0  }
0x120: {  	[sflag:s7] =	ssyncadd.s32 @!p0 $0xFFFFFF80  }
0x121: {  	_ =	swait.ge @!p0 [sflag:s7], $0x80  }
0x122: {  	s19 =	simm.s32 @!p1 $0x8;
	s17 =	simm.s32 @!p0 $0x8600;
	[sflag:s7] =	ssyncset.done @!p0 $0x0  }
0x123: {  	s29 =	simm.s32 @!p0 $0x280;
	[sflag:s7] =	ssyncadd.s32 @!p0 $0xFFFFFF80;
	s7 =	simm.s32 @!p0 $0x80  }
0x124: {  	[tilespmem:s17], [sflag:$0x9] =	stream.indirect.gather @!p0 [hbm4b:s5+s7], $0x80, s29, s7, $0xb8;
	[tilespmem:$0x1FE80] =	vst v63  }
0x125: {  	_ =	swait.ge @!p1 [sflag:s19], $0x4000  }
0x126: {  	p0 =	sle.s32 @!p1 s4, $0xA;
	[sflag:s19] =	ssyncset.done @!p1 $0x0  }
0x127: {  	s7 =	simm.s32 @!p1 $0x500;
	p0 =	por p0, p1;
	[sflag:s19] =	ssyncadd.s32 @!p1 $0xFFFFC000  }
0x128: {  	[spmem:s2] =	stream.indirect.scatter.add.f32 @!p1 [tilespmem:s1], [sflag:$0xB], $0x80, s7, s0, $0xb8;
	[tilespmem:$0x1FE80] =	vst v63  }
0x129: {  	s0 =	sadd.s32 @!p0 $0x0, s18  }
0x12a: {  	s1 =	simm.s32 @!p0 $0x0;
	s7 =	simm.s32 @!p0 $0x200;
	s17 =	sadd.s32 @!p0 $0x140, s0  }
0x12b: {  	[tilespmem:s7], [sflag:$0x5] =	stream.linear.gather @!p0 [hbm4b:s17+s1], $0x80, $0x38;
	[tilespmem:$0x1FE80] =	vst v63  }
0x12c: {  	s19 =	simm.s32 @!p3 $0xA;
	s0 =	sadd.s32 @!p0 $0x150, s0;
	s7 =	simm.s32 @!p0 $0x500  }
0x12d: {  	[tilespmem:s7], [sflag:$0x5] =	stream.linear.gather @!p0 [hbm4b:s0+s1], $0x80, $0x38;
	[tilespmem:$0x1FE80] =	vst v63  }
0x12e: {  	_ =	swait.ge @!p3 [sflag:s19], $0x4000  }
0x12f: {  	s31 =	rddreg [dreg:$0xa]  }
0x130: {  	[sflag:s19] =	ssyncset.done @!p3 $0x0;
	p0 =	sle.s32 s31, $0x0  }
0x131: {  	s17 =	simm.s32 $0xC0;
	[sflag:s19] =	ssyncadd.s32 @!p3 $0xFFFFC000;
	s0 =	simm.s32 @!p0 $0x1  }
0x132: {  	s19 =	simm.s32 $0x10;
	s1 =	simm.s32 @!p0 $0x0;
	_ =	swait.ge @!p0 [sflag:s0], $0x80  }
.LBB2_6:
0x133: {  	s29 =	sadd.s32 $0xFFFFFFF6, s19;
	[sflag:s0] =	ssyncset.done @!p0 $0x0  }
0x134: {  	p1 =	sne.s32 s17, $0x0;
	p2 =	sle.s32 s29, s4;
	[sflag:s0] =	ssyncadd.s32 @!p0 $0xFFFFFF80  }
0x135: {  	p2 =	por !p1, !p2;
	_ =	swait.ge @!p0 [sflag:s0], $0x80  }
0x136: {  	s7 =	simm.s32 @!p0 $0x600;
	p3 =	por !p2, !p2;
	[sflag:s0] =	ssyncset.done @!p0 $0x0  }
0x137: {  	s31 =	simm.s32 @!p0 $0x80;
	s8 =	simm.s32 @p3 $0x9;
	[sflag:s0] =	ssyncadd.s32 @!p0 $0xFFFFFF80  }
0x138: {  	[tilespmem:s7], [sflag:$0x7] =	stream.indirect.gather @!p0 [hbm4b:s5+s31], $0x80, s1, s31, $0xb8;
	[tilespmem:$0x1FE80] =	vst v63  }
0x139: {  	s9 =	sadd.s32 @p3 $0xFFFFFFFB, s19;
	s0 =	simm.s32 @p3 $0x8600;
	_ =	swait.ge @p3 [sflag:s8], $0x4000  }
0x13a: {  	p0 =	sge.u32 @p3 s9, s4;
	s1 =	simm.s32 @p3 $0x80;
	[sflag:s8] =	ssyncset.done @p3 $0x0  }
0x13b: {  	s7 =	simm.s32 @p3 $0x580;
	p0 =	por p0, !p3;
	[sflag:s8] =	ssyncadd.s32 @p3 $0xFFFFC000  }
0x13c: {  	[spmem:s2] =	stream.indirect.scatter.add.f32 @p3 [tilespmem:s0], [sflag:$0xC], $0x80, s7, s1, $0xb8;
	[tilespmem:$0x1FE80] =	vst v63  }
0x13d: {  	s30 =	smov.u32 s17;
	p1 =	seq.s32 s17, $0x0;
	s0 =	sadd.s32 @!p0 s17, s18  }
0x13e: {  	s1 =	simm.s32 @!p0 $0x0;
	s7 =	simm.s32 @!p0 $0x280;
	s9 =	sadd.s32 @!p0 $0xA0, s0  }
0x13f: {  	[tilespmem:s7], [sflag:$0x6] =	stream.linear.gather @!p0 [hbm4b:s9+s1], $0x80, $0x38;
	[tilespmem:$0x1FE80] =	vst v63  }
0x140: {  	s17 =	sadd.s32 $0xC0, s17;
	s0 =	sadd.s32 @!p0 $0xB0, s0;
	s7 =	simm.s32 @!p0 $0x580  }
0x141: {  	[tilespmem:s7], [sflag:$0x6] =	stream.linear.gather @!p0 [hbm4b:s0+s1], $0x80, $0x38;
	[tilespmem:$0x1FE80] =	vst v63  }
0x142: {  	s8 =	rddreg [dreg:$0x4];
	p0 =	sne.s32 s17, $0xA80  }
0x143: {  	p2 =	sge.s32 @!p1 s29, s8;
	s1 =	simm.s32 @!p0 $0x0  }
0x144: {  	p1 =	por p2, p1;
	s1 =	simm.s32 @p0 $0x1  }
0x145: {  	s0 =	simm.s32 @!p1 $0xB;
	[smem:$0x7F2] =	sst s1  }
0x146: {  	_ =	swait.ge @!p1 [sflag:s0], $0x4000  }
0x147: {  	s9 =	rddreg [dreg:$0x5]  }
0x148: {  	[sflag:s0] =	ssyncset.done @!p1 $0x0;
	p4 =	sge.s32 s29, s9  }
0x149: {  	[sflag:s0] =	ssyncadd.s32 @!p1 $0xFFFFC000;
	s1 =	simm.s32 @!p4 $0x2  }
0x14a: {  	_ =	swait.ge @!p4 [sflag:s1], $0x80  }
0x14b: {  	[sflag:s1] =	ssyncset.done @!p4 $0x0  }
0x14c: {  	p2 =	sge.s32 s29, s4;
	[sflag:s1] =	ssyncadd.s32 @!p4 $0xFFFFFF80  }
0x14d: {  	s8 =	sadd.s32 @!p2 $0xFFFFFFFC, s19;
	s0 =	sadd.s32 @!p4 $0xFFFFFFFD, s19;
	_ =	swait.ge @!p4 [sflag:s1], $0x80  }
0x14e: {  	s31 =	simm.s32 @!p4 $0x4600;
	p1 =	sge.s32 @!p4 s0, s4;
	[sflag:s1] =	ssyncset.done @!p4 $0x0  }
0x14f: {  	s0 =	simm.s32 @!p4 $0x80;
	[sflag:s1] =	ssyncadd.s32 @!p4 $0xFFFFFF80;
	s1 =	simm.s32 @!p2 $0x7  }
0x150: {  	[tilespmem:s31], [sflag:$0x8] =	stream.indirect.gather @!p4 [hbm4b:s5+s0], $0x80, s0, s0, $0xb8;
	[tilespmem:$0x1FE80] =	vst v63  }
0x151: {  	s7 =	simm.s32 @!p2 $0x600;
	p0 =	sge.s32 @!p2 s8, s4;
	_ =	swait.ge @!p2 [sflag:s1], $0x4000  }
0x152: {  	s8 =	simm.s32 @!p2 $0x80;
	p0 =	por p0, p2;
	[sflag:s1] =	ssyncset.done @!p2 $0x0  }
0x153: {  	s9 =	simm.s32 @!p2 $0x300;
	[sflag:s1] =	ssyncadd.s32 @!p2 $0xFFFFC000;
	s1 =	sadd.s32 @!p0 s30, s18  }
0x154: {  	[spmem:s2] =	stream.indirect.scatter.add.f32 @!p2 [tilespmem:s7], [sflag:$0xA], $0x80, s9, s8, $0xb8;
	[tilespmem:$0x1FE80] =	vst v63  }
0x155: {  	s10 =	simm.s32 @!p0 $0x0;
	s7 =	sadd.s32 @!p0 $0xC0, s1  }
0x156: {  	[tilespmem:s10], [sflag:$0x1] =	stream.linear.gather @!p0 [hbm4b:s7+s10], $0x80, $0x38;
	[tilespmem:$0x1FE80] =	vst v63  }
0x157: {  	s1 =	sadd.s32 @!p0 $0xD0, s1;
	s8 =	simm.s32 @!p0 $0x300;
	s7 =	simm.s32 @p3 $0xC  }
0x158: {  	[tilespmem:s8], [sflag:$0x1] =	stream.linear.gather @!p0 [hbm4b:s1+s10], $0x80, $0x38;
	[tilespmem:$0x1FE80] =	vst v63  }
0x159: {  	_ =	swait.ge @p3 [sflag:s7], $0x4000  }
0x15a: {  	s10 =	rddreg [dreg:$0x6]  }
0x15b: {  	[sflag:s7] =	ssyncset.done @p3 $0x0;
	p5 =	sge.s32 s29, s10  }
0x15c: {  	[sflag:s7] =	ssyncadd.s32 @p3 $0xFFFFC000;
	s8 =	simm.s32 @!p5 $0x3  }
0x15d: {  	_ =	swait.ge @!p5 [sflag:s8], $0x80  }
0x15e: {  	[sflag:s8] =	ssyncset.done @!p5 $0x0  }
0x15f: {  	[sflag:s8] =	ssyncadd.s32 @!p5 $0xFFFFFF80  }
0x160: {  	s1 =	sadd.s32 @!p5 $0xFFFFFFFE, s19;
	s7 =	simm.s32 @!p5 $0x80;
	_ =	swait.ge @!p5 [sflag:s8], $0x80  }
0x161: {  	s9 =	simm.s32 @!p5 $0x100;
	p6 =	sge.s32 @!p5 s1, s4;
	[sflag:s8] =	ssyncset.done @!p5 $0x0  }
0x162: {  	s1 =	simm.s32 @!p5 $0x8600;
	[sflag:s8] =	ssyncadd.s32 @!p5 $0xFFFFFF80;
	s8 =	simm.s32 @!p4 $0x8  }
0x163: {  	[tilespmem:s1], [sflag:$0x9] =	stream.indirect.gather @!p5 [hbm4b:s5+s7], $0x80, s9, s7, $0xb8;
	[tilespmem:$0x1FE80] =	vst v63  }
0x164: {  	_ =	swait.ge @!p4 [sflag:s8], $0x4000  }
0x165: {  	p0 =	por p1, p4;
	[sflag:s8] =	ssyncset.done @!p4 $0x0  }
0x166: {  	s9 =	simm.s32 @!p4 $0x380;
	[sflag:s8] =	ssyncadd.s32 @!p4 $0xFFFFC000;
	s8 =	sadd.s32 @!p0 s30, s18  }
0x167: {  	[spmem:s2] =	stream.indirect.scatter.add.f32 @!p4 [tilespmem:s31], [sflag:$0xB], $0x80, s9, s0, $0xb8;
	[tilespmem:$0x1FE80] =	vst v63  }
0x168: {  	s15 =	simm.s32 @!p0 $0x0;
	s20 =	simm.s32 @!p0 $0x80;
	s11 =	sadd.s32 @!p0 $0xE0, s8  }
0x169: {  	[tilespmem:s20], [sflag:$0x2] =	stream.linear.gather @!p0 [hbm4b:s11+s15], $0x80, $0x38;
	[tilespmem:$0x1FE80] =	vst v63  }
0x16a: {  	s10 =	simm.s32 @!p0 $0x380;
	s0 =	sadd.s32 @!p0 $0xF0, s8;
	s8 =	simm.s32 @!p2 $0xA  }
0x16b: {  	[tilespmem:s10], [sflag:$0x2] =	stream.linear.gather @!p0 [hbm4b:s0+s15], $0x80, $0x38;
	[tilespmem:$0x1FE80] =	vst v63  }
0x16c: {  	_ =	swait.ge @!p2 [sflag:s8], $0x4000  }
0x16d: {  	s11 =	rddreg [dreg:$0x7]  }
0x16e: {  	[sflag:s8] =	ssyncset.done @!p2 $0x0;
	p3 =	sge.s32 s29, s11  }
0x16f: {  	[sflag:s8] =	ssyncadd.s32 @!p2 $0xFFFFC000;
	s8 =	simm.s32 @!p3 $0x4  }
0x170: {  	_ =	swait.ge @!p3 [sflag:s8], $0x80  }
0x171: {  	[sflag:s8] =	ssyncset.done @!p3 $0x0  }
0x172: {  	[sflag:s8] =	ssyncadd.s32 @!p3 $0xFFFFFF80  }
0x173: {  	s10 =	simm.s32 @!p5 $0x9;
	s0 =	sadd.s32 @!p3 $0xFFFFFFFF, s19;
	_ =	swait.ge @!p3 [sflag:s8], $0x80  }
0x174: {  	s9 =	simm.s32 @!p3 $0x180;
	s31 =	simm.s32 @!p3 $0x80;
	[sflag:s8] =	ssyncset.done @!p3 $0x0  }
0x175: {  	p0 =	sge.s32 @!p3 s0, s4;
	s0 =	simm.s32 @!p3 $0x600;
	[sflag:s8] =	ssyncadd.s32 @!p3 $0xFFFFFF80  }
0x176: {  	[tilespmem:s0], [sflag:$0x7] =	stream.indirect.gather @!p3 [hbm4b:s5+s31], $0x80, s9, s31, $0xb8;
	[tilespmem:$0x1FE80] =	vst v63  }
0x177: {  	_ =	swait.ge @!p5 [sflag:s10], $0x4000  }
0x178: {  	p1 =	por p6, p5;
	[sflag:s10] =	ssyncset.done @!p5 $0x0  }
0x179: {  	s8 =	simm.s32 @!p5 $0x400;
	s9 =	sadd.s32 @!p1 s30, s18;
	[sflag:s10] =	ssyncadd.s32 @!p5 $0xFFFFC000  }
0x17a: {  	[spmem:s2] =	stream.indirect.scatter.add.f32 @!p5 [tilespmem:s1], [sflag:$0xC], $0x80, s8, s7, $0xb8;
	[tilespmem:$0x1FE80] =	vst v63  }
0x17b: {  	s15 =	simm.s32 @!p1 $0x100;
	s11 =	sadd.s32 @!p1 $0x100, s9;
	s1 =	simm.s32 @!p1 $0x0  }
0x17c: {  	[tilespmem:s15], [sflag:$0x3] =	stream.linear.gather @!p1 [hbm4b:s11+s1], $0x80, $0x38;
	[tilespmem:$0x1FE80] =	vst v63  }
0x17d: {  	s9 =	sadd.s32 @!p1 $0x110, s9;
	s10 =	simm.s32 @!p1 $0x400;
	s7 =	simm.s32 @!p4 $0xB  }
0x17e: {  	[tilespmem:s10], [sflag:$0x3] =	stream.linear.gather @!p1 [hbm4b:s9+s1], $0x80, $0x38;
	[tilespmem:$0x1FE80] =	vst v63  }
0x17f: {  	_ =	swait.ge @!p4 [sflag:s7], $0x4000  }
0x180: {  	s15 =	rddreg [dreg:$0x8]  }
0x181: {  	[sflag:s7] =	ssyncset.done @!p4 $0x0;
	p2 =	sge.s32 s29, s15  }
0x182: {  	[sflag:s7] =	ssyncadd.s32 @!p4 $0xFFFFC000;
	s7 =	simm.s32 @!p2 $0x5  }
0x183: {  	_ =	swait.ge @!p2 [sflag:s7], $0x80  }
0x184: {  	[sflag:s7] =	ssyncset.done @!p2 $0x0  }
0x185: {  	[sflag:s7] =	ssyncadd.s32 @!p2 $0xFFFFFF80  }
0x186: {  	_ =	swait.ge @!p2 [sflag:s7], $0x80  }
0x187: {  	s8 =	simm.s32 @!p3 $0x7;
	s1 =	simm.s32 @!p2 $0x4600;
	[sflag:s7] =	ssyncset.done @!p2 $0x0  }
0x188: {  	s9 =	simm.s32 @!p2 $0x200;
	[sflag:s7] =	ssyncadd.s32 @!p2 $0xFFFFFF80;
	s7 =	simm.s32 @!p2 $0x80  }
0x189: {  	[tilespmem:s1], [sflag:$0x8] =	stream.indirect.gather @!p2 [hbm4b:s5+s7], $0x80, s9, s7, $0xb8;
	[tilespmem:$0x1FE80] =	vst v63  }
0x18a: {  	_ =	swait.ge @!p3 [sflag:s8], $0x4000  }
0x18b: {  	p0 =	por p0, p3;
	[sflag:s8] =	ssyncset.done @!p3 $0x0  }
0x18c: {  	s10 =	sadd.s32 @!p0 s30, s18;
	s9 =	simm.s32 @!p3 $0x480;
	[sflag:s8] =	ssyncadd.s32 @!p3 $0xFFFFC000  }
0x18d: {  	[spmem:s2] =	stream.indirect.scatter.add.f32 @!p3 [tilespmem:s0], [sflag:$0xA], $0x80, s9, s31, $0xb8;
	[tilespmem:$0x1FE80] =	vst v63  }
0x18e: {  	s15 =	simm.s32 @!p0 $0x180;
	s8 =	sadd.s32 @!p0 $0x120, s10;
	s0 =	simm.s32 @!p0 $0x0  }
0x18f: {  	[tilespmem:s15], [sflag:$0x4] =	stream.linear.gather @!p0 [hbm4b:s8+s0], $0x80, $0x38;
	[tilespmem:$0x1FE80] =	vst v63  }
0x190: {  	s11 =	simm.s32 @!p0 $0x480;
	s9 =	sadd.s32 @!p0 $0x130, s10;
	s8 =	simm.s32 @!p5 $0xC  }
0x191: {  	[tilespmem:s11], [sflag:$0x4] =	stream.linear.gather @!p0 [hbm4b:s9+s0], $0x80, $0x38;
	[tilespmem:$0x1FE80] =	vst v63  }
0x192: {  	_ =	swait.ge @!p5 [sflag:s8], $0x4000  }
0x193: {  	s20 =	rddreg [dreg:$0x9]  }
0x194: {  	[sflag:s8] =	ssyncset.done @!p5 $0x0;
	p0 =	sge.s32 s29, s20  }
0x195: {  	[sflag:s8] =	ssyncadd.s32 @!p5 $0xFFFFC000;
	s0 =	simm.s32 @!p0 $0x6  }
0x196: {  	_ =	swait.ge @!p0 [sflag:s0], $0x80  }
0x197: {  	[sflag:s0] =	ssyncset.done @!p0 $0x0  }
0x198: {  	[sflag:s0] =	ssyncadd.s32 @!p0 $0xFFFFFF80  }
0x199: {  	_ =	swait.ge @!p0 [sflag:s0], $0x80  }
0x19a: {  	s9 =	simm.s32 @!p2 $0x8;
	s8 =	simm.s32 @!p0 $0x8600;
	[sflag:s0] =	ssyncset.done @!p0 $0x0  }
0x19b: {  	s10 =	simm.s32 @!p0 $0x280;
	[sflag:s0] =	ssyncadd.s32 @!p0 $0xFFFFFF80;
	s0 =	simm.s32 @!p0 $0x80  }
0x19c: {  	[tilespmem:s8], [sflag:$0x9] =	stream.indirect.gather @!p0 [hbm4b:s5+s0], $0x80, s10, s0, $0xb8;
	[tilespmem:$0x1FE80] =	vst v63  }
0x19d: {  	_ =	swait.ge @!p2 [sflag:s9], $0x4000  }
0x19e: {  	p1 =	sge.s32 @!p2 s19, s4;
	[sflag:s9] =	ssyncset.done @!p2 $0x0  }
0x19f: {  	s0 =	simm.s32 @!p2 $0x500;
	p0 =	por p1, p2;
	[sflag:s9] =	ssyncadd.s32 @!p2 $0xFFFFC000  }
0x1a0: {  	[spmem:s2] =	stream.indirect.scatter.add.f32 @!p2 [tilespmem:s1], [sflag:$0xB], $0x80, s0, s7, $0xb8;
	[tilespmem:$0x1FE80] =	vst v63  }
0x1a1: {  	s0 =	sadd.s32 @!p0 s30, s18  }
0x1a2: {  	s1 =	simm.s32 @!p0 $0x0;
	s7 =	simm.s32 @!p0 $0x200;
	s8 =	sadd.s32 @!p0 $0x140, s0  }
0x1a3: {  	[tilespmem:s7], [sflag:$0x5] =	stream.linear.gather @!p0 [hbm4b:s8+s1], $0x80, $0x38;
	[tilespmem:$0x1FE80] =	vst v63  }
0x1a4: {  	s9 =	simm.s32 @!p0 $0x500;
	s0 =	sadd.s32 @!p0 $0x150, s0;
	s7 =	simm.s32 @!p3 $0xA  }
0x1a5: {  	[tilespmem:s9], [sflag:$0x5] =	stream.linear.gather @!p0 [hbm4b:s0+s1], $0x80, $0x38;
	[tilespmem:$0x1FE80] =	vst v63  }
0x1a6: {  	_ =	swait.ge @!p3 [sflag:s7], $0x4000  }
0x1a7: {  	s30 =	rddreg [dreg:$0xa]  }
0x1a8: {  	[sflag:s7] =	ssyncset.done @!p3 $0x0;
	p0 =	sge.s32 s29, s30  }
0x1a9: {  	[sflag:s7] =	ssyncadd.s32 @!p3 $0xFFFFC000;
	s0 =	simm.s32 @!p0 $0x1  }
0x1aa: {  	_ =	swait.ge @!p0 [sflag:s0], $0x80  }
0x1ab: {  	s31 =	sld [smem:$0x7F2];
	_ =	sdelay $0x2  }
0x1ac: {  	p1 =	seq.s32 s31, $0x1  }
.Ltmp4:
0x1ad: {  	_ = 	snop;
	(pc) =	sbr.rel @p1 .LBB2_6-.Ltmp4, $2  }
0x1ae: {  	_ =	sdelay $0x2  }
0x1af: {  	s19 =	sadd.s32 $0x6, s19;
	s1 =	simm.s32 @!p0 $0x0  }
0x1b0: {  	[sflag:s0] =	ssyncset.done @!p0 $0x0  }
0x1b1: {  	[sflag:s0] =	ssyncadd.s32 @!p0 $0xFFFFFF80  }
0x1b2: {  	_ =	swait.ge @!p0 [sflag:s0], $0x80  }
0x1b3: {  	[sflag:s0] =	ssyncset.done @!p0 $0x0  }
0x1b4: {  	s7 =	simm.s32 @!p0 $0x600;
	s8 =	simm.s32 @!p0 $0x80;
	[sflag:s0] =	ssyncadd.s32 @!p0 $0xFFFFFF80  }
0x1b5: {  	[tilespmem:s7], [sflag:$0x7] =	stream.indirect.gather @!p0 [hbm4b:s5+s8], $0x80, s1, s8, $0xb8;
	[tilespmem:$0x1FE80] =	vst v63  }
0x1b6: {  	[bflag:$0x0] =	sbarrier.arrive $0xFFFF  }
0x1b7: {  	s30 =	sld [smem:$0x7F3];
	_ =	sdelay $0x2  }
0x1b8: {  	p0 =	seq.s32 s30, $0x1  }
.Ltmp5:
0x1b9: {  	_ = 	snop;
	(pc) =	sbr.rel @p0 .LBB2_9-.Ltmp5, $2  }
0x1ba: {  	s31 =	sld [smem:$0x7FC];
	_ =	sdelay $0x2  }
0x1bb: {  	p2 =	seq.s32 s31, $0x1  }
0x1bc: {  	[tilespmem:s12], [sflag:$0xE] =	stream.linear.gather [spmem:s21], $0x4000, $0x38;
	[tilespmem:$0x1FE80] =	vst v63  }
0x1bd: {  	_ =	swait.ge [sflag:s13], $0x4000  }
0x1be: {  	[sflag:s13] =	ssyncset.done $0x0  }
0x1bf: {  	s0 =	rddreg [dreg:$0xb];
	[sflag:s13] =	ssyncadd.s32 $0xFFFFC000  }
0x1c0: {  	[hbm4b:s0+s3] =	stream.linear.scatter [tilespmem:s12], [sflag:$0xE], $0x4000, $0x38;
	[tilespmem:$0x1FE80] =	vst v63  }
0x1c1: {  	_ =	swait.ge [sflag:s13], $0x4000  }
0x1c2: {  	[sflag:s13] =	ssyncset.done $0x0  }
0x1c3: {  	[sflag:s13] =	ssyncadd.s32 $0xFFFFC000  }
0x1c4: {  	[tilespmem:s12], [sflag:$0xE] =	stream.linear.gather [spmem:s22], $0x4000, $0x38;
	[tilespmem:$0x1FE80] =	vst v63  }
0x1c5: {  	_ =	swait.ge [sflag:s13], $0x4000  }
0x1c6: {  	[sflag:s13] =	ssyncset.done $0x0  }
0x1c7: {  	s20 =	rddreg [dreg:$0xc];
	[sflag:s13] =	ssyncadd.s32 $0xFFFFC000  }
0x1c8: {  	[hbm4b:s20+s3] =	stream.linear.scatter [tilespmem:s12], [sflag:$0xE], $0x4000, $0x38;
	[tilespmem:$0x1FE80] =	vst v63  }
0x1c9: {  	_ =	swait.ge [sflag:s13], $0x4000  }
0x1ca: {  	[sflag:s13] =	ssyncset.done $0x0  }
0x1cb: {  	[sflag:s13] =	ssyncadd.s32 $0xFFFFC000  }
0x1cc: {  	[tilespmem:s12], [sflag:$0xE] =	stream.linear.gather [spmem:s23], $0x4000, $0x38;
	[tilespmem:$0x1FE80] =	vst v63  }
0x1cd: {  	_ =	swait.ge [sflag:s13], $0x4000  }
0x1ce: {  	[sflag:s13] =	ssyncset.done $0x0  }
0x1cf: {  	s29 =	rddreg [dreg:$0xd];
	[sflag:s13] =	ssyncadd.s32 $0xFFFFC000  }
0x1d0: {  	[hbm4b:s29+s3] =	stream.linear.scatter [tilespmem:s12], [sflag:$0xE], $0x4000, $0x38;
	[tilespmem:$0x1FE80] =	vst v63  }
0x1d1: {  	_ =	swait.ge [sflag:s13], $0x4000  }
0x1d2: {  	[sflag:s13] =	ssyncset.done $0x0  }
0x1d3: {  	[sflag:s13] =	ssyncadd.s32 $0xFFFFC000  }
0x1d4: {  	[tilespmem:s12], [sflag:$0xE] =	stream.linear.gather [spmem:s24], $0x4000, $0x38;
	[tilespmem:$0x1FE80] =	vst v63  }
0x1d5: {  	_ =	swait.ge [sflag:s13], $0x4000  }
0x1d6: {  	[sflag:s13] =	ssyncset.done $0x0  }
0x1d7: {  	s30 =	rddreg [dreg:$0xe];
	[sflag:s13] =	ssyncadd.s32 $0xFFFFC000  }
0x1d8: {  	[hbm4b:s30+s3] =	stream.linear.scatter [tilespmem:s12], [sflag:$0xE], $0x4000, $0x38;
	[tilespmem:$0x1FE80] =	vst v63  }
0x1d9: {  	_ =	swait.ge [sflag:s13], $0x4000  }
0x1da: {  	[sflag:s13] =	ssyncset.done $0x0  }
0x1db: {  	s1 =	simm.s32 @p2 $0xE;
	s0 =	simm.s32 @p2 $0x600;
	[sflag:s13] =	ssyncadd.s32 $0xFFFFC000  }
0x1dc: {  	[tilespmem:s0], [sflag:$0xE] =	stream.linear.gather @p2 [spmem:s25], $0x4000, $0x38;
	[tilespmem:$0x1FE80] =	vst v63  }
0x1dd: {  	_ =	swait.ge @p2 [sflag:s1], $0x4000  }
0x1de: {  	[sflag:s1] =	ssyncset.done @p2 $0x0  }
0x1df: {  	s7 =	simm.s32 @p2 $0x0;
	s8 =	rddreg [dreg:$0xf];
	[sflag:s1] =	ssyncadd.s32 @p2 $0xFFFFC000  }
0x1e0: {  	[hbm4b:s8+s7] =	stream.linear.scatter @p2 [tilespmem:s0], [sflag:$0xE], $0x4000, $0x38;
	[tilespmem:$0x1FE80] =	vst v63  }
0x1e1: {  	_ =	swait.ge @p2 [sflag:s1], $0x4000  }
0x1e2: {  	s31 =	sld [smem:$0x7FD];
	_ =	sdelay $0x2  }
0x1e3: {  	[sflag:s1] =	ssyncset.done @p2 $0x0;
	p5 =	seq.s32 s31, $0x1  }
0x1e4: {  	[sflag:s1] =	ssyncadd.s32 @p2 $0xFFFFC000;
	s0 =	simm.s32 @!p5 $0x4600;
	s1 =	simm.s32 @!p5 $0xE  }
0x1e5: {  	[tilespmem:s0], [sflag:$0xE] =	stream.linear.gather @!p5 [spmem:s26], $0x800, $0x38;
	[tilespmem:$0x1FE80] =	vst v63  }
0x1e6: {  	_ =	swait.ge @!p5 [sflag:s1], $0x800  }
0x1e7: {  	[sflag:s1] =	ssyncset.done @!p5 $0x0  }
0x1e8: {  	s7 =	rddreg [dreg:$0x15];
	[sflag:s1] =	ssyncadd.s32 @!p5 $0xFFFFF800;
	s1 =	simm.s32 @!p5 $0x0  }
0x1e9: {  	[hbm4b:s7+s1] =	stream.linear.scatter @!p5 [tilespmem:s0], [sflag:$0xD], $0x800, $0x38;
	[tilespmem:$0x1FE80] =	vst v63  }
.Ltmp6:
0x1ea: {  	_ = 	snop;
	(pc) =	sbr.rel .LBB2_10-.Ltmp6, $4  }
0x1eb: {  	s0 =	simm.s32 @!p5 $0xD  }
0x1ec: {  	_ =	swait.ge @!p5 [sflag:s0], $0x800  }
0x1ed: {  	[sflag:s0] =	ssyncset.done @!p5 $0x0  }
0x1ee: {  	[sflag:s0] =	ssyncadd.s32 @!p5 $0xFFFFF800  }
.LBB2_11:
0x1ef: {  	_ =	sfence.sel $0x180000  }
0x1f0: {  	[bflag:$0x0] =	sbarrier.arrive $0xFFFF  }
0x1f1: {  	_ =	strace $0x9000004A  }
0x1f2: {  	s0 =	stileid.u32;
	[bflag:$0x2] =	sbarrier.arrive $0xFFFF  }
0x1f3: {  	p0 =	sne.s32 s0, $0x0;
	s0 =	rddreg [dreg:$0x3]  }
0x1f4: {  	s0 =	sadd.s32 @!p0 $0x100000, s0  }
0x1f5: {  	[sflag:s0] =	ssyncadd.tile.s32 @!p0 $0x1;
	_ =	shalt  }
.Lfunc_end2:
_tile_overlayer_lowered:
.L_overlay_start_2:
0x1f6: {  	(tag) =	ssettag $0x2  }
0x1f7: {  	s0 =	rddreg [dreg:$0x0];
	s2 =	stileid.u32  }
0x1f8: {  	s1 =	rddreg [dreg:$0x1];
	p0 =	sne.s32 s2, $0x0  }
0x1f9: {  	s3 =	rddreg [dreg:$0x2];
	[bflag:$0x3] =	sbarrier.arrive $0xFFFF;
	s2 =	simm.s32 @!p0 $0x1C0D  }
0x1fa: {  	[timem:s3], [sflag:s2] =	dma.local @!p0 [hbm:s0], s1  }
0x1fb: {  	s0 =	simm.s32 @!p0 $0xD  }
0x1fc: {  	_ =	swait.ge @!p0 [sflag:s0], s1  }
0x1fd: {  	s1 =	ssub.s32 @!p0 $0x0, s1;
	[sflag:s0] =	ssyncset.done @!p0 $0x0  }
0x1fe: {  	[sflag:s0] =	ssyncadd.s32 @!p0 s1  }
0x1ff: {  	[bflag:$0x3] =	sbarrier.arrive $0xFFFF  }
0x200: {  	_ =	shalt  }

// kernel: kernel.14.cloned.1.call-start
scs
__scs_entry_jumppad:
0x0: {  	(pc) =	sbr.rel $0x88, $3  }
0x1: {  	(tag) =	ssettag $0x0;
	lr =	simm.s32 $0x1  }
0x2: {  	[smem:$0x3F97] =	sst lr;
	_ =	strace $0xD0000000  }
0x3: {  	_ = 	snop  }
0x4: {  	_ = 	snop  }
0x5: {  	_ = 	snop  }
0x6: {  	_ = 	snop  }
0x7: {  	_ = 	snop  }
__scs_overlays_trampoline_lowered:
0x8: {  	[smem:$0x3FA6] =	sst s0  }
0x9: {  	[smem:$0x3FA7] =	sst s1  }
0xa: {  	[smem:$0x3FA8] =	sst s2  }
0xb: {  	[smem:$0x3FA9] =	sst s3  }
0xc: {  	[smem:$0x3FAA] =	sst s4  }
0xd: {  	[smem:$0x3FAB] =	sst s5  }
0xe: {  	[smem:$0x3FAC] =	sst s6  }
0xf: {  	[smem:$0x3FAD] =	sst s7  }
0x10: {  	[smem:$0x3FAE] =	sst s8  }
0x11: {  	[smem:$0x3FAF] =	sst s9;
	s0 =	simm.s32 @!p0 $0x0  }
0x12: {  	s1 =	sld [smem:$0x3F95];
	s0 =	simm.s32 @p0 $0x1  }
0x13: {  	[smem:$0x3FB0] =	sst s0;
	s0 =	simm.s32 @!p1 $0x0  }
0x14: {  	s2 =	sld [smem:$0x3F94];
	s0 =	simm.s32 @p1 $0x1  }
0x15: {  	[smem:$0x3FB1] =	sst s0;
	s0 =	simm.s32 @!p2 $0x0  }
0x16: {  	s3 =	sld [smem:$0x3FDB];
	s0 =	simm.s32 @p2 $0x1  }
0x17: {  	s4 =	simm.s32 $0x1BF5;
	[smem:$0x3FB3] =	sst s0  }
0x18: {  	s0 =	sld [smem:$0x3F96];
	_ =	swait.ge [sflag:s4], $0x0  }
0x19: {  	s7 =	sld [smem:$0x3F97]  }
0x1a: {  	s8 =	sadd.s32 $0xFFFFE003, lr  }
0x1b: {  	s9 =	sadd.s32 $0xFFFFFEF7, lr;
	s5 =	simm.s32 $0xFFFFFFFF;
	p2 =	slt.u32 s8, $0xFFFFF086  }
0x1c: {  	p1 =	slt.u32 s9, $0xF7A;
	s5 =	simm.s32 @!p2 $0x0  }
0x1d: {  	s5 =	simm.s32 @p1 $0x1;
	p0 =	seq.s32 s7, s2  }
0x1e: {  	s7 =	smul.u32 @!p0 $0xF7A, s2;
	p2 =	seq.s32 @!p0 s5, $0x0  }
0x1f: {  	s9 =	smul.u32 $0xF7A, s1;
	s8 =	simm.s32 @!p0 $0x1BF5;
	p2 =	por !p2, p0  }
0x20: {  	[sflag:s8] =	ssyncset.s32 @!p0 $0xFFFFF086;
	s6 =	sadd.s32 @!p0 s3, s7;
	s7 =	simm.s32 @!p0 $0x108  }
0x21: {  	s3 =	sadd.s32 s3, s9;
	s6 =	sadd.s32 @!p0 $0x88, s6;
	s7 =	simm.s32 @p2 $0x1082  }
0x22: {  	[simem:s7], [sflag:s8] =	dma.local @!p0 [hbm:s6], $0xF7A  }
0x23: {  	s9 =	sor.u32 $0xD0000000, s2;
	s6 =	simm.s32 $0x108;
	_ =	swait.ge @!p0 [sflag:s8], $0x0  }
0x24: {  	s3 =	sadd.s32 $0x88, s3;
	s6 =	simm.s32 @!p1 $0x1082;
	[sflag:s4] =	ssyncset.s32 $0xFFFFF086  }
0x25: {  	[simem:s6], [sflag:s4] =	dma.local [hbm:s3], $0xF7A  }
0x26: {  	[smem:$0x3F97] =	sst s1;
	(tag) =	ssettag s2;
	_ =	strace s9  }
0x27: {  	s1 =	sld [smem:$0x3FA7]  }
0x28: {  	s2 =	sld [smem:$0x3FA8]  }
0x29: {  	s4 =	sld [smem:$0x3FAA]  }
0x2a: {  	p0 =	seq.s32 s5, $0x0;
	s5 =	sld [smem:$0x3FAB]  }
0x2b: {  	s6 =	sld [smem:$0x3FAC]  }
0x2c: {  	s7 =	sld [smem:$0x3FAD]  }
0x2d: {  	s3 =	simm.s32 $0x108;
	s8 =	sld [smem:$0x3FAE]  }
0x2e: {  	s3 =	simm.s32 @!p0 $0x1082;
	s9 =	sld [smem:$0x3FAF]  }
0x2f: {  	lr =	sadd.s32 s0, s3;
	s0 =	sld [smem:$0x3FA6]  }
0x30: {  	s3 =	sld [smem:$0x3FA9]  }
0x31: {  	[smem:$0x3FB2] =	sst s10  }
0x32: {  	s10 =	sld [smem:$0x3FB0];
	_ =	sdelay $0x3  }
0x33: {  	p0 =	seq.s32 s10, $0x1;
	s10 =	sld [smem:$0x3FB2];
	_ =	sdelay $0x3  }
0x34: {  	[smem:$0x3FB2] =	sst s10  }
0x35: {  	s10 =	sld [smem:$0x3FB1];
	_ =	sdelay $0x3  }
0x36: {  	p1 =	seq.s32 s10, $0x1;
	s10 =	sld [smem:$0x3FB2];
	_ =	sdelay $0x3  }
0x37: {  	[smem:$0x3FB2] =	sst s10  }
0x38: {  	s10 =	sld [smem:$0x3FB3]  }
0x39: {  	_ = 	snop;
	(pc) =	sbr.ind lr, $3  }
0x3a: {  	_ = 	snop  }
0x3b: {  	_ = 	snop  }
0x3c: {  	p2 =	seq.s32 s10, $0x1;
	s10 =	sld [smem:$0x3FB2]  }
0x3d: {  	_ =	shalt  }
0x3e: {  	_ =	shalt  }
0x3f: {  	_ =	shalt  }
0x40: {  	_ =	shalt  }
0x41: {  	_ =	shalt  }
0x42: {  	_ =	shalt  }
0x43: {  	_ =	shalt  }
0x44: {  	_ =	shalt  }
0x45: {  	_ =	shalt  }
0x46: {  	_ =	shalt  }
0x47: {  	_ =	shalt  }
0x48: {  	_ =	shalt  }
0x49: {  	_ =	shalt  }
0x4a: {  	_ =	shalt  }
0x4b: {  	_ =	shalt  }
0x4c: {  	_ =	shalt  }
0x4d: {  	_ =	shalt  }
0x4e: {  	_ =	shalt  }
0x4f: {  	_ =	shalt  }
0x50: {  	_ =	shalt  }
0x51: {  	_ =	shalt  }
0x52: {  	_ =	shalt  }
0x53: {  	_ =	shalt  }
0x54: {  	_ =	shalt  }
0x55: {  	_ =	shalt  }
0x56: {  	_ =	shalt  }
0x57: {  	_ =	shalt  }
0x58: {  	_ =	shalt  }
0x59: {  	_ =	shalt  }
0x5a: {  	_ =	shalt  }
0x5b: {  	_ =	shalt  }
0x5c: {  	_ =	shalt  }
0x5d: {  	_ =	shalt  }
0x5e: {  	_ =	shalt  }
0x5f: {  	_ =	shalt  }
0x60: {  	_ =	shalt  }
0x61: {  	_ =	shalt  }
0x62: {  	_ =	shalt  }
0x63: {  	_ =	shalt  }
0x64: {  	_ =	shalt  }
0x65: {  	_ =	shalt  }
0x66: {  	_ =	shalt  }
0x67: {  	_ =	shalt  }
0x68: {  	_ =	shalt  }
0x69: {  	_ =	shalt  }
0x6a: {  	_ =	shalt  }
0x6b: {  	_ =	shalt  }
0x6c: {  	_ =	shalt  }
0x6d: {  	_ =	shalt  }
0x6e: {  	_ =	shalt  }
0x6f: {  	_ =	shalt  }
0x70: {  	_ =	shalt  }
0x71: {  	_ =	shalt  }
0x72: {  	_ =	shalt  }
0x73: {  	_ =	shalt  }
0x74: {  	_ =	shalt  }
0x75: {  	_ =	shalt  }
0x76: {  	_ =	shalt  }
0x77: {  	_ =	shalt  }
0x78: {  	_ =	shalt  }
0x79: {  	_ =	shalt  }
0x7a: {  	_ =	shalt  }
0x7b: {  	_ =	shalt  }
0x7c: {  	_ =	shalt  }
0x7d: {  	_ =	shalt  }
0x7e: {  	_ =	shalt  }
0x7f: {  	_ =	shalt  }
0x80: {  	_ =	shalt  }
0x81: {  	_ =	shalt  }
0x82: {  	_ =	shalt  }
0x83: {  	_ =	shalt  }
0x84: {  	_ =	shalt  }
0x85: {  	_ =	shalt  }
0x86: {  	_ =	shalt  }
0x87: {  	_ =	shalt  }
.Lfunc_end0:
.L_simem_size_0:
called_computation.2_lowered:
.L_overlay_start_0:
0x88: {  	s2 =	sld [smem:$0x3FD9]  }
0x89: {  	s3 =	sld [smem:$0x3FFE];
	_ =	sdelay $0x1  }
0x8a: {  	s1 =	srdreg.scid  }
0x8b: {  	s0 =	sand.u32 $0x1, s1  }
0x8c: {  	s17 =	sshll.u32 s0, $0xA;
	s2 =	sadd.s32 s3, s2  }
0x8d: {  	s2 =	sadd.s32 s2, s17  }
0x8e: {  	[smem:$0x3FBE] =	sst s2  }
0x8f: {  	_ = 	snop  }
0x90: {  	s2 =	sld [smem:$0x3FC8];
	(tm) =	ssettm $0x1  }
0x91: {  	s18 =	sld [smem:$0x3FFB];
	_ =	sdelay $0x3  }
0x92: {  	_ =	strace s18  }
0x93: {  	s3 =	sld [smem:$0x3FFC];
	_ =	sdelay $0x3  }
0x94: {  	_ =	strace s3  }
0x95: {  	s3 =	sld [smem:$0x3FFD];
	_ =	sdelay $0x3  }
0x96: {  	_ =	strace s3  }
0x97: {  	_ =	strace $0x8FFFFFFF  }
0x98: {  	s19 =	sld [smem:$0x3FDB];
	_ =	sdelay $0x1  }
0x99: {  	s4 =	simm.s32 $_scs_section_size  }
0x9a: {  	s5 =	simm.s32 $_size__tile_overlayer_lowered;
	s6 =	simm.s32 $_tile_overlayer_lowered  }
0x9b: {  	s22 =	simm.s32 $0x1BFF;
	s21 =	sshll.u32 s6, $0x1;
	s3 =	sadd.s32 s4, s19  }
0x9c: {  	s7 =	simm.s32 $0x0;
	s20 =	sshll.u32 s5, $0x1;
	s5 =	sadd.s32 s21, s3  }
0x9d: {  	[timem:s7], [sflag:s22] =	dma.local [hbm:s5], s20  }
0x9e: {  	_ =	swait.ge [sflag:s22], s20  }
0x9f: {  	s4 =	ssub.s32 $0x0, s20;
	[sflag:s22] =	ssyncset.done $0x0  }
0xa0: {  	[sflag:s22] =	ssyncadd.s32 s4;
	_ =	sdelay $0x1  }
0xa1: {  	s23 =	simm.s32 $0x1B8B  }
0xa2: {  	_ =	swait.ge [sflag:s23], $0x1  }
0xa3: {  	[sflag:s23] =	ssyncset.done $0x0  }
0xa4: {  	s25 =	simm.s32 $0x1B8E;
	s24 =	sld [smem:$0x3FFE];
	[sflag:s23] =	ssyncadd.s32 $0xFFFFFFFF  }
0xa5: {  	s26 =	simm.s32 $execute0_lowered;
	[smem:$0x3FD2] =	sst s25  }
0xa6: {  	s5 =	sshll.u32 s26, $0x1;
	_ =	strace $0x8000004C;
	[dreg:$0x1] =	wrdreg $0xFFFFFFFF  }
0xa7: {  	s28 =	simm.s32 $_size_execute0_lowered;
	s3 =	sadd.s32 s3, s5;
	[dreg:$0x0] =	wrdreg $0x0  }
0xa8: {  	s5 =	sshll.u32 s28, $0x1;
	[dreg:$0x2] =	wrdreg s3  }
0xa9: {  	[dreg:$0x3] =	wrdreg s5  }
0xaa: {  	[dreg:$0x4] =	wrdreg $0xC0  }
0xab: {  	_ =	task [dreg:s7], $0x5FFFF  }
0xac: {  	[dreg:$0x1] =	wrdreg $0xFFFFFFFF  }
0xad: {  	[dreg:$0x0] =	wrdreg $0x60  }
0xae: {  	[dreg:$0x2] =	wrdreg s24  }
0xaf: {  	[dreg:$0x3] =	wrdreg s2  }
0xb0: {  	[dreg:$0x4] =	wrdreg $0xC6000  }
0xb1: {  	[dreg:$0x5] =	wrdreg $0x9  }
0xb2: {  	_ =	task.clear_ibuf [dreg:s7], $0x6FFFF;
	_ =	strace $0x9000004C  }
0xb3: {  	s29 =	simm.s32 $0x9;
	_ =	strace $0x8000004E  }
0xb4: {  	_ =	swait.ge [sflag:s29], $0x1  }
0xb5: {  	[sflag:s29] =	ssyncadd.s32 $0xFFFFFFFF  }
0xb6: {  	_ =	strace $0x9000004E  }
0xb7: {  	_ =	sfence  }
0xb8: {  	s30 =	sld [smem:$0x0];
	_ =	sdelay $0x2  }
0xb9: {  	s31 =	sshll.u32 s1, $0xD;
	s1 =	sshrl.u32 s1, $0x2  }
0xba: {  	s3 =	sand.u32 $0x4000, s31;
	s1 =	sadd.s32 s1, s30  }
0xbb: {  	s0 =	sor.u32 s3, s0;
	s1 =	sshll.u32 s1, $0x11  }
0xbc: {  	s0 =	sor.u32 s1, s0  }
0xbd: {  	s0 =	sadd.s32 $0x8F2B, s0  }
0xbe: {  	[sflag:s0] =	ssyncadd.remote.s32 $0x1  }
0xbf: {  	_ =	sfence.sel $0xFFFF  }
0xc0: {  	[dreg:$0x0] =	wrdreg $0xFFFFFFFF;
	(pc) =	sbr.abs _section_cstart, $3  }
0xc1: {  	[dreg:$0x1] =	wrdreg $0xFFFFFFFF  }
0xc2: {  	_ =	task.clear_ibuf [dreg:s7], $0x2FFFF;
	_ =	strace $0x9FFFFFFF  }
0xc3: {  	(tm) =	ssettm $0x7FFFFFFF  }
tec
execute0_lowered:
.L_overlay_start_1:
0x0: {  	(tag) =	ssettag $0x1  }
0x1: {  	s7 =	rddreg [dreg:$0x0]  }
0x2: {  	s0 =	srdreg.scid;
	s8 =	rddreg [dreg:$0x1]  }
0x3: {  	s26 =	stileid.u32;
	s2 =	rddreg [dreg:$0x2];
	s3 =	simm.s32 $0x0  }
0x4: {  	s0 =	sand.u32 $0x1, s0;
	[smem:$0x7FF] =	sst s3;
	s9 =	sadd.s32 $0x7AE00, s7  }
0x5: {  	s10 =	sadd.s32 $0xA2000, s7;
	s14 =	sor.u32 $0x40, s26;
	s15 =	sshll.u32 s26, $0xB  }
0x6: {  	s18 =	smul.u32 $0x9C4, s26;
	s1 =	sshll.u32 s0, $0x4;
	s11 =	ssub.s32 $0x2, s0  }
0x7: {  	p0 =	seq.s32 s0, $0x1;
	s0 =	smul.u32 $0x9C40, s0;
	s1 =	sor.u32 s26, s1  }
0x8: {  	_ =	strace $0x8000004D;
	s16 =	sadd.s32 s9, s15;
	s1 =	smul.u32 $0x9C4, s1  }
0x9: {  	s20 =	sshll.u32 s14, $0xB;
	p2 =	slt.u32 s14, $0x4E;
	s12 =	sshrl.u32 s11, $0x1  }
0xa: {  	s11 =	ssub.s32 s11, s12;
	s12 =	sor.u32 $0x20, s26;
	s4 =	sadd.s32 $0x9C4, s1  }
0xb: {  	s30 =	sshll.u32 s12, $0xB;
	s5 =	sshrl.u32 s1, $0x5;
	s4 =	sshrl.u32 s4, $0x5  }
0xc: {  	[dreg:$0xb] =	wrdreg s16;
	s19 =	sadd.s32 s9, s30;
	s4 =	ssub.s32 s4, s5  }
0xd: {  	s0 =	sadd.s32 s18, s0;
	[dreg:$0xd] =	wrdreg s19;
	s6 =	sadd.s32 $0x2, s4  }
0xe: {  	s0 =	sand.u32 $0x1FFE0, s0;
	s21 =	sadd.s32 $0xFFFFFFFF, s4;
	[dreg:$0x4] =	wrdreg s6  }
0xf: {  	s1 =	sand.u32 $0x1FFE0, s1;
	s22 =	sadd.s32 $0xFFFFFFFE, s4;
	[dreg:$0x5] =	wrdreg s21  }
0x10: {  	s18 =	sadd.s32 s0, s8;
	s23 =	sadd.s32 $0xFFFFFFFD, s4;
	[dreg:$0x6] =	wrdreg s22  }
0x11: {  	s5 =	sadd.s32 $0x53C00, s7;
	s24 =	sadd.s32 $0xFFFFFFFC, s4;
	[dreg:$0x7] =	wrdreg s23  }
0x12: {  	s25 =	sadd.s32 $0xFFFFFFFB, s4;
	s13 =	sadd.s32 $0xFFFFFFFA, s4;
	[dreg:$0x8] =	wrdreg s24  }
0x13: {  	p3 =	slt.u32 s4, $0x3;
	p4 =	slt.s32 s4, $0x1;
	[dreg:$0x9] =	wrdreg s25  }
0x14: {  	s6 =	sadd.s32 s8, s1;
	[dreg:$0xa] =	wrdreg s13;
	s1 =	simm.s32 @!p0 $0x0  }
0x15: {  	s13 =	sor.u32 $0x30, s26;
	s22 =	sadd.s32 s10, s15;
	s24 =	sadd.s32 s10, s30  }
0x16: {  	s30 =	sadd.s32 $0xA1E00, s7;
	s7 =	sadd.s32 $0xC9000, s7;
	[dreg:$0x10] =	wrdreg s22  }
0x17: {  	s8 =	smax.u32 s11, $0x1;
	p5 =	seq.s32 @!p3 s4, $0x3;
	[dreg:$0x12] =	wrdreg s24  }
0x18: {  	p1 =	seq.s32 @!p4 s4, $0x1;
	s0 =	simm.s32 @!p3 $0x0;
	[dreg:$0x15] =	wrdreg s30  }
0x19: {  	s1 =	simm.s32 @p0 $0x1;
	s31 =	sshll.u32 s13, $0xB;
	[dreg:$0x16] =	wrdreg s7  }
0x1a: {  	[dreg:$0x17] =	wrdreg s8;
	s11 =	sshll.u32 s13, $0xE;
	p0 =	sne.s32 @!p2 s26, $0xE  }
0x1b: {  	s0 =	simm.s32 @p3 $0x1;
	p3 =	por p5, p3;
	[smem:$0x7F3] =	sst s1  }
0x1c: {  	s28 =	sadd.s32 $0x10, s6;
	s13 =	sadd.s32 $0x20, s6;
	[smem:$0x7F4] =	sst s0  }
0x1d: {  	s15 =	sadd.s32 $0x40, s6;
	s16 =	sadd.s32 $0x50, s6;
	[dreg:$0x18] =	wrdreg s13  }
0x1e: {  	s19 =	sadd.s32 $0x70, s6;
	s30 =	sadd.s32 $0xA0, s6;
	[dreg:$0x1a] =	wrdreg s15  }
0x1f: {  	s1 =	sor.u32 $0x10, s26;
	s21 =	sadd.s32 s9, s31;
	[dreg:$0x1b] =	wrdreg s16  }
0x20: {  	s25 =	sadd.s32 s10, s31;
	s31 =	sshll.u32 s26, $0xE;
	[dreg:$0x1d] =	wrdreg s19  }
0x21: {  	s24 =	sadd.s32 s11, s2;
	s0 =	simm.s32 @!p5 $0x0;
	[smem:$0x7FA] =	sst s30  }
0x22: {  	s26 =	sadd.s32 $0x138000, s2;
	s13 =	simm.s32 $0xE;
	[dreg:$0xe] =	wrdreg s21  }
0x23: {  	s16 =	simm.s32 $0x0;
	s29 =	sshll.u32 s1, $0xB;
	[dreg:$0x13] =	wrdreg s25  }
0x24: {  	s21 =	sadd.s32 s31, s2;
	s0 =	simm.s32 @p5 $0x1;
	p5 =	por p0, p2  }
0x25: {  	p0 =	por p4, p1;
	s31 =	sadd.s32 $0xB0, s6;
	[smem:$0x7F5] =	sst s0  }
0x26: {  	s17 =	sadd.s32 s9, s29;
	s9 =	sadd.s32 s9, s20;
	[smem:$0x7FB] =	sst s31  }
0x27: {  	s23 =	sadd.s32 s10, s29;
	s29 =	sadd.s32 s10, s20;
	[dreg:$0xc] =	wrdreg s17  }
0x28: {  	s10 =	sshll.u32 s12, $0xE;
	s0 =	simm.s32 @!p4 $0x0;
	[dreg:$0xf] =	wrdreg s9  }
0x29: {  	s12 =	sshll.u32 s14, $0xE;
	[dreg:$0x11] =	wrdreg s23;
	s0 =	simm.s32 @p4 $0x1  }
0x2a: {  	s14 =	sadd.s32 $0x30, s6;
	[smem:$0x7F6] =	sst s0;
	s0 =	simm.s32 @!p0 $0x0  }
0x2b: {  	s20 =	sadd.s32 $0x80, s6;
	[dreg:$0x14] =	wrdreg s29;
	s0 =	simm.s32 @p0 $0x1  }
0x2c: {  	s9 =	sshll.u32 s1, $0xE;
	[smem:$0x7F7] =	sst s0;
	s0 =	simm.s32 @!p3 $0x0  }
0x2d: {  	[dreg:$0x19] =	wrdreg s14;
	p0 =	slt.u32 @!p3 s4, $0x5;
	s0 =	simm.s32 @p3 $0x1  }
0x2e: {  	s23 =	sadd.s32 s10, s2;
	[smem:$0x7F8] =	sst s0;
	s0 =	simm.s32 @!p0 $0x0  }
0x2f: {  	s17 =	sadd.s32 $0x60, s6;
	[dreg:$0x1e] =	wrdreg s20;
	s0 =	simm.s32 @p0 $0x1  }
.Ltmp0:
0x30: {  	[smem:$0x7F9] =	sst s0;
	s0 =	simm.s32 @!p2 $0x0;
	(pc) =	sbr.rel .LBB2_1-.Ltmp0, $4  }
0x31: {  	s25 =	sadd.s32 s12, s2;
	[dreg:$0x1c] =	wrdreg s17;
	s0 =	simm.s32 @p2 $0x1  }
0x32: {  	s29 =	sadd.s32 $0x90, s6;
	[smem:$0x7FC] =	sst s0;
	s0 =	simm.s32 @!p5 $0x0  }
0x33: {  	s12 =	simm.s32 $0x600;
	[dreg:$0x1f] =	wrdreg s29;
	s0 =	simm.s32 @p5 $0x1  }
0x34: {  	v0 =	vimm.f32 $0.0e+00;
	s14 =	simm.s32 $0x1;
	s22 =	sadd.s32 s9, s2;
	[smem:$0x7FD] =	sst s0  }
.LBB2_9:
0x35: {  	[tilespmem:s12], [sflag:$0xE] =	stream.linear.gather [spmem:s21], $0x4000, $0x38;
	[tilespmem:$0x1FE80] =	vst v63  }
0x36: {  	_ =	swait.ge [sflag:s13], $0x4000  }
0x37: {  	[sflag:s13] =	ssyncset.done $0x0  }
0x38: {  	s0 =	rddreg [dreg:$0x10];
	[sflag:s13] =	ssyncadd.s32 $0xFFFFC000  }
0x39: {  	[hbm4b:s0+s3] =	stream.linear.scatter [tilespmem:s12], [sflag:$0xE], $0x4000, $0x38;
	[tilespmem:$0x1FE80] =	vst v63  }
0x3a: {  	_ =	swait.ge [sflag:s13], $0x4000  }
0x3b: {  	[sflag:s13] =	ssyncset.done $0x0  }
0x3c: {  	[sflag:s13] =	ssyncadd.s32 $0xFFFFC000  }
0x3d: {  	[tilespmem:s12], [sflag:$0xE] =	stream.linear.gather [spmem:s22], $0x4000, $0x38;
	[tilespmem:$0x1FE80] =	vst v63  }
0x3e: {  	_ =	swait.ge [sflag:s13], $0x4000  }
0x3f: {  	[sflag:s13] =	ssyncset.done $0x0  }
0x40: {  	s20 =	rddreg [dreg:$0x11];
	[sflag:s13] =	ssyncadd.s32 $0xFFFFC000  }
0x41: {  	[hbm4b:s20+s3] =	stream.linear.scatter [tilespmem:s12], [sflag:$0xE], $0x4000, $0x38;
	[tilespmem:$0x1FE80] =	vst v63  }
0x42: {  	_ =	swait.ge [sflag:s13], $0x4000  }
0x43: {  	[sflag:s13] =	ssyncset.done $0x0  }
0x44: {  	[sflag:s13] =	ssyncadd.s32 $0xFFFFC000  }
0x45: {  	[tilespmem:s12], [sflag:$0xE] =	stream.linear.gather [spmem:s23], $0x4000, $0x38;
	[tilespmem:$0x1FE80] =	vst v63  }
0x46: {  	_ =	swait.ge [sflag:s13], $0x4000  }
0x47: {  	[sflag:s13] =	ssyncset.done $0x0  }
0x48: {  	s29 =	rddreg [dreg:$0x12];
	[sflag:s13] =	ssyncadd.s32 $0xFFFFC000  }
0x49: {  	[hbm4b:s29+s3] =	stream.linear.scatter [tilespmem:s12], [sflag:$0xE], $0x4000, $0x38;
	[tilespmem:$0x1FE80] =	vst v63  }
0x4a: {  	_ =	swait.ge [sflag:s13], $0x4000  }
0x4b: {  	[sflag:s13] =	ssyncset.done $0x0  }
0x4c: {  	[sflag:s13] =	ssyncadd.s32 $0xFFFFC000  }
0x4d: {  	[tilespmem:s12], [sflag:$0xE] =	stream.linear.gather [spmem:s24], $0x4000, $0x38;
	[tilespmem:$0x1FE80] =	vst v63  }
0x4e: {  	_ =	swait.ge [sflag:s13], $0x4000  }
0x4f: {  	[sflag:s13] =	ssyncset.done $0x0  }
0x50: {  	s30 =	rddreg [dreg:$0x13];
	[sflag:s13] =	ssyncadd.s32 $0xFFFFC000  }
0x51: {  	[hbm4b:s30+s3] =	stream.linear.scatter [tilespmem:s12], [sflag:$0xE], $0x4000, $0x38;
	[tilespmem:$0x1FE80] =	vst v63  }
0x52: {  	_ =	swait.ge [sflag:s13], $0x4000  }
0x53: {  	[sflag:s13] =	ssyncset.done $0x0  }
0x54: {  	s1 =	simm.s32 @p2 $0xE;
	s0 =	simm.s32 @p2 $0x600;
	[sflag:s13] =	ssyncadd.s32 $0xFFFFC000  }
0x55: {  	[tilespmem:s0], [sflag:$0xE] =	stream.linear.gather @p2 [spmem:s25], $0x4000, $0x38;
	[tilespmem:$0x1FE80] =	vst v63  }
0x56: {  	_ =	swait.ge @p2 [sflag:s1], $0x4000  }
0x57: {  	[sflag:s1] =	ssyncset.done @p2 $0x0  }
0x58: {  	s7 =	simm.s32 @p2 $0x0;
	s8 =	rddreg [dreg:$0x14];
	[sflag:s1] =	ssyncadd.s32 @p2 $0xFFFFC000  }
0x59: {  	[hbm4b:s8+s7] =	stream.linear.scatter @p2 [tilespmem:s0], [sflag:$0xE], $0x4000, $0x38;
	[tilespmem:$0x1FE80] =	vst v63  }
0x5a: {  	_ =	swait.ge @p2 [sflag:s1], $0x4000  }
0x5b: {  	s31 =	sld [smem:$0x7FD];
	_ =	sdelay $0x2  }
0x5c: {  	[sflag:s1] =	ssyncset.done @p2 $0x0;
	p5 =	seq.s32 s31, $0x1  }
0x5d: {  	[sflag:s1] =	ssyncadd.s32 @p2 $0xFFFFC000;
	s0 =	simm.s32 @!p5 $0x4600;
	s1 =	simm.s32 @!p5 $0xE  }
0x5e: {  	[tilespmem:s0], [sflag:$0xE] =	stream.linear.gather @!p5 [spmem:s26], $0x800, $0x38;
	[tilespmem:$0x1FE80] =	vst v63  }
0x5f: {  	_ =	swait.ge @!p5 [sflag:s1], $0x800  }
0x60: {  	[sflag:s1] =	ssyncset.done @!p5 $0x0  }
0x61: {  	s7 =	rddreg [dreg:$0x16];
	[sflag:s1] =	ssyncadd.s32 @!p5 $0xFFFFF800;
	s1 =	simm.s32 @!p5 $0x0  }
0x62: {  	[hbm4b:s7+s1] =	stream.linear.scatter @!p5 [tilespmem:s0], [sflag:$0xD], $0x800, $0x38;
	[tilespmem:$0x1FE80] =	vst v63  }
0x63: {  	s0 =	simm.s32 @!p5 $0xD  }
0x64: {  	_ =	swait.ge @!p5 [sflag:s0], $0x800  }
0x65: {  	[sflag:s0] =	ssyncset.done @!p5 $0x0  }
0x66: {  	[sflag:s0] =	ssyncadd.s32 @!p5 $0xFFFFF800  }
.LBB2_10:
0x67: {  	s16 =	sadd.s32 $0x1, s16;
	s0 =	rddreg [dreg:$0x17]  }
0x68: {  	p0 =	sne.s32 s16, s0  }
.Ltmp1:
0x69: {  	_ = 	snop;
	(pc) =	sbr.rel @!p0 .LBB2_11-.Ltmp1, $1  }
0x6a: {  	_ =	sdelay $0x3  }
.LBB2_1:
0x6b: {  	s0 =	simm.s32 $0x0;
	s1 =	simm.s32 $0x200  }
.LBB2_2:
0x6c: {  	p0 =	sne.s32 s1, $0xFE00;
	[tilespmem:s0+$0x670] =	vst v0  }
0x6d: {  	[tilespmem:s0+$0x600] =	vst v0  }
0x6e: {  	[tilespmem:s0+$0x610] =	vst v0  }
.Ltmp2:
0x6f: {  	[tilespmem:s0+$0x620] =	vst v0;
	(pc) =	sbr.rel @p0 .LBB2_2-.Ltmp2, $4  }
0x70: {  	[tilespmem:s0+$0x630] =	vst v0  }
0x71: {  	[tilespmem:s0+$0x640] =	vst v0  }
0x72: {  	[tilespmem:s0+$0x650] =	vst v0  }
0x73: {  	[tilespmem:s0+$0x660] =	vst v0;
	s0 =	sshra.s32 s1, $0x2;
	s1 =	sadd.s32 $0x200, s1  }
0x74: {  	[tilespmem:s0+$0x670] =	vst v0  }
0x75: {  	[tilespmem:s0+$0x600] =	vst v0  }
0x76: {  	[tilespmem:s0+$0x610] =	vst v0  }
0x77: {  	[tilespmem:s0+$0x620] =	vst v0  }
0x78: {  	[tilespmem:s0+$0x630] =	vst v0  }
0x79: {  	[tilespmem:s0+$0x640] =	vst v0  }
0x7a: {  	[tilespmem:s0+$0x650] =	vst v0  }
0x7b: {  	[tilespmem:s0+$0x660] =	vst v0  }
0x7c: {  	[spmem:s21] =	stream.linear.scatter [tilespmem:s12], [sflag:$0xE], $0x4000, $0x38;
	[tilespmem:$0x1FE80] =	vst v63  }
0x7d: {  	_ =	swait.ge [sflag:s13], $0x4000  }
0x7e: {  	[sflag:s13] =	ssyncset.done $0x0  }
0x7f: {  	[sflag:s13] =	ssyncadd.s32 $0xFFFFC000  }
0x80: {  	[spmem:s22] =	stream.linear.scatter [tilespmem:s12], [sflag:$0xE], $0x4000, $0x38;
	[tilespmem:$0x1FE80] =	vst v63  }
0x81: {  	_ =	swait.ge [sflag:s13], $0x4000  }
0x82: {  	[sflag:s13] =	ssyncset.done $0x0  }
0x83: {  	[sflag:s13] =	ssyncadd.s32 $0xFFFFC000  }
0x84: {  	[spmem:s23] =	stream.linear.scatter [tilespmem:s12], [sflag:$0xE], $0x4000, $0x38;
	[tilespmem:$0x1FE80] =	vst v63  }
0x85: {  	_ =	swait.ge [sflag:s13], $0x4000  }
0x86: {  	[sflag:s13] =	ssyncset.done $0x0  }
0x87: {  	[sflag:s13] =	ssyncadd.s32 $0xFFFFC000  }
0x88: {  	[spmem:s24] =	stream.linear.scatter [tilespmem:s12], [sflag:$0xE], $0x4000, $0x38;
	[tilespmem:$0x1FE80] =	vst v63  }
0x89: {  	_ =	swait.ge [sflag:s13], $0x4000  }
0x8a: {  	[sflag:s13] =	ssyncset.done $0x0  }
0x8b: {  	s0 =	simm.s32 @p2 $0x600;
	[sflag:s13] =	ssyncadd.s32 $0xFFFFC000  }
0x8c: {  	[spmem:s25] =	stream.linear.scatter @p2 [tilespmem:s0], [sflag:$0xE], $0x4000, $0x38;
	[tilespmem:$0x1FE80] =	vst v63  }
0x8d: {  	s0 =	simm.s32 @p2 $0xE  }
0x8e: {  	_ =	swait.ge @p2 [sflag:s0], $0x4000  }
0x8f: {  	[sflag:s0] =	ssyncset.done @p2 $0x0  }
0x90: {  	[sflag:s0] =	ssyncadd.s32 @p2 $0xFFFFC000;
	s0 =	simm.s32 @!p5 $0x600  }
0x91: {  	[spmem:s26] =	stream.linear.scatter @!p5 [tilespmem:s0], [sflag:$0xD], $0x800, $0x38;
	[tilespmem:$0x1FE80] =	vst v63  }
0x92: {  	s0 =	simm.s32 @!p5 $0xD  }
0x93: {  	_ =	swait.ge @!p5 [sflag:s0], $0x800  }
0x94: {  	s30 =	sld [smem:$0x7F6];
	_ =	sdelay $0x2  }
0x95: {  	[sflag:s0] =	ssyncset.done @!p5 $0x0;
	p0 =	seq.s32 s30, $0x1  }
0x96: {  	s31 =	sld [smem:$0x7F7];
	[sflag:s0] =	ssyncadd.s32 @!p5 $0xFFFFF800;
	s0 =	simm.s32 @!p0 $0x0  }
0x97: {  	[tilespmem:s0], [sflag:$0x1] =	stream.linear.gather @!p0 [hbm4b:s6+s0], $0x80, $0x38;
	[tilespmem:$0x1FE80] =	vst v63  }
0x98: {  	s1 =	simm.s32 @!p0 $0x300  }
0x99: {  	[tilespmem:s1], [sflag:$0x1] =	stream.linear.gather @!p0 [hbm4b:s28+s0], $0x80, $0x38;
	[tilespmem:$0x1FE80] =	vst v63  }
0x9a: {  	p0 =	seq.s32 s31, $0x1  }
.Ltmp3:
0x9b: {  	_ = 	snop;
	(pc) =	sbr.rel @p0 .LBB2_5-.Ltmp3, $1  }
0x9c: {  	_ =	sdelay $0x3  }
0x9d: {  	s0 =	rddreg [dreg:$0x18]  }
0x9e: {  	s17 =	rddreg [dreg:$0x19]  }
0x9f: {  	s20 =	sld [smem:$0x7F4]  }
0xa0: {  	s7 =	rddreg [dreg:$0x1a]  }
0xa1: {  	s29 =	sld [smem:$0x7F8]  }
0xa2: {  	s1 =	simm.s32 $0x80;
	s30 =	sld [smem:$0x7F5]  }
0xa3: {  	[tilespmem:s1], [sflag:$0x2] =	stream.linear.gather [hbm4b:s0+s3], $0x80, $0x38;
	[tilespmem:$0x1FE80] =	vst v63  }
0xa4: {  	s19 =	simm.s32 $0x380;
	s31 =	sld [smem:$0x7F9]  }
0xa5: {  	[tilespmem:s19], [sflag:$0x2] =	stream.linear.gather [hbm4b:s17+s3], $0x80, $0x38;
	[tilespmem:$0x1FE80] =	vst v63  }
0xa6: {  	p2 =	seq.s32 s20, $0x1;
	p4 =	seq.s32 s29, $0x1;
	p3 =	seq.s32 s30, $0x1  }
0xa7: {  	p5 =	seq.s32 s31, $0x1;
	s0 =	simm.s32 @!p2 $0x0;
	s1 =	simm.s32 @!p2 $0x100  }
0xa8: {  	[tilespmem:s1], [sflag:$0x3] =	stream.linear.gather @!p2 [hbm4b:s7+s0], $0x80, $0x38;
	[tilespmem:$0x1FE80] =	vst v63  }
0xa9: {  	p0 =	por @!p2 p5, p3;
	s1 =	simm.s32 @!p2 $0x400;
	s7 =	rddreg [dreg:$0x1b]  }
0xaa: {  	[tilespmem:s1], [sflag:$0x3] =	stream.linear.gather @!p2 [hbm4b:s7+s0], $0x80, $0x38;
	[tilespmem:$0x1FE80] =	vst v63  }
0xab: {  	s0 =	simm.s32 @!p4 $0x0;
	s1 =	simm.s32 @!p4 $0x180;
	s7 =	rddreg [dreg:$0x1c]  }
0xac: {  	[tilespmem:s1], [sflag:$0x4] =	stream.linear.gather @!p4 [hbm4b:s7+s0], $0x80, $0x38;
	[tilespmem:$0x1FE80] =	vst v63  }
0xad: {  	p0 =	por p0, p2;
	s1 =	simm.s32 @!p4 $0x480;
	s7 =	rddreg [dreg:$0x1d]  }
0xae: {  	[tilespmem:s1], [sflag:$0x4] =	stream.linear.gather @!p4 [hbm4b:s7+s0], $0x80, $0x38;
	[tilespmem:$0x1FE80] =	vst v63  }
0xaf: {  	s0 =	simm.s32 @!p0 $0x0;
	s1 =	simm.s32 @!p0 $0x200;
	s7 =	rddreg [dreg:$0x1e]  }
0xb0: {  	[tilespmem:s1], [sflag:$0x5] =	stream.linear.gather @!p0 [hbm4b:s7+s0], $0x80, $0x38;
	[tilespmem:$0x1FE80] =	vst v63  }
0xb1: {  	p1 =	seq.s32 @!p0 s4, $0x5;
	s1 =	simm.s32 @!p0 $0x500;
	s7 =	rddreg [dreg:$0x1f]  }
0xb2: {  	[tilespmem:s1], [sflag:$0x5] =	stream.linear.gather @!p0 [hbm4b:s7+s0], $0x80, $0x38;
	[tilespmem:$0x1FE80] =	vst v63  }
0xb3: {  	p0 =	por @!p4 p1, p5  }
0xb4: {  	s7 =	sld [smem:$0x7FA];
	p0 =	por @!p2 p0, p3  }
0xb5: {  	p0 =	por p0, p2  }
0xb6: {  	s0 =	simm.s32 @!p0 $0x0;
	s1 =	simm.s32 @!p0 $0x280  }
0xb7: {  	[tilespmem:s1], [sflag:$0x6] =	stream.linear.gather @!p0 [hbm4b:s7+s0], $0x80, $0x38;
	[tilespmem:$0x1FE80] =	vst v63  }
0xb8: {  	s7 =	sld [smem:$0x7FB];
	_ =	sdelay $0x1  }
0xb9: {  	s1 =	simm.s32 @!p0 $0x580  }
0xba: {  	[tilespmem:s1], [sflag:$0x6] =	stream.linear.gather @!p0 [hbm4b:s7+s0], $0x80, $0x38;
	[tilespmem:$0x1FE80] =	vst v63  }
.LBB2_5:
0xbb: {  	[bflag:$0x0] =	sbarrier.arrive $0xFFFF  }
0xbc: {  	_ =	swait.ge [sflag:s14], $0x80  }
0xbd: {  	[sflag:s14] =	ssyncset.done $0x0  }
0xbe: {  	[sflag:s14] =	ssyncadd.s32 $0xFFFFFF80  }
0xbf: {  	p0 =	por $0x0, $0x0;
	p1 =	sge.s32 s4, $0x0;
	_ =	swait.ge [sflag:s14], $0x80  }
0xc0: {  	s0 =	simm.s32 $0x0;
	p0 =	por !p0, !p1;
	[sflag:s14] =	ssyncset.done $0x0  }
0xc1: {  	s1 =	simm.s32 $0x80;
	p1 =	por !p0, !p0;
	[sflag:s14] =	ssyncadd.s32 $0xFFFFFF80  }
0xc2: {  	[tilespmem:s12], [sflag:$0x7] =	stream.indirect.gather [hbm4b:s5+s1], $0x80, s0, s1, $0xb8;
	[tilespmem:$0x1FE80] =	vst v63  }
0xc3: {  	s0 =	simm.s32 @p1 $0x9  }
0xc4: {  	p2 =	por $0x1, $0x1;
	p0 =	sle.u32 @p1 s4, $0x5;
	_ =	swait.ge @p1 [sflag:s0], $0x4000  }
0xc5: {  	s7 =	simm.s32 @p1 $0x80;
	s17 =	simm.s32 @p1 $0x580;
	[sflag:s0] =	ssyncset.done @p1 $0x0  }
0xc6: {  	p0 =	por p0, !p1;
	s1 =	simm.s32 @p1 $0x8600;
	[sflag:s0] =	ssyncadd.s32 @p1 $0xFFFFC000  }
0xc7: {  	[spmem:s2] =	stream.indirect.scatter.add.f32 @p1 [tilespmem:s1], [sflag:$0xC], $0x80, s17, s7, $0xb8;
	[tilespmem:$0x1FE80] =	vst v63  }
0xc8: {  	s0 =	rddreg [dreg:$0x4];
	s1 =	sadd.s32 @!p0 $0x0, s18;
	s7 =	simm.s32 @!p0 $0x0  }
0xc9: {  	s17 =	simm.s32 @!p0 $0x280;
	p3 =	sle.s32 @!p2 s0, $0x0;
	s19 =	sadd.s32 @!p0 $0xA0, s1  }
0xca: {  	[tilespmem:s17], [sflag:$0x6] =	stream.linear.gather @!p0 [hbm4b:s19+s7], $0x80, $0x38;
	[tilespmem:$0x1FE80] =	vst v63  }
0xcb: {  	s0 =	sadd.s32 @!p0 $0xB0, s1;
	s1 =	simm.s32 @!p0 $0x580;
	p2 =	por p3, p2  }
0xcc: {  	[tilespmem:s1], [sflag:$0x6] =	stream.linear.gather @!p0 [hbm4b:s0+s7], $0x80, $0x38;
	[tilespmem:$0x1FE80] =	vst v63  }
0xcd: {  	s0 =	simm.s32 @!p2 $0xB  }
0xce: {  	_ =	swait.ge @!p2 [sflag:s0], $0x4000  }
0xcf: {  	s10 =	rddreg [dreg:$0x5]  }
0xd0: {  	[sflag:s0] =	ssyncset.done @!p2 $0x0;
	p0 =	sle.s32 s10, $0x0  }
0xd1: {  	[sflag:s0] =	ssyncadd.s32 @!p2 $0xFFFFC000;
	s0 =	simm.s32 @!p0 $0x2  }
0xd2: {  	_ =	swait.ge @!p0 [sflag:s0], $0x80  }
0xd3: {  	[sflag:s0] =	ssyncset.done @!p0 $0x0  }
0xd4: {  	[sflag:s0] =	ssyncadd.s32 @!p0 $0xFFFFFF80  }
0xd5: {  	_ =	swait.ge @!p0 [sflag:s0], $0x80  }
0xd6: {  	p2 =	sle.s32 s4, $0x0;
	s1 =	simm.s32 @!p0 $0x4600;
	[sflag:s0] =	ssyncset.done @!p0 $0x0  }
0xd7: {  	s7 =	simm.s32 @!p0 $0x80;
	[sflag:s0] =	ssyncadd.s32 @!p0 $0xFFFFFF80;
	s0 =	simm.s32 @!p2 $0x7  }
0xd8: {  	[tilespmem:s1], [sflag:$0x8] =	stream.indirect.gather @!p0 [hbm4b:s5+s7], $0x80, s7, s7, $0xb8;
	[tilespmem:$0x1FE80] =	vst v63  }
0xd9: {  	s17 =	simm.s32 @!p2 $0x600;
	p3 =	sle.s32 @!p2 s4, $0x6;
	_ =	swait.ge @!p2 [sflag:s0], $0x4000  }
0xda: {  	s19 =	simm.s32 @!p2 $0x300;
	p3 =	por p3, p2;
	[sflag:s0] =	ssyncset.done @!p2 $0x0  }
0xdb: {  	s29 =	simm.s32 @!p2 $0x80;
	[sflag:s0] =	ssyncadd.s32 @!p2 $0xFFFFC000;
	s0 =	sadd.s32 @!p3 $0x0, s18  }
0xdc: {  	[spmem:s2] =	stream.indirect.scatter.add.f32 @!p2 [tilespmem:s17], [sflag:$0xA], $0x80, s19, s29, $0xb8;
	[tilespmem:$0x1FE80] =	vst v63  }
0xdd: {  	s17 =	simm.s32 @!p3 $0x0;
	s19 =	sadd.s32 @!p3 $0xC0, s0  }
0xde: {  	[tilespmem:s17], [sflag:$0x1] =	stream.linear.gather @!p3 [hbm4b:s19+s17], $0x80, $0x38;
	[tilespmem:$0x1FE80] =	vst v63  }
0xdf: {  	s0 =	sadd.s32 @!p3 $0xD0, s0;
	s29 =	simm.s32 @p1 $0xC;
	s19 =	simm.s32 @!p3 $0x300  }
0xe0: {  	[tilespmem:s19], [sflag:$0x1] =	stream.linear.gather @!p3 [hbm4b:s0+s17], $0x80, $0x38;
	[tilespmem:$0x1FE80] =	vst v63  }
0xe1: {  	_ =	swait.ge @p1 [sflag:s29], $0x4000  }
0xe2: {  	s11 =	rddreg [dreg:$0x6]  }
0xe3: {  	[sflag:s29] =	ssyncset.done @p1 $0x0;
	p4 =	sle.s32 s11, $0x0  }
0xe4: {  	[sflag:s29] =	ssyncadd.s32 @p1 $0xFFFFC000;
	s0 =	simm.s32 @!p4 $0x3  }
0xe5: {  	_ =	swait.ge @!p4 [sflag:s0], $0x80  }
0xe6: {  	[sflag:s0] =	ssyncset.done @!p4 $0x0  }
0xe7: {  	[sflag:s0] =	ssyncadd.s32 @!p4 $0xFFFFFF80  }
0xe8: {  	_ =	swait.ge @!p4 [sflag:s0], $0x80  }
0xe9: {  	s17 =	simm.s32 @!p4 $0x8600;
	s19 =	simm.s32 @!p4 $0x80;
	[sflag:s0] =	ssyncset.done @!p4 $0x0  }
0xea: {  	s29 =	simm.s32 @!p4 $0x100;
	[sflag:s0] =	ssyncadd.s32 @!p4 $0xFFFFFF80;
	s0 =	simm.s32 @!p0 $0x8  }
0xeb: {  	[tilespmem:s17], [sflag:$0x9] =	stream.indirect.gather @!p4 [hbm4b:s5+s19], $0x80, s29, s19, $0xb8;
	[tilespmem:$0x1FE80] =	vst v63  }
0xec: {  	p1 =	sle.s32 @!p0 s4, $0x7;
	_ =	swait.ge @!p0 [sflag:s0], $0x4000  }
0xed: {  	p1 =	por p1, p0;
	[sflag:s0] =	ssyncset.done @!p0 $0x0  }
0xee: {  	s29 =	simm.s32 @!p0 $0x380;
	[sflag:s0] =	ssyncadd.s32 @!p0 $0xFFFFC000;
	s0 =	sadd.s32 @!p1 $0x0, s18  }
0xef: {  	[spmem:s2] =	stream.indirect.scatter.add.f32 @!p0 [tilespmem:s1], [sflag:$0xB], $0x80, s29, s7, $0xb8;
	[tilespmem:$0x1FE80] =	vst v63  }
0xf0: {  	s1 =	sadd.s32 @!p1 $0xE0, s0;
	s7 =	simm.s32 @!p1 $0x0;
	s29 =	simm.s32 @!p1 $0x80  }
0xf1: {  	[tilespmem:s29], [sflag:$0x2] =	stream.linear.gather @!p1 [hbm4b:s1+s7], $0x80, $0x38;
	[tilespmem:$0x1FE80] =	vst v63  }
0xf2: {  	s0 =	sadd.s32 @!p1 $0xF0, s0;
	s1 =	simm.s32 @!p1 $0x380;
	s29 =	simm.s32 @!p2 $0xA  }
0xf3: {  	[tilespmem:s1], [sflag:$0x2] =	stream.linear.gather @!p1 [hbm4b:s0+s7], $0x80, $0x38;
	[tilespmem:$0x1FE80] =	vst v63  }
0xf4: {  	_ =	swait.ge @!p2 [sflag:s29], $0x4000  }
0xf5: {  	s15 =	rddreg [dreg:$0x7]  }
0xf6: {  	[sflag:s29] =	ssyncset.done @!p2 $0x0;
	p3 =	sle.s32 s15, $0x0  }
0xf7: {  	[sflag:s29] =	ssyncadd.s32 @!p2 $0xFFFFC000;
	s0 =	simm.s32 @!p3 $0x4  }
0xf8: {  	_ =	swait.ge @!p3 [sflag:s0], $0x80  }
0xf9: {  	[sflag:s0] =	ssyncset.done @!p3 $0x0  }
0xfa: {  	[sflag:s0] =	ssyncadd.s32 @!p3 $0xFFFFFF80  }
0xfb: {  	_ =	swait.ge @!p3 [sflag:s0], $0x80  }
0xfc: {  	s30 =	simm.s32 @!p4 $0x9;
	s1 =	simm.s32 @!p3 $0x180;
	[sflag:s0] =	ssyncset.done @!p3 $0x0  }
0xfd: {  	s7 =	simm.s32 @!p3 $0x600;
	s29 =	simm.s32 @!p3 $0x80;
	[sflag:s0] =	ssyncadd.s32 @!p3 $0xFFFFFF80  }
0xfe: {  	[tilespmem:s7], [sflag:$0x7] =	stream.indirect.gather @!p3 [hbm4b:s5+s29], $0x80, s1, s29, $0xb8;
	[tilespmem:$0x1FE80] =	vst v63  }
0xff: {  	p1 =	sle.s32 @!p4 s4, $0x8;
	_ =	swait.ge @!p4 [sflag:s30], $0x4000  }
0x100: {  	p1 =	por p1, p4;
	[sflag:s30] =	ssyncset.done @!p4 $0x0  }
0x101: {  	s0 =	simm.s32 @!p4 $0x400;
	s1 =	sadd.s32 @!p1 $0x0, s18;
	[sflag:s30] =	ssyncadd.s32 @!p4 $0xFFFFC000  }
0x102: {  	[spmem:s2] =	stream.indirect.scatter.add.f32 @!p4 [tilespmem:s17], [sflag:$0xC], $0x80, s0, s19, $0xb8;
	[tilespmem:$0x1FE80] =	vst v63  }
0x103: {  	s0 =	sadd.s32 @!p1 $0x100, s1;
	s17 =	simm.s32 @!p1 $0x100;
	s19 =	simm.s32 @!p1 $0x0  }
0x104: {  	[tilespmem:s17], [sflag:$0x3] =	stream.linear.gather @!p1 [hbm4b:s0+s19], $0x80, $0x38;
	[tilespmem:$0x1FE80] =	vst v63  }
0x105: {  	s1 =	sadd.s32 @!p1 $0x110, s1;
	s0 =	simm.s32 @!p1 $0x400;
	s17 =	simm.s32 @!p0 $0xB  }
0x106: {  	[tilespmem:s0], [sflag:$0x3] =	stream.linear.gather @!p1 [hbm4b:s1+s19], $0x80, $0x38;
	[tilespmem:$0x1FE80] =	vst v63  }
0x107: {  	_ =	swait.ge @!p0 [sflag:s17], $0x4000  }
0x108: {  	s20 =	rddreg [dreg:$0x8]  }
0x109: {  	[sflag:s17] =	ssyncset.done @!p0 $0x0;
	p1 =	sle.s32 s20, $0x0  }
0x10a: {  	[sflag:s17] =	ssyncadd.s32 @!p0 $0xFFFFC000;
	s0 =	simm.s32 @!p1 $0x5  }
0x10b: {  	_ =	swait.ge @!p1 [sflag:s0], $0x80  }
0x10c: {  	[sflag:s0] =	ssyncset.done @!p1 $0x0  }
0x10d: {  	[sflag:s0] =	ssyncadd.s32 @!p1 $0xFFFFFF80  }
0x10e: {  	_ =	swait.ge @!p1 [sflag:s0], $0x80  }
0x10f: {  	s17 =	simm.s32 @!p3 $0x7;
	s1 =	simm.s32 @!p1 $0x4600;
	[sflag:s0] =	ssyncset.done @!p1 $0x0  }
0x110: {  	s19 =	simm.s32 @!p1 $0x200;
	[sflag:s0] =	ssyncadd.s32 @!p1 $0xFFFFFF80;
	s0 =	simm.s32 @!p1 $0x80  }
0x111: {  	[tilespmem:s1], [sflag:$0x8] =	stream.indirect.gather @!p1 [hbm4b:s5+s0], $0x80, s19, s0, $0xb8;
	[tilespmem:$0x1FE80] =	vst v63  }
0x112: {  	p0 =	sle.s32 @!p3 s4, $0x9;
	_ =	swait.ge @!p3 [sflag:s17], $0x4000  }
0x113: {  	p0 =	por p0, p3;
	[sflag:s17] =	ssyncset.done @!p3 $0x0  }
0x114: {  	s30 =	sadd.s32 @!p0 $0x0, s18;
	s19 =	simm.s32 @!p3 $0x480;
	[sflag:s17] =	ssyncadd.s32 @!p3 $0xFFFFC000  }
0x115: {  	[spmem:s2] =	stream.indirect.scatter.add.f32 @!p3 [tilespmem:s7], [sflag:$0xA], $0x80, s19, s29, $0xb8;
	[tilespmem:$0x1FE80] =	vst v63  }
0x116: {  	s17 =	simm.s32 @!p0 $0x180;
	s7 =	sadd.s32 @!p0 $0x120, s30;
	s19 =	simm.s32 @!p0 $0x0  }
0x117: {  	[tilespmem:s17], [sflag:$0x4] =	stream.linear.gather @!p0 [hbm4b:s7+s19], $0x80, $0x38;
	[tilespmem:$0x1FE80] =	vst v63  }
0x118: {  	s29 =	simm.s32 @!p4 $0xC;
	s7 =	simm.s32 @!p0 $0x480;
	s17 =	sadd.s32 @!p0 $0x130, s30  }
0x119: {  	[tilespmem:s7], [sflag:$0x4] =	stream.linear.gather @!p0 [hbm4b:s17+s19], $0x80, $0x38;
	[tilespmem:$0x1FE80] =	vst v63  }
0x11a: {  	_ =	swait.ge @!p4 [sflag:s29], $0x4000  }
0x11b: {  	s30 =	rddreg [dreg:$0x9]  }
0x11c: {  	[sflag:s29] =	ssyncset.done @!p4 $0x0;
	p0 =	sle.s32 s30, $0x0  }
0x11d: {  	[sflag:s29] =	ssyncadd.s32 @!p4 $0xFFFFC000;
	s7 =	simm.s32 @!p0 $0x6  }
0x11e: {  	_ =	swait.ge @!p0 [sflag:s7], $0x80  }
0x11f: {  	[sflag:s7] =	ssyncset.done @!p0 $0x0  }
0x120: {  	[sflag:s7] =	ssyncadd.s32 @!p0 $0xFFFFFF80  }
0x121: {  	_ =	swait.ge @!p0 [sflag:s7], $0x80  }
0x122: {  	s19 =	simm.s32 @!p1 $0x8;
	s17 =	simm.s32 @!p0 $0x8600;
	[sflag:s7] =	ssyncset.done @!p0 $0x0  }
0x123: {  	s29 =	simm.s32 @!p0 $0x280;
	[sflag:s7] =	ssyncadd.s32 @!p0 $0xFFFFFF80;
	s7 =	simm.s32 @!p0 $0x80  }
0x124: {  	[tilespmem:s17], [sflag:$0x9] =	stream.indirect.gather @!p0 [hbm4b:s5+s7], $0x80, s29, s7, $0xb8;
	[tilespmem:$0x1FE80] =	vst v63  }
0x125: {  	_ =	swait.ge @!p1 [sflag:s19], $0x4000  }
0x126: {  	p0 =	sle.s32 @!p1 s4, $0xA;
	[sflag:s19] =	ssyncset.done @!p1 $0x0  }
0x127: {  	s7 =	simm.s32 @!p1 $0x500;
	p0 =	por p0, p1;
	[sflag:s19] =	ssyncadd.s32 @!p1 $0xFFFFC000  }
0x128: {  	[spmem:s2] =	stream.indirect.scatter.add.f32 @!p1 [tilespmem:s1], [sflag:$0xB], $0x80, s7, s0, $0xb8;
	[tilespmem:$0x1FE80] =	vst v63  }
0x129: {  	s0 =	sadd.s32 @!p0 $0x0, s18  }
0x12a: {  	s1 =	simm.s32 @!p0 $0x0;
	s7 =	simm.s32 @!p0 $0x200;
	s17 =	sadd.s32 @!p0 $0x140, s0  }
0x12b: {  	[tilespmem:s7], [sflag:$0x5] =	stream.linear.gather @!p0 [hbm4b:s17+s1], $0x80, $0x38;
	[tilespmem:$0x1FE80] =	vst v63  }
0x12c: {  	s19 =	simm.s32 @!p3 $0xA;
	s0 =	sadd.s32 @!p0 $0x150, s0;
	s7 =	simm.s32 @!p0 $0x500  }
0x12d: {  	[tilespmem:s7], [sflag:$0x5] =	stream.linear.gather @!p0 [hbm4b:s0+s1], $0x80, $0x38;
	[tilespmem:$0x1FE80] =	vst v63  }
0x12e: {  	_ =	swait.ge @!p3 [sflag:s19], $0x4000  }
0x12f: {  	s31 =	rddreg [dreg:$0xa]  }
0x130: {  	[sflag:s19] =	ssyncset.done @!p3 $0x0;
	p0 =	sle.s32 s31, $0x0  }
0x131: {  	s17 =	simm.s32 $0xC0;
	[sflag:s19] =	ssyncadd.s32 @!p3 $0xFFFFC000;
	s0 =	simm.s32 @!p0 $0x1  }
0x132: {  	s19 =	simm.s32 $0x10;
	s1 =	simm.s32 @!p0 $0x0;
	_ =	swait.ge @!p0 [sflag:s0], $0x80  }
.LBB2_6:
0x133: {  	s29 =	sadd.s32 $0xFFFFFFF6, s19;
	[sflag:s0] =	ssyncset.done @!p0 $0x0  }
0x134: {  	p1 =	sne.s32 s17, $0x0;
	p2 =	sle.s32 s29, s4;
	[sflag:s0] =	ssyncadd.s32 @!p0 $0xFFFFFF80  }
0x135: {  	p2 =	por !p1, !p2;
	_ =	swait.ge @!p0 [sflag:s0], $0x80  }
0x136: {  	s7 =	simm.s32 @!p0 $0x600;
	p3 =	por !p2, !p2;
	[sflag:s0] =	ssyncset.done @!p0 $0x0  }
0x137: {  	s31 =	simm.s32 @!p0 $0x80;
	s8 =	simm.s32 @p3 $0x9;
	[sflag:s0] =	ssyncadd.s32 @!p0 $0xFFFFFF80  }
0x138: {  	[tilespmem:s7], [sflag:$0x7] =	stream.indirect.gather @!p0 [hbm4b:s5+s31], $0x80, s1, s31, $0xb8;
	[tilespmem:$0x1FE80] =	vst v63  }
0x139: {  	s9 =	sadd.s32 @p3 $0xFFFFFFFB, s19;
	s0 =	simm.s32 @p3 $0x8600;
	_ =	swait.ge @p3 [sflag:s8], $0x4000  }
0x13a: {  	p0 =	sge.u32 @p3 s9, s4;
	s1 =	simm.s32 @p3 $0x80;
	[sflag:s8] =	ssyncset.done @p3 $0x0  }
0x13b: {  	s7 =	simm.s32 @p3 $0x580;
	p0 =	por p0, !p3;
	[sflag:s8] =	ssyncadd.s32 @p3 $0xFFFFC000  }
0x13c: {  	[spmem:s2] =	stream.indirect.scatter.add.f32 @p3 [tilespmem:s0], [sflag:$0xC], $0x80, s7, s1, $0xb8;
	[tilespmem:$0x1FE80] =	vst v63  }
0x13d: {  	s30 =	smov.u32 s17;
	p1 =	seq.s32 s17, $0x0;
	s0 =	sadd.s32 @!p0 s17, s18  }
0x13e: {  	s1 =	simm.s32 @!p0 $0x0;
	s7 =	simm.s32 @!p0 $0x280;
	s9 =	sadd.s32 @!p0 $0xA0, s0  }
0x13f: {  	[tilespmem:s7], [sflag:$0x6] =	stream.linear.gather @!p0 [hbm4b:s9+s1], $0x80, $0x38;
	[tilespmem:$0x1FE80] =	vst v63  }
0x140: {  	s17 =	sadd.s32 $0xC0, s17;
	s0 =	sadd.s32 @!p0 $0xB0, s0;
	s7 =	simm.s32 @!p0 $0x580  }
0x141: {  	[tilespmem:s7], [sflag:$0x6] =	stream.linear.gather @!p0 [hbm4b:s0+s1], $0x80, $0x38;
	[tilespmem:$0x1FE80] =	vst v63  }
0x142: {  	s8 =	rddreg [dreg:$0x4];
	p0 =	sne.s32 s17, $0xA80  }
0x143: {  	p2 =	sge.s32 @!p1 s29, s8;
	s1 =	simm.s32 @!p0 $0x0  }
0x144: {  	p1 =	por p2, p1;
	s1 =	simm.s32 @p0 $0x1  }
0x145: {  	s0 =	simm.s32 @!p1 $0xB;
	[smem:$0x7F2] =	sst s1  }
0x146: {  	_ =	swait.ge @!p1 [sflag:s0], $0x4000  }
0x147: {  	s9 =	rddreg [dreg:$0x5]  }
0x148: {  	[sflag:s0] =	ssyncset.done @!p1 $0x0;
	p4 =	sge.s32 s29, s9  }
0x149: {  	[sflag:s0] =	ssyncadd.s32 @!p1 $0xFFFFC000;
	s1 =	simm.s32 @!p4 $0x2  }
0x14a: {  	_ =	swait.ge @!p4 [sflag:s1], $0x80  }
0x14b: {  	[sflag:s1] =	ssyncset.done @!p4 $0x0  }
0x14c: {  	p2 =	sge.s32 s29, s4;
	[sflag:s1] =	ssyncadd.s32 @!p4 $0xFFFFFF80  }
0x14d: {  	s8 =	sadd.s32 @!p2 $0xFFFFFFFC, s19;
	s0 =	sadd.s32 @!p4 $0xFFFFFFFD, s19;
	_ =	swait.ge @!p4 [sflag:s1], $0x80  }
0x14e: {  	s31 =	simm.s32 @!p4 $0x4600;
	p1 =	sge.s32 @!p4 s0, s4;
	[sflag:s1] =	ssyncset.done @!p4 $0x0  }
0x14f: {  	s0 =	simm.s32 @!p4 $0x80;
	[sflag:s1] =	ssyncadd.s32 @!p4 $0xFFFFFF80;
	s1 =	simm.s32 @!p2 $0x7  }
0x150: {  	[tilespmem:s31], [sflag:$0x8] =	stream.indirect.gather @!p4 [hbm4b:s5+s0], $0x80, s0, s0, $0xb8;
	[tilespmem:$0x1FE80] =	vst v63  }
0x151: {  	s7 =	simm.s32 @!p2 $0x600;
	p0 =	sge.s32 @!p2 s8, s4;
	_ =	swait.ge @!p2 [sflag:s1], $0x4000  }
0x152: {  	s8 =	simm.s32 @!p2 $0x80;
	p0 =	por p0, p2;
	[sflag:s1] =	ssyncset.done @!p2 $0x0  }
0x153: {  	s9 =	simm.s32 @!p2 $0x300;
	[sflag:s1] =	ssyncadd.s32 @!p2 $0xFFFFC000;
	s1 =	sadd.s32 @!p0 s30, s18  }
0x154: {  	[spmem:s2] =	stream.indirect.scatter.add.f32 @!p2 [tilespmem:s7], [sflag:$0xA], $0x80, s9, s8, $0xb8;
	[tilespmem:$0x1FE80] =	vst v63  }
0x155: {  	s10 =	simm.s32 @!p0 $0x0;
	s7 =	sadd.s32 @!p0 $0xC0, s1  }
0x156: {  	[tilespmem:s10], [sflag:$0x1] =	stream.linear.gather @!p0 [hbm4b:s7+s10], $0x80, $0x38;
	[tilespmem:$0x1FE80] =	vst v63  }
0x157: {  	s1 =	sadd.s32 @!p0 $0xD0, s1;
	s8 =	simm.s32 @!p0 $0x300;
	s7 =	simm.s32 @p3 $0xC  }
0x158: {  	[tilespmem:s8], [sflag:$0x1] =	stream.linear.gather @!p0 [hbm4b:s1+s10], $0x80, $0x38;
	[tilespmem:$0x1FE80] =	vst v63  }
0x159: {  	_ =	swait.ge @p3 [sflag:s7], $0x4000  }
0x15a: {  	s10 =	rddreg [dreg:$0x6]  }
0x15b: {  	[sflag:s7] =	ssyncset.done @p3 $0x0;
	p5 =	sge.s32 s29, s10  }
0x15c: {  	[sflag:s7] =	ssyncadd.s32 @p3 $0xFFFFC000;
	s8 =	simm.s32 @!p5 $0x3  }
0x15d: {  	_ =	swait.ge @!p5 [sflag:s8], $0x80  }
0x15e: {  	[sflag:s8] =	ssyncset.done @!p5 $0x0  }
0x15f: {  	[sflag:s8] =	ssyncadd.s32 @!p5 $0xFFFFFF80  }
0x160: {  	s1 =	sadd.s32 @!p5 $0xFFFFFFFE, s19;
	s7 =	simm.s32 @!p5 $0x80;
	_ =	swait.ge @!p5 [sflag:s8], $0x80  }
0x161: {  	s9 =	simm.s32 @!p5 $0x100;
	p6 =	sge.s32 @!p5 s1, s4;
	[sflag:s8] =	ssyncset.done @!p5 $0x0  }
0x162: {  	s1 =	simm.s32 @!p5 $0x8600;
	[sflag:s8] =	ssyncadd.s32 @!p5 $0xFFFFFF80;
	s8 =	simm.s32 @!p4 $0x8  }
0x163: {  	[tilespmem:s1], [sflag:$0x9] =	stream.indirect.gather @!p5 [hbm4b:s5+s7], $0x80, s9, s7, $0xb8;
	[tilespmem:$0x1FE80] =	vst v63  }
0x164: {  	_ =	swait.ge @!p4 [sflag:s8], $0x4000  }
0x165: {  	p0 =	por p1, p4;
	[sflag:s8] =	ssyncset.done @!p4 $0x0  }
0x166: {  	s9 =	simm.s32 @!p4 $0x380;
	[sflag:s8] =	ssyncadd.s32 @!p4 $0xFFFFC000;
	s8 =	sadd.s32 @!p0 s30, s18  }
0x167: {  	[spmem:s2] =	stream.indirect.scatter.add.f32 @!p4 [tilespmem:s31], [sflag:$0xB], $0x80, s9, s0, $0xb8;
	[tilespmem:$0x1FE80] =	vst v63  }
0x168: {  	s15 =	simm.s32 @!p0 $0x0;
	s20 =	simm.s32 @!p0 $0x80;
	s11 =	sadd.s32 @!p0 $0xE0, s8  }
0x169: {  	[tilespmem:s20], [sflag:$0x2] =	stream.linear.gather @!p0 [hbm4b:s11+s15], $0x80, $0x38;
	[tilespmem:$0x1FE80] =	vst v63  }
0x16a: {  	s10 =	simm.s32 @!p0 $0x380;
	s0 =	sadd.s32 @!p0 $0xF0, s8;
	s8 =	simm.s32 @!p2 $0xA  }
0x16b: {  	[tilespmem:s10], [sflag:$0x2] =	stream.linear.gather @!p0 [hbm4b:s0+s15], $0x80, $0x38;
	[tilespmem:$0x1FE80] =	vst v63  }
0x16c: {  	_ =	swait.ge @!p2 [sflag:s8], $0x4000  }
0x16d: {  	s11 =	rddreg [dreg:$0x7]  }
0x16e: {  	[sflag:s8] =	ssyncset.done @!p2 $0x0;
	p3 =	sge.s32 s29, s11  }
0x16f: {  	[sflag:s8] =	ssyncadd.s32 @!p2 $0xFFFFC000;
	s8 =	simm.s32 @!p3 $0x4  }
0x170: {  	_ =	swait.ge @!p3 [sflag:s8], $0x80  }
0x171: {  	[sflag:s8] =	ssyncset.done @!p3 $0x0  }
0x172: {  	[sflag:s8] =	ssyncadd.s32 @!p3 $0xFFFFFF80  }
0x173: {  	s10 =	simm.s32 @!p5 $0x9;
	s0 =	sadd.s32 @!p3 $0xFFFFFFFF, s19;
	_ =	swait.ge @!p3 [sflag:s8], $0x80  }
0x174: {  	s9 =	simm.s32 @!p3 $0x180;
	s31 =	simm.s32 @!p3 $0x80;
	[sflag:s8] =	ssyncset.done @!p3 $0x0  }
0x175: {  	p0 =	sge.s32 @!p3 s0, s4;
	s0 =	simm.s32 @!p3 $0x600;
	[sflag:s8] =	ssyncadd.s32 @!p3 $0xFFFFFF80  }
0x176: {  	[tilespmem:s0], [sflag:$0x7] =	stream.indirect.gather @!p3 [hbm4b:s5+s31], $0x80, s9, s31, $0xb8;
	[tilespmem:$0x1FE80] =	vst v63  }
0x177: {  	_ =	swait.ge @!p5 [sflag:s10], $0x4000  }
0x178: {  	p1 =	por p6, p5;
	[sflag:s10] =	ssyncset.done @!p5 $0x0  }
0x179: {  	s8 =	simm.s32 @!p5 $0x400;
	s9 =	sadd.s32 @!p1 s30, s18;
	[sflag:s10] =	ssyncadd.s32 @!p5 $0xFFFFC000  }
0x17a: {  	[spmem:s2] =	stream.indirect.scatter.add.f32 @!p5 [tilespmem:s1], [sflag:$0xC], $0x80, s8, s7, $0xb8;
	[tilespmem:$0x1FE80] =	vst v63  }
0x17b: {  	s15 =	simm.s32 @!p1 $0x100;
	s11 =	sadd.s32 @!p1 $0x100, s9;
	s1 =	simm.s32 @!p1 $0x0  }
0x17c: {  	[tilespmem:s15], [sflag:$0x3] =	stream.linear.gather @!p1 [hbm4b:s11+s1], $0x80, $0x38;
	[tilespmem:$0x1FE80] =	vst v63  }
0x17d: {  	s9 =	sadd.s32 @!p1 $0x110, s9;
	s10 =	simm.s32 @!p1 $0x400;
	s7 =	simm.s32 @!p4 $0xB  }
0x17e: {  	[tilespmem:s10], [sflag:$0x3] =	stream.linear.gather @!p1 [hbm4b:s9+s1], $0x80, $0x38;
	[tilespmem:$0x1FE80] =	vst v63  }
0x17f: {  	_ =	swait.ge @!p4 [sflag:s7], $0x4000  }
0x180: {  	s15 =	rddreg [dreg:$0x8]  }
0x181: {  	[sflag:s7] =	ssyncset.done @!p4 $0x0;
	p2 =	sge.s32 s29, s15  }
0x182: {  	[sflag:s7] =	ssyncadd.s32 @!p4 $0xFFFFC000;
	s7 =	simm.s32 @!p2 $0x5  }
0x183: {  	_ =	swait.ge @!p2 [sflag:s7], $0x80  }
0x184: {  	[sflag:s7] =	ssyncset.done @!p2 $0x0  }
0x185: {  	[sflag:s7] =	ssyncadd.s32 @!p2 $0xFFFFFF80  }
0x186: {  	_ =	swait.ge @!p2 [sflag:s7], $0x80  }
0x187: {  	s8 =	simm.s32 @!p3 $0x7;
	s1 =	simm.s32 @!p2 $0x4600;
	[sflag:s7] =	ssyncset.done @!p2 $0x0  }
0x188: {  	s9 =	simm.s32 @!p2 $0x200;
	[sflag:s7] =	ssyncadd.s32 @!p2 $0xFFFFFF80;
	s7 =	simm.s32 @!p2 $0x80  }
0x189: {  	[tilespmem:s1], [sflag:$0x8] =	stream.indirect.gather @!p2 [hbm4b:s5+s7], $0x80, s9, s7, $0xb8;
	[tilespmem:$0x1FE80] =	vst v63  }
0x18a: {  	_ =	swait.ge @!p3 [sflag:s8], $0x4000  }
0x18b: {  	p0 =	por p0, p3;
	[sflag:s8] =	ssyncset.done @!p3 $0x0  }
0x18c: {  	s10 =	sadd.s32 @!p0 s30, s18;
	s9 =	simm.s32 @!p3 $0x480;
	[sflag:s8] =	ssyncadd.s32 @!p3 $0xFFFFC000  }
0x18d: {  	[spmem:s2] =	stream.indirect.scatter.add.f32 @!p3 [tilespmem:s0], [sflag:$0xA], $0x80, s9, s31, $0xb8;
	[tilespmem:$0x1FE80] =	vst v63  }
0x18e: {  	s15 =	simm.s32 @!p0 $0x180;
	s8 =	sadd.s32 @!p0 $0x120, s10;
	s0 =	simm.s32 @!p0 $0x0  }
0x18f: {  	[tilespmem:s15], [sflag:$0x4] =	stream.linear.gather @!p0 [hbm4b:s8+s0], $0x80, $0x38;
	[tilespmem:$0x1FE80] =	vst v63  }
0x190: {  	s11 =	simm.s32 @!p0 $0x480;
	s9 =	sadd.s32 @!p0 $0x130, s10;
	s8 =	simm.s32 @!p5 $0xC  }
0x191: {  	[tilespmem:s11], [sflag:$0x4] =	stream.linear.gather @!p0 [hbm4b:s9+s0], $0x80, $0x38;
	[tilespmem:$0x1FE80] =	vst v63  }
0x192: {  	_ =	swait.ge @!p5 [sflag:s8], $0x4000  }
0x193: {  	s20 =	rddreg [dreg:$0x9]  }
0x194: {  	[sflag:s8] =	ssyncset.done @!p5 $0x0;
	p0 =	sge.s32 s29, s20  }
0x195: {  	[sflag:s8] =	ssyncadd.s32 @!p5 $0xFFFFC000;
	s0 =	simm.s32 @!p0 $0x6  }
0x196: {  	_ =	swait.ge @!p0 [sflag:s0], $0x80  }
0x197: {  	[sflag:s0] =	ssyncset.done @!p0 $0x0  }
0x198: {  	[sflag:s0] =	ssyncadd.s32 @!p0 $0xFFFFFF80  }
0x199: {  	_ =	swait.ge @!p0 [sflag:s0], $0x80  }
0x19a: {  	s9 =	simm.s32 @!p2 $0x8;
	s8 =	simm.s32 @!p0 $0x8600;
	[sflag:s0] =	ssyncset.done @!p0 $0x0  }
0x19b: {  	s10 =	simm.s32 @!p0 $0x280;
	[sflag:s0] =	ssyncadd.s32 @!p0 $0xFFFFFF80;
	s0 =	simm.s32 @!p0 $0x80  }
0x19c: {  	[tilespmem:s8], [sflag:$0x9] =	stream.indirect.gather @!p0 [hbm4b:s5+s0], $0x80, s10, s0, $0xb8;
	[tilespmem:$0x1FE80] =	vst v63  }
0x19d: {  	_ =	swait.ge @!p2 [sflag:s9], $0x4000  }
0x19e: {  	p1 =	sge.s32 @!p2 s19, s4;
	[sflag:s9] =	ssyncset.done @!p2 $0x0  }
0x19f: {  	s0 =	simm.s32 @!p2 $0x500;
	p0 =	por p1, p2;
	[sflag:s9] =	ssyncadd.s32 @!p2 $0xFFFFC000  }
0x1a0: {  	[spmem:s2] =	stream.indirect.scatter.add.f32 @!p2 [tilespmem:s1], [sflag:$0xB], $0x80, s0, s7, $0xb8;
	[tilespmem:$0x1FE80] =	vst v63  }
0x1a1: {  	s0 =	sadd.s32 @!p0 s30, s18  }
0x1a2: {  	s1 =	simm.s32 @!p0 $0x0;
	s7 =	simm.s32 @!p0 $0x200;
	s8 =	sadd.s32 @!p0 $0x140, s0  }
0x1a3: {  	[tilespmem:s7], [sflag:$0x5] =	stream.linear.gather @!p0 [hbm4b:s8+s1], $0x80, $0x38;
	[tilespmem:$0x1FE80] =	vst v63  }
0x1a4: {  	s9 =	simm.s32 @!p0 $0x500;
	s0 =	sadd.s32 @!p0 $0x150, s0;
	s7 =	simm.s32 @!p3 $0xA  }
0x1a5: {  	[tilespmem:s9], [sflag:$0x5] =	stream.linear.gather @!p0 [hbm4b:s0+s1], $0x80, $0x38;
	[tilespmem:$0x1FE80] =	vst v63  }
0x1a6: {  	_ =	swait.ge @!p3 [sflag:s7], $0x4000  }
0x1a7: {  	s30 =	rddreg [dreg:$0xa]  }
0x1a8: {  	[sflag:s7] =	ssyncset.done @!p3 $0x0;
	p0 =	sge.s32 s29, s30  }
0x1a9: {  	[sflag:s7] =	ssyncadd.s32 @!p3 $0xFFFFC000;
	s0 =	simm.s32 @!p0 $0x1  }
0x1aa: {  	_ =	swait.ge @!p0 [sflag:s0], $0x80  }
0x1ab: {  	s31 =	sld [smem:$0x7F2];
	_ =	sdelay $0x2  }
0x1ac: {  	p1 =	seq.s32 s31, $0x1  }
.Ltmp4:
0x1ad: {  	_ = 	snop;
	(pc) =	sbr.rel @p1 .LBB2_6-.Ltmp4, $2  }
0x1ae: {  	_ =	sdelay $0x2  }
0x1af: {  	s19 =	sadd.s32 $0x6, s19;
	s1 =	simm.s32 @!p0 $0x0  }
0x1b0: {  	[sflag:s0] =	ssyncset.done @!p0 $0x0  }
0x1b1: {  	[sflag:s0] =	ssyncadd.s32 @!p0 $0xFFFFFF80  }
0x1b2: {  	_ =	swait.ge @!p0 [sflag:s0], $0x80  }
0x1b3: {  	[sflag:s0] =	ssyncset.done @!p0 $0x0  }
0x1b4: {  	s7 =	simm.s32 @!p0 $0x600;
	s8 =	simm.s32 @!p0 $0x80;
	[sflag:s0] =	ssyncadd.s32 @!p0 $0xFFFFFF80  }
0x1b5: {  	[tilespmem:s7], [sflag:$0x7] =	stream.indirect.gather @!p0 [hbm4b:s5+s8], $0x80, s1, s8, $0xb8;
	[tilespmem:$0x1FE80] =	vst v63  }
0x1b6: {  	[bflag:$0x0] =	sbarrier.arrive $0xFFFF  }
0x1b7: {  	s30 =	sld [smem:$0x7F3];
	_ =	sdelay $0x2  }
0x1b8: {  	p0 =	seq.s32 s30, $0x1  }
.Ltmp5:
0x1b9: {  	_ = 	snop;
	(pc) =	sbr.rel @p0 .LBB2_9-.Ltmp5, $2  }
0x1ba: {  	s31 =	sld [smem:$0x7FC];
	_ =	sdelay $0x2  }
0x1bb: {  	p2 =	seq.s32 s31, $0x1  }
0x1bc: {  	[tilespmem:s12], [sflag:$0xE] =	stream.linear.gather [spmem:s21], $0x4000, $0x38;
	[tilespmem:$0x1FE80] =	vst v63  }
0x1bd: {  	_ =	swait.ge [sflag:s13], $0x4000  }
0x1be: {  	[sflag:s13] =	ssyncset.done $0x0  }
0x1bf: {  	s0 =	rddreg [dreg:$0xb];
	[sflag:s13] =	ssyncadd.s32 $0xFFFFC000  }
0x1c0: {  	[hbm4b:s0+s3] =	stream.linear.scatter [tilespmem:s12], [sflag:$0xE], $0x4000, $0x38;
	[tilespmem:$0x1FE80] =	vst v63  }
0x1c1: {  	_ =	swait.ge [sflag:s13], $0x4000  }
0x1c2: {  	[sflag:s13] =	ssyncset.done $0x0  }
0x1c3: {  	[sflag:s13] =	ssyncadd.s32 $0xFFFFC000  }
0x1c4: {  	[tilespmem:s12], [sflag:$0xE] =	stream.linear.gather [spmem:s22], $0x4000, $0x38;
	[tilespmem:$0x1FE80] =	vst v63  }
0x1c5: {  	_ =	swait.ge [sflag:s13], $0x4000  }
0x1c6: {  	[sflag:s13] =	ssyncset.done $0x0  }
0x1c7: {  	s20 =	rddreg [dreg:$0xc];
	[sflag:s13] =	ssyncadd.s32 $0xFFFFC000  }
0x1c8: {  	[hbm4b:s20+s3] =	stream.linear.scatter [tilespmem:s12], [sflag:$0xE], $0x4000, $0x38;
	[tilespmem:$0x1FE80] =	vst v63  }
0x1c9: {  	_ =	swait.ge [sflag:s13], $0x4000  }
0x1ca: {  	[sflag:s13] =	ssyncset.done $0x0  }
0x1cb: {  	[sflag:s13] =	ssyncadd.s32 $0xFFFFC000  }
0x1cc: {  	[tilespmem:s12], [sflag:$0xE] =	stream.linear.gather [spmem:s23], $0x4000, $0x38;
	[tilespmem:$0x1FE80] =	vst v63  }
0x1cd: {  	_ =	swait.ge [sflag:s13], $0x4000  }
0x1ce: {  	[sflag:s13] =	ssyncset.done $0x0  }
0x1cf: {  	s29 =	rddreg [dreg:$0xd];
	[sflag:s13] =	ssyncadd.s32 $0xFFFFC000  }
0x1d0: {  	[hbm4b:s29+s3] =	stream.linear.scatter [tilespmem:s12], [sflag:$0xE], $0x4000, $0x38;
	[tilespmem:$0x1FE80] =	vst v63  }
0x1d1: {  	_ =	swait.ge [sflag:s13], $0x4000  }
0x1d2: {  	[sflag:s13] =	ssyncset.done $0x0  }
0x1d3: {  	[sflag:s13] =	ssyncadd.s32 $0xFFFFC000  }
0x1d4: {  	[tilespmem:s12], [sflag:$0xE] =	stream.linear.gather [spmem:s24], $0x4000, $0x38;
	[tilespmem:$0x1FE80] =	vst v63  }
0x1d5: {  	_ =	swait.ge [sflag:s13], $0x4000  }
0x1d6: {  	[sflag:s13] =	ssyncset.done $0x0  }
0x1d7: {  	s30 =	rddreg [dreg:$0xe];
	[sflag:s13] =	ssyncadd.s32 $0xFFFFC000  }
0x1d8: {  	[hbm4b:s30+s3] =	stream.linear.scatter [tilespmem:s12], [sflag:$0xE], $0x4000, $0x38;
	[tilespmem:$0x1FE80] =	vst v63  }
0x1d9: {  	_ =	swait.ge [sflag:s13], $0x4000  }
0x1da: {  	[sflag:s13] =	ssyncset.done $0x0  }
0x1db: {  	s1 =	simm.s32 @p2 $0xE;
	s0 =	simm.s32 @p2 $0x600;
	[sflag:s13] =	ssyncadd.s32 $0xFFFFC000  }
0x1dc: {  	[tilespmem:s0], [sflag:$0xE] =	stream.linear.gather @p2 [spmem:s25], $0x4000, $0x38;
	[tilespmem:$0x1FE80] =	vst v63  }
0x1dd: {  	_ =	swait.ge @p2 [sflag:s1], $0x4000  }
0x1de: {  	[sflag:s1] =	ssyncset.done @p2 $0x0  }
0x1df: {  	s7 =	simm.s32 @p2 $0x0;
	s8 =	rddreg [dreg:$0xf];
	[sflag:s1] =	ssyncadd.s32 @p2 $0xFFFFC000  }
0x1e0: {  	[hbm4b:s8+s7] =	stream.linear.scatter @p2 [tilespmem:s0], [sflag:$0xE], $0x4000, $0x38;
	[tilespmem:$0x1FE80] =	vst v63  }
0x1e1: {  	_ =	swait.ge @p2 [sflag:s1], $0x4000  }
0x1e2: {  	s31 =	sld [smem:$0x7FD];
	_ =	sdelay $0x2  }
0x1e3: {  	[sflag:s1] =	ssyncset.done @p2 $0x0;
	p5 =	seq.s32 s31, $0x1  }
0x1e4: {  	[sflag:s1] =	ssyncadd.s32 @p2 $0xFFFFC000;
	s0 =	simm.s32 @!p5 $0x4600;
	s1 =	simm.s32 @!p5 $0xE  }
0x1e5: {  	[tilespmem:s0], [sflag:$0xE] =	stream.linear.gather @!p5 [spmem:s26], $0x800, $0x38;
	[tilespmem:$0x1FE80] =	vst v63  }
0x1e6: {  	_ =	swait.ge @!p5 [sflag:s1], $0x800  }
0x1e7: {  	[sflag:s1] =	ssyncset.done @!p5 $0x0  }
0x1e8: {  	s7 =	rddreg [dreg:$0x15];
	[sflag:s1] =	ssyncadd.s32 @!p5 $0xFFFFF800;
	s1 =	simm.s32 @!p5 $0x0  }
0x1e9: {  	[hbm4b:s7+s1] =	stream.linear.scatter @!p5 [tilespmem:s0], [sflag:$0xD], $0x800, $0x38;
	[tilespmem:$0x1FE80] =	vst v63  }
.Ltmp6:
0x1ea: {  	_ = 	snop;
	(pc) =	sbr.rel .LBB2_10-.Ltmp6, $4  }
0x1eb: {  	s0 =	simm.s32 @!p5 $0xD  }
0x1ec: {  	_ =	swait.ge @!p5 [sflag:s0], $0x800  }
0x1ed: {  	[sflag:s0] =	ssyncset.done @!p5 $0x0  }
0x1ee: {  	[sflag:s0] =	ssyncadd.s32 @!p5 $0xFFFFF800  }
.LBB2_11:
0x1ef: {  	_ =	sfence.sel $0x180000  }
0x1f0: {  	[bflag:$0x0] =	sbarrier.arrive $0xFFFF  }
0x1f1: {  	_ =	strace $0x9000004D  }
0x1f2: {  	s0 =	stileid.u32;
	[bflag:$0x2] =	sbarrier.arrive $0xFFFF  }
0x1f3: {  	p0 =	sne.s32 s0, $0x0;
	s0 =	rddreg [dreg:$0x3]  }
0x1f4: {  	s0 =	sadd.s32 @!p0 $0x100000, s0  }
0x1f5: {  	[sflag:s0] =	ssyncadd.tile.s32 @!p0 $0x1;
	_ =	shalt  }
.Lfunc_end2:
_tile_overlayer_lowered:
.L_overlay_start_2:
0x1f6: {  	(tag) =	ssettag $0x2  }
0x1f7: {  	s0 =	rddreg [dreg:$0x0];
	s2 =	stileid.u32  }
0x1f8: {  	s1 =	rddreg [dreg:$0x1];
	p0 =	sne.s32 s2, $0x0  }
0x1f9: {  	s3 =	rddreg [dreg:$0x2];
	[bflag:$0x3] =	sbarrier.arrive $0xFFFF;
	s2 =	simm.s32 @!p0 $0x1C0D  }
0x1fa: {  	[timem:s3], [sflag:s2] =	dma.local @!p0 [hbm:s0], s1  }
0x1fb: {  	s0 =	simm.s32 @!p0 $0xD  }
0x1fc: {  	_ =	swait.ge @!p0 [sflag:s0], s1  }
0x1fd: {  	s1 =	ssub.s32 @!p0 $0x0, s1;
	[sflag:s0] =	ssyncset.done @!p0 $0x0  }
0x1fe: {  	[sflag:s0] =	ssyncadd.s32 @!p0 s1  }
0x1ff: {  	[bflag:$0x3] =	sbarrier.arrive $0xFFFF  }
0x200: {  	_ =	shalt  }

// kernel: kernel.8.cloned.1.call-start
scs
__scs_entry_jumppad:
0x0: {  	(pc) =	sbr.rel $0x88, $3  }
0x1: {  	(tag) =	ssettag $0x0;
	lr =	simm.s32 $0x1  }
0x2: {  	[smem:$0x3F97] =	sst lr;
	_ =	strace $0xD0000000  }
0x3: {  	_ = 	snop  }
0x4: {  	_ = 	snop  }
0x5: {  	_ = 	snop  }
0x6: {  	_ = 	snop  }
0x7: {  	_ = 	snop  }
__scs_overlays_trampoline_lowered:
0x8: {  	[smem:$0x3FA6] =	sst s0  }
0x9: {  	[smem:$0x3FA7] =	sst s1  }
0xa: {  	[smem:$0x3FA8] =	sst s2  }
0xb: {  	[smem:$0x3FA9] =	sst s3  }
0xc: {  	[smem:$0x3FAA] =	sst s4  }
0xd: {  	[smem:$0x3FAB] =	sst s5  }
0xe: {  	[smem:$0x3FAC] =	sst s6  }
0xf: {  	[smem:$0x3FAD] =	sst s7  }
0x10: {  	[smem:$0x3FAE] =	sst s8  }
0x11: {  	[smem:$0x3FAF] =	sst s9;
	s0 =	simm.s32 @!p0 $0x0  }
0x12: {  	s1 =	sld [smem:$0x3F95];
	s0 =	simm.s32 @p0 $0x1  }
0x13: {  	[smem:$0x3FB0] =	sst s0;
	s0 =	simm.s32 @!p1 $0x0  }
0x14: {  	s2 =	sld [smem:$0x3F94];
	s0 =	simm.s32 @p1 $0x1  }
0x15: {  	[smem:$0x3FB1] =	sst s0;
	s0 =	simm.s32 @!p2 $0x0  }
0x16: {  	s3 =	sld [smem:$0x3FDB];
	s0 =	simm.s32 @p2 $0x1  }
0x17: {  	s4 =	simm.s32 $0x1BF5;
	[smem:$0x3FB3] =	sst s0  }
0x18: {  	s0 =	sld [smem:$0x3F96];
	_ =	swait.ge [sflag:s4], $0x0  }
0x19: {  	s7 =	sld [smem:$0x3F97]  }
0x1a: {  	s8 =	sadd.s32 $0xFFFFE003, lr  }
0x1b: {  	s9 =	sadd.s32 $0xFFFFFEF7, lr;
	s5 =	simm.s32 $0xFFFFFFFF;
	p2 =	slt.u32 s8, $0xFFFFF086  }
0x1c: {  	p1 =	slt.u32 s9, $0xF7A;
	s5 =	simm.s32 @!p2 $0x0  }
0x1d: {  	s5 =	simm.s32 @p1 $0x1;
	p0 =	seq.s32 s7, s2  }
0x1e: {  	s7 =	smul.u32 @!p0 $0xF7A, s2;
	p2 =	seq.s32 @!p0 s5, $0x0  }
0x1f: {  	s9 =	smul.u32 $0xF7A, s1;
	s8 =	simm.s32 @!p0 $0x1BF5;
	p2 =	por !p2, p0  }
0x20: {  	[sflag:s8] =	ssyncset.s32 @!p0 $0xFFFFF086;
	s6 =	sadd.s32 @!p0 s3, s7;
	s7 =	simm.s32 @!p0 $0x108  }
0x21: {  	s3 =	sadd.s32 s3, s9;
	s6 =	sadd.s32 @!p0 $0x88, s6;
	s7 =	simm.s32 @p2 $0x1082  }
0x22: {  	[simem:s7], [sflag:s8] =	dma.local @!p0 [hbm:s6], $0xF7A  }
0x23: {  	s9 =	sor.u32 $0xD0000000, s2;
	s6 =	simm.s32 $0x108;
	_ =	swait.ge @!p0 [sflag:s8], $0x0  }
0x24: {  	s3 =	sadd.s32 $0x88, s3;
	s6 =	simm.s32 @!p1 $0x1082;
	[sflag:s4] =	ssyncset.s32 $0xFFFFF086  }
0x25: {  	[simem:s6], [sflag:s4] =	dma.local [hbm:s3], $0xF7A  }
0x26: {  	[smem:$0x3F97] =	sst s1;
	(tag) =	ssettag s2;
	_ =	strace s9  }
0x27: {  	s1 =	sld [smem:$0x3FA7]  }
0x28: {  	s2 =	sld [smem:$0x3FA8]  }
0x29: {  	s4 =	sld [smem:$0x3FAA]  }
0x2a: {  	p0 =	seq.s32 s5, $0x0;
	s5 =	sld [smem:$0x3FAB]  }
0x2b: {  	s6 =	sld [smem:$0x3FAC]  }
0x2c: {  	s7 =	sld [smem:$0x3FAD]  }
0x2d: {  	s3 =	simm.s32 $0x108;
	s8 =	sld [smem:$0x3FAE]  }
0x2e: {  	s3 =	simm.s32 @!p0 $0x1082;
	s9 =	sld [smem:$0x3FAF]  }
0x2f: {  	lr =	sadd.s32 s0, s3;
	s0 =	sld [smem:$0x3FA6]  }
0x30: {  	s3 =	sld [smem:$0x3FA9]  }
0x31: {  	[smem:$0x3FB2] =	sst s10  }
0x32: {  	s10 =	sld [smem:$0x3FB0];
	_ =	sdelay $0x3  }
0x33: {  	p0 =	seq.s32 s10, $0x1;
	s10 =	sld [smem:$0x3FB2];
	_ =	sdelay $0x3  }
0x34: {  	[smem:$0x3FB2] =	sst s10  }
0x35: {  	s10 =	sld [smem:$0x3FB1];
	_ =	sdelay $0x3  }
0x36: {  	p1 =	seq.s32 s10, $0x1;
	s10 =	sld [smem:$0x3FB2];
	_ =	sdelay $0x3  }
0x37: {  	[smem:$0x3FB2] =	sst s10  }
0x38: {  	s10 =	sld [smem:$0x3FB3]  }
0x39: {  	_ = 	snop;
	(pc) =	sbr.ind lr, $3  }
0x3a: {  	_ = 	snop  }
0x3b: {  	_ = 	snop  }
0x3c: {  	p2 =	seq.s32 s10, $0x1;
	s10 =	sld [smem:$0x3FB2]  }
0x3d: {  	_ =	shalt  }
0x3e: {  	_ =	shalt  }
0x3f: {  	_ =	shalt  }
0x40: {  	_ =	shalt  }
0x41: {  	_ =	shalt  }
0x42: {  	_ =	shalt  }
0x43: {  	_ =	shalt  }
0x44: {  	_ =	shalt  }
0x45: {  	_ =	shalt  }
0x46: {  	_ =	shalt  }
0x47: {  	_ =	shalt  }
0x48: {  	_ =	shalt  }
0x49: {  	_ =	shalt  }
0x4a: {  	_ =	shalt  }
0x4b: {  	_ =	shalt  }
0x4c: {  	_ =	shalt  }
0x4d: {  	_ =	shalt  }
0x4e: {  	_ =	shalt  }
0x4f: {  	_ =	shalt  }
0x50: {  	_ =	shalt  }
0x51: {  	_ =	shalt  }
0x52: {  	_ =	shalt  }
0x53: {  	_ =	shalt  }
0x54: {  	_ =	shalt  }
0x55: {  	_ =	shalt  }
0x56: {  	_ =	shalt  }
0x57: {  	_ =	shalt  }
0x58: {  	_ =	shalt  }
0x59: {  	_ =	shalt  }
0x5a: {  	_ =	shalt  }
0x5b: {  	_ =	shalt  }
0x5c: {  	_ =	shalt  }
0x5d: {  	_ =	shalt  }
0x5e: {  	_ =	shalt  }
0x5f: {  	_ =	shalt  }
0x60: {  	_ =	shalt  }
0x61: {  	_ =	shalt  }
0x62: {  	_ =	shalt  }
0x63: {  	_ =	shalt  }
0x64: {  	_ =	shalt  }
0x65: {  	_ =	shalt  }
0x66: {  	_ =	shalt  }
0x67: {  	_ =	shalt  }
0x68: {  	_ =	shalt  }
0x69: {  	_ =	shalt  }
0x6a: {  	_ =	shalt  }
0x6b: {  	_ =	shalt  }
0x6c: {  	_ =	shalt  }
0x6d: {  	_ =	shalt  }
0x6e: {  	_ =	shalt  }
0x6f: {  	_ =	shalt  }
0x70: {  	_ =	shalt  }
0x71: {  	_ =	shalt  }
0x72: {  	_ =	shalt  }
0x73: {  	_ =	shalt  }
0x74: {  	_ =	shalt  }
0x75: {  	_ =	shalt  }
0x76: {  	_ =	shalt  }
0x77: {  	_ =	shalt  }
0x78: {  	_ =	shalt  }
0x79: {  	_ =	shalt  }
0x7a: {  	_ =	shalt  }
0x7b: {  	_ =	shalt  }
0x7c: {  	_ =	shalt  }
0x7d: {  	_ =	shalt  }
0x7e: {  	_ =	shalt  }
0x7f: {  	_ =	shalt  }
0x80: {  	_ =	shalt  }
0x81: {  	_ =	shalt  }
0x82: {  	_ =	shalt  }
0x83: {  	_ =	shalt  }
0x84: {  	_ =	shalt  }
0x85: {  	_ =	shalt  }
0x86: {  	_ =	shalt  }
0x87: {  	_ =	shalt  }
.Lfunc_end0:
.L_simem_size_0:
called_computation_lowered:
.L_overlay_start_0:
0x88: {  	s2 =	sld [smem:$0x3FD9]  }
0x89: {  	s3 =	sld [smem:$0x3FFE];
	_ =	sdelay $0x1  }
0x8a: {  	s1 =	srdreg.scid  }
0x8b: {  	s0 =	sand.u32 $0x1, s1  }
0x8c: {  	s17 =	sshll.u32 s0, $0xA;
	s2 =	sadd.s32 s3, s2  }
0x8d: {  	s2 =	sadd.s32 s2, s17  }
0x8e: {  	[smem:$0x3FBE] =	sst s2  }
0x8f: {  	_ = 	snop  }
0x90: {  	s2 =	sld [smem:$0x3FC8];
	(tm) =	ssettm $0x1  }
0x91: {  	s18 =	sld [smem:$0x3FFB];
	_ =	sdelay $0x3  }
0x92: {  	_ =	strace s18  }
0x93: {  	s3 =	sld [smem:$0x3FFC];
	_ =	sdelay $0x3  }
0x94: {  	_ =	strace s3  }
0x95: {  	s3 =	sld [smem:$0x3FFD];
	_ =	sdelay $0x3  }
0x96: {  	_ =	strace s3  }
0x97: {  	_ =	strace $0x8FFFFFFF  }
0x98: {  	s19 =	sld [smem:$0x3FDB];
	_ =	sdelay $0x1  }
0x99: {  	s4 =	simm.s32 $_scs_section_size  }
0x9a: {  	s5 =	simm.s32 $_size__tile_overlayer_lowered;
	s6 =	simm.s32 $_tile_overlayer_lowered  }
0x9b: {  	s22 =	simm.s32 $0x1BFF;
	s21 =	sshll.u32 s6, $0x1;
	s3 =	sadd.s32 s4, s19  }
0x9c: {  	s7 =	simm.s32 $0x0;
	s20 =	sshll.u32 s5, $0x1;
	s5 =	sadd.s32 s21, s3  }
0x9d: {  	[timem:s7], [sflag:s22] =	dma.local [hbm:s5], s20  }
0x9e: {  	_ =	swait.ge [sflag:s22], s20  }
0x9f: {  	s4 =	ssub.s32 $0x0, s20;
	[sflag:s22] =	ssyncset.done $0x0  }
0xa0: {  	[sflag:s22] =	ssyncadd.s32 s4;
	_ =	sdelay $0x1  }
0xa1: {  	s23 =	simm.s32 $0x1B8B  }
0xa2: {  	_ =	swait.ge [sflag:s23], $0x1  }
0xa3: {  	[sflag:s23] =	ssyncset.done $0x0  }
0xa4: {  	s25 =	simm.s32 $0x1B8E;
	s24 =	sld [smem:$0x3FFE];
	[sflag:s23] =	ssyncadd.s32 $0xFFFFFFFF  }
0xa5: {  	s26 =	simm.s32 $execute0_lowered;
	[smem:$0x3FD2] =	sst s25  }
0xa6: {  	s5 =	sshll.u32 s26, $0x1;
	_ =	strace $0x80000046;
	[dreg:$0x1] =	wrdreg $0xFFFFFFFF  }
0xa7: {  	s28 =	simm.s32 $_size_execute0_lowered;
	s3 =	sadd.s32 s3, s5;
	[dreg:$0x0] =	wrdreg $0x0  }
0xa8: {  	s5 =	sshll.u32 s28, $0x1;
	[dreg:$0x2] =	wrdreg s3  }
0xa9: {  	[dreg:$0x3] =	wrdreg s5  }
0xaa: {  	[dreg:$0x4] =	wrdreg $0xC0  }
0xab: {  	_ =	task [dreg:s7], $0x5FFFF  }
0xac: {  	[dreg:$0x1] =	wrdreg $0xFFFFFFFF  }
0xad: {  	[dreg:$0x0] =	wrdreg $0x60  }
0xae: {  	[dreg:$0x2] =	wrdreg s2  }
0xaf: {  	[dreg:$0x3] =	wrdreg s24  }
0xb0: {  	[dreg:$0x4] =	wrdreg $0x7000  }
0xb1: {  	[dreg:$0x5] =	wrdreg $0x9  }
0xb2: {  	_ =	task.clear_ibuf [dreg:s7], $0x6FFFF;
	_ =	strace $0x90000046  }
0xb3: {  	s29 =	simm.s32 $0x9;
	_ =	strace $0x80000048  }
0xb4: {  	_ =	swait.ge [sflag:s29], $0x1  }
0xb5: {  	[sflag:s29] =	ssyncadd.s32 $0xFFFFFFFF  }
0xb6: {  	_ =	strace $0x90000048  }
0xb7: {  	_ =	sfence  }
0xb8: {  	s30 =	sld [smem:$0x0];
	_ =	sdelay $0x2  }
0xb9: {  	s31 =	sshll.u32 s1, $0xD;
	s1 =	sshrl.u32 s1, $0x2  }
0xba: {  	s3 =	sand.u32 $0x4000, s31;
	s1 =	sadd.s32 s1, s30  }
0xbb: {  	s0 =	sor.u32 s3, s0;
	s1 =	sshll.u32 s1, $0x11  }
0xbc: {  	s0 =	sor.u32 s1, s0  }
0xbd: {  	s0 =	sadd.s32 $0x8F2B, s0  }
0xbe: {  	[sflag:s0] =	ssyncadd.remote.s32 $0x1  }
0xbf: {  	_ =	sfence.sel $0xFFFF  }
0xc0: {  	[dreg:$0x0] =	wrdreg $0xFFFFFFFF;
	(pc) =	sbr.abs _section_cstart, $3  }
0xc1: {  	[dreg:$0x1] =	wrdreg $0xFFFFFFFF  }
0xc2: {  	_ =	task.clear_ibuf [dreg:s7], $0x2FFFF;
	_ =	strace $0x9FFFFFFF  }
0xc3: {  	(tm) =	ssettm $0x7FFFFFFF  }
tec
execute0_lowered:
.L_overlay_start_1:
0x0: {  	(tag) =	ssettag $0x1  }
0x1: {  	s0 =	srdreg.scid  }
0x2: {  	s22 =	sand.u32 $0x1, s0  }
0x3: {  	s0 =	stileid.u32;
	s1 =	sshll.u32 s22, $0x4  }
0x4: {  	s18 =	rddreg [dreg:$0x0];
	s1 =	sor.u32 s0, s1  }
0x5: {  	s17 =	rddreg [dreg:$0x1];
	s6 =	smul.u32 $0x9C4, s1  }
0x6: {  	s3 =	rddreg [dreg:$0x2];
	s4 =	simm.s32 $0x0  }
0x7: {  	[smem:$0x7FF] =	sst s4;
	s15 =	sadd.s32 $0x50B0, s17;
	s1 =	sadd.s32 $0x9C4, s6  }
0x8: {  	s5 =	smul.u32 $0x280, s0;
	s2 =	sshrl.u32 s6, $0x5;
	s1 =	sshrl.u32 s1, $0x5  }
0x9: {  	s7 =	ssub.s32 $0x2, s22;
	s20 =	smul.u32 $0x9C40, s22;
	s1 =	ssub.s32 s1, s2  }
0xa: {  	s21 =	smul.u32 $0x9C4, s0;
	s9 =	sshrl.u32 s7, $0x1;
	p4 =	seq.s32 s1, $0x3  }
0xb: {  	s8 =	sshrl.u32 s5, $0x3;
	s19 =	ssub.s32 s7, s9;
	p0 =	slt.u32 @!p4 s1, $0x5  }
0xc: {  	s5 =	sadd.s32 s5, s3;
	s20 =	sadd.s32 s21, s20;
	p5 =	por p0, p4  }
0xd: {  	s21 =	simm.s32 $0x0;
	s16 =	sadd.s32 s8, s17;
	p1 =	seq.s32 @!p5 s1, $0x5  }
0xe: {  	s20 =	sand.u32 $0x1FFE0, s20;
	s17 =	sadd.s32 $0x56B0, s17;
	p2 =	por @!p4 p1, p0  }
0xf: {  	s6 =	sand.u32 $0x1FFE0, s6;
	s20 =	sadd.s32 s20, s18;
	p6 =	por p2, p4  }
0x10: {  	s13 =	sadd.s32 s6, s18;
	s18 =	smax.u32 s19, $0x1;
	p2 =	slt.u32 @!p6 s1, $0x7  }
0x11: {  	s19 =	sadd.s32 $0x170, s20;
	s20 =	simm.s32 $0x100;
	p3 =	por @!p5 p2, p1  }
0x12: {  	s6 =	sadd.s32 $0x10, s13;
	s7 =	sadd.s32 $0x30, s13;
	p3 =	por @!p4 p3, p0  }
0x13: {  	s8 =	sadd.s32 $0x50, s13;
	s9 =	sadd.s32 $0x70, s13;
	p3 =	por p3, p4  }
0x14: {  	s25 =	sadd.s32 $0x4, s1;
	s26 =	sadd.s32 $0xFFFFFFFF, s1;
	s2 =	simm.s32 @!p3 $0x0  }
0x15: {  	s28 =	sadd.s32 $0x3, s1;
	s29 =	sadd.s32 $0xFFFFFFFE, s1;
	s2 =	simm.s32 @p3 $0x1  }
0x16: {  	s10 =	sadd.s32 $0x2, s1;
	[smem:$0x7F4] =	sst s2;
	s2 =	simm.s32 @!p6 $0x0  }
0x17: {  	s11 =	sadd.s32 $0xFFFFFFFD, s1;
	p3 =	seq.s32 @!p3 s1, $0x7;
	s2 =	simm.s32 @p6 $0x1  }
0x18: {  	s12 =	sadd.s32 $0xFFFFFFFC, s1;
	p2 =	por @!p6 p3, p2;
	[smem:$0x7F5] =	sst s2  }
0x19: {  	p1 =	por @!p5 p2, p1;
	_ =	strace $0x80000047;
	[dreg:$0x4] =	wrdreg s25  }
0x1a: {  	p2 =	slt.s32 s1, $0x1;
	s2 =	simm.s32 @!p5 $0x0;
	[dreg:$0x5] =	wrdreg s26  }
0x1b: {  	p0 =	por @!p4 p1, p0;
	[dreg:$0x6] =	wrdreg s28;
	s2 =	simm.s32 @p5 $0x1  }
0x1c: {  	p1 =	seq.s32 @!p2 s1, $0x1;
	[smem:$0x7F6] =	sst s2;
	s2 =	simm.s32 @!p2 $0x0  }
0x1d: {  	[dreg:$0x7] =	wrdreg s29;
	s2 =	simm.s32 @p2 $0x1;
	p2 =	por p2, p1  }
0x1e: {  	[smem:$0x7F7] =	sst s2;
	p1 =	slt.u32 @!p2 s1, $0x3;
	s2 =	simm.s32 @!p2 $0x0  }
0x1f: {  	[dreg:$0x8] =	wrdreg s10;
	s2 =	simm.s32 @p2 $0x1;
	p1 =	por p2, p1  }
0x20: {  	s14 =	sadd.s32 $0xFFFFFFFB, s1;
	[smem:$0x7F8] =	sst s2;
	s2 =	simm.s32 @!p1 $0x0  }
0x21: {  	s30 =	sadd.s32 $0xFFFFFFFA, s1;
	[dreg:$0x9] =	wrdreg s11;
	s2 =	simm.s32 @p1 $0x1  }
0x22: {  	s31 =	sadd.s32 $0xFFFFFFF9, s1;
	[smem:$0x7F9] =	sst s2;
	s2 =	simm.s32 @!p4 $0x0  }
0x23: {  	[dreg:$0xa] =	wrdreg s12;
	p0 =	por p0, p4;
	s2 =	simm.s32 @p4 $0x1  }
0x24: {  	s10 =	sadd.s32 $0x90, s13;
	[smem:$0x7FA] =	sst s2;
	s2 =	simm.s32 @!p0 $0x0  }
0x25: {  	[dreg:$0xb] =	wrdreg s14;
	s2 =	simm.s32 @p0 $0x1;
	p0 =	seq.s32 s22, $0x1  }
0x26: {  	s11 =	sadd.s32 $0xB0, s13;
	[smem:$0x7FB] =	sst s2;
	s2 =	simm.s32 @!p0 $0x0  }
0x27: {  	[dreg:$0xc] =	wrdreg s30;
	s2 =	simm.s32 @p0 $0x1;
	p0 =	seq.s32 s0, $0xF  }
0x28: {  	s12 =	sadd.s32 $0xD0, s13;
	[smem:$0x7FC] =	sst s2;
	s2 =	simm.s32 @!p0 $0x0  }
0x29: {  	s13 =	sadd.s32 $0xF0, s13;
	[dreg:$0xd] =	wrdreg s31;
	s2 =	simm.s32 @p0 $0x1  }
0x2a: {  	v0 =	vimm.f32 $1.000000000e+00;
	v1 =	vimm.f32 $0.0e+00;
	s14 =	sadd.s32 $0x4C00, s16;
	s16 =	sadd.s32 $0x5200, s16;
	[smem:$0x7FD] =	sst s2  }
.LBB2_1:
0x2b: {  	[tilespmem:$0x400] =	vst v0  }
0x2c: {  	[tilespmem:$0x410] =	vst v0  }
0x2d: {  	[tilespmem:$0x420] =	vst v0  }
0x2e: {  	[tilespmem:$0x430] =	vst v0  }
0x2f: {  	[tilespmem:$0x440] =	vst v0  }
0x30: {  	[tilespmem:$0x450] =	vst v0  }
0x31: {  	[tilespmem:$0x460] =	vst v0  }
0x32: {  	[tilespmem:$0x470] =	vst v0  }
0x33: {  	[tilespmem:$0x480] =	vst v1  }
0x34: {  	[tilespmem:$0x490] =	vst v1  }
0x35: {  	[tilespmem:$0x4A0] =	vst v1  }
0x36: {  	[tilespmem:$0x4B0] =	vst v1  }
0x37: {  	[tilespmem:$0x4C0] =	vst v1  }
0x38: {  	[tilespmem:$0x4D0] =	vst v1  }
0x39: {  	[tilespmem:$0x4E0] =	vst v1  }
0x3a: {  	[tilespmem:$0x4F0] =	vst v1  }
0x3b: {  	[tilespmem:$0x500] =	vst v1  }
0x3c: {  	[tilespmem:$0x510] =	vst v1  }
0x3d: {  	[tilespmem:$0x520] =	vst v1  }
0x3e: {  	[tilespmem:$0x530] =	vst v1  }
0x3f: {  	[tilespmem:$0x540] =	vst v1  }
0x40: {  	[tilespmem:$0x550] =	vst v1  }
0x41: {  	[tilespmem:$0x560] =	vst v1  }
0x42: {  	[tilespmem:$0x570] =	vst v1  }
0x43: {  	[tilespmem:$0x580] =	vst v1  }
0x44: {  	[tilespmem:$0x590] =	vst v1  }
0x45: {  	[tilespmem:$0x5A0] =	vst v1  }
0x46: {  	[tilespmem:$0x5B0] =	vst v1  }
0x47: {  	[tilespmem:$0x5C0] =	vst v1  }
0x48: {  	[tilespmem:$0x5D0] =	vst v1  }
0x49: {  	[tilespmem:$0x5E0] =	vst v1  }
0x4a: {  	[tilespmem:$0x5F0] =	vst v1  }
0x4b: {  	[tilespmem:$0x600] =	vst v1  }
0x4c: {  	[tilespmem:$0x610] =	vst v1  }
0x4d: {  	[tilespmem:$0x620] =	vst v1  }
0x4e: {  	[tilespmem:$0x630] =	vst v1  }
0x4f: {  	[tilespmem:$0x640] =	vst v1  }
0x50: {  	[tilespmem:$0x650] =	vst v1  }
0x51: {  	[tilespmem:$0x660] =	vst v1  }
0x52: {  	[tilespmem:$0x670] =	vst v1  }
0x53: {  	[tilespmem:$0x680] =	vst v1  }
0x54: {  	[tilespmem:$0x690] =	vst v1  }
0x55: {  	[tilespmem:$0x6A0] =	vst v1  }
0x56: {  	[tilespmem:$0x6B0] =	vst v1;
	s2 =	sld [smem:$0x7FD]  }
0x57: {  	[tilespmem:$0x6C0] =	vst v1  }
0x58: {  	[tilespmem:$0x6D0] =	vst v1  }
0x59: {  	[tilespmem:$0x6E0] =	vst v1;
	p0 =	seq.s32 s2, $0x1  }
0x5a: {  	[tilespmem:$0x6F0] =	vst v1;
	s22 =	simm.s32 @p0 $0x480  }
0x5b: {  	[spmem:s5] =	stream.linear.scatter @p0 [tilespmem:s22], [sflag:$0x11], $0x190, $0x38;
	[tilespmem:$0x978] =	vst v63  }
0x5c: {  	s22 =	simm.s32 @p0 $0x11  }
0x5d: {  	_ =	swait.ge @p0 [sflag:s22], $0x190  }
0x5e: {  	[sflag:s22] =	ssyncset.done @p0 $0x0  }
0x5f: {  	[sflag:s22] =	ssyncadd.s32 @p0 $0xFFFFFE70;
	s22 =	simm.s32 @!p0 $0x480  }
0x60: {  	[spmem:s5] =	stream.linear.scatter @!p0 [tilespmem:s22], [sflag:$0x11], $0x280, $0x38;
	[tilespmem:$0x978] =	vst v63  }
0x61: {  	s22 =	simm.s32 @!p0 $0x11  }
0x62: {  	_ =	swait.ge @!p0 [sflag:s22], $0x280  }
0x63: {  	s29 =	sld [smem:$0x7F7];
	_ =	sdelay $0x1  }
0x64: {  	[sflag:s22] =	ssyncset.done @!p0 $0x0  }
0x65: {  	s30 =	sld [smem:$0x7F8];
	[sflag:s22] =	ssyncadd.s32 @!p0 $0xFFFFFD80;
	p0 =	seq.s32 s29, $0x1  }
0x66: {  	s22 =	simm.s32 @!p0 $0x0  }
0x67: {  	[tilespmem:s22], [sflag:$0x1] =	stream.linear.gather @!p0 [hbm4b:s6+s22], $0x80, $0x38;
	[tilespmem:$0x978] =	vst v63  }
0x68: {  	s31 =	sld [smem:$0x7F9];
	p0 =	seq.s32 s30, $0x1  }
0x69: {  	s22 =	simm.s32 @!p0 $0x0;
	s23 =	simm.s32 @!p0 $0x80  }
0x6a: {  	[tilespmem:s23], [sflag:$0x2] =	stream.linear.gather @!p0 [hbm4b:s7+s22], $0x80, $0x38;
	[tilespmem:$0x978] =	vst v63  }
0x6b: {  	p0 =	seq.s32 s31, $0x1  }
.Ltmp0:
0x6c: {  	_ = 	snop;
	(pc) =	sbr.rel @p0 .LBB2_3-.Ltmp0, $1  }
0x6d: {  	_ =	sdelay $0x3  }
0x6e: {  	s2 =	sld [smem:$0x7FA];
	_ =	sdelay $0x1  }
0x6f: {  	[tilespmem:s20], [sflag:$0x3] =	stream.linear.gather [hbm4b:s8+s4], $0x80, $0x38;
	[tilespmem:$0x978] =	vst v63  }
0x70: {  	s28 =	sld [smem:$0x7F6];
	p0 =	seq.s32 s2, $0x1  }
0x71: {  	s22 =	simm.s32 @!p0 $0x0;
	s23 =	simm.s32 @!p0 $0x180  }
0x72: {  	[tilespmem:s23], [sflag:$0x4] =	stream.linear.gather @!p0 [hbm4b:s9+s22], $0x80, $0x38;
	[tilespmem:$0x978] =	vst v63  }
0x73: {  	s29 =	sld [smem:$0x7F5];
	p0 =	seq.s32 s28, $0x1  }
0x74: {  	s22 =	simm.s32 @!p0 $0x0;
	s23 =	simm.s32 @!p0 $0x200  }
0x75: {  	[tilespmem:s23], [sflag:$0x5] =	stream.linear.gather @!p0 [hbm4b:s10+s22], $0x80, $0x38;
	[tilespmem:$0x978] =	vst v63  }
0x76: {  	s30 =	sld [smem:$0x7F4];
	p0 =	seq.s32 s29, $0x1  }
0x77: {  	s22 =	simm.s32 @!p0 $0x0;
	s23 =	simm.s32 @!p0 $0x280  }
0x78: {  	[tilespmem:s23], [sflag:$0x6] =	stream.linear.gather @!p0 [hbm4b:s11+s22], $0x80, $0x38;
	[tilespmem:$0x978] =	vst v63  }
0x79: {  	s31 =	sld [smem:$0x7FB];
	p0 =	seq.s32 s30, $0x1  }
0x7a: {  	s22 =	simm.s32 @!p0 $0x0;
	s23 =	simm.s32 @!p0 $0x300  }
0x7b: {  	[tilespmem:s23], [sflag:$0x7] =	stream.linear.gather @!p0 [hbm4b:s12+s22], $0x80, $0x38;
	[tilespmem:$0x978] =	vst v63  }
0x7c: {  	p0 =	seq.s32 s31, $0x1  }
0x7d: {  	s22 =	simm.s32 @!p0 $0x0;
	s23 =	simm.s32 @!p0 $0x380  }
0x7e: {  	[tilespmem:s23], [sflag:$0x8] =	stream.linear.gather @!p0 [hbm4b:s13+s22], $0x80, $0x38;
	[tilespmem:$0x978] =	vst v63  }
.LBB2_3:
0x7f: {  	p0 =	sle.s32 s1, $0x0  }
0x80: {  	s2 =	simm.s32 @!p0 $0x0  }
0x81: {  	s2 =	simm.s32 @p0 $0x1  }
0x82: {  	[smem:$0x7F3] =	sst s2  }
0x83: {  	s22 =	simm.s32 @!p0 $0x1;
	[bflag:$0x0] =	sbarrier.arrive $0xFFFF  }
0x84: {  	p3 =	por $0x1, $0x1;
	s23 =	simm.s32 @!p0 $0x80;
	_ =	swait.ge @!p0 [sflag:s22], $0x80  }
0x85: {  	s24 =	simm.s32 @!p0 $0x0;
	[sflag:s22] =	ssyncset.done @!p0 $0x0;
	s25 =	rddreg [dreg:$0x4]  }
0x86: {  	[sflag:s22] =	ssyncadd.s32 @!p0 $0xFFFFFF80;
	s22 =	simm.s32 @!p0 $0x400;
	p1 =	sle.s32 @!p3 s25, $0x0  }
0x87: {  	[spmem:s3] =	stream.indirect.scatter.add.f32 @!p0 [tilespmem:s22], [sflag:$0x9], $0x1, s24, s23, $0xb8;
	[tilespmem:$0x978] =	vst v63  }
0x88: {  	p2 =	por p1, p3  }
0x89: {  	s22 =	simm.s32 @!p2 $0xD  }
0x8a: {  	p4 =	sle.s32 @!p2 s1, $0x4;
	_ =	swait.ge @!p2 [sflag:s22], $0x80  }
0x8b: {  	p1 =	por @!p3 p4, p1;
	[sflag:s22] =	ssyncset.done @!p2 $0x0  }
0x8c: {  	p1 =	por p1, p3;
	s2 =	rddreg [dreg:$0x5];
	[sflag:s22] =	ssyncadd.s32 @!p2 $0xFFFFFF80  }
0x8d: {  	s23 =	sadd.s32 @!p1 $0xFFFFFF20, s19;
	s24 =	simm.s32 @!p1 $0x0;
	s25 =	simm.s32 @!p1 $0x200  }
0x8e: {  	[tilespmem:s25], [sflag:$0x5] =	stream.linear.gather @!p1 [hbm4b:s23+s24], $0x80, $0x38;
	[tilespmem:$0x978] =	vst v63  }
0x8f: {  	p1 =	sle.s32 s2, $0x0  }
0x90: {  	s22 =	simm.s32 @!p1 $0x2  }
0x91: {  	_ =	swait.ge @!p1 [sflag:s22], $0x80  }
0x92: {  	s24 =	simm.s32 @!p1 $0x400;
	[sflag:s22] =	ssyncset.done @!p1 $0x0;
	s23 =	rddreg [dreg:$0x6]  }
0x93: {  	[sflag:s22] =	ssyncadd.s32 @!p1 $0xFFFFFF80;
	s22 =	simm.s32 @!p1 $0x80;
	p2 =	sle.s32 @!p3 s23, $0x0  }
0x94: {  	[spmem:s3] =	stream.indirect.scatter.add.f32 @!p1 [tilespmem:s24], [sflag:$0xA], $0x1, s22, s22, $0xb8;
	[tilespmem:$0x978] =	vst v63  }
0x95: {  	p4 =	por p2, p3  }
0x96: {  	s22 =	simm.s32 @!p4 $0xE  }
0x97: {  	p5 =	sle.s32 @!p4 s1, $0x5;
	_ =	swait.ge @!p4 [sflag:s22], $0x80  }
0x98: {  	p2 =	por @!p3 p5, p2;
	[sflag:s22] =	ssyncset.done @!p4 $0x0  }
0x99: {  	s26 =	rddreg [dreg:$0x7];
	p2 =	por p2, p3;
	[sflag:s22] =	ssyncadd.s32 @!p4 $0xFFFFFF80  }
0x9a: {  	s22 =	sadd.s32 @!p2 $0xFFFFFF40, s19;
	s24 =	simm.s32 @!p2 $0x0;
	s25 =	simm.s32 @!p2 $0x280  }
0x9b: {  	[tilespmem:s25], [sflag:$0x6] =	stream.linear.gather @!p2 [hbm4b:s22+s24], $0x80, $0x38;
	[tilespmem:$0x978] =	vst v63  }
0x9c: {  	p2 =	sle.s32 s26, $0x0  }
0x9d: {  	s22 =	simm.s32 @!p2 $0x3  }
0x9e: {  	s23 =	simm.s32 @!p2 $0x400;
	_ =	swait.ge @!p2 [sflag:s22], $0x80  }
0x9f: {  	s25 =	simm.s32 @!p2 $0x100;
	[sflag:s22] =	ssyncset.done @!p2 $0x0;
	s24 =	rddreg [dreg:$0x8]  }
0xa0: {  	[sflag:s22] =	ssyncadd.s32 @!p2 $0xFFFFFF80;
	s22 =	simm.s32 @!p2 $0x80;
	p4 =	sle.s32 @!p3 s24, $0x0  }
0xa1: {  	[spmem:s3] =	stream.indirect.scatter.add.f32 @!p2 [tilespmem:s23], [sflag:$0xB], $0x1, s25, s22, $0xb8;
	[tilespmem:$0x978] =	vst v63  }
0xa2: {  	p5 =	por p4, p3  }
0xa3: {  	s22 =	simm.s32 @!p5 $0xF  }
0xa4: {  	_ =	swait.ge @!p5 [sflag:s22], $0x80  }
0xa5: {  	p6 =	sle.s32 @!p5 s1, $0x6;
	[sflag:s22] =	ssyncset.done @!p5 $0x0  }
0xa6: {  	p4 =	por @!p3 p6, p4;
	s31 =	rddreg [dreg:$0x9];
	[sflag:s22] =	ssyncadd.s32 @!p5 $0xFFFFFF80  }
0xa7: {  	p5 =	por p4, p3;
	p4 =	slt.s32 @!p3 s1, $0x0;
	p0 =	sle.s32 s31, $0x0  }
0xa8: {  	s22 =	sadd.s32 @!p5 $0xFFFFFF60, s19;
	s23 =	simm.s32 @!p5 $0x0;
	s24 =	simm.s32 @!p5 $0x300  }
0xa9: {  	[tilespmem:s24], [sflag:$0x7] =	stream.linear.gather @!p5 [hbm4b:s22+s23], $0x80, $0x38;
	[tilespmem:$0x978] =	vst v63  }
0xaa: {  	s25 =	simm.s32 @!p0 $0x4;
	p5 =	por p4, p3  }
0xab: {  	s22 =	simm.s32 @!p0 $0x400;
	s23 =	simm.s32 @!p0 $0x180;
	_ =	swait.ge @!p0 [sflag:s25], $0x80  }
0xac: {  	s24 =	simm.s32 @!p0 $0x80;
	p6 =	sle.u32 @!p5 s1, $0x7;
	[sflag:s25] =	ssyncset.done @!p0 $0x0  }
0xad: {  	p4 =	por @!p3 p6, p4;
	[sflag:s25] =	ssyncadd.s32 @!p0 $0xFFFFFF80;
	s25 =	simm.s32 @!p5 $0x10  }
0xae: {  	[spmem:s3] =	stream.indirect.scatter.add.f32 @!p0 [tilespmem:s22], [sflag:$0xC], $0x1, s23, s24, $0xb8;
	[tilespmem:$0x978] =	vst v63  }
0xaf: {  	p3 =	por p4, p3;
	_ =	swait.ge @!p5 [sflag:s25], $0x80  }
0xb0: {  	s23 =	sadd.s32 @!p3 $0xFFFFFF80, s19;
	s24 =	simm.s32 @!p3 $0x0;
	[sflag:s25] =	ssyncset.done @!p5 $0x0  }
0xb1: {  	s2 =	rddreg [dreg:$0xa];
	[sflag:s25] =	ssyncadd.s32 @!p5 $0xFFFFFF80;
	s25 =	simm.s32 @!p3 $0x380  }
0xb2: {  	[tilespmem:s25], [sflag:$0x8] =	stream.linear.gather @!p3 [hbm4b:s23+s24], $0x80, $0x38;
	[tilespmem:$0x978] =	vst v63  }
0xb3: {  	p3 =	sle.s32 s2, $0x0  }
0xb4: {  	s22 =	simm.s32 @!p3 $0x5  }
0xb5: {  	_ =	swait.ge @!p3 [sflag:s22], $0x80  }
0xb6: {  	[sflag:s22] =	ssyncset.done @!p3 $0x0  }
0xb7: {  	[sflag:s22] =	ssyncadd.s32 @!p3 $0xFFFFFF80;
	s22 =	sld [smem:$0x7F3]  }
0xb8: {  	s23 =	simm.s32 @!p3 $0x400;
	s24 =	simm.s32 @!p3 $0x80;
	s25 =	simm.s32 @!p3 $0x200  }
0xb9: {  	[spmem:s3] =	stream.indirect.scatter.add.f32 @!p3 [tilespmem:s23], [sflag:$0xD], $0x1, s25, s24, $0xb8;
	[tilespmem:$0x978] =	vst v63  }
0xba: {  	p4 =	seq.s32 s22, $0x1  }
0xbb: {  	s22 =	simm.s32 @!p4 $0x9  }
0xbc: {  	p3 =	sle.u32 @!p4 s1, $0x8;
	_ =	swait.ge @!p4 [sflag:s22], $0x80  }
0xbd: {  	p3 =	por p3, p4;
	[sflag:s22] =	ssyncset.done @!p4 $0x0;
	s26 =	rddreg [dreg:$0xb]  }
0xbe: {  	s24 =	simm.s32 @!p3 $0x0;
	[sflag:s22] =	ssyncadd.s32 @!p4 $0xFFFFFF80;
	s22 =	sadd.s32 @!p3 $0xFFFFFFA0, s19  }
0xbf: {  	[tilespmem:s24], [sflag:$0x1] =	stream.linear.gather @!p3 [hbm4b:s22+s24], $0x80, $0x38;
	[tilespmem:$0x978] =	vst v63  }
0xc0: {  	p3 =	por p0, p0;
	p0 =	sle.s32 s26, $0x0  }
0xc1: {  	s22 =	simm.s32 @!p0 $0x6  }
0xc2: {  	_ =	swait.ge @!p0 [sflag:s22], $0x80  }
0xc3: {  	s23 =	simm.s32 @!p0 $0x400;
	[sflag:s22] =	ssyncset.done @!p0 $0x0  }
0xc4: {  	s24 =	simm.s32 @!p0 $0x80;
	s25 =	simm.s32 @!p0 $0x280;
	[sflag:s22] =	ssyncadd.s32 @!p0 $0xFFFFFF80  }
0xc5: {  	[spmem:s3] =	stream.indirect.scatter.add.f32 @!p0 [tilespmem:s23], [sflag:$0xE], $0x1, s25, s24, $0xb8;
	[tilespmem:$0x978] =	vst v63  }
0xc6: {  	s22 =	simm.s32 @!p1 $0xA;
	p0 =	sle.u32 @!p1 s1, $0x9  }
0xc7: {  	_ =	swait.ge @!p1 [sflag:s22], $0x80;
	p0 =	por p0, p1  }
0xc8: {  	[sflag:s22] =	ssyncset.done @!p1 $0x0;
	s31 =	rddreg [dreg:$0xc];
	s23 =	simm.s32 @!p0 $0x80  }
0xc9: {  	s24 =	sadd.s32 @!p0 $0xFFFFFFC0, s19;
	s25 =	simm.s32 @!p0 $0x0;
	[sflag:s22] =	ssyncadd.s32 @!p1 $0xFFFFFF80  }
0xca: {  	[tilespmem:s23], [sflag:$0x2] =	stream.linear.gather @!p0 [hbm4b:s24+s25], $0x80, $0x38;
	[tilespmem:$0x978] =	vst v63  }
0xcb: {  	p0 =	sle.s32 s31, $0x0  }
0xcc: {  	s22 =	simm.s32 @!p0 $0x7  }
0xcd: {  	_ =	swait.ge @!p0 [sflag:s22], $0x80  }
0xce: {  	s26 =	simm.s32 @!p2 $0xB;
	s23 =	simm.s32 @!p0 $0x400;
	[sflag:s22] =	ssyncset.done @!p0 $0x0  }
0xcf: {  	s24 =	simm.s32 @!p0 $0x80;
	s25 =	simm.s32 @!p0 $0x300;
	[sflag:s22] =	ssyncadd.s32 @!p0 $0xFFFFFF80  }
0xd0: {  	[spmem:s3] =	stream.indirect.scatter.add.f32 @!p0 [tilespmem:s23], [sflag:$0xF], $0x1, s25, s24, $0xb8;
	[tilespmem:$0x978] =	vst v63  }
0xd1: {  	s22 =	simm.s32 $0x0;
	s23 =	simm.s32 $0x8;
	p0 =	sle.u32 @!p2 s1, $0xA  }
0xd2: {  	s25 =	sadd.s32 $0x100, s19;
	s24 =	smov.u32 s19;
	_ =	swait.ge @!p2 [sflag:s26], $0x80  }
0xd3: {  	p1 =	por p0, p2;
	p0 =	sle.u32 @!p3 s1, $0xB;
	[sflag:s26] =	ssyncset.done @!p2 $0x0  }
0xd4: {  	p6 =	por p0, p3;
	s28 =	simm.s32 @!p1 $0x100;
	s29 =	sadd.s32 @!p1 $0xFFFFFFE0, s19  }
0xd5: {  	s30 =	simm.s32 @!p1 $0x0;
	[sflag:s26] =	ssyncadd.s32 @!p2 $0xFFFFFF80;
	s26 =	rddreg [dreg:$0xd]  }
.LBB2_4:
0xd6: {  	[tilespmem:s28], [sflag:$0x3] =	stream.linear.gather @!p1 [hbm4b:s29+s30], $0x80, $0x38;
	[tilespmem:$0x978] =	vst v63  }
0xd7: {  	p1 =	sge.s32 s22, s26;
	s22 =	smov.u32 s23;
	s23 =	sadd.s32 $0x8, s23  }
0xd8: {  	p2 =	sne.s32 s23, $0x58  }
0xd9: {  	s2 =	simm.s32 @!p2 $0x0  }
0xda: {  	s2 =	simm.s32 @p2 $0x1  }
0xdb: {  	p0 =	sge.s32 s22, s1;
	s26 =	simm.s32 @!p1 $0x8;
	[smem:$0x7F2] =	sst s2  }
0xdc: {  	s29 =	simm.s32 @!p1 $0x400;
	s30 =	simm.s32 @!p1 $0x80;
	_ =	swait.ge @!p1 [sflag:s26], $0x80  }
0xdd: {  	s31 =	simm.s32 @!p1 $0x380;
	s28 =	sadd.s32 @!p0 $0x8, s22;
	[sflag:s26] =	ssyncset.done @!p1 $0x0  }
0xde: {  	p2 =	sge.u32 @!p0 s28, s1;
	s2 =	simm.s32 @!p0 $0x0;
	[sflag:s26] =	ssyncadd.s32 @!p1 $0xFFFFFF80  }
0xdf: {  	[spmem:s3] =	stream.indirect.scatter.add.f32 @!p1 [tilespmem:s29], [sflag:$0x10], $0x1, s31, s30, $0xb8;
	[tilespmem:$0x978] =	vst v63  }
0xe0: {  	s2 =	simm.s32 @p0 $0x1;
	p1 =	por p2, p0  }
0xe1: {  	[smem:$0x7EE] =	sst s2;
	s2 =	simm.s32 @!p1 $0x0  }
0xe2: {  	s2 =	simm.s32 @p1 $0x1  }
0xe3: {  	s26 =	simm.s32 @!p3 $0xC;
	[smem:$0x7F0] =	sst s2  }
0xe4: {  	_ =	swait.ge @!p3 [sflag:s26], $0x80  }
0xe5: {  	s28 =	simm.s32 @!p0 $0x1;
	[sflag:s26] =	ssyncset.done @!p3 $0x0  }
0xe6: {  	s29 =	simm.s32 @!p6 $0x0;
	s30 =	simm.s32 @!p6 $0x180;
	[sflag:s26] =	ssyncadd.s32 @!p3 $0xFFFFFF80  }
0xe7: {  	[tilespmem:s30], [sflag:$0x4] =	stream.linear.gather @!p6 [hbm4b:s24+s29], $0x80, $0x38;
	[tilespmem:$0x978] =	vst v63  }
0xe8: {  	p4 =	seq.s32 s22, $0x0;
	s26 =	simm.s32 @!p0 $0x80;
	_ =	swait.ge @!p0 [sflag:s28], $0x80  }
0xe9: {  	s29 =	simm.s32 @!p0 $0x0;
	[sflag:s28] =	ssyncset.done @!p0 $0x0;
	s30 =	rddreg [dreg:$0x4]  }
0xea: {  	[sflag:s28] =	ssyncadd.s32 @!p0 $0xFFFFFF80;
	s28 =	simm.s32 @!p0 $0x400;
	p1 =	sge.s32 @!p4 s22, s30  }
0xeb: {  	[spmem:s3] =	stream.indirect.scatter.add.f32 @!p0 [tilespmem:s28], [sflag:$0x9], $0x1, s29, s26, $0xb8;
	[tilespmem:$0x978] =	vst v63  }
0xec: {  	p2 =	por p1, p4  }
0xed: {  	s26 =	simm.s32 @!p2 $0xD;
	s28 =	sadd.s32 @!p2 $0x4, s22  }
0xee: {  	_ =	swait.ge @!p2 [sflag:s26], $0x80;
	p3 =	sge.s32 @!p2 s28, s1  }
0xef: {  	[sflag:s26] =	ssyncset.done @!p2 $0x0;
	p1 =	por @!p4 p3, p1;
	s2 =	rddreg [dreg:$0x5]  }
0xf0: {  	[sflag:s26] =	ssyncadd.s32 @!p2 $0xFFFFFF80;
	p1 =	por p1, p4;
	p5 =	sge.s32 s22, s2  }
0xf1: {  	s28 =	sadd.s32 @!p1 $0xFFFFFF20, s25;
	s29 =	simm.s32 @!p1 $0x0;
	s30 =	simm.s32 @!p1 $0x200  }
0xf2: {  	[tilespmem:s30], [sflag:$0x5] =	stream.linear.gather @!p1 [hbm4b:s28+s29], $0x80, $0x38;
	[tilespmem:$0x978] =	vst v63  }
0xf3: {  	s28 =	sadd.s32 @!p5 $0x9, s22  }
0xf4: {  	s26 =	simm.s32 @!p5 $0x2;
	p1 =	sge.u32 @!p5 s28, s1  }
0xf5: {  	s29 =	simm.s32 @!p5 $0x400;
	_ =	swait.ge @!p5 [sflag:s26], $0x80;
	p0 =	por p1, p5  }
0xf6: {  	[sflag:s26] =	ssyncset.done @!p5 $0x0;
	s28 =	rddreg [dreg:$0x6];
	s2 =	simm.s32 @!p0 $0x0  }
0xf7: {  	[sflag:s26] =	ssyncadd.s32 @!p5 $0xFFFFFF80;
	s26 =	simm.s32 @!p5 $0x80;
	p1 =	sge.s32 @!p4 s22, s28  }
0xf8: {  	[spmem:s3] =	stream.indirect.scatter.add.f32 @!p5 [tilespmem:s29], [sflag:$0xA], $0x1, s26, s26, $0xb8;
	[tilespmem:$0x978] =	vst v63  }
0xf9: {  	s2 =	simm.s32 @p0 $0x1;
	p2 =	por p1, p4  }
0xfa: {  	[smem:$0x7F1] =	sst s2;
	s26 =	simm.s32 @!p2 $0xE;
	s28 =	sadd.s32 @!p2 $0x5, s22  }
0xfb: {  	_ =	swait.ge @!p2 [sflag:s26], $0x80;
	p3 =	sge.s32 @!p2 s28, s1  }
0xfc: {  	[sflag:s26] =	ssyncset.done @!p2 $0x0;
	p1 =	por @!p4 p3, p1;
	s28 =	rddreg [dreg:$0x7]  }
0xfd: {  	[sflag:s26] =	ssyncadd.s32 @!p2 $0xFFFFFF80;
	p1 =	por p1, p4;
	p2 =	sge.s32 s22, s28  }
0xfe: {  	s26 =	sadd.s32 @!p1 $0xFFFFFF40, s25;
	s29 =	simm.s32 @!p1 $0x0;
	s30 =	simm.s32 @!p1 $0x280  }
0xff: {  	[tilespmem:s30], [sflag:$0x6] =	stream.linear.gather @!p1 [hbm4b:s26+s29], $0x80, $0x38;
	[tilespmem:$0x978] =	vst v63  }
0x100: {  	s28 =	sadd.s32 @!p2 $0xA, s22;
	s26 =	simm.s32 @!p2 $0x3  }
0x101: {  	p1 =	sge.u32 @!p2 s28, s1;
	s28 =	simm.s32 @!p2 $0x400;
	_ =	swait.ge @!p2 [sflag:s26], $0x80  }
0x102: {  	s30 =	simm.s32 @!p2 $0x100;
	p0 =	por p1, p2;
	[sflag:s26] =	ssyncset.done @!p2 $0x0  }
0x103: {  	s29 =	rddreg [dreg:$0x8];
	s2 =	simm.s32 @!p0 $0x0;
	[sflag:s26] =	ssyncadd.s32 @!p2 $0xFFFFFF80  }
0x104: {  	s26 =	simm.s32 @!p2 $0x80;
	p3 =	sge.s32 @!p4 s22, s29;
	s2 =	simm.s32 @p0 $0x1  }
0x105: {  	[spmem:s3] =	stream.indirect.scatter.add.f32 @!p2 [tilespmem:s28], [sflag:$0xB], $0x1, s30, s26, $0xb8;
	[tilespmem:$0x978] =	vst v63  }
0x106: {  	p0 =	sgt.s32 @!p4 s22, s1;
	[smem:$0x7EF] =	sst s2;
	p1 =	por p3, p4  }
0x107: {  	s2 =	simm.s32 @!p0 $0x0;
	s26 =	simm.s32 @!p1 $0xF;
	s28 =	sadd.s32 @!p1 $0x6, s22  }
0x108: {  	s2 =	simm.s32 @p0 $0x1;
	_ =	swait.ge @!p1 [sflag:s26], $0x80;
	p6 =	sge.s32 @!p1 s28, s1  }
0x109: {  	[sflag:s26] =	ssyncset.done @!p1 $0x0;
	p3 =	por @!p4 p6, p3;
	s28 =	rddreg [dreg:$0x9]  }
0x10a: {  	[sflag:s26] =	ssyncadd.s32 @!p1 $0xFFFFFF80;
	p6 =	por p3, p4;
	p1 =	por p0, p4  }
0x10b: {  	p3 =	sge.s32 s22, s28;
	s26 =	sadd.s32 @!p6 $0xFFFFFF60, s25;
	s28 =	sadd.s32 @!p1 $0x7, s22  }
0x10c: {  	s29 =	simm.s32 @!p6 $0x0;
	s30 =	simm.s32 @!p6 $0x300;
	p0 =	sge.u32 @!p1 s28, s1  }
0x10d: {  	[tilespmem:s30], [sflag:$0x7] =	stream.linear.gather @!p6 [hbm4b:s26+s29], $0x80, $0x38;
	[tilespmem:$0x978] =	vst v63  }
0x10e: {  	s28 =	simm.s32 @!p0 $0x0  }
0x10f: {  	[smem:$0x7ED] =	sst s2;
	s28 =	simm.s32 @p0 $0x1  }
0x110: {  	s31 =	simm.s32 @!p3 $0x4;
	[smem:$0x7EC] =	sst s28  }
0x111: {  	_ =	swait.ge @!p3 [sflag:s31], $0x80  }
0x112: {  	s28 =	sld [smem:$0x7EC];
	_ =	sdelay $0x2  }
0x113: {  	p0 =	seq.s32 s28, $0x1;
	s28 =	sld [smem:$0x7ED];
	_ =	sdelay $0x1  }
0x114: {  	s2 =	simm.s32 @!p3 $0x400  }
0x115: {  	s26 =	simm.s32 @!p3 $0x180;
	[sflag:s31] =	ssyncset.done @!p3 $0x0;
	p6 =	seq.s32 s28, $0x1  }
0x116: {  	[sflag:s31] =	ssyncadd.s32 @!p3 $0xFFFFFF80;
	s28 =	simm.s32 @!p3 $0x80;
	p0 =	por @!p4 p0, p6  }
0x117: {  	[spmem:s3] =	stream.indirect.scatter.add.f32 @!p3 [tilespmem:s2], [sflag:$0xC], $0x1, s26, s28, $0xb8;
	[tilespmem:$0x978] =	vst v63  }
0x118: {  	s29 =	simm.s32 @!p1 $0x10;
	p4 =	por p0, p4  }
0x119: {  	_ =	swait.ge @!p1 [sflag:s29], $0x80;
	s2 =	sadd.s32 @!p4 $0xFFFFFF80, s25  }
0x11a: {  	[sflag:s29] =	ssyncset.done @!p1 $0x0;
	s31 =	rddreg [dreg:$0xa];
	s28 =	simm.s32 @!p4 $0x0  }
0x11b: {  	[sflag:s29] =	ssyncadd.s32 @!p1 $0xFFFFFF80;
	s29 =	simm.s32 @!p4 $0x380;
	p1 =	sge.s32 s22, s31  }
0x11c: {  	[tilespmem:s29], [sflag:$0x8] =	stream.linear.gather @!p4 [hbm4b:s2+s28], $0x80, $0x38;
	[tilespmem:$0x978] =	vst v63  }
0x11d: {  	s30 =	sadd.s32 @!p3 $0xB, s22;
	s2 =	simm.s32 @!p1 $0x5  }
0x11e: {  	p0 =	sge.u32 @!p3 s30, s1;
	_ =	swait.ge @!p1 [sflag:s2], $0x80  }
0x11f: {  	s26 =	simm.s32 @!p1 $0x400;
	[sflag:s2] =	ssyncset.done @!p1 $0x0;
	s31 =	sld [smem:$0x7EE]  }
0x120: {  	s28 =	simm.s32 @!p1 $0x80;
	s29 =	simm.s32 @!p1 $0x200;
	[sflag:s2] =	ssyncadd.s32 @!p1 $0xFFFFFF80  }
0x121: {  	[spmem:s3] =	stream.indirect.scatter.add.f32 @!p1 [tilespmem:s26], [sflag:$0xD], $0x1, s29, s28, $0xb8;
	[tilespmem:$0x978] =	vst v63  }
0x122: {  	p6 =	por p0, p3;
	p0 =	seq.s32 s31, $0x1;
	s31 =	sld [smem:$0x7EF]  }
0x123: {  	s2 =	simm.s32 @!p0 $0x9  }
0x124: {  	_ =	swait.ge @!p0 [sflag:s2], $0x80  }
0x125: {  	p1 =	seq.s32 s31, $0x1;
	s31 =	sld [smem:$0x7F0];
	_ =	sdelay $0x1  }
0x126: {  	[sflag:s2] =	ssyncset.done @!p0 $0x0  }
0x127: {  	[sflag:s2] =	ssyncadd.s32 @!p0 $0xFFFFFF80;
	p0 =	seq.s32 s31, $0x1  }
0x128: {  	s26 =	rddreg [dreg:$0xb];
	s2 =	sadd.s32 @!p0 $0xFFFFFFA0, s25;
	s28 =	simm.s32 @!p0 $0x0  }
0x129: {  	[tilespmem:s28], [sflag:$0x1] =	stream.linear.gather @!p0 [hbm4b:s2+s28], $0x80, $0x38;
	[tilespmem:$0x978] =	vst v63  }
0x12a: {  	p0 =	sge.s32 s22, s26  }
0x12b: {  	s2 =	simm.s32 @!p0 $0x6  }
0x12c: {  	_ =	swait.ge @!p0 [sflag:s2], $0x80  }
0x12d: {  	s26 =	simm.s32 @!p0 $0x400;
	s28 =	simm.s32 @!p0 $0x80;
	[sflag:s2] =	ssyncset.done @!p0 $0x0  }
0x12e: {  	s29 =	simm.s32 @!p0 $0x280;
	[sflag:s2] =	ssyncadd.s32 @!p0 $0xFFFFFF80;
	s2 =	simm.s32 @!p5 $0xA  }
0x12f: {  	[spmem:s3] =	stream.indirect.scatter.add.f32 @!p0 [tilespmem:s26], [sflag:$0xE], $0x1, s29, s28, $0xb8;
	[tilespmem:$0x978] =	vst v63  }
0x130: {  	_ =	swait.ge @!p5 [sflag:s2], $0x80  }
0x131: {  	s31 =	sld [smem:$0x7F1];
	_ =	sdelay $0x1  }
0x132: {  	[sflag:s2] =	ssyncset.done @!p5 $0x0  }
0x133: {  	s28 =	rddreg [dreg:$0xc];
	[sflag:s2] =	ssyncadd.s32 @!p5 $0xFFFFFF80;
	p0 =	seq.s32 s31, $0x1  }
0x134: {  	s26 =	simm.s32 @!p0 $0x80;
	s2 =	sadd.s32 @!p0 $0xFFFFFFC0, s25;
	s29 =	simm.s32 @!p0 $0x0  }
0x135: {  	[tilespmem:s26], [sflag:$0x2] =	stream.linear.gather @!p0 [hbm4b:s2+s29], $0x80, $0x38;
	[tilespmem:$0x978] =	vst v63  }
0x136: {  	p0 =	sge.s32 s22, s28  }
0x137: {  	s2 =	simm.s32 @!p0 $0x7  }
0x138: {  	_ =	swait.ge @!p0 [sflag:s2], $0x80  }
0x139: {  	s26 =	simm.s32 @!p0 $0x400;
	s28 =	simm.s32 @!p0 $0x80;
	[sflag:s2] =	ssyncset.done @!p0 $0x0  }
0x13a: {  	s29 =	simm.s32 @!p0 $0x300;
	[sflag:s2] =	ssyncadd.s32 @!p0 $0xFFFFFF80;
	s2 =	simm.s32 @!p2 $0xB  }
0x13b: {  	[spmem:s3] =	stream.indirect.scatter.add.f32 @!p0 [tilespmem:s26], [sflag:$0xF], $0x1, s29, s28, $0xb8;
	[tilespmem:$0x978] =	vst v63  }
0x13c: {  	_ =	swait.ge @!p2 [sflag:s2], $0x80  }
0x13d: {  	s31 =	sld [smem:$0x7F2];
	_ =	sdelay $0x2  }
0x13e: {  	p0 =	seq.s32 s31, $0x1  }
.Ltmp1:
0x13f: {  	_ = 	snop;
	(pc) =	sbr.rel @p0 .LBB2_4-.Ltmp1, $4  }
0x140: {  	_ = 	snop  }
0x141: {  	s24 =	smov.u32 s25;
	s30 =	simm.s32 @!p1 $0x0  }
0x142: {  	s25 =	sadd.s32 $0x100, s25;
	s28 =	simm.s32 @!p1 $0x100;
	[sflag:s2] =	ssyncset.done @!p2 $0x0  }
0x143: {  	s29 =	sadd.s32 @!p1 $0xFFFFFFE0, s24;
	s26 =	rddreg [dreg:$0xd];
	[sflag:s2] =	ssyncadd.s32 @!p2 $0xFFFFFF80  }
0x144: {  	[tilespmem:s28], [sflag:$0x3] =	stream.linear.gather @!p1 [hbm4b:s29+s30], $0x80, $0x38;
	[tilespmem:$0x978] =	vst v63  }
0x145: {  	p0 =	sge.s32 s22, s26  }
0x146: {  	s2 =	simm.s32 @!p0 $0x8  }
0x147: {  	_ =	swait.ge @!p0 [sflag:s2], $0x80  }
0x148: {  	s22 =	simm.s32 @!p0 $0x400;
	s23 =	simm.s32 @!p0 $0x80;
	[sflag:s2] =	ssyncset.done @!p0 $0x0  }
0x149: {  	s25 =	simm.s32 @!p0 $0x380;
	[sflag:s2] =	ssyncadd.s32 @!p0 $0xFFFFFF80;
	s2 =	simm.s32 @!p3 $0xC  }
0x14a: {  	[spmem:s3] =	stream.indirect.scatter.add.f32 @!p0 [tilespmem:s22], [sflag:$0x10], $0x1, s25, s23, $0xb8;
	[tilespmem:$0x978] =	vst v63  }
0x14b: {  	_ =	swait.ge @!p3 [sflag:s2], $0x80  }
0x14c: {  	[sflag:s2] =	ssyncset.done @!p3 $0x0;
	s31 =	sld [smem:$0x7FC]  }
0x14d: {  	s22 =	simm.s32 @!p6 $0x0;
	s23 =	simm.s32 @!p6 $0x180;
	[sflag:s2] =	ssyncadd.s32 @!p3 $0xFFFFFF80  }
0x14e: {  	[tilespmem:s23], [sflag:$0x4] =	stream.linear.gather @!p6 [hbm4b:s24+s22], $0x80, $0x38;
	[tilespmem:$0x978] =	vst v63  }
0x14f: {  	p3 =	seq.s32 s31, $0x1  }
0x150: {  	p0 =	seq.s32 @p3 s0, $0xF  }
0x151: {  	p1 =	por !p0, !p3  }
0x152: {  	[bflag:$0x0] =	sbarrier.arrive $0xFFFF;
	s2 =	simm.s32 @!p1 $0x480;
	s22 =	simm.s32 @!p1 $0x11  }
0x153: {  	[tilespmem:s2], [sflag:$0x11] =	stream.linear.gather @!p1 [spmem:s5], $0x190, $0x38;
	[tilespmem:$0x978] =	vst v63  }
0x154: {  	_ =	swait.ge @!p1 [sflag:s22], $0x190  }
0x155: {  	[sflag:s22] =	ssyncset.done @!p1 $0x0  }
0x156: {  	s23 =	simm.s32 @!p1 $0x0;
	[sflag:s22] =	ssyncadd.s32 @!p1 $0xFFFFFE70  }
0x157: {  	[hbm4b:s17+s23] =	stream.linear.scatter @!p1 [tilespmem:s2], [sflag:$0x11], $0x190, $0x38;
	[tilespmem:$0x978] =	vst v63  }
0x158: {  	_ =	swait.ge @!p1 [sflag:s22], $0x190  }
0x159: {  	p0 =	por p0, !p3;
	[sflag:s22] =	ssyncset.done @!p1 $0x0  }
0x15a: {  	s2 =	simm.s32 @!p0 $0x480;
	[sflag:s22] =	ssyncadd.s32 @!p1 $0xFFFFFE70;
	s22 =	simm.s32 @!p0 $0x11  }
0x15b: {  	[tilespmem:s2], [sflag:$0x11] =	stream.linear.gather @!p0 [spmem:s5], $0x280, $0x38;
	[tilespmem:$0x978] =	vst v63  }
0x15c: {  	_ =	swait.ge @!p0 [sflag:s22], $0x280  }
0x15d: {  	[sflag:s22] =	ssyncset.done @!p0 $0x0  }
0x15e: {  	s23 =	simm.s32 @!p0 $0x0;
	[sflag:s22] =	ssyncadd.s32 @!p0 $0xFFFFFD80  }
0x15f: {  	[hbm4b:s16+s23] =	stream.linear.scatter @!p0 [tilespmem:s2], [sflag:$0x11], $0x280, $0x38;
	[tilespmem:$0x978] =	vst v63  }
0x160: {  	p1 =	seq.s32 @!p3 s0, $0xF;
	_ =	swait.ge @!p0 [sflag:s22], $0x280  }
0x161: {  	p2 =	por !p1, p3;
	[sflag:s22] =	ssyncset.done @!p0 $0x0  }
0x162: {  	s2 =	simm.s32 @!p2 $0x480;
	[sflag:s22] =	ssyncadd.s32 @!p0 $0xFFFFFD80;
	s22 =	simm.s32 @!p2 $0x11  }
0x163: {  	[tilespmem:s2], [sflag:$0x11] =	stream.linear.gather @!p2 [spmem:s5], $0x190, $0x38;
	[tilespmem:$0x978] =	vst v63  }
0x164: {  	_ =	swait.ge @!p2 [sflag:s22], $0x190  }
0x165: {  	[sflag:s22] =	ssyncset.done @!p2 $0x0  }
0x166: {  	s23 =	simm.s32 @!p2 $0x0;
	[sflag:s22] =	ssyncadd.s32 @!p2 $0xFFFFFE70  }
0x167: {  	[hbm4b:s15+s23] =	stream.linear.scatter @!p2 [tilespmem:s2], [sflag:$0x11], $0x190, $0x38;
	[tilespmem:$0x978] =	vst v63  }
0x168: {  	_ =	swait.ge @!p2 [sflag:s22], $0x190  }
0x169: {  	p0 =	por p1, p3;
	[sflag:s22] =	ssyncset.done @!p2 $0x0  }
0x16a: {  	s2 =	simm.s32 @!p0 $0x480;
	[sflag:s22] =	ssyncadd.s32 @!p2 $0xFFFFFE70;
	s22 =	simm.s32 @!p0 $0x11  }
0x16b: {  	[tilespmem:s2], [sflag:$0x11] =	stream.linear.gather @!p0 [spmem:s5], $0x280, $0x38;
	[tilespmem:$0x978] =	vst v63  }
0x16c: {  	s21 =	sadd.s32 $0x1, s21;
	_ =	swait.ge @!p0 [sflag:s22], $0x280  }
0x16d: {  	p1 =	sne.s32 s21, s18;
	[sflag:s22] =	ssyncset.done @!p0 $0x0  }
.Ltmp2:
0x16e: {  	s23 =	simm.s32 @!p0 $0x0;
	[sflag:s22] =	ssyncadd.s32 @!p0 $0xFFFFFD80;
	(pc) =	sbr.rel @p1 .LBB2_1-.Ltmp2, $4  }
0x16f: {  	[hbm4b:s14+s23] =	stream.linear.scatter @!p0 [tilespmem:s2], [sflag:$0x11], $0x280, $0x38;
	[tilespmem:$0x978] =	vst v63  }
0x170: {  	_ =	swait.ge @!p0 [sflag:s22], $0x280  }
0x171: {  	[sflag:s22] =	ssyncset.done @!p0 $0x0  }
0x172: {  	[sflag:s22] =	ssyncadd.s32 @!p0 $0xFFFFFD80  }
0x173: {  	_ =	sfence.sel $0x180000  }
0x174: {  	[bflag:$0x0] =	sbarrier.arrive $0xFFFF  }
0x175: {  	_ =	strace $0x90000047  }
0x176: {  	[bflag:$0x2] =	sbarrier.arrive $0xFFFF  }
0x177: {  	p0 =	sne.s32 s0, $0x0;
	s0 =	rddreg [dreg:$0x3]  }
0x178: {  	s0 =	sadd.s32 @!p0 $0x100000, s0  }
0x179: {  	[sflag:s0] =	ssyncadd.tile.s32 @!p0 $0x1;
	_ =	shalt  }
.Lfunc_end2:
_tile_overlayer_lowered:
.L_overlay_start_2:
0x17a: {  	(tag) =	ssettag $0x2  }
0x17b: {  	s0 =	rddreg [dreg:$0x0];
	s2 =	stileid.u32  }
0x17c: {  	s1 =	rddreg [dreg:$0x1];
	p0 =	sne.s32 s2, $0x0  }
0x17d: {  	s3 =	rddreg [dreg:$0x2];
	[bflag:$0x3] =	sbarrier.arrive $0xFFFF;
	s2 =	simm.s32 @!p0 $0x1C11  }
0x17e: {  	[timem:s3], [sflag:s2] =	dma.local @!p0 [hbm:s0], s1  }
0x17f: {  	s0 =	simm.s32 @!p0 $0x11  }
0x180: {  	_ =	swait.ge @!p0 [sflag:s0], s1  }
0x181: {  	s1 =	ssub.s32 @!p0 $0x0, s1;
	[sflag:s0] =	ssyncset.done @!p0 $0x0  }
0x182: {  	[sflag:s0] =	ssyncadd.s32 @!p0 s1  }
0x183: {  	[bflag:$0x3] =	sbarrier.arrive $0xFFFF  }
0x184: {  	_ =	shalt  }

</sc_bundles>
